<compile_context>
chip_gen: v7x
topology: tpu7x:2x2x1
jax: 0.10.2.dev20260603
libtpu: 0.0.44.dev20260713+nightly
codegen_flags: <defaults>
</compile_context>

<pallas_src>
import dataclasses
import functools

import jax
import jax.numpy as jnp
from jax import lax
from jax.experimental import pallas as pl
from jax.experimental.pallas import tpu as pltpu
from jax.experimental.pallas import tpu_sc as plsc

N_NODES = 10000
D = 128
NC = 2
NS = 16
NW = NC * NS
LANES = 16
CHUNK = 128

N_ACC = 10240
ROWS_PER_TILE = N_ACC // NS
DEG_ROWS = 640

_MESH = plsc.VectorSubcoreMesh(core_axis_name="c", subcore_axis_name="s")


def _sc_compiler_params():
    cp = pltpu.CompilerParams()
    if "needs_layout_passes" in pltpu.CompilerParams.__dataclass_fields__:
        cp = dataclasses.replace(cp, needs_layout_passes=False)
    return cp


def _deg_partials(col_r, w_r, n_chunks):

    @functools.partial(
        pl.kernel,
        mesh=_MESH,
        out_type=jax.ShapeDtypeStruct((NW, DEG_ROWS, LANES), jnp.float32),
        scratch_types=[
            pltpu.VMEM((DEG_ROWS, LANES), jnp.float32),
            pltpu.VMEM((n_chunks, CHUNK), jnp.int32),
            pltpu.VMEM((n_chunks, CHUNK), jnp.float32),
        ],
        compiler_params=_sc_compiler_params(),
    )
    def k(col_hbm, w_hbm, out_hbm, deg_v, col_v, w_v):
        wid = lax.axis_index("s") * NC + lax.axis_index("c")
        pltpu.sync_copy(col_hbm.at[wid], col_v)
        pltpu.sync_copy(w_hbm.at[wid], w_v)

        zrow = jnp.zeros((LANES,), jnp.float32)

        @pl.loop(0, DEG_ROWS)
        def _(r):
            deg_v[r, :] = zrow

        @pl.loop(0, n_chunks)
        def _(j):
            @pl.loop(0, CHUNK // LANES)
            def _(g):
                sl = pl.ds(g * LANES, LANES)
                cols = col_v[j, sl]
                ws = w_v[j, sl]
                plsc.addupdate_scatter(
                    deg_v,
                    [lax.shift_right_logical(cols, 4),
                     lax.bitwise_and(cols, 15)],
                    ws,
                )

        pltpu.sync_copy(deg_v, out_hbm.at[wid])

    return k(col_r, w_r)


def _aggregate(hs2, row_r, col_r, wbits_r, n_chunks):

    @functools.partial(
        pl.kernel,
        mesh=_MESH,
        out_type=jax.ShapeDtypeStruct((NC, N_ACC, D), jnp.float32),
        scratch_types=[
            pltpu.VMEM_SHARED((N_ACC, D), jnp.float32),
            pltpu.VMEM((n_chunks, CHUNK), jnp.int32),
            pltpu.VMEM((1, CHUNK), jnp.int32),
            pltpu.VMEM((1, CHUNK), jnp.int32),
            pltpu.VMEM((1, CHUNK), jnp.int32),
            pltpu.VMEM((1, CHUNK), jnp.int32),
            pltpu.VMEM((CHUNK, D), jnp.float32),
            pltpu.VMEM((CHUNK, D), jnp.float32),
            pltpu.SemaphoreType.DMA,
            pltpu.SemaphoreType.DMA,
            pltpu.SemaphoreType.DMA,
            pltpu.SemaphoreType.DMA,
            pltpu.SemaphoreType.DMA,
            pltpu.SemaphoreType.DMA,
        ],
        compiler_params=_sc_compiler_params(),
    )
    def k(hs2_hbm, row_hbm, col_hbm, w_hbm, out_hbm,
          acc_sh, col_v, rowA, wA, rowB, wB, gA, gB,
          esemA, esemB, gsemA, gsemB, ssemA, ssemB):
        cid = lax.axis_index("c")
        sid = lax.axis_index("s")
        wid = sid * NC + cid
        hs_hbm = hs2_hbm.at[cid]
        my_row = row_hbm.at[wid]
        my_w = w_hbm.at[wid]
        pltpu.sync_copy(col_hbm.at[wid], col_v)

        zrow = jnp.zeros((LANES,), jnp.float32)

        @pl.loop(0, CHUNK)
        def _(r):
            for dd in range(D // LANES):
                gA[r, pl.ds(dd * LANES, LANES)] = zrow

        base = sid * ROWS_PER_TILE
        for z in range(ROWS_PER_TILE // CHUNK):
            pltpu.sync_copy(gA, acc_sh.at[pl.ds(base + z * CHUNK, CHUNK)])

        plsc.subcore_barrier()

        def start_e(j, rbuf, wbuf, sem):
            pltpu.async_copy(my_row.at[pl.ds(j, 1)], rbuf, sem)
            pltpu.async_copy(my_w.at[pl.ds(j, 1)], wbuf, sem)

        def wait_e(j, rbuf, wbuf, sem):
            pltpu.make_async_copy(my_row.at[pl.ds(j, 1)], rbuf, sem).wait()
            pltpu.make_async_copy(my_w.at[pl.ds(j, 1)], wbuf, sem).wait()

        def start_gather(rbuf, buf, sem):
            pltpu.async_copy(hs_hbm.at[rbuf.at[0]], buf, sem)

        def wait_gather(rbuf, buf, sem):
            pltpu.make_async_copy(hs_hbm.at[rbuf.at[0]], buf, sem).wait()

        def multiply(wbuf, buf):
            @plsc.parallel_loop(0, CHUNK, step=1, unroll=4)
            def _(kk):
                wk = plsc.bitcast(
                    plsc.load_gather(
                        wbuf,
                        [jnp.full((LANES,), 0, jnp.int32),
                         jnp.full((LANES,), kk, jnp.int32)],
                    ),
                    jnp.float32,
                )
                for dd in range(D // LANES):
                    sl = pl.ds(dd * LANES, LANES)
                    buf[kk, sl] = buf[kk, sl] * wk

        def start_scatter(j, buf, sem):
            pltpu.async_copy(buf, acc_sh.at[col_v.at[j]], sem, add=True)

        def wait_scatter(j, buf, sem):
            pltpu.make_async_copy(buf, acc_sh.at[col_v.at[j]], sem).wait()

        n_pairs = (n_chunks - 1) // 2
        pltpu.sync_copy(my_row.at[pl.ds(0, 1)], rowA)
        pltpu.sync_copy(my_w.at[pl.ds(0, 1)], wA)
        start_gather(rowA, gA, gsemA)
        start_e(1, rowB, wB, esemB)

        @pl.loop(0, n_pairs)
        def _(p):
            j0 = 2 * p
            wait_e(j0 + 1, rowB, wB, esemB)

            @pl.when(p > 0)
            def _():
                wait_scatter(j0 - 1, gB, ssemB)

            start_gather(rowB, gB, gsemB)
            wait_gather(rowA, gA, gsemA)
            multiply(wA, gA)
            start_scatter(j0, gA, ssemA)
            start_e(j0 + 2, rowA, wA, esemA)
            wait_e(j0 + 2, rowA, wA, esemA)
            wait_scatter(j0, gA, ssemA)
            start_gather(rowA, gA, gsemA)
            wait_gather(rowB, gB, gsemB)
            multiply(wB, gB)
            start_scatter(j0 + 1, gB, ssemB)

            @pl.when(j0 + 3 < n_chunks)
            def _():
                start_e(j0 + 3, rowB, wB, esemB)

        last = n_chunks - 1
        wait_scatter(last - 1, gB, ssemB)
        wait_gather(rowA, gA, gsemA)
        multiply(wA, gA)
        pltpu.sync_copy(gA, acc_sh.at[col_v.at[last]], add=True)

        plsc.subcore_barrier()
        pltpu.sync_copy(
            acc_sh.at[pl.ds(base, ROWS_PER_TILE)],
            out_hbm.at[cid].at[pl.ds(base, ROWS_PER_TILE)],
        )

    return k(hs2, row_r, col_r, wbits_r)


def _dis_from_partials(parts):

    def body(p_ref, o_ref):
        deg = jnp.sum(p_ref[...], axis=0, keepdims=True) + 1.0
        o_ref[...] = jnp.where(deg > 0, lax.rsqrt(deg), 0.0)

    return pl.pallas_call(
        body,
        out_shape=jax.ShapeDtypeStruct((1, N_ACC), jnp.float32),
    )(parts)


_ROWS_BLK = 1000


def _dense_pre(x, W, dis_col):

    def body(x_ref, w_ref, d_ref, o_ref):
        h = jnp.dot(x_ref[...], w_ref[...],
                    preferred_element_type=jnp.float32,
                    precision=lax.Precision.HIGHEST)
        o_ref[...] = h * d_ref[...]

    return pl.pallas_call(
        body,
        grid=(N_NODES // _ROWS_BLK,),
        in_specs=[
            pl.BlockSpec((_ROWS_BLK, D), lambda i: (i, 0)),
            pl.BlockSpec((D, D), lambda i: (0, 0)),
            pl.BlockSpec((_ROWS_BLK, 1), lambda i: (i, 0)),
        ],
        out_specs=pl.BlockSpec((_ROWS_BLK, D), lambda i: (i, 0)),
        out_shape=jax.ShapeDtypeStruct((N_NODES, D), jnp.float32),
    )(x, W, dis_col)


def _dense_mid(agg0, agg1, hs, dis_col, b2d, W_next):

    def body(a0_ref, a1_ref, hs_ref, d_ref, b_ref, w_ref, o_ref):
        s = (a0_ref[...] + a1_ref[...] + hs_ref[...]) * d_ref[...] + b_ref[...]
        y = jnp.maximum(s, 0.0)
        h = jnp.dot(y, w_ref[...],
                    preferred_element_type=jnp.float32,
                    precision=lax.Precision.HIGHEST)
        o_ref[...] = h * d_ref[...]

    return pl.pallas_call(
        body,
        grid=(N_NODES // _ROWS_BLK,),
        in_specs=[
            pl.BlockSpec((_ROWS_BLK, D), lambda i: (i, 0)),
            pl.BlockSpec((_ROWS_BLK, D), lambda i: (i, 0)),
            pl.BlockSpec((_ROWS_BLK, D), lambda i: (i, 0)),
            pl.BlockSpec((_ROWS_BLK, 1), lambda i: (i, 0)),
            pl.BlockSpec((1, D), lambda i: (0, 0)),
            pl.BlockSpec((D, D), lambda i: (0, 0)),
        ],
        out_specs=pl.BlockSpec((_ROWS_BLK, D), lambda i: (i, 0)),
        out_shape=jax.ShapeDtypeStruct((N_NODES, D), jnp.float32),
    )(agg0, agg1, hs, dis_col, b2d, W_next)


def _dense_final(agg0, agg1, hs, dis_col, b2d):

    def body(a0_ref, a1_ref, hs_ref, d_ref, b_ref, o_ref):
        s = (a0_ref[...] + a1_ref[...] + hs_ref[...]) * d_ref[...] + b_ref[...]
        o_ref[...] = jax.nn.sigmoid(s)

    return pl.pallas_call(
        body,
        grid=(N_NODES // _ROWS_BLK,),
        in_specs=[
            pl.BlockSpec((_ROWS_BLK, D), lambda i: (i, 0)),
            pl.BlockSpec((_ROWS_BLK, D), lambda i: (i, 0)),
            pl.BlockSpec((_ROWS_BLK, D), lambda i: (i, 0)),
            pl.BlockSpec((_ROWS_BLK, 1), lambda i: (i, 0)),
            pl.BlockSpec((1, D), lambda i: (0, 0)),
        ],
        out_specs=pl.BlockSpec((_ROWS_BLK, D), lambda i: (i, 0)),
        out_shape=jax.ShapeDtypeStruct((N_NODES, D), jnp.float32),
    )(agg0, agg1, hs, dis_col, b2d)


def kernel(x, edge_index, edge_weight, W1, b1, W2, b2, W3, b3):
    E = edge_index.shape[1]
    per_tile = -(-E // (NW * CHUNK)) * CHUNK
    n_chunks = per_tile // CHUNK
    e_pad = per_tile * NW - E

    row = jnp.pad(edge_index[0], (0, e_pad)).reshape(NW, n_chunks, CHUNK)
    col = jnp.pad(edge_index[1], (0, e_pad)).reshape(NW, n_chunks, CHUNK)
    w = jnp.pad(edge_weight, (0, e_pad)).reshape(NW, n_chunks, CHUNK)
    wbits = lax.bitcast_convert_type(w, jnp.int32)

    parts = _deg_partials(col, w, n_chunks)
    dis_row = _dis_from_partials(parts.reshape(NW, N_ACC))
    dis_col = dis_row.reshape(N_ACC)[:N_NODES, None]

    def layer_agg(hs):
        hs2 = jnp.stack([hs, hs + 0.0])
        agg = _aggregate(hs2, row, col, wbits, n_chunks)
        return agg[0, :N_NODES], agg[1, :N_NODES]

    hs1 = _dense_pre(x, W1, dis_col)
    a0, a1 = layer_agg(hs1)
    hs2 = _dense_mid(a0, a1, hs1, dis_col, b1.reshape(1, D), W2)
    a0, a1 = layer_agg(hs2)
    hs3 = _dense_mid(a0, a1, hs2, dis_col, b2.reshape(1, D), W3)
    a0, a1 = layer_agg(hs3)
    return _dense_final(a0, a1, hs3, dis_col, b3.reshape(1, D))

# --- scband reference (transcript-rebuilt; emitter-appended) ---
"""Pipeline reference for scband-simple-gcn-14328010899646 (READ-ONLY COPY).

The authoritative reference and input builder live on the scoring server;
editing this copy changes nothing except your own understanding.
"""

import jax, jax.numpy as jnp
import numpy as np

N_NODES = 10000
N_EDGES = 320000
D_IN = 128
D_HID = 128
D_OUT = 128


def gcn_conv(x, edge_index, edge_weight, W, b):
    # Faithful translation of torch_geometric GCNConv with normalize=True,
    # add_self_loops=True (fill_value=1.0), bias=True.
    N = x.shape[0]
    loop = jnp.arange(N, dtype=edge_index.dtype)
    row = jnp.concatenate([edge_index[0], loop])  # source nodes
    col = jnp.concatenate([edge_index[1], loop])  # target nodes (aggregation)
    w = jnp.concatenate([edge_weight, jnp.ones((N,), dtype=edge_weight.dtype)])
    # symmetric normalization: deg computed on target (col)
    deg = jnp.zeros((N,), dtype=x.dtype).at[col].add(w)
    deg_safe = jnp.where(deg > 0, deg, 1.0)
    deg_inv_sqrt = jnp.where(deg > 0, 1.0 / jnp.sqrt(deg_safe), 0.0)
    norm = deg_inv_sqrt[row] * w * deg_inv_sqrt[col]
    h = x @ W                      # linear transform
    msg = h[row] * norm[:, None]   # gather + scale (SparseCore gather)
    out = jnp.zeros_like(h).at[col].add(msg)  # scatter-add aggregation
    return out + b


def setup_inputs(seed: int = 0) -> dict:
    key = jax.random.key(seed)
    ks = jax.random.split(key, 10)
    x = jax.random.normal(ks[0], (N_NODES, D_IN), dtype=jnp.float32)
    edge_index = jax.random.randint(ks[1], (2, N_EDGES), 0, N_NODES, dtype=jnp.int32)
    edge_weight = jax.random.uniform(ks[2], (N_EDGES,), dtype=jnp.float32)
    s1 = 1.0 / np.sqrt(D_IN)
    s2 = 1.0 / np.sqrt(D_HID)
    W1 = jax.random.normal(ks[3], (D_IN, D_HID), dtype=jnp.float32) * s1
    b1 = jnp.zeros((D_HID,), dtype=jnp.float32)
    W2 = jax.random.normal(ks[4], (D_HID, D_HID), dtype=jnp.float32) * s2
    b2 = jnp.zeros((D_HID,), dtype=jnp.float32)
    W3 = jax.random.normal(ks[5], (D_HID, D_OUT), dtype=jnp.float32) * s2
    b3 = jnp.zeros((D_OUT,), dtype=jnp.float32)
    return {"x": x, "edge_index": edge_index, "edge_weight": edge_weight,
            "W1": W1, "b1": b1, "W2": W2, "b2": b2, "W3": W3, "b3": b3}


def reference(x, edge_index, edge_weight, W1, b1, W2, b2, W3, b3):
    h = jax.nn.relu(gcn_conv(x, edge_index, edge_weight, W1, b1))
    h = jax.nn.relu(gcn_conv(h, edge_index, edge_weight, W2, b2))
    h = gcn_conv(h, edge_index, edge_weight, W3, b3)
    return jax.nn.sigmoid(h)

if __name__ == "__main__":
    import jax
    _d = setup_inputs()
    print(jax.jit(kernel)(*tuple(_d.values())))

</pallas_src>

<mosaic_0001>
#map = affine_map<(d0, d1) -> (0, 0, 0)>
module attributes {stable_mosaic.version = 14 : i64} {
  func.func @k(%arg0: i32, %arg1: i32, %arg2: memref<2x10000x128xf32, #tpu.memory_space<hbm>>, %arg3: memref<32x79x128xi32, #tpu.memory_space<hbm>>, %arg4: memref<32x79x128xi32, #tpu.memory_space<hbm>>, %arg5: memref<32x79x128xi32, #tpu.memory_space<hbm>>, %arg6: memref<2x10240x128xf32, #tpu.memory_space<hbm>>, %arg7: memref<10240x128xf32, #tpu.memory_space<vmem_shared>>, %arg8: memref<79x128xi32, #tpu.memory_space<vmem>>, %arg9: memref<1x128xi32, #tpu.memory_space<vmem>>, %arg10: memref<1x128xi32, #tpu.memory_space<vmem>>, %arg11: memref<1x128xi32, #tpu.memory_space<vmem>>, %arg12: memref<1x128xi32, #tpu.memory_space<vmem>>, %arg13: memref<128x128xf32, #tpu.memory_space<vmem>>, %arg14: memref<128x128xf32, #tpu.memory_space<vmem>>, %arg15: memref<!tpu.dma_semaphore, #tpu.memory_space<semaphore_mem>>, %arg16: memref<!tpu.dma_semaphore, #tpu.memory_space<semaphore_mem>>, %arg17: memref<!tpu.dma_semaphore, #tpu.memory_space<semaphore_mem>>, %arg18: memref<!tpu.dma_semaphore, #tpu.memory_space<semaphore_mem>>, %arg19: memref<!tpu.dma_semaphore, #tpu.memory_space<semaphore_mem>>, %arg20: memref<!tpu.dma_semaphore, #tpu.memory_space<semaphore_mem>>) attributes {dimension_semantics = [#tpu.dimension_semantics<core_parallel>, #tpu.dimension_semantics<subcore_parallel>], iteration_bounds = array<i64: 2, 16>, scalar_prefetch = 0 : i64, scratch_operands = 14 : i64, tpu.core_type = #tpu.core_type<sc_vector_subcore>, window_params = [{transform_indices = #map}, {transform_indices = #map}, {transform_indices = #map}, {transform_indices = #map}, {transform_indices = #map}]} {
    %mul3A = arith.constant 2 : i32
    %mul3A_0 = arith.muli %arg1, %mul3A : i32
    %add3A = arith.addi %mul3A_0, %arg0 : i32
    "tpu.region"() ({
      %run_scoped3A_81 = tpu.sem_alloc : memref<!tpu.dma_semaphore, #tpu.memory_space<semaphore_mem>>
      %dma_start3A_82 = arith.constant 0 : i32
      %dma_start3A_83 = arith.constant 0 : i32
      %dma_start3A_84 = tpu.memref_slice %arg4[%add3A, %dma_start3A_82, %dma_start3A_83] : memref<32x79x128xi32, #tpu.memory_space<hbm>> -> memref<1x79x128xi32, #tpu.memory_space<hbm>>
      %dma_start3A_85 = tpu.memref_squeeze %dma_start3A_84 : memref<1x79x128xi32, #tpu.memory_space<hbm>> -> memref<79x128xi32, #tpu.memory_space<hbm>>
      %dma_start3A_86 = arith.constant 0 : i32
      %dma_start3A_87 = arith.constant 0 : i32
      %dma_start3A_88 = tpu.memref_slice %arg4[%add3A, %dma_start3A_86, %dma_start3A_87] : memref<32x79x128xi32, #tpu.memory_space<hbm>> -> memref<1x79x128xi32, #tpu.memory_space<hbm>>
      %dma_start3A_89 = tpu.memref_squeeze %dma_start3A_88 : memref<1x79x128xi32, #tpu.memory_space<hbm>> -> memref<79x128xi32, #tpu.memory_space<hbm>>
      tpu.enqueue_dma source(%dma_start3A_89 : memref<79x128xi32, #tpu.memory_space<hbm>>) target(%arg8 : memref<79x128xi32, #tpu.memory_space<vmem>>) target_semaphore(%run_scoped3A_81 : memref<!tpu.dma_semaphore, #tpu.memory_space<semaphore_mem>>)
      %dma_wait3A_90 = arith.constant 0 : i32
      %dma_wait3A_91 = arith.constant 0 : i32
      %dma_wait3A_92 = tpu.memref_slice %arg4[%add3A, %dma_wait3A_90, %dma_wait3A_91] : memref<32x79x128xi32, #tpu.memory_space<hbm>> -> memref<1x79x128xi32, #tpu.memory_space<hbm>>
      %dma_wait3A_93 = tpu.memref_squeeze %dma_wait3A_92 : memref<1x79x128xi32, #tpu.memory_space<hbm>> -> memref<79x128xi32, #tpu.memory_space<hbm>>
      %dma_wait3A_94 = arith.constant 0 : i32
      %dma_wait3A_95 = arith.constant 0 : i32
      %dma_wait3A_96 = tpu.memref_slice %arg4[%add3A, %dma_wait3A_94, %dma_wait3A_95] : memref<32x79x128xi32, #tpu.memory_space<hbm>> -> memref<1x79x128xi32, #tpu.memory_space<hbm>>
      %dma_wait3A_97 = tpu.memref_squeeze %dma_wait3A_96 : memref<1x79x128xi32, #tpu.memory_space<hbm>> -> memref<79x128xi32, #tpu.memory_space<hbm>>
      tpu.wait_dma2 semaphore(%run_scoped3A_81 : memref<!tpu.dma_semaphore, #tpu.memory_space<semaphore_mem>>) src(%dma_wait3A_97 : memref<79x128xi32, #tpu.memory_space<hbm>>) dst(%arg8 : memref<79x128xi32, #tpu.memory_space<vmem>>)
      tpu.yield
    }) : () -> ()
    %broadcast_in_dim3A = arith.constant 0.000000e+00 : f32
    %broadcast_in_dim3A_1 = vector.broadcast %broadcast_in_dim3A : f32 to vector<16xf32>
    %scan3A = arith.constant 0 : i32
    %scan3A_2 = arith.constant 128 : i32
    %scan3A_3 = arith.addi %scan3A, %scan3A_2 : i32
    %scan3A_4 = arith.constant 1 : i32
    scf.for %scan3A_81 = %scan3A to %scan3A_3 step %scan3A_4  : i32 {
      %mul3A_82 = arith.constant 1 : i32
      %mul3A_83 = arith.muli %scan3A_81, %mul3A_82 : i32
      %add3A_84 = arith.constant 0 : i32
      %add3A_85 = arith.addi %add3A_84, %mul3A_83 : i32
      %swap3A = arith.index_cast %add3A_85 : i32 to index
      %swap3A_86 = arith.constant 0 : index
      %swap3A_87 = tpu.vector_load %arg13[%swap3A, %swap3A_86] {strides = array<i32>} : memref<128x128xf32, #tpu.memory_space<vmem>>, vector<16xf32>,
      tpu.vector_store %arg13[%swap3A, %swap3A_86], %broadcast_in_dim3A_1 {strides = array<i32>} : memref<128x128xf32, #tpu.memory_space<vmem>>, vector<16xf32>,
      %swap3A_88 = arith.index_cast %add3A_85 : i32 to index
      %swap3A_89 = arith.constant 16 : index
      %swap3A_90 = tpu.vector_load %arg13[%swap3A_88, %swap3A_89] {strides = array<i32>} : memref<128x128xf32, #tpu.memory_space<vmem>>, vector<16xf32>,
      tpu.vector_store %arg13[%swap3A_88, %swap3A_89], %broadcast_in_dim3A_1 {strides = array<i32>} : memref<128x128xf32, #tpu.memory_space<vmem>>, vector<16xf32>,
      %swap3A_91 = arith.index_cast %add3A_85 : i32 to index
      %swap3A_92 = arith.constant 32 : index
      %swap3A_93 = tpu.vector_load %arg13[%swap3A_91, %swap3A_92] {strides = array<i32>} : memref<128x128xf32, #tpu.memory_space<vmem>>, vector<16xf32>,
      tpu.vector_store %arg13[%swap3A_91, %swap3A_92], %broadcast_in_dim3A_1 {strides = array<i32>} : memref<128x128xf32, #tpu.memory_space<vmem>>, vector<16xf32>,
      %swap3A_94 = arith.index_cast %add3A_85 : i32 to index
      %swap3A_95 = arith.constant 48 : index
      %swap3A_96 = tpu.vector_load %arg13[%swap3A_94, %swap3A_95] {strides = array<i32>} : memref<128x128xf32, #tpu.memory_space<vmem>>, vector<16xf32>,
      tpu.vector_store %arg13[%swap3A_94, %swap3A_95], %broadcast_in_dim3A_1 {strides = array<i32>} : memref<128x128xf32, #tpu.memory_space<vmem>>, vector<16xf32>,
      %swap3A_97 = arith.index_cast %add3A_85 : i32 to index
      %swap3A_98 = arith.constant 64 : index
      %swap3A_99 = tpu.vector_load %arg13[%swap3A_97, %swap3A_98] {strides = array<i32>} : memref<128x128xf32, #tpu.memory_space<vmem>>, vector<16xf32>,
      tpu.vector_store %arg13[%swap3A_97, %swap3A_98], %broadcast_in_dim3A_1 {strides = array<i32>} : memref<128x128xf32, #tpu.memory_space<vmem>>, vector<16xf32>,
      %swap3A_100 = arith.index_cast %add3A_85 : i32 to index
      %swap3A_101 = arith.constant 80 : index
      %swap3A_102 = tpu.vector_load %arg13[%swap3A_100, %swap3A_101] {strides = array<i32>} : memref<128x128xf32, #tpu.memory_space<vmem>>, vector<16xf32>,
      tpu.vector_store %arg13[%swap3A_100, %swap3A_101], %broadcast_in_dim3A_1 {strides = array<i32>} : memref<128x128xf32, #tpu.memory_space<vmem>>, vector<16xf32>,
      %swap3A_103 = arith.index_cast %add3A_85 : i32 to index
      %swap3A_104 = arith.constant 96 : index
      %swap3A_105 = tpu.vector_load %arg13[%swap3A_103, %swap3A_104] {strides = array<i32>} : memref<128x128xf32, #tpu.memory_space<vmem>>, vector<16xf32>,
      tpu.vector_store %arg13[%swap3A_103, %swap3A_104], %broadcast_in_dim3A_1 {strides = array<i32>} : memref<128x128xf32, #tpu.memory_space<vmem>>, vector<16xf32>,
      %swap3A_106 = arith.index_cast %add3A_85 : i32 to index
      %swap3A_107 = arith.constant 112 : index
      %swap3A_108 = tpu.vector_load %arg13[%swap3A_106, %swap3A_107] {strides = array<i32>} : memref<128x128xf32, #tpu.memory_space<vmem>>, vector<16xf32>,
      tpu.vector_store %arg13[%swap3A_106, %swap3A_107], %broadcast_in_dim3A_1 {strides = array<i32>} : memref<128x128xf32, #tpu.memory_space<vmem>>, vector<16xf32>,
    }
    %scan3A_5 = arith.constant 128 : i32
    %mul3A_6 = arith.constant 640 : i32
    %mul3A_7 = arith.muli %arg1, %mul3A_6 : i32
    %add3A_8 = arith.constant 0 : i32
    %add3A_9 = arith.addi %mul3A_7, %add3A_8 : i32
    "tpu.region"() ({
      %run_scoped3A_81 = tpu.sem_alloc : memref<!tpu.dma_semaphore, #tpu.memory_space<semaphore_mem>>
      %dma_start3A_82 = arith.constant 0 : i32
      %dma_start3A_83 = tpu.memref_slice %arg7[%add3A_9, %dma_start3A_82] : memref<10240x128xf32, #tpu.memory_space<vmem_shared>> -> memref<128x128xf32, #tpu.memory_space<vmem_shared>>
      %dma_start3A_84 = arith.constant 0 : i32
      %dma_start3A_85 = tpu.memref_slice %arg7[%add3A_9, %dma_start3A_84] : memref<10240x128xf32, #tpu.memory_space<vmem_shared>> -> memref<128x128xf32, #tpu.memory_space<vmem_shared>>
      tpu.enqueue_dma source(%arg13 : memref<128x128xf32, #tpu.memory_space<vmem>>) target(%dma_start3A_85 : memref<128x128xf32, #tpu.memory_space<vmem_shared>>) target_semaphore(%run_scoped3A_81 : memref<!tpu.dma_semaphore, #tpu.memory_space<semaphore_mem>>)
      %dma_wait3A_86 = arith.constant 0 : i32
      %dma_wait3A_87 = tpu.memref_slice %arg7[%add3A_9, %dma_wait3A_86] : memref<10240x128xf32, #tpu.memory_space<vmem_shared>> -> memref<128x128xf32, #tpu.memory_space<vmem_shared>>
      %dma_wait3A_88 = arith.constant 0 : i32
      %dma_wait3A_89 = tpu.memref_slice %arg7[%add3A_9, %dma_wait3A_88] : memref<10240x128xf32, #tpu.memory_space<vmem_shared>> -> memref<128x128xf32, #tpu.memory_space<vmem_shared>>
      tpu.wait_dma2 semaphore(%run_scoped3A_81 : memref<!tpu.dma_semaphore, #tpu.memory_space<semaphore_mem>>) src(%arg13 : memref<128x128xf32, #tpu.memory_space<vmem>>) dst(%dma_wait3A_89 : memref<128x128xf32, #tpu.memory_space<vmem_shared>>)
      tpu.yield
    }) : () -> ()
    %add3A_10 = arith.constant 128 : i32
    %add3A_11 = arith.addi %mul3A_7, %add3A_10 : i32
    "tpu.region"() ({
      %run_scoped3A_81 = tpu.sem_alloc : memref<!tpu.dma_semaphore, #tpu.memory_space<semaphore_mem>>
      %dma_start3A_82 = arith.constant 0 : i32
      %dma_start3A_83 = tpu.memref_slice %arg7[%add3A_11, %dma_start3A_82] : memref<10240x128xf32, #tpu.memory_space<vmem_shared>> -> memref<128x128xf32, #tpu.memory_space<vmem_shared>>
      %dma_start3A_84 = arith.constant 0 : i32
      %dma_start3A_85 = tpu.memref_slice %arg7[%add3A_11, %dma_start3A_84] : memref<10240x128xf32, #tpu.memory_space<vmem_shared>> -> memref<128x128xf32, #tpu.memory_space<vmem_shared>>
      tpu.enqueue_dma source(%arg13 : memref<128x128xf32, #tpu.memory_space<vmem>>) target(%dma_start3A_85 : memref<128x128xf32, #tpu.memory_space<vmem_shared>>) target_semaphore(%run_scoped3A_81 : memref<!tpu.dma_semaphore, #tpu.memory_space<semaphore_mem>>)
      %dma_wait3A_86 = arith.constant 0 : i32
      %dma_wait3A_87 = tpu.memref_slice %arg7[%add3A_11, %dma_wait3A_86] : memref<10240x128xf32, #tpu.memory_space<vmem_shared>> -> memref<128x128xf32, #tpu.memory_space<vmem_shared>>
      %dma_wait3A_88 = arith.constant 0 : i32
      %dma_wait3A_89 = tpu.memref_slice %arg7[%add3A_11, %dma_wait3A_88] : memref<10240x128xf32, #tpu.memory_space<vmem_shared>> -> memref<128x128xf32, #tpu.memory_space<vmem_shared>>
      tpu.wait_dma2 semaphore(%run_scoped3A_81 : memref<!tpu.dma_semaphore, #tpu.memory_space<semaphore_mem>>) src(%arg13 : memref<128x128xf32, #tpu.memory_space<vmem>>) dst(%dma_wait3A_89 : memref<128x128xf32, #tpu.memory_space<vmem_shared>>)
      tpu.yield
    }) : () -> ()
    %add3A_12 = arith.constant 256 : i32
    %add3A_13 = arith.addi %mul3A_7, %add3A_12 : i32
    "tpu.region"() ({
      %run_scoped3A_81 = tpu.sem_alloc : memref<!tpu.dma_semaphore, #tpu.memory_space<semaphore_mem>>
      %dma_start3A_82 = arith.constant 0 : i32
      %dma_start3A_83 = tpu.memref_slice %arg7[%add3A_13, %dma_start3A_82] : memref<10240x128xf32, #tpu.memory_space<vmem_shared>> -> memref<128x128xf32, #tpu.memory_space<vmem_shared>>
      %dma_start3A_84 = arith.constant 0 : i32
      %dma_start3A_85 = tpu.memref_slice %arg7[%add3A_13, %dma_start3A_84] : memref<10240x128xf32, #tpu.memory_space<vmem_shared>> -> memref<128x128xf32, #tpu.memory_space<vmem_shared>>
      tpu.enqueue_dma source(%arg13 : memref<128x128xf32, #tpu.memory_space<vmem>>) target(%dma_start3A_85 : memref<128x128xf32, #tpu.memory_space<vmem_shared>>) target_semaphore(%run_scoped3A_81 : memref<!tpu.dma_semaphore, #tpu.memory_space<semaphore_mem>>)
      %dma_wait3A_86 = arith.constant 0 : i32
      %dma_wait3A_87 = tpu.memref_slice %arg7[%add3A_13, %dma_wait3A_86] : memref<10240x128xf32, #tpu.memory_space<vmem_shared>> -> memref<128x128xf32, #tpu.memory_space<vmem_shared>>
      %dma_wait3A_88 = arith.constant 0 : i32
      %dma_wait3A_89 = tpu.memref_slice %arg7[%add3A_13, %dma_wait3A_88] : memref<10240x128xf32, #tpu.memory_space<vmem_shared>> -> memref<128x128xf32, #tpu.memory_space<vmem_shared>>
      tpu.wait_dma2 semaphore(%run_scoped3A_81 : memref<!tpu.dma_semaphore, #tpu.memory_space<semaphore_mem>>) src(%arg13 : memref<128x128xf32, #tpu.memory_space<vmem>>) dst(%dma_wait3A_89 : memref<128x128xf32, #tpu.memory_space<vmem_shared>>)
      tpu.yield
    }) : () -> ()
    %add3A_14 = arith.constant 384 : i32
    %add3A_15 = arith.addi %mul3A_7, %add3A_14 : i32
    "tpu.region"() ({
      %run_scoped3A_81 = tpu.sem_alloc : memref<!tpu.dma_semaphore, #tpu.memory_space<semaphore_mem>>
      %dma_start3A_82 = arith.constant 0 : i32
      %dma_start3A_83 = tpu.memref_slice %arg7[%add3A_15, %dma_start3A_82] : memref<10240x128xf32, #tpu.memory_space<vmem_shared>> -> memref<128x128xf32, #tpu.memory_space<vmem_shared>>
      %dma_start3A_84 = arith.constant 0 : i32
      %dma_start3A_85 = tpu.memref_slice %arg7[%add3A_15, %dma_start3A_84] : memref<10240x128xf32, #tpu.memory_space<vmem_shared>> -> memref<128x128xf32, #tpu.memory_space<vmem_shared>>
      tpu.enqueue_dma source(%arg13 : memref<128x128xf32, #tpu.memory_space<vmem>>) target(%dma_start3A_85 : memref<128x128xf32, #tpu.memory_space<vmem_shared>>) target_semaphore(%run_scoped3A_81 : memref<!tpu.dma_semaphore, #tpu.memory_space<semaphore_mem>>)
      %dma_wait3A_86 = arith.constant 0 : i32
      %dma_wait3A_87 = tpu.memref_slice %arg7[%add3A_15, %dma_wait3A_86] : memref<10240x128xf32, #tpu.memory_space<vmem_shared>> -> memref<128x128xf32, #tpu.memory_space<vmem_shared>>
      %dma_wait3A_88 = arith.constant 0 : i32
      %dma_wait3A_89 = tpu.memref_slice %arg7[%add3A_15, %dma_wait3A_88] : memref<10240x128xf32, #tpu.memory_space<vmem_shared>> -> memref<128x128xf32, #tpu.memory_space<vmem_shared>>
      tpu.wait_dma2 semaphore(%run_scoped3A_81 : memref<!tpu.dma_semaphore, #tpu.memory_space<semaphore_mem>>) src(%arg13 : memref<128x128xf32, #tpu.memory_space<vmem>>) dst(%dma_wait3A_89 : memref<128x128xf32, #tpu.memory_space<vmem_shared>>)
      tpu.yield
    }) : () -> ()
    %add3A_16 = arith.constant 512 : i32
    %add3A_17 = arith.addi %mul3A_7, %add3A_16 : i32
    "tpu.region"() ({
      %run_scoped3A_81 = tpu.sem_alloc : memref<!tpu.dma_semaphore, #tpu.memory_space<semaphore_mem>>
      %dma_start3A_82 = arith.constant 0 : i32
      %dma_start3A_83 = tpu.memref_slice %arg7[%add3A_17, %dma_start3A_82] : memref<10240x128xf32, #tpu.memory_space<vmem_shared>> -> memref<128x128xf32, #tpu.memory_space<vmem_shared>>
      %dma_start3A_84 = arith.constant 0 : i32
      %dma_start3A_85 = tpu.memref_slice %arg7[%add3A_17, %dma_start3A_84] : memref<10240x128xf32, #tpu.memory_space<vmem_shared>> -> memref<128x128xf32, #tpu.memory_space<vmem_shared>>
      tpu.enqueue_dma source(%arg13 : memref<128x128xf32, #tpu.memory_space<vmem>>) target(%dma_start3A_85 : memref<128x128xf32, #tpu.memory_space<vmem_shared>>) target_semaphore(%run_scoped3A_81 : memref<!tpu.dma_semaphore, #tpu.memory_space<semaphore_mem>>)
      %dma_wait3A_86 = arith.constant 0 : i32
      %dma_wait3A_87 = tpu.memref_slice %arg7[%add3A_17, %dma_wait3A_86] : memref<10240x128xf32, #tpu.memory_space<vmem_shared>> -> memref<128x128xf32, #tpu.memory_space<vmem_shared>>
      %dma_wait3A_88 = arith.constant 0 : i32
      %dma_wait3A_89 = tpu.memref_slice %arg7[%add3A_17, %dma_wait3A_88] : memref<10240x128xf32, #tpu.memory_space<vmem_shared>> -> memref<128x128xf32, #tpu.memory_space<vmem_shared>>
      tpu.wait_dma2 semaphore(%run_scoped3A_81 : memref<!tpu.dma_semaphore, #tpu.memory_space<semaphore_mem>>) src(%arg13 : memref<128x128xf32, #tpu.memory_space<vmem>>) dst(%dma_wait3A_89 : memref<128x128xf32, #tpu.memory_space<vmem_shared>>)
      tpu.yield
    }) : () -> ()
    %barrier3A = arith.constant 0 : index
    tpu.barrier barrier_id(%barrier3A)
    "tpu.region"() ({
      %run_scoped3A_81 = tpu.sem_alloc : memref<!tpu.dma_semaphore, #tpu.memory_space<semaphore_mem>>
      %dma_start3A_82 = arith.constant 0 : i32
      %dma_start3A_83 = arith.constant 0 : i32
      %dma_start3A_84 = tpu.memref_slice %arg3[%add3A, %dma_start3A_82, %dma_start3A_83] : memref<32x79x128xi32, #tpu.memory_space<hbm>> -> memref<1x79x128xi32, #tpu.memory_space<hbm>>
      %dma_start3A_85 = tpu.memref_squeeze %dma_start3A_84 : memref<1x79x128xi32, #tpu.memory_space<hbm>> -> memref<79x128xi32, #tpu.memory_space<hbm>>
      %dma_start3A_86 = arith.constant 0 : i32
      %dma_start3A_87 = arith.constant 0 : i32
      %dma_start3A_88 = tpu.memref_slice %dma_start3A_85[%dma_start3A_86, %dma_start3A_87] : memref<79x128xi32, #tpu.memory_space<hbm>> -> memref<1x128xi32, #tpu.memory_space<hbm>>
      %dma_start3A_89 = arith.constant 0 : i32
      %dma_start3A_90 = arith.constant 0 : i32
      %dma_start3A_91 = tpu.memref_slice %arg3[%add3A, %dma_start3A_89, %dma_start3A_90] : memref<32x79x128xi32, #tpu.memory_space<hbm>> -> memref<1x79x128xi32, #tpu.memory_space<hbm>>
      %dma_start3A_92 = tpu.memref_squeeze %dma_start3A_91 : memref<1x79x128xi32, #tpu.memory_space<hbm>> -> memref<79x128xi32, #tpu.memory_space<hbm>>
      %dma_start3A_93 = arith.constant 0 : i32
      %dma_start3A_94 = arith.constant 0 : i32
      %dma_start3A_95 = tpu.memref_slice %dma_start3A_92[%dma_start3A_93, %dma_start3A_94] : memref<79x128xi32, #tpu.memory_space<hbm>> -> memref<1x128xi32, #tpu.memory_space<hbm>>
      tpu.enqueue_dma source(%dma_start3A_95 : memref<1x128xi32, #tpu.memory_space<hbm>>) target(%arg9 : memref<1x128xi32, #tpu.memory_space<vmem>>) target_semaphore(%run_scoped3A_81 : memref<!tpu.dma_semaphore, #tpu.memory_space<semaphore_mem>>)
      %dma_wait3A_96 = arith.constant 0 : i32
      %dma_wait3A_97 = arith.constant 0 : i32
      %dma_wait3A_98 = tpu.memref_slice %arg3[%add3A, %dma_wait3A_96, %dma_wait3A_97] : memref<32x79x128xi32, #tpu.memory_space<hbm>> -> memref<1x79x128xi32, #tpu.memory_space<hbm>>
      %dma_wait3A_99 = tpu.memref_squeeze %dma_wait3A_98 : memref<1x79x128xi32, #tpu.memory_space<hbm>> -> memref<79x128xi32, #tpu.memory_space<hbm>>
      %dma_wait3A_100 = arith.constant 0 : i32
      %dma_wait3A_101 = arith.constant 0 : i32
      %dma_wait3A_102 = tpu.memref_slice %dma_wait3A_99[%dma_wait3A_100, %dma_wait3A_101] : memref<79x128xi32, #tpu.memory_space<hbm>> -> memref<1x128xi32, #tpu.memory_space<hbm>>
      %dma_wait3A_103 = arith.constant 0 : i32
      %dma_wait3A_104 = arith.constant 0 : i32
      %dma_wait3A_105 = tpu.memref_slice %arg3[%add3A, %dma_wait3A_103, %dma_wait3A_104] : memref<32x79x128xi32, #tpu.memory_space<hbm>> -> memref<1x79x128xi32, #tpu.memory_space<hbm>>
      %dma_wait3A_106 = tpu.memref_squeeze %dma_wait3A_105 : memref<1x79x128xi32, #tpu.memory_space<hbm>> -> memref<79x128xi32, #tpu.memory_space<hbm>>
      %dma_wait3A_107 = arith.constant 0 : i32
      %dma_wait3A_108 = arith.constant 0 : i32
      %dma_wait3A_109 = tpu.memref_slice %dma_wait3A_106[%dma_wait3A_107, %dma_wait3A_108] : memref<79x128xi32, #tpu.memory_space<hbm>> -> memref<1x128xi32, #tpu.memory_space<hbm>>
      tpu.wait_dma2 semaphore(%run_scoped3A_81 : memref<!tpu.dma_semaphore, #tpu.memory_space<semaphore_mem>>) src(%dma_wait3A_109 : memref<1x128xi32, #tpu.memory_space<hbm>>) dst(%arg9 : memref<1x128xi32, #tpu.memory_space<vmem>>)
      tpu.yield
    }) : () -> ()
    "tpu.region"() ({
      %run_scoped3A_81 = tpu.sem_alloc : memref<!tpu.dma_semaphore, #tpu.memory_space<semaphore_mem>>
      %dma_start3A_82 = arith.constant 0 : i32
      %dma_start3A_83 = arith.constant 0 : i32
      %dma_start3A_84 = tpu.memref_slice %arg5[%add3A, %dma_start3A_82, %dma_start3A_83] : memref<32x79x128xi32, #tpu.memory_space<hbm>> -> memref<1x79x128xi32, #tpu.memory_space<hbm>>
      %dma_start3A_85 = tpu.memref_squeeze %dma_start3A_84 : memref<1x79x128xi32, #tpu.memory_space<hbm>> -> memref<79x128xi32, #tpu.memory_space<hbm>>
      %dma_start3A_86 = arith.constant 0 : i32
      %dma_start3A_87 = arith.constant 0 : i32
      %dma_start3A_88 = tpu.memref_slice %dma_start3A_85[%dma_start3A_86, %dma_start3A_87] : memref<79x128xi32, #tpu.memory_space<hbm>> -> memref<1x128xi32, #tpu.memory_space<hbm>>
      %dma_start3A_89 = arith.constant 0 : i32
      %dma_start3A_90 = arith.constant 0 : i32
      %dma_start3A_91 = tpu.memref_slice %arg5[%add3A, %dma_start3A_89, %dma_start3A_90] : memref<32x79x128xi32, #tpu.memory_space<hbm>> -> memref<1x79x128xi32, #tpu.memory_space<hbm>>
      %dma_start3A_92 = tpu.memref_squeeze %dma_start3A_91 : memref<1x79x128xi32, #tpu.memory_space<hbm>> -> memref<79x128xi32, #tpu.memory_space<hbm>>
      %dma_start3A_93 = arith.constant 0 : i32
      %dma_start3A_94 = arith.constant 0 : i32
      %dma_start3A_95 = tpu.memref_slice %dma_start3A_92[%dma_start3A_93, %dma_start3A_94] : memref<79x128xi32, #tpu.memory_space<hbm>> -> memref<1x128xi32, #tpu.memory_space<hbm>>
      tpu.enqueue_dma source(%dma_start3A_95 : memref<1x128xi32, #tpu.memory_space<hbm>>) target(%arg10 : memref<1x128xi32, #tpu.memory_space<vmem>>) target_semaphore(%run_scoped3A_81 : memref<!tpu.dma_semaphore, #tpu.memory_space<semaphore_mem>>)
      %dma_wait3A_96 = arith.constant 0 : i32
      %dma_wait3A_97 = arith.constant 0 : i32
      %dma_wait3A_98 = tpu.memref_slice %arg5[%add3A, %dma_wait3A_96, %dma_wait3A_97] : memref<32x79x128xi32, #tpu.memory_space<hbm>> -> memref<1x79x128xi32, #tpu.memory_space<hbm>>
      %dma_wait3A_99 = tpu.memref_squeeze %dma_wait3A_98 : memref<1x79x128xi32, #tpu.memory_space<hbm>> -> memref<79x128xi32, #tpu.memory_space<hbm>>
      %dma_wait3A_100 = arith.constant 0 : i32
      %dma_wait3A_101 = arith.constant 0 : i32
      %dma_wait3A_102 = tpu.memref_slice %dma_wait3A_99[%dma_wait3A_100, %dma_wait3A_101] : memref<79x128xi32, #tpu.memory_space<hbm>> -> memref<1x128xi32, #tpu.memory_space<hbm>>
      %dma_wait3A_103 = arith.constant 0 : i32
      %dma_wait3A_104 = arith.constant 0 : i32
      %dma_wait3A_105 = tpu.memref_slice %arg5[%add3A, %dma_wait3A_103, %dma_wait3A_104] : memref<32x79x128xi32, #tpu.memory_space<hbm>> -> memref<1x79x128xi32, #tpu.memory_space<hbm>>
      %dma_wait3A_106 = tpu.memref_squeeze %dma_wait3A_105 : memref<1x79x128xi32, #tpu.memory_space<hbm>> -> memref<79x128xi32, #tpu.memory_space<hbm>>
      %dma_wait3A_107 = arith.constant 0 : i32
      %dma_wait3A_108 = arith.constant 0 : i32
      %dma_wait3A_109 = tpu.memref_slice %dma_wait3A_106[%dma_wait3A_107, %dma_wait3A_108] : memref<79x128xi32, #tpu.memory_space<hbm>> -> memref<1x128xi32, #tpu.memory_space<hbm>>
      tpu.wait_dma2 semaphore(%run_scoped3A_81 : memref<!tpu.dma_semaphore, #tpu.memory_space<semaphore_mem>>) src(%dma_wait3A_109 : memref<1x128xi32, #tpu.memory_space<hbm>>) dst(%arg10 : memref<1x128xi32, #tpu.memory_space<vmem>>)
      tpu.yield
    }) : () -> ()
    %dma_start3A = arith.constant 0 : i32
    %dma_start3A_18 = arith.constant 0 : i32
    %dma_start3A_19 = tpu.memref_slice %arg9[%dma_start3A, %dma_start3A_18] : memref<1x128xi32, #tpu.memory_space<vmem>> -> memref<1x128xi32, #tpu.memory_space<vmem>>
    %dma_start3A_20 = tpu.memref_squeeze %dma_start3A_19 : memref<1x128xi32, #tpu.memory_space<vmem>> -> memref<128xi32, #tpu.memory_space<vmem>>
    %dma_start3A_21 = arith.constant 0 : i32
    %dma_start3A_22 = arith.constant 0 : i32
    %dma_start3A_23 = tpu.memref_slice %arg2[%arg0, %dma_start3A_21, %dma_start3A_22] : memref<2x10000x128xf32, #tpu.memory_space<hbm>> -> memref<1x10000x128xf32, #tpu.memory_space<hbm>>
    %dma_start3A_24 = tpu.memref_squeeze %dma_start3A_23 : memref<1x10000x128xf32, #tpu.memory_space<hbm>> -> memref<10000x128xf32, #tpu.memory_space<hbm>>
    %dma_start3A_25 = arith.constant 0 : i32
    %dma_start3A_26 = arith.constant 0 : i32
    %dma_start3A_27 = tpu.memref_slice %dma_start3A_24[%dma_start3A_25, %dma_start3A_26] : memref<10000x128xf32, #tpu.memory_space<hbm>> -> memref<10000x128xf32, #tpu.memory_space<hbm>>
    tpu.enqueue_indirect_dma source(%dma_start3A_27 : memref<10000x128xf32, #tpu.memory_space<hbm>>) target(%arg13 : memref<128x128xf32, #tpu.memory_space<vmem>>) offsets(%dma_start3A_20 : memref<128xi32, #tpu.memory_space<vmem>>) semaphore(%arg17 : memref<!tpu.dma_semaphore, #tpu.memory_space<semaphore_mem>>)
    %dma_start3A_28 = arith.constant 0 : i32
    %dma_start3A_29 = arith.constant 0 : i32
    %dma_start3A_30 = tpu.memref_slice %arg3[%add3A, %dma_start3A_28, %dma_start3A_29] : memref<32x79x128xi32, #tpu.memory_space<hbm>> -> memref<1x79x128xi32, #tpu.memory_space<hbm>>
    %dma_start3A_31 = tpu.memref_squeeze %dma_start3A_30 : memref<1x79x128xi32, #tpu.memory_space<hbm>> -> memref<79x128xi32, #tpu.memory_space<hbm>>
    %dma_start3A_32 = arith.constant 1 : i32
    %dma_start3A_33 = arith.constant 0 : i32
    %dma_start3A_34 = tpu.memref_slice %dma_start3A_31[%dma_start3A_32, %dma_start3A_33] : memref<79x128xi32, #tpu.memory_space<hbm>> -> memref<1x128xi32, #tpu.memory_space<hbm>>
    %dma_start3A_35 = arith.constant 0 : i32
    %dma_start3A_36 = arith.constant 0 : i32
    %dma_start3A_37 = tpu.memref_slice %arg3[%add3A, %dma_start3A_35, %dma_start3A_36] : memref<32x79x128xi32, #tpu.memory_space<hbm>> -> memref<1x79x128xi32, #tpu.memory_space<hbm>>
    %dma_start3A_38 = tpu.memref_squeeze %dma_start3A_37 : memref<1x79x128xi32, #tpu.memory_space<hbm>> -> memref<79x128xi32, #tpu.memory_space<hbm>>
    %dma_start3A_39 = arith.constant 1 : i32
    %dma_start3A_40 = arith.constant 0 : i32
    %dma_start3A_41 = tpu.memref_slice %dma_start3A_38[%dma_start3A_39, %dma_start3A_40] : memref<79x128xi32, #tpu.memory_space<hbm>> -> memref<1x128xi32, #tpu.memory_space<hbm>>
    tpu.enqueue_dma source(%dma_start3A_41 : memref<1x128xi32, #tpu.memory_space<hbm>>) target(%arg11 : memref<1x128xi32, #tpu.memory_space<vmem>>) target_semaphore(%arg16 : memref<!tpu.dma_semaphore, #tpu.memory_space<semaphore_mem>>)
    %dma_start3A_42 = arith.constant 0 : i32
    %dma_start3A_43 = arith.constant 0 : i32
    %dma_start3A_44 = tpu.memref_slice %arg5[%add3A, %dma_start3A_42, %dma_start3A_43] : memref<32x79x128xi32, #tpu.memory_space<hbm>> -> memref<1x79x128xi32, #tpu.memory_space<hbm>>
    %dma_start3A_45 = tpu.memref_squeeze %dma_start3A_44 : memref<1x79x128xi32, #tpu.memory_space<hbm>> -> memref<79x128xi32, #tpu.memory_space<hbm>>
    %dma_start3A_46 = arith.constant 1 : i32
    %dma_start3A_47 = arith.constant 0 : i32
    %dma_start3A_48 = tpu.memref_slice %dma_start3A_45[%dma_start3A_46, %dma_start3A_47] : memref<79x128xi32, #tpu.memory_space<hbm>> -> memref<1x128xi32, #tpu.memory_space<hbm>>
    %dma_start3A_49 = arith.constant 0 : i32
    %dma_start3A_50 = arith.constant 0 : i32
    %dma_start3A_51 = tpu.memref_slice %arg5[%add3A, %dma_start3A_49, %dma_start3A_50] : memref<32x79x128xi32, #tpu.memory_space<hbm>> -> memref<1x79x128xi32, #tpu.memory_space<hbm>>
    %dma_start3A_52 = tpu.memref_squeeze %dma_start3A_51 : memref<1x79x128xi32, #tpu.memory_space<hbm>> -> memref<79x128xi32, #tpu.memory_space<hbm>>
    %dma_start3A_53 = arith.constant 1 : i32
    %dma_start3A_54 = arith.constant 0 : i32
    %dma_start3A_55 = tpu.memref_slice %dma_start3A_52[%dma_start3A_53, %dma_start3A_54] : memref<79x128xi32, #tpu.memory_space<hbm>> -> memref<1x128xi32, #tpu.memory_space<hbm>>
    tpu.enqueue_dma source(%dma_start3A_55 : memref<1x128xi32, #tpu.memory_space<hbm>>) target(%arg12 : memref<1x128xi32, #tpu.memory_space<vmem>>) target_semaphore(%arg16 : memref<!tpu.dma_semaphore, #tpu.memory_space<semaphore_mem>>)
    %scan3A_56 = arith.constant 0 : i32
    %scan3A_57 = arith.constant 39 : i32
    %scan3A_58 = arith.addi %scan3A_56, %scan3A_57 : i32
    %scan3A_59 = arith.constant 1 : i32
    scf.for %scan3A_81 = %scan3A_56 to %scan3A_58 step %scan3A_59  : i32 {
      %mul3A_82 = arith.constant 1 : i32
      %mul3A_83 = arith.muli %scan3A_81, %mul3A_82 : i32
      %add3A_84 = arith.constant 0 : i32
      %add3A_85 = arith.addi %add3A_84, %mul3A_83 : i32
      %mul3A_86 = arith.constant 2 : i32
      %mul3A_87 = arith.muli %mul3A_86, %add3A_85 : i32
      %add3A_88 = arith.constant 1 : i32
      %add3A_89 = arith.addi %mul3A_87, %add3A_88 : i32
      %dma_wait3A_90 = arith.constant 0 : i32
      %dma_wait3A_91 = arith.constant 0 : i32
      %dma_wait3A_92 = tpu.memref_slice %arg3[%add3A, %dma_wait3A_90, %dma_wait3A_91] : memref<32x79x128xi32, #tpu.memory_space<hbm>> -> memref<1x79x128xi32, #tpu.memory_space<hbm>>
      %dma_wait3A_93 = tpu.memref_squeeze %dma_wait3A_92 : memref<1x79x128xi32, #tpu.memory_space<hbm>> -> memref<79x128xi32, #tpu.memory_space<hbm>>
      %dma_wait3A_94 = arith.constant 0 : i32
      %dma_wait3A_95 = tpu.memref_slice %dma_wait3A_93[%add3A_89, %dma_wait3A_94] : memref<79x128xi32, #tpu.memory_space<hbm>> -> memref<1x128xi32, #tpu.memory_space<hbm>>
      %dma_wait3A_96 = arith.constant 0 : i32
      %dma_wait3A_97 = arith.constant 0 : i32
      %dma_wait3A_98 = tpu.memref_slice %arg3[%add3A, %dma_wait3A_96, %dma_wait3A_97] : memref<32x79x128xi32, #tpu.memory_space<hbm>> -> memref<1x79x128xi32, #tpu.memory_space<hbm>>
      %dma_wait3A_99 = tpu.memref_squeeze %dma_wait3A_98 : memref<1x79x128xi32, #tpu.memory_space<hbm>> -> memref<79x128xi32, #tpu.memory_space<hbm>>
      %dma_wait3A_100 = arith.constant 0 : i32
      %dma_wait3A_101 = tpu.memref_slice %dma_wait3A_99[%add3A_89, %dma_wait3A_100] : memref<79x128xi32, #tpu.memory_space<hbm>> -> memref<1x128xi32, #tpu.memory_space<hbm>>
      tpu.wait_dma2 semaphore(%arg16 : memref<!tpu.dma_semaphore, #tpu.memory_space<semaphore_mem>>) src(%dma_wait3A_101 : memref<1x128xi32, #tpu.memory_space<hbm>>) dst(%arg11 : memref<1x128xi32, #tpu.memory_space<vmem>>)
      %dma_wait3A_102 = arith.constant 0 : i32
      %dma_wait3A_103 = arith.constant 0 : i32
      %dma_wait3A_104 = tpu.memref_slice %arg5[%add3A, %dma_wait3A_102, %dma_wait3A_103] : memref<32x79x128xi32, #tpu.memory_space<hbm>> -> memref<1x79x128xi32, #tpu.memory_space<hbm>>
      %dma_wait3A_105 = tpu.memref_squeeze %dma_wait3A_104 : memref<1x79x128xi32, #tpu.memory_space<hbm>> -> memref<79x128xi32, #tpu.memory_space<hbm>>
      %dma_wait3A_106 = arith.constant 0 : i32
      %dma_wait3A_107 = tpu.memref_slice %dma_wait3A_105[%add3A_89, %dma_wait3A_106] : memref<79x128xi32, #tpu.memory_space<hbm>> -> memref<1x128xi32, #tpu.memory_space<hbm>>
      %dma_wait3A_108 = arith.constant 0 : i32
      %dma_wait3A_109 = arith.constant 0 : i32
      %dma_wait3A_110 = tpu.memref_slice %arg5[%add3A, %dma_wait3A_108, %dma_wait3A_109] : memref<32x79x128xi32, #tpu.memory_space<hbm>> -> memref<1x79x128xi32, #tpu.memory_space<hbm>>
      %dma_wait3A_111 = tpu.memref_squeeze %dma_wait3A_110 : memref<1x79x128xi32, #tpu.memory_space<hbm>> -> memref<79x128xi32, #tpu.memory_space<hbm>>
      %dma_wait3A_112 = arith.constant 0 : i32
      %dma_wait3A_113 = tpu.memref_slice %dma_wait3A_111[%add3A_89, %dma_wait3A_112] : memref<79x128xi32, #tpu.memory_space<hbm>> -> memref<1x128xi32, #tpu.memory_space<hbm>>
      tpu.wait_dma2 semaphore(%arg16 : memref<!tpu.dma_semaphore, #tpu.memory_space<semaphore_mem>>) src(%dma_wait3A_113 : memref<1x128xi32, #tpu.memory_space<hbm>>) dst(%arg12 : memref<1x128xi32, #tpu.memory_space<vmem>>)
      %gt3A = arith.constant 0 : i32
      %gt3A_114 = arith.cmpi sgt, %add3A_85, %gt3A : i32
      %convert_element_type3A = arith.extui %gt3A_114 : i1 to i32
      %cond3A = arith.constant 0 : i32
      %cond3A_115 = arith.cmpi ne, %convert_element_type3A, %cond3A : i32
      scf.if %cond3A_115 {
        %sub3A = arith.constant 1 : i32
        %sub3A_244 = arith.subi %mul3A_87, %sub3A : i32
        %dma_wait3A_245 = arith.constant 0 : i32
        %dma_wait3A_246 = tpu.memref_slice %arg8[%sub3A_244, %dma_wait3A_245] : memref<79x128xi32, #tpu.memory_space<vmem>> -> memref<1x128xi32, #tpu.memory_space<vmem>>
        %dma_wait3A_247 = tpu.memref_squeeze %dma_wait3A_246 : memref<1x128xi32, #tpu.memory_space<vmem>> -> memref<128xi32, #tpu.memory_space<vmem>>
        %dma_wait3A_248 = arith.constant 0 : i32
        %dma_wait3A_249 = arith.constant 0 : i32
        %dma_wait3A_250 = tpu.memref_slice %arg7[%dma_wait3A_248, %dma_wait3A_249] : memref<10240x128xf32, #tpu.memory_space<vmem_shared>> -> memref<10240x128xf32, #tpu.memory_space<vmem_shared>>
        tpu.wait_indirect_dma semaphore(%arg20 : memref<!tpu.dma_semaphore, #tpu.memory_space<semaphore_mem>>) src(%arg14 : memref<128x128xf32, #tpu.memory_space<vmem>>) dst(%dma_wait3A_250 : memref<10240x128xf32, #tpu.memory_space<vmem_shared>>)
      } else {
      }
      %dma_start3A_116 = arith.constant 0 : i32
      %dma_start3A_117 = arith.constant 0 : i32
      %dma_start3A_118 = tpu.memref_slice %arg11[%dma_start3A_116, %dma_start3A_117] : memref<1x128xi32, #tpu.memory_space<vmem>> -> memref<1x128xi32, #tpu.memory_space<vmem>>
      %dma_start3A_119 = tpu.memref_squeeze %dma_start3A_118 : memref<1x128xi32, #tpu.memory_space<vmem>> -> memref<128xi32, #tpu.memory_space<vmem>>
      %dma_start3A_120 = arith.constant 0 : i32
      %dma_start3A_121 = arith.constant 0 : i32
      %dma_start3A_122 = tpu.memref_slice %arg2[%arg0, %dma_start3A_120, %dma_start3A_121] : memref<2x10000x128xf32, #tpu.memory_space<hbm>> -> memref<1x10000x128xf32, #tpu.memory_space<hbm>>
      %dma_start3A_123 = tpu.memref_squeeze %dma_start3A_122 : memref<1x10000x128xf32, #tpu.memory_space<hbm>> -> memref<10000x128xf32, #tpu.memory_space<hbm>>
      %dma_start3A_124 = arith.constant 0 : i32
      %dma_start3A_125 = arith.constant 0 : i32
      %dma_start3A_126 = tpu.memref_slice %dma_start3A_123[%dma_start3A_124, %dma_start3A_125] : memref<10000x128xf32, #tpu.memory_space<hbm>> -> memref<10000x128xf32, #tpu.memory_space<hbm>>
      tpu.enqueue_indirect_dma source(%dma_start3A_126 : memref<10000x128xf32, #tpu.memory_space<hbm>>) target(%arg14 : memref<128x128xf32, #tpu.memory_space<vmem>>) offsets(%dma_start3A_119 : memref<128xi32, #tpu.memory_space<vmem>>) semaphore(%arg18 : memref<!tpu.dma_semaphore, #tpu.memory_space<semaphore_mem>>)
      %dma_wait3A_127 = arith.constant 0 : i32
      %dma_wait3A_128 = arith.constant 0 : i32
      %dma_wait3A_129 = tpu.memref_slice %arg9[%dma_wait3A_127, %dma_wait3A_128] : memref<1x128xi32, #tpu.memory_space<vmem>> -> memref<1x128xi32, #tpu.memory_space<vmem>>
      %dma_wait3A_130 = tpu.memref_squeeze %dma_wait3A_129 : memref<1x128xi32, #tpu.memory_space<vmem>> -> memref<128xi32, #tpu.memory_space<vmem>>
      %dma_wait3A_131 = arith.constant 0 : i32
      %dma_wait3A_132 = arith.constant 0 : i32
      %dma_wait3A_133 = tpu.memref_slice %arg2[%arg0, %dma_wait3A_131, %dma_wait3A_132] : memref<2x10000x128xf32, #tpu.memory_space<hbm>> -> memref<1x10000x128xf32, #tpu.memory_space<hbm>>
      %dma_wait3A_134 = tpu.memref_squeeze %dma_wait3A_133 : memref<1x10000x128xf32, #tpu.memory_space<hbm>> -> memref<10000x128xf32, #tpu.memory_space<hbm>>
      %dma_wait3A_135 = arith.constant 0 : i32
      %dma_wait3A_136 = arith.constant 0 : i32
      %dma_wait3A_137 = tpu.memref_slice %dma_wait3A_134[%dma_wait3A_135, %dma_wait3A_136] : memref<10000x128xf32, #tpu.memory_space<hbm>> -> memref<10000x128xf32, #tpu.memory_space<hbm>>
      tpu.wait_indirect_dma semaphore(%arg17 : memref<!tpu.dma_semaphore, #tpu.memory_space<semaphore_mem>>) src(%dma_wait3A_137 : memref<10000x128xf32, #tpu.memory_space<hbm>>) dst(%arg13 : memref<128x128xf32, #tpu.memory_space<vmem>>)
      %parallel_loop3A_138 = arith.constant 0 : i32
      %parallel_loop3A_139 = arith.constant 128 : i32
      %parallel_loop3A_140 = arith.constant 1 : i32
      scf.for %parallel_loop3A_244 = %parallel_loop3A_138 to %parallel_loop3A_139 step %parallel_loop3A_140  : i32 {
        %parallel_loop3A_245 = arith.constant 0 : i32
        %parallel_loop3A_246 = vector.broadcast %parallel_loop3A_245 : i32 to vector<16xi32>
        %parallel_loop3A_247 = vector.broadcast %parallel_loop3A_244 : i32 to vector<16xi32>
        %parallel_loop3A_248 = tpu.vector_load_idx %arg10[%parallel_loop3A_246, %parallel_loop3A_247] : memref<1x128xi32, #tpu.memory_space<vmem>>[vector<16xi32>, vector<16xi32>], vector<16xi32>,
        %parallel_loop3A_249 = vector.bitcast %parallel_loop3A_248 : vector<16xi32> to vector<16xf32>
        %parallel_loop3A_250 = arith.index_cast %parallel_loop3A_244 : i32 to index
        %parallel_loop3A_251 = arith.constant 0 : index
        %parallel_loop3A_252 = tpu.vector_load %arg13[%parallel_loop3A_250, %parallel_loop3A_251] {strides = array<i32>} : memref<128x128xf32, #tpu.memory_space<vmem>>, vector<16xf32>,
        %parallel_loop3A_253 = arith.mulf %parallel_loop3A_252, %parallel_loop3A_249 : vector<16xf32>
        %parallel_loop3A_254 = arith.index_cast %parallel_loop3A_244 : i32 to index
        %parallel_loop3A_255 = arith.constant 0 : index
        %parallel_loop3A_256 = tpu.vector_load %arg13[%parallel_loop3A_254, %parallel_loop3A_255] {strides = array<i32>} : memref<128x128xf32, #tpu.memory_space<vmem>>, vector<16xf32>,
        tpu.vector_store %arg13[%parallel_loop3A_254, %parallel_loop3A_255], %parallel_loop3A_253 {strides = array<i32>} : memref<128x128xf32, #tpu.memory_space<vmem>>, vector<16xf32>,
        %parallel_loop3A_257 = arith.index_cast %parallel_loop3A_244 : i32 to index
        %parallel_loop3A_258 = arith.constant 16 : index
        %parallel_loop3A_259 = tpu.vector_load %arg13[%parallel_loop3A_257, %parallel_loop3A_258] {strides = array<i32>} : memref<128x128xf32, #tpu.memory_space<vmem>>, vector<16xf32>,
        %parallel_loop3A_260 = arith.mulf %parallel_loop3A_259, %parallel_loop3A_249 : vector<16xf32>
        %parallel_loop3A_261 = arith.index_cast %parallel_loop3A_244 : i32 to index
        %parallel_loop3A_262 = arith.constant 16 : index
        %parallel_loop3A_263 = tpu.vector_load %arg13[%parallel_loop3A_261, %parallel_loop3A_262] {strides = array<i32>} : memref<128x128xf32, #tpu.memory_space<vmem>>, vector<16xf32>,
        tpu.vector_store %arg13[%parallel_loop3A_261, %parallel_loop3A_262], %parallel_loop3A_260 {strides = array<i32>} : memref<128x128xf32, #tpu.memory_space<vmem>>, vector<16xf32>,
        %parallel_loop3A_264 = arith.index_cast %parallel_loop3A_244 : i32 to index
        %parallel_loop3A_265 = arith.constant 32 : index
        %parallel_loop3A_266 = tpu.vector_load %arg13[%parallel_loop3A_264, %parallel_loop3A_265] {strides = array<i32>} : memref<128x128xf32, #tpu.memory_space<vmem>>, vector<16xf32>,
        %parallel_loop3A_267 = arith.mulf %parallel_loop3A_266, %parallel_loop3A_249 : vector<16xf32>
        %parallel_loop3A_268 = arith.index_cast %parallel_loop3A_244 : i32 to index
        %parallel_loop3A_269 = arith.constant 32 : index
        %parallel_loop3A_270 = tpu.vector_load %arg13[%parallel_loop3A_268, %parallel_loop3A_269] {strides = array<i32>} : memref<128x128xf32, #tpu.memory_space<vmem>>, vector<16xf32>,
        tpu.vector_store %arg13[%parallel_loop3A_268, %parallel_loop3A_269], %parallel_loop3A_267 {strides = array<i32>} : memref<128x128xf32, #tpu.memory_space<vmem>>, vector<16xf32>,
        %parallel_loop3A_271 = arith.index_cast %parallel_loop3A_244 : i32 to index
        %parallel_loop3A_272 = arith.constant 48 : index
        %parallel_loop3A_273 = tpu.vector_load %arg13[%parallel_loop3A_271, %parallel_loop3A_272] {strides = array<i32>} : memref<128x128xf32, #tpu.memory_space<vmem>>, vector<16xf32>,
        %parallel_loop3A_274 = arith.mulf %parallel_loop3A_273, %parallel_loop3A_249 : vector<16xf32>
        %parallel_loop3A_275 = arith.index_cast %parallel_loop3A_244 : i32 to index
        %parallel_loop3A_276 = arith.constant 48 : index
        %parallel_loop3A_277 = tpu.vector_load %arg13[%parallel_loop3A_275, %parallel_loop3A_276] {strides = array<i32>} : memref<128x128xf32, #tpu.memory_space<vmem>>, vector<16xf32>,
        tpu.vector_store %arg13[%parallel_loop3A_275, %parallel_loop3A_276], %parallel_loop3A_274 {strides = array<i32>} : memref<128x128xf32, #tpu.memory_space<vmem>>, vector<16xf32>,
        %parallel_loop3A_278 = arith.index_cast %parallel_loop3A_244 : i32 to index
        %parallel_loop3A_279 = arith.constant 64 : index
        %parallel_loop3A_280 = tpu.vector_load %arg13[%parallel_loop3A_278, %parallel_loop3A_279] {strides = array<i32>} : memref<128x128xf32, #tpu.memory_space<vmem>>, vector<16xf32>,
        %parallel_loop3A_281 = arith.mulf %parallel_loop3A_280, %parallel_loop3A_249 : vector<16xf32>
        %parallel_loop3A_282 = arith.index_cast %parallel_loop3A_244 : i32 to index
        %parallel_loop3A_283 = arith.constant 64 : index
        %parallel_loop3A_284 = tpu.vector_load %arg13[%parallel_loop3A_282, %parallel_loop3A_283] {strides = array<i32>} : memref<128x128xf32, #tpu.memory_space<vmem>>, vector<16xf32>,
        tpu.vector_store %arg13[%parallel_loop3A_282, %parallel_loop3A_283], %parallel_loop3A_281 {strides = array<i32>} : memref<128x128xf32, #tpu.memory_space<vmem>>, vector<16xf32>,
        %parallel_loop3A_285 = arith.index_cast %parallel_loop3A_244 : i32 to index
        %parallel_loop3A_286 = arith.constant 80 : index
        %parallel_loop3A_287 = tpu.vector_load %arg13[%parallel_loop3A_285, %parallel_loop3A_286] {strides = array<i32>} : memref<128x128xf32, #tpu.memory_space<vmem>>, vector<16xf32>,
        %parallel_loop3A_288 = arith.mulf %parallel_loop3A_287, %parallel_loop3A_249 : vector<16xf32>
        %parallel_loop3A_289 = arith.index_cast %parallel_loop3A_244 : i32 to index
        %parallel_loop3A_290 = arith.constant 80 : index
        %parallel_loop3A_291 = tpu.vector_load %arg13[%parallel_loop3A_289, %parallel_loop3A_290] {strides = array<i32>} : memref<128x128xf32, #tpu.memory_space<vmem>>, vector<16xf32>,
        tpu.vector_store %arg13[%parallel_loop3A_289, %parallel_loop3A_290], %parallel_loop3A_288 {strides = array<i32>} : memref<128x128xf32, #tpu.memory_space<vmem>>, vector<16xf32>,
        %parallel_loop3A_292 = arith.index_cast %parallel_loop3A_244 : i32 to index
        %parallel_loop3A_293 = arith.constant 96 : index
        %parallel_loop3A_294 = tpu.vector_load %arg13[%parallel_loop3A_292, %parallel_loop3A_293] {strides = array<i32>} : memref<128x128xf32, #tpu.memory_space<vmem>>, vector<16xf32>,
        %parallel_loop3A_295 = arith.mulf %parallel_loop3A_294, %parallel_loop3A_249 : vector<16xf32>
        %parallel_loop3A_296 = arith.index_cast %parallel_loop3A_244 : i32 to index
        %parallel_loop3A_297 = arith.constant 96 : index
        %parallel_loop3A_298 = tpu.vector_load %arg13[%parallel_loop3A_296, %parallel_loop3A_297] {strides = array<i32>} : memref<128x128xf32, #tpu.memory_space<vmem>>, vector<16xf32>,
        tpu.vector_store %arg13[%parallel_loop3A_296, %parallel_loop3A_297], %parallel_loop3A_295 {strides = array<i32>} : memref<128x128xf32, #tpu.memory_space<vmem>>, vector<16xf32>,
        %parallel_loop3A_299 = arith.index_cast %parallel_loop3A_244 : i32 to index
        %parallel_loop3A_300 = arith.constant 112 : index
        %parallel_loop3A_301 = tpu.vector_load %arg13[%parallel_loop3A_299, %parallel_loop3A_300] {strides = array<i32>} : memref<128x128xf32, #tpu.memory_space<vmem>>, vector<16xf32>,
        %parallel_loop3A_302 = arith.mulf %parallel_loop3A_301, %parallel_loop3A_249 : vector<16xf32>
        %parallel_loop3A_303 = arith.index_cast %parallel_loop3A_244 : i32 to index
        %parallel_loop3A_304 = arith.constant 112 : index
        %parallel_loop3A_305 = tpu.vector_load %arg13[%parallel_loop3A_303, %parallel_loop3A_304] {strides = array<i32>} : memref<128x128xf32, #tpu.memory_space<vmem>>, vector<16xf32>,
        tpu.vector_store %arg13[%parallel_loop3A_303, %parallel_loop3A_304], %parallel_loop3A_302 {strides = array<i32>} : memref<128x128xf32, #tpu.memory_space<vmem>>, vector<16xf32>,
      } {sc.loop_unroll_factor = 4 : i64, sc.parallel_access}
      %dma_start3A_141 = arith.constant 0 : i32
      %dma_start3A_142 = tpu.memref_slice %arg8[%mul3A_87, %dma_start3A_141] : memref<79x128xi32, #tpu.memory_space<vmem>> -> memref<1x128xi32, #tpu.memory_space<vmem>>
      %dma_start3A_143 = tpu.memref_squeeze %dma_start3A_142 : memref<1x128xi32, #tpu.memory_space<vmem>> -> memref<128xi32, #tpu.memory_space<vmem>>
      %dma_start3A_144 = arith.constant 0 : i32
      %dma_start3A_145 = arith.constant 0 : i32
      %dma_start3A_146 = tpu.memref_slice %arg7[%dma_start3A_144, %dma_start3A_145] : memref<10240x128xf32, #tpu.memory_space<vmem_shared>> -> memref<10240x128xf32, #tpu.memory_space<vmem_shared>>
      tpu.enqueue_indirect_dma source(%arg13 : memref<128x128xf32, #tpu.memory_space<vmem>>) target(%dma_start3A_146 : memref<10240x128xf32, #tpu.memory_space<vmem_shared>>) offsets(%dma_start3A_143 : memref<128xi32, #tpu.memory_space<vmem>>) semaphore(%arg19 : memref<!tpu.dma_semaphore, #tpu.memory_space<semaphore_mem>>) {add = true}
      %add3A_147 = arith.constant 2 : i32
      %add3A_148 = arith.addi %mul3A_87, %add3A_147 : i32
      %dma_start3A_149 = arith.constant 0 : i32
      %dma_start3A_150 = arith.constant 0 : i32
      %dma_start3A_151 = tpu.memref_slice %arg3[%add3A, %dma_start3A_149, %dma_start3A_150] : memref<32x79x128xi32, #tpu.memory_space<hbm>> -> memref<1x79x128xi32, #tpu.memory_space<hbm>>
      %dma_start3A_152 = tpu.memref_squeeze %dma_start3A_151 : memref<1x79x128xi32, #tpu.memory_space<hbm>> -> memref<79x128xi32, #tpu.memory_space<hbm>>
      %dma_start3A_153 = arith.constant 0 : i32
      %dma_start3A_154 = tpu.memref_slice %dma_start3A_152[%add3A_148, %dma_start3A_153] : memref<79x128xi32, #tpu.memory_space<hbm>> -> memref<1x128xi32, #tpu.memory_space<hbm>>
      %dma_start3A_155 = arith.constant 0 : i32
      %dma_start3A_156 = arith.constant 0 : i32
      %dma_start3A_157 = tpu.memref_slice %arg3[%add3A, %dma_start3A_155, %dma_start3A_156] : memref<32x79x128xi32, #tpu.memory_space<hbm>> -> memref<1x79x128xi32, #tpu.memory_space<hbm>>
      %dma_start3A_158 = tpu.memref_squeeze %dma_start3A_157 : memref<1x79x128xi32, #tpu.memory_space<hbm>> -> memref<79x128xi32, #tpu.memory_space<hbm>>
      %dma_start3A_159 = arith.constant 0 : i32
      %dma_start3A_160 = tpu.memref_slice %dma_start3A_158[%add3A_148, %dma_start3A_159] : memref<79x128xi32, #tpu.memory_space<hbm>> -> memref<1x128xi32, #tpu.memory_space<hbm>>
      tpu.enqueue_dma source(%dma_start3A_160 : memref<1x128xi32, #tpu.memory_space<hbm>>) target(%arg9 : memref<1x128xi32, #tpu.memory_space<vmem>>) target_semaphore(%arg15 : memref<!tpu.dma_semaphore, #tpu.memory_space<semaphore_mem>>)
      %dma_start3A_161 = arith.constant 0 : i32
      %dma_start3A_162 = arith.constant 0 : i32
      %dma_start3A_163 = tpu.memref_slice %arg5[%add3A, %dma_start3A_161, %dma_start3A_162] : memref<32x79x128xi32, #tpu.memory_space<hbm>> -> memref<1x79x128xi32, #tpu.memory_space<hbm>>
      %dma_start3A_164 = tpu.memref_squeeze %dma_start3A_163 : memref<1x79x128xi32, #tpu.memory_space<hbm>> -> memref<79x128xi32, #tpu.memory_space<hbm>>
      %dma_start3A_165 = arith.constant 0 : i32
      %dma_start3A_166 = tpu.memref_slice %dma_start3A_164[%add3A_148, %dma_start3A_165] : memref<79x128xi32, #tpu.memory_space<hbm>> -> memref<1x128xi32, #tpu.memory_space<hbm>>
      %dma_start3A_167 = arith.constant 0 : i32
      %dma_start3A_168 = arith.constant 0 : i32
      %dma_start3A_169 = tpu.memref_slice %arg5[%add3A, %dma_start3A_167, %dma_start3A_168] : memref<32x79x128xi32, #tpu.memory_space<hbm>> -> memref<1x79x128xi32, #tpu.memory_space<hbm>>
      %dma_start3A_170 = tpu.memref_squeeze %dma_start3A_169 : memref<1x79x128xi32, #tpu.memory_space<hbm>> -> memref<79x128xi32, #tpu.memory_space<hbm>>
      %dma_start3A_171 = arith.constant 0 : i32
      %dma_start3A_172 = tpu.memref_slice %dma_start3A_170[%add3A_148, %dma_start3A_171] : memref<79x128xi32, #tpu.memory_space<hbm>> -> memref<1x128xi32, #tpu.memory_space<hbm>>
      tpu.enqueue_dma source(%dma_start3A_172 : memref<1x128xi32, #tpu.memory_space<hbm>>) target(%arg10 : memref<1x128xi32, #tpu.memory_space<vmem>>) target_semaphore(%arg15 : memref<!tpu.dma_semaphore, #tpu.memory_space<semaphore_mem>>)
      %add3A_173 = arith.constant 2 : i32
      %add3A_174 = arith.addi %mul3A_87, %add3A_173 : i32
      %dma_wait3A_175 = arith.constant 0 : i32
      %dma_wait3A_176 = arith.constant 0 : i32
      %dma_wait3A_177 = tpu.memref_slice %arg3[%add3A, %dma_wait3A_175, %dma_wait3A_176] : memref<32x79x128xi32, #tpu.memory_space<hbm>> -> memref<1x79x128xi32, #tpu.memory_space<hbm>>
      %dma_wait3A_178 = tpu.memref_squeeze %dma_wait3A_177 : memref<1x79x128xi32, #tpu.memory_space<hbm>> -> memref<79x128xi32, #tpu.memory_space<hbm>>
      %dma_wait3A_179 = arith.constant 0 : i32
      %dma_wait3A_180 = tpu.memref_slice %dma_wait3A_178[%add3A_174, %dma_wait3A_179] : memref<79x128xi32, #tpu.memory_space<hbm>> -> memref<1x128xi32, #tpu.memory_space<hbm>>
      %dma_wait3A_181 = arith.constant 0 : i32
      %dma_wait3A_182 = arith.constant 0 : i32
      %dma_wait3A_183 = tpu.memref_slice %arg3[%add3A, %dma_wait3A_181, %dma_wait3A_182] : memref<32x79x128xi32, #tpu.memory_space<hbm>> -> memref<1x79x128xi32, #tpu.memory_space<hbm>>
      %dma_wait3A_184 = tpu.memref_squeeze %dma_wait3A_183 : memref<1x79x128xi32, #tpu.memory_space<hbm>> -> memref<79x128xi32, #tpu.memory_space<hbm>>
      %dma_wait3A_185 = arith.constant 0 : i32
      %dma_wait3A_186 = tpu.memref_slice %dma_wait3A_184[%add3A_174, %dma_wait3A_185] : memref<79x128xi32, #tpu.memory_space<hbm>> -> memref<1x128xi32, #tpu.memory_space<hbm>>
      tpu.wait_dma2 semaphore(%arg15 : memref<!tpu.dma_semaphore, #tpu.memory_space<semaphore_mem>>) src(%dma_wait3A_186 : memref<1x128xi32, #tpu.memory_space<hbm>>) dst(%arg9 : memref<1x128xi32, #tpu.memory_space<vmem>>)
      %dma_wait3A_187 = arith.constant 0 : i32
      %dma_wait3A_188 = arith.constant 0 : i32
      %dma_wait3A_189 = tpu.memref_slice %arg5[%add3A, %dma_wait3A_187, %dma_wait3A_188] : memref<32x79x128xi32, #tpu.memory_space<hbm>> -> memref<1x79x128xi32, #tpu.memory_space<hbm>>
      %dma_wait3A_190 = tpu.memref_squeeze %dma_wait3A_189 : memref<1x79x128xi32, #tpu.memory_space<hbm>> -> memref<79x128xi32, #tpu.memory_space<hbm>>
      %dma_wait3A_191 = arith.constant 0 : i32
      %dma_wait3A_192 = tpu.memref_slice %dma_wait3A_190[%add3A_174, %dma_wait3A_191] : memref<79x128xi32, #tpu.memory_space<hbm>> -> memref<1x128xi32, #tpu.memory_space<hbm>>
      %dma_wait3A_193 = arith.constant 0 : i32
      %dma_wait3A_194 = arith.constant 0 : i32
      %dma_wait3A_195 = tpu.memref_slice %arg5[%add3A, %dma_wait3A_193, %dma_wait3A_194] : memref<32x79x128xi32, #tpu.memory_space<hbm>> -> memref<1x79x128xi32, #tpu.memory_space<hbm>>
      %dma_wait3A_196 = tpu.memref_squeeze %dma_wait3A_195 : memref<1x79x128xi32, #tpu.memory_space<hbm>> -> memref<79x128xi32, #tpu.memory_space<hbm>>
      %dma_wait3A_197 = arith.constant 0 : i32
      %dma_wait3A_198 = tpu.memref_slice %dma_wait3A_196[%add3A_174, %dma_wait3A_197] : memref<79x128xi32, #tpu.memory_space<hbm>> -> memref<1x128xi32, #tpu.memory_space<hbm>>
      tpu.wait_dma2 semaphore(%arg15 : memref<!tpu.dma_semaphore, #tpu.memory_space<semaphore_mem>>) src(%dma_wait3A_198 : memref<1x128xi32, #tpu.memory_space<hbm>>) dst(%arg10 : memref<1x128xi32, #tpu.memory_space<vmem>>)
      %dma_wait3A_199 = arith.constant 0 : i32
      %dma_wait3A_200 = tpu.memref_slice %arg8[%mul3A_87, %dma_wait3A_199] : memref<79x128xi32, #tpu.memory_space<vmem>> -> memref<1x128xi32, #tpu.memory_space<vmem>>
      %dma_wait3A_201 = tpu.memref_squeeze %dma_wait3A_200 : memref<1x128xi32, #tpu.memory_space<vmem>> -> memref<128xi32, #tpu.memory_space<vmem>>
      %dma_wait3A_202 = arith.constant 0 : i32
      %dma_wait3A_203 = arith.constant 0 : i32
      %dma_wait3A_204 = tpu.memref_slice %arg7[%dma_wait3A_202, %dma_wait3A_203] : memref<10240x128xf32, #tpu.memory_space<vmem_shared>> -> memref<10240x128xf32, #tpu.memory_space<vmem_shared>>
      tpu.wait_indirect_dma semaphore(%arg19 : memref<!tpu.dma_semaphore, #tpu.memory_space<semaphore_mem>>) src(%arg13 : memref<128x128xf32, #tpu.memory_space<vmem>>) dst(%dma_wait3A_204 : memref<10240x128xf32, #tpu.memory_space<vmem_shared>>)
      %dma_start3A_205 = arith.constant 0 : i32
      %dma_start3A_206 = arith.constant 0 : i32
      %dma_start3A_207 = tpu.memref_slice %arg9[%dma_start3A_205, %dma_start3A_206] : memref<1x128xi32, #tpu.memory_space<vmem>> -> memref<1x128xi32, #tpu.memory_space<vmem>>
      %dma_start3A_208 = tpu.memref_squeeze %dma_start3A_207 : memref<1x128xi32, #tpu.memory_space<vmem>> -> memref<128xi32, #tpu.memory_space<vmem>>
      %dma_start3A_209 = arith.constant 0 : i32
      %dma_start3A_210 = arith.constant 0 : i32
      %dma_start3A_211 = tpu.memref_slice %arg2[%arg0, %dma_start3A_209, %dma_start3A_210] : memref<2x10000x128xf32, #tpu.memory_space<hbm>> -> memref<1x10000x128xf32, #tpu.memory_space<hbm>>
      %dma_start3A_212 = tpu.memref_squeeze %dma_start3A_211 : memref<1x10000x128xf32, #tpu.memory_space<hbm>> -> memref<10000x128xf32, #tpu.memory_space<hbm>>
      %dma_start3A_213 = arith.constant 0 : i32
      %dma_start3A_214 = arith.constant 0 : i32
      %dma_start3A_215 = tpu.memref_slice %dma_start3A_212[%dma_start3A_213, %dma_start3A_214] : memref<10000x128xf32, #tpu.memory_space<hbm>> -> memref<10000x128xf32, #tpu.memory_space<hbm>>
      tpu.enqueue_indirect_dma source(%dma_start3A_215 : memref<10000x128xf32, #tpu.memory_space<hbm>>) target(%arg13 : memref<128x128xf32, #tpu.memory_space<vmem>>) offsets(%dma_start3A_208 : memref<128xi32, #tpu.memory_space<vmem>>) semaphore(%arg17 : memref<!tpu.dma_semaphore, #tpu.memory_space<semaphore_mem>>)
      %dma_wait3A_216 = arith.constant 0 : i32
      %dma_wait3A_217 = arith.constant 0 : i32
      %dma_wait3A_218 = tpu.memref_slice %arg11[%dma_wait3A_216, %dma_wait3A_217] : memref<1x128xi32, #tpu.memory_space<vmem>> -> memref<1x128xi32, #tpu.memory_space<vmem>>
      %dma_wait3A_219 = tpu.memref_squeeze %dma_wait3A_218 : memref<1x128xi32, #tpu.memory_space<vmem>> -> memref<128xi32, #tpu.memory_space<vmem>>
      %dma_wait3A_220 = arith.constant 0 : i32
      %dma_wait3A_221 = arith.constant 0 : i32
      %dma_wait3A_222 = tpu.memref_slice %arg2[%arg0, %dma_wait3A_220, %dma_wait3A_221] : memref<2x10000x128xf32, #tpu.memory_space<hbm>> -> memref<1x10000x128xf32, #tpu.memory_space<hbm>>
      %dma_wait3A_223 = tpu.memref_squeeze %dma_wait3A_222 : memref<1x10000x128xf32, #tpu.memory_space<hbm>> -> memref<10000x128xf32, #tpu.memory_space<hbm>>
      %dma_wait3A_224 = arith.constant 0 : i32
      %dma_wait3A_225 = arith.constant 0 : i32
      %dma_wait3A_226 = tpu.memref_slice %dma_wait3A_223[%dma_wait3A_224, %dma_wait3A_225] : memref<10000x128xf32, #tpu.memory_space<hbm>> -> memref<10000x128xf32, #tpu.memory_space<hbm>>
      tpu.wait_indirect_dma semaphore(%arg18 : memref<!tpu.dma_semaphore, #tpu.memory_space<semaphore_mem>>) src(%dma_wait3A_226 : memref<10000x128xf32, #tpu.memory_space<hbm>>) dst(%arg14 : memref<128x128xf32, #tpu.memory_space<vmem>>)
      %parallel_loop3A_227 = arith.constant 0 : i32
      %parallel_loop3A_228 = arith.constant 128 : i32
      %parallel_loop3A_229 = arith.constant 1 : i32
      scf.for %parallel_loop3A_244 = %parallel_loop3A_227 to %parallel_loop3A_228 step %parallel_loop3A_229  : i32 {
        %parallel_loop3A_245 = arith.constant 0 : i32
        %parallel_loop3A_246 = vector.broadcast %parallel_loop3A_245 : i32 to vector<16xi32>
        %parallel_loop3A_247 = vector.broadcast %parallel_loop3A_244 : i32 to vector<16xi32>
        %parallel_loop3A_248 = tpu.vector_load_idx %arg12[%parallel_loop3A_246, %parallel_loop3A_247] : memref<1x128xi32, #tpu.memory_space<vmem>>[vector<16xi32>, vector<16xi32>], vector<16xi32>,
        %parallel_loop3A_249 = vector.bitcast %parallel_loop3A_248 : vector<16xi32> to vector<16xf32>
        %parallel_loop3A_250 = arith.index_cast %parallel_loop3A_244 : i32 to index
        %parallel_loop3A_251 = arith.constant 0 : index
        %parallel_loop3A_252 = tpu.vector_load %arg14[%parallel_loop3A_250, %parallel_loop3A_251] {strides = array<i32>} : memref<128x128xf32, #tpu.memory_space<vmem>>, vector<16xf32>,
        %parallel_loop3A_253 = arith.mulf %parallel_loop3A_252, %parallel_loop3A_249 : vector<16xf32>
        %parallel_loop3A_254 = arith.index_cast %parallel_loop3A_244 : i32 to index
        %parallel_loop3A_255 = arith.constant 0 : index
        %parallel_loop3A_256 = tpu.vector_load %arg14[%parallel_loop3A_254, %parallel_loop3A_255] {strides = array<i32>} : memref<128x128xf32, #tpu.memory_space<vmem>>, vector<16xf32>,
        tpu.vector_store %arg14[%parallel_loop3A_254, %parallel_loop3A_255], %parallel_loop3A_253 {strides = array<i32>} : memref<128x128xf32, #tpu.memory_space<vmem>>, vector<16xf32>,
        %parallel_loop3A_257 = arith.index_cast %parallel_loop3A_244 : i32 to index
        %parallel_loop3A_258 = arith.constant 16 : index
        %parallel_loop3A_259 = tpu.vector_load %arg14[%parallel_loop3A_257, %parallel_loop3A_258] {strides = array<i32>} : memref<128x128xf32, #tpu.memory_space<vmem>>, vector<16xf32>,
        %parallel_loop3A_260 = arith.mulf %parallel_loop3A_259, %parallel_loop3A_249 : vector<16xf32>
        %parallel_loop3A_261 = arith.index_cast %parallel_loop3A_244 : i32 to index
        %parallel_loop3A_262 = arith.constant 16 : index
        %parallel_loop3A_263 = tpu.vector_load %arg14[%parallel_loop3A_261, %parallel_loop3A_262] {strides = array<i32>} : memref<128x128xf32, #tpu.memory_space<vmem>>, vector<16xf32>,
        tpu.vector_store %arg14[%parallel_loop3A_261, %parallel_loop3A_262], %parallel_loop3A_260 {strides = array<i32>} : memref<128x128xf32, #tpu.memory_space<vmem>>, vector<16xf32>,
        %parallel_loop3A_264 = arith.index_cast %parallel_loop3A_244 : i32 to index
        %parallel_loop3A_265 = arith.constant 32 : index
        %parallel_loop3A_266 = tpu.vector_load %arg14[%parallel_loop3A_264, %parallel_loop3A_265] {strides = array<i32>} : memref<128x128xf32, #tpu.memory_space<vmem>>, vector<16xf32>,
        %parallel_loop3A_267 = arith.mulf %parallel_loop3A_266, %parallel_loop3A_249 : vector<16xf32>
        %parallel_loop3A_268 = arith.index_cast %parallel_loop3A_244 : i32 to index
        %parallel_loop3A_269 = arith.constant 32 : index
        %parallel_loop3A_270 = tpu.vector_load %arg14[%parallel_loop3A_268, %parallel_loop3A_269] {strides = array<i32>} : memref<128x128xf32, #tpu.memory_space<vmem>>, vector<16xf32>,
        tpu.vector_store %arg14[%parallel_loop3A_268, %parallel_loop3A_269], %parallel_loop3A_267 {strides = array<i32>} : memref<128x128xf32, #tpu.memory_space<vmem>>, vector<16xf32>,
        %parallel_loop3A_271 = arith.index_cast %parallel_loop3A_244 : i32 to index
        %parallel_loop3A_272 = arith.constant 48 : index
        %parallel_loop3A_273 = tpu.vector_load %arg14[%parallel_loop3A_271, %parallel_loop3A_272] {strides = array<i32>} : memref<128x128xf32, #tpu.memory_space<vmem>>, vector<16xf32>,
        %parallel_loop3A_274 = arith.mulf %parallel_loop3A_273, %parallel_loop3A_249 : vector<16xf32>
        %parallel_loop3A_275 = arith.index_cast %parallel_loop3A_244 : i32 to index
        %parallel_loop3A_276 = arith.constant 48 : index
        %parallel_loop3A_277 = tpu.vector_load %arg14[%parallel_loop3A_275, %parallel_loop3A_276] {strides = array<i32>} : memref<128x128xf32, #tpu.memory_space<vmem>>, vector<16xf32>,
        tpu.vector_store %arg14[%parallel_loop3A_275, %parallel_loop3A_276], %parallel_loop3A_274 {strides = array<i32>} : memref<128x128xf32, #tpu.memory_space<vmem>>, vector<16xf32>,
        %parallel_loop3A_278 = arith.index_cast %parallel_loop3A_244 : i32 to index
        %parallel_loop3A_279 = arith.constant 64 : index
        %parallel_loop3A_280 = tpu.vector_load %arg14[%parallel_loop3A_278, %parallel_loop3A_279] {strides = array<i32>} : memref<128x128xf32, #tpu.memory_space<vmem>>, vector<16xf32>,
        %parallel_loop3A_281 = arith.mulf %parallel_loop3A_280, %parallel_loop3A_249 : vector<16xf32>
        %parallel_loop3A_282 = arith.index_cast %parallel_loop3A_244 : i32 to index
        %parallel_loop3A_283 = arith.constant 64 : index
        %parallel_loop3A_284 = tpu.vector_load %arg14[%parallel_loop3A_282, %parallel_loop3A_283] {strides = array<i32>} : memref<128x128xf32, #tpu.memory_space<vmem>>, vector<16xf32>,
        tpu.vector_store %arg14[%parallel_loop3A_282, %parallel_loop3A_283], %parallel_loop3A_281 {strides = array<i32>} : memref<128x128xf32, #tpu.memory_space<vmem>>, vector<16xf32>,
        %parallel_loop3A_285 = arith.index_cast %parallel_loop3A_244 : i32 to index
        %parallel_loop3A_286 = arith.constant 80 : index
        %parallel_loop3A_287 = tpu.vector_load %arg14[%parallel_loop3A_285, %parallel_loop3A_286] {strides = array<i32>} : memref<128x128xf32, #tpu.memory_space<vmem>>, vector<16xf32>,
        %parallel_loop3A_288 = arith.mulf %parallel_loop3A_287, %parallel_loop3A_249 : vector<16xf32>
        %parallel_loop3A_289 = arith.index_cast %parallel_loop3A_244 : i32 to index
        %parallel_loop3A_290 = arith.constant 80 : index
        %parallel_loop3A_291 = tpu.vector_load %arg14[%parallel_loop3A_289, %parallel_loop3A_290] {strides = array<i32>} : memref<128x128xf32, #tpu.memory_space<vmem>>, vector<16xf32>,
        tpu.vector_store %arg14[%parallel_loop3A_289, %parallel_loop3A_290], %parallel_loop3A_288 {strides = array<i32>} : memref<128x128xf32, #tpu.memory_space<vmem>>, vector<16xf32>,
        %parallel_loop3A_292 = arith.index_cast %parallel_loop3A_244 : i32 to index
        %parallel_loop3A_293 = arith.constant 96 : index
        %parallel_loop3A_294 = tpu.vector_load %arg14[%parallel_loop3A_292, %parallel_loop3A_293] {strides = array<i32>} : memref<128x128xf32, #tpu.memory_space<vmem>>, vector<16xf32>,
        %parallel_loop3A_295 = arith.mulf %parallel_loop3A_294, %parallel_loop3A_249 : vector<16xf32>
        %parallel_loop3A_296 = arith.index_cast %parallel_loop3A_244 : i32 to index
        %parallel_loop3A_297 = arith.constant 96 : index
        %parallel_loop3A_298 = tpu.vector_load %arg14[%parallel_loop3A_296, %parallel_loop3A_297] {strides = array<i32>} : memref<128x128xf32, #tpu.memory_space<vmem>>, vector<16xf32>,
        tpu.vector_store %arg14[%parallel_loop3A_296, %parallel_loop3A_297], %parallel_loop3A_295 {strides = array<i32>} : memref<128x128xf32, #tpu.memory_space<vmem>>, vector<16xf32>,
        %parallel_loop3A_299 = arith.index_cast %parallel_loop3A_244 : i32 to index
        %parallel_loop3A_300 = arith.constant 112 : index
        %parallel_loop3A_301 = tpu.vector_load %arg14[%parallel_loop3A_299, %parallel_loop3A_300] {strides = array<i32>} : memref<128x128xf32, #tpu.memory_space<vmem>>, vector<16xf32>,
        %parallel_loop3A_302 = arith.mulf %parallel_loop3A_301, %parallel_loop3A_249 : vector<16xf32>
        %parallel_loop3A_303 = arith.index_cast %parallel_loop3A_244 : i32 to index
        %parallel_loop3A_304 = arith.constant 112 : index
        %parallel_loop3A_305 = tpu.vector_load %arg14[%parallel_loop3A_303, %parallel_loop3A_304] {strides = array<i32>} : memref<128x128xf32, #tpu.memory_space<vmem>>, vector<16xf32>,
        tpu.vector_store %arg14[%parallel_loop3A_303, %parallel_loop3A_304], %parallel_loop3A_302 {strides = array<i32>} : memref<128x128xf32, #tpu.memory_space<vmem>>, vector<16xf32>,
      } {sc.loop_unroll_factor = 4 : i64, sc.parallel_access}
      %add3A_230 = arith.constant 1 : i32
      %add3A_231 = arith.addi %mul3A_87, %add3A_230 : i32
      %dma_start3A_232 = arith.constant 0 : i32
      %dma_start3A_233 = tpu.memref_slice %arg8[%add3A_231, %dma_start3A_232] : memref<79x128xi32, #tpu.memory_space<vmem>> -> memref<1x128xi32, #tpu.memory_space<vmem>>
      %dma_start3A_234 = tpu.memref_squeeze %dma_start3A_233 : memref<1x128xi32, #tpu.memory_space<vmem>> -> memref<128xi32, #tpu.memory_space<vmem>>
      %dma_start3A_235 = arith.constant 0 : i32
      %dma_start3A_236 = arith.constant 0 : i32
      %dma_start3A_237 = tpu.memref_slice %arg7[%dma_start3A_235, %dma_start3A_236] : memref<10240x128xf32, #tpu.memory_space<vmem_shared>> -> memref<10240x128xf32, #tpu.memory_space<vmem_shared>>
      tpu.enqueue_indirect_dma source(%arg14 : memref<128x128xf32, #tpu.memory_space<vmem>>) target(%dma_start3A_237 : memref<10240x128xf32, #tpu.memory_space<vmem_shared>>) offsets(%dma_start3A_234 : memref<128xi32, #tpu.memory_space<vmem>>) semaphore(%arg20 : memref<!tpu.dma_semaphore, #tpu.memory_space<semaphore_mem>>) {add = true}
      %add3A_238 = arith.constant 3 : i32
      %add3A_239 = arith.addi %mul3A_87, %add3A_238 : i32
      %lt3A = arith.constant 79 : i32
      %lt3A_240 = arith.cmpi slt, %add3A_239, %lt3A : i32
      %convert_element_type3A_241 = arith.extui %lt3A_240 : i1 to i32
      %cond3A_242 = arith.constant 0 : i32
      %cond3A_243 = arith.cmpi ne, %convert_element_type3A_241, %cond3A_242 : i32
      scf.if %cond3A_243 {
        %add3A_244 = arith.constant 3 : i32
        %add3A_245 = arith.addi %mul3A_87, %add3A_244 : i32
        %dma_start3A_246 = arith.constant 0 : i32
        %dma_start3A_247 = arith.constant 0 : i32
        %dma_start3A_248 = tpu.memref_slice %arg3[%add3A, %dma_start3A_246, %dma_start3A_247] : memref<32x79x128xi32, #tpu.memory_space<hbm>> -> memref<1x79x128xi32, #tpu.memory_space<hbm>>
        %dma_start3A_249 = tpu.memref_squeeze %dma_start3A_248 : memref<1x79x128xi32, #tpu.memory_space<hbm>> -> memref<79x128xi32, #tpu.memory_space<hbm>>
        %dma_start3A_250 = arith.constant 0 : i32
        %dma_start3A_251 = tpu.memref_slice %dma_start3A_249[%add3A_245, %dma_start3A_250] : memref<79x128xi32, #tpu.memory_space<hbm>> -> memref<1x128xi32, #tpu.memory_space<hbm>>
        %dma_start3A_252 = arith.constant 0 : i32
        %dma_start3A_253 = arith.constant 0 : i32
        %dma_start3A_254 = tpu.memref_slice %arg3[%add3A, %dma_start3A_252, %dma_start3A_253] : memref<32x79x128xi32, #tpu.memory_space<hbm>> -> memref<1x79x128xi32, #tpu.memory_space<hbm>>
        %dma_start3A_255 = tpu.memref_squeeze %dma_start3A_254 : memref<1x79x128xi32, #tpu.memory_space<hbm>> -> memref<79x128xi32, #tpu.memory_space<hbm>>
        %dma_start3A_256 = arith.constant 0 : i32
        %dma_start3A_257 = tpu.memref_slice %dma_start3A_255[%add3A_245, %dma_start3A_256] : memref<79x128xi32, #tpu.memory_space<hbm>> -> memref<1x128xi32, #tpu.memory_space<hbm>>
        tpu.enqueue_dma source(%dma_start3A_257 : memref<1x128xi32, #tpu.memory_space<hbm>>) target(%arg11 : memref<1x128xi32, #tpu.memory_space<vmem>>) target_semaphore(%arg16 : memref<!tpu.dma_semaphore, #tpu.memory_space<semaphore_mem>>)
        %dma_start3A_258 = arith.constant 0 : i32
        %dma_start3A_259 = arith.constant 0 : i32
        %dma_start3A_260 = tpu.memref_slice %arg5[%add3A, %dma_start3A_258, %dma_start3A_259] : memref<32x79x128xi32, #tpu.memory_space<hbm>> -> memref<1x79x128xi32, #tpu.memory_space<hbm>>
        %dma_start3A_261 = tpu.memref_squeeze %dma_start3A_260 : memref<1x79x128xi32, #tpu.memory_space<hbm>> -> memref<79x128xi32, #tpu.memory_space<hbm>>
        %dma_start3A_262 = arith.constant 0 : i32
        %dma_start3A_263 = tpu.memref_slice %dma_start3A_261[%add3A_245, %dma_start3A_262] : memref<79x128xi32, #tpu.memory_space<hbm>> -> memref<1x128xi32, #tpu.memory_space<hbm>>
        %dma_start3A_264 = arith.constant 0 : i32
        %dma_start3A_265 = arith.constant 0 : i32
        %dma_start3A_266 = tpu.memref_slice %arg5[%add3A, %dma_start3A_264, %dma_start3A_265] : memref<32x79x128xi32, #tpu.memory_space<hbm>> -> memref<1x79x128xi32, #tpu.memory_space<hbm>>
        %dma_start3A_267 = tpu.memref_squeeze %dma_start3A_266 : memref<1x79x128xi32, #tpu.memory_space<hbm>> -> memref<79x128xi32, #tpu.memory_space<hbm>>
        %dma_start3A_268 = arith.constant 0 : i32
        %dma_start3A_269 = tpu.memref_slice %dma_start3A_267[%add3A_245, %dma_start3A_268] : memref<79x128xi32, #tpu.memory_space<hbm>> -> memref<1x128xi32, #tpu.memory_space<hbm>>
        tpu.enqueue_dma source(%dma_start3A_269 : memref<1x128xi32, #tpu.memory_space<hbm>>) target(%arg12 : memref<1x128xi32, #tpu.memory_space<vmem>>) target_semaphore(%arg16 : memref<!tpu.dma_semaphore, #tpu.memory_space<semaphore_mem>>)
      } else {
      }
    }
    %scan3A_60 = arith.constant 39 : i32
    %dma_wait3A = arith.constant 77 : i32
    %dma_wait3A_61 = arith.constant 0 : i32
    %dma_wait3A_62 = tpu.memref_slice %arg8[%dma_wait3A, %dma_wait3A_61] : memref<79x128xi32, #tpu.memory_space<vmem>> -> memref<1x128xi32, #tpu.memory_space<vmem>>
    %dma_wait3A_63 = tpu.memref_squeeze %dma_wait3A_62 : memref<1x128xi32, #tpu.memory_space<vmem>> -> memref<128xi32, #tpu.memory_space<vmem>>
    %dma_wait3A_64 = arith.constant 0 : i32
    %dma_wait3A_65 = arith.constant 0 : i32
    %dma_wait3A_66 = tpu.memref_slice %arg7[%dma_wait3A_64, %dma_wait3A_65] : memref<10240x128xf32, #tpu.memory_space<vmem_shared>> -> memref<10240x128xf32, #tpu.memory_space<vmem_shared>>
    tpu.wait_indirect_dma semaphore(%arg20 : memref<!tpu.dma_semaphore, #tpu.memory_space<semaphore_mem>>) src(%arg14 : memref<128x128xf32, #tpu.memory_space<vmem>>) dst(%dma_wait3A_66 : memref<10240x128xf32, #tpu.memory_space<vmem_shared>>)
    %dma_wait3A_67 = arith.constant 0 : i32
    %dma_wait3A_68 = arith.constant 0 : i32
    %dma_wait3A_69 = tpu.memref_slice %arg9[%dma_wait3A_67, %dma_wait3A_68] : memref<1x128xi32, #tpu.memory_space<vmem>> -> memref<1x128xi32, #tpu.memory_space<vmem>>
    %dma_wait3A_70 = tpu.memref_squeeze %dma_wait3A_69 : memref<1x128xi32, #tpu.memory_space<vmem>> -> memref<128xi32, #tpu.memory_space<vmem>>
    %dma_wait3A_71 = arith.constant 0 : i32
    %dma_wait3A_72 = arith.constant 0 : i32
    %dma_wait3A_73 = tpu.memref_slice %arg2[%arg0, %dma_wait3A_71, %dma_wait3A_72] : memref<2x10000x128xf32, #tpu.memory_space<hbm>> -> memref<1x10000x128xf32, #tpu.memory_space<hbm>>
    %dma_wait3A_74 = tpu.memref_squeeze %dma_wait3A_73 : memref<1x10000x128xf32, #tpu.memory_space<hbm>> -> memref<10000x128xf32, #tpu.memory_space<hbm>>
    %dma_wait3A_75 = arith.constant 0 : i32
    %dma_wait3A_76 = arith.constant 0 : i32
    %dma_wait3A_77 = tpu.memref_slice %dma_wait3A_74[%dma_wait3A_75, %dma_wait3A_76] : memref<10000x128xf32, #tpu.memory_space<hbm>> -> memref<10000x128xf32, #tpu.memory_space<hbm>>
    tpu.wait_indirect_dma semaphore(%arg17 : memref<!tpu.dma_semaphore, #tpu.memory_space<semaphore_mem>>) src(%dma_wait3A_77 : memref<10000x128xf32, #tpu.memory_space<hbm>>) dst(%arg13 : memref<128x128xf32, #tpu.memory_space<vmem>>)
    %parallel_loop3A = arith.constant 0 : i32
    %parallel_loop3A_78 = arith.constant 128 : i32
    %parallel_loop3A_79 = arith.constant 1 : i32
    scf.for %parallel_loop3A_81 = %parallel_loop3A to %parallel_loop3A_78 step %parallel_loop3A_79  : i32 {
      %parallel_loop3A_82 = arith.constant 0 : i32
      %parallel_loop3A_83 = vector.broadcast %parallel_loop3A_82 : i32 to vector<16xi32>
      %parallel_loop3A_84 = vector.broadcast %parallel_loop3A_81 : i32 to vector<16xi32>
      %parallel_loop3A_85 = tpu.vector_load_idx %arg10[%parallel_loop3A_83, %parallel_loop3A_84] : memref<1x128xi32, #tpu.memory_space<vmem>>[vector<16xi32>, vector<16xi32>], vector<16xi32>,
      %parallel_loop3A_86 = vector.bitcast %parallel_loop3A_85 : vector<16xi32> to vector<16xf32>
      %parallel_loop3A_87 = arith.index_cast %parallel_loop3A_81 : i32 to index
      %parallel_loop3A_88 = arith.constant 0 : index
      %parallel_loop3A_89 = tpu.vector_load %arg13[%parallel_loop3A_87, %parallel_loop3A_88] {strides = array<i32>} : memref<128x128xf32, #tpu.memory_space<vmem>>, vector<16xf32>,
      %parallel_loop3A_90 = arith.mulf %parallel_loop3A_89, %parallel_loop3A_86 : vector<16xf32>
      %parallel_loop3A_91 = arith.index_cast %parallel_loop3A_81 : i32 to index
      %parallel_loop3A_92 = arith.constant 0 : index
      %parallel_loop3A_93 = tpu.vector_load %arg13[%parallel_loop3A_91, %parallel_loop3A_92] {strides = array<i32>} : memref<128x128xf32, #tpu.memory_space<vmem>>, vector<16xf32>,
      tpu.vector_store %arg13[%parallel_loop3A_91, %parallel_loop3A_92], %parallel_loop3A_90 {strides = array<i32>} : memref<128x128xf32, #tpu.memory_space<vmem>>, vector<16xf32>,
      %parallel_loop3A_94 = arith.index_cast %parallel_loop3A_81 : i32 to index
      %parallel_loop3A_95 = arith.constant 16 : index
      %parallel_loop3A_96 = tpu.vector_load %arg13[%parallel_loop3A_94, %parallel_loop3A_95] {strides = array<i32>} : memref<128x128xf32, #tpu.memory_space<vmem>>, vector<16xf32>,
      %parallel_loop3A_97 = arith.mulf %parallel_loop3A_96, %parallel_loop3A_86 : vector<16xf32>
      %parallel_loop3A_98 = arith.index_cast %parallel_loop3A_81 : i32 to index
      %parallel_loop3A_99 = arith.constant 16 : index
      %parallel_loop3A_100 = tpu.vector_load %arg13[%parallel_loop3A_98, %parallel_loop3A_99] {strides = array<i32>} : memref<128x128xf32, #tpu.memory_space<vmem>>, vector<16xf32>,
      tpu.vector_store %arg13[%parallel_loop3A_98, %parallel_loop3A_99], %parallel_loop3A_97 {strides = array<i32>} : memref<128x128xf32, #tpu.memory_space<vmem>>, vector<16xf32>,
      %parallel_loop3A_101 = arith.index_cast %parallel_loop3A_81 : i32 to index
      %parallel_loop3A_102 = arith.constant 32 : index
      %parallel_loop3A_103 = tpu.vector_load %arg13[%parallel_loop3A_101, %parallel_loop3A_102] {strides = array<i32>} : memref<128x128xf32, #tpu.memory_space<vmem>>, vector<16xf32>,
      %parallel_loop3A_104 = arith.mulf %parallel_loop3A_103, %parallel_loop3A_86 : vector<16xf32>
      %parallel_loop3A_105 = arith.index_cast %parallel_loop3A_81 : i32 to index
      %parallel_loop3A_106 = arith.constant 32 : index
      %parallel_loop3A_107 = tpu.vector_load %arg13[%parallel_loop3A_105, %parallel_loop3A_106] {strides = array<i32>} : memref<128x128xf32, #tpu.memory_space<vmem>>, vector<16xf32>,
      tpu.vector_store %arg13[%parallel_loop3A_105, %parallel_loop3A_106], %parallel_loop3A_104 {strides = array<i32>} : memref<128x128xf32, #tpu.memory_space<vmem>>, vector<16xf32>,
      %parallel_loop3A_108 = arith.index_cast %parallel_loop3A_81 : i32 to index
      %parallel_loop3A_109 = arith.constant 48 : index
      %parallel_loop3A_110 = tpu.vector_load %arg13[%parallel_loop3A_108, %parallel_loop3A_109] {strides = array<i32>} : memref<128x128xf32, #tpu.memory_space<vmem>>, vector<16xf32>,
      %parallel_loop3A_111 = arith.mulf %parallel_loop3A_110, %parallel_loop3A_86 : vector<16xf32>
      %parallel_loop3A_112 = arith.index_cast %parallel_loop3A_81 : i32 to index
      %parallel_loop3A_113 = arith.constant 48 : index
      %parallel_loop3A_114 = tpu.vector_load %arg13[%parallel_loop3A_112, %parallel_loop3A_113] {strides = array<i32>} : memref<128x128xf32, #tpu.memory_space<vmem>>, vector<16xf32>,
      tpu.vector_store %arg13[%parallel_loop3A_112, %parallel_loop3A_113], %parallel_loop3A_111 {strides = array<i32>} : memref<128x128xf32, #tpu.memory_space<vmem>>, vector<16xf32>,
      %parallel_loop3A_115 = arith.index_cast %parallel_loop3A_81 : i32 to index
      %parallel_loop3A_116 = arith.constant 64 : index
      %parallel_loop3A_117 = tpu.vector_load %arg13[%parallel_loop3A_115, %parallel_loop3A_116] {strides = array<i32>} : memref<128x128xf32, #tpu.memory_space<vmem>>, vector<16xf32>,
      %parallel_loop3A_118 = arith.mulf %parallel_loop3A_117, %parallel_loop3A_86 : vector<16xf32>
      %parallel_loop3A_119 = arith.index_cast %parallel_loop3A_81 : i32 to index
      %parallel_loop3A_120 = arith.constant 64 : index
      %parallel_loop3A_121 = tpu.vector_load %arg13[%parallel_loop3A_119, %parallel_loop3A_120] {strides = array<i32>} : memref<128x128xf32, #tpu.memory_space<vmem>>, vector<16xf32>,
      tpu.vector_store %arg13[%parallel_loop3A_119, %parallel_loop3A_120], %parallel_loop3A_118 {strides = array<i32>} : memref<128x128xf32, #tpu.memory_space<vmem>>, vector<16xf32>,
      %parallel_loop3A_122 = arith.index_cast %parallel_loop3A_81 : i32 to index
      %parallel_loop3A_123 = arith.constant 80 : index
      %parallel_loop3A_124 = tpu.vector_load %arg13[%parallel_loop3A_122, %parallel_loop3A_123] {strides = array<i32>} : memref<128x128xf32, #tpu.memory_space<vmem>>, vector<16xf32>,
      %parallel_loop3A_125 = arith.mulf %parallel_loop3A_124, %parallel_loop3A_86 : vector<16xf32>
      %parallel_loop3A_126 = arith.index_cast %parallel_loop3A_81 : i32 to index
      %parallel_loop3A_127 = arith.constant 80 : index
      %parallel_loop3A_128 = tpu.vector_load %arg13[%parallel_loop3A_126, %parallel_loop3A_127] {strides = array<i32>} : memref<128x128xf32, #tpu.memory_space<vmem>>, vector<16xf32>,
      tpu.vector_store %arg13[%parallel_loop3A_126, %parallel_loop3A_127], %parallel_loop3A_125 {strides = array<i32>} : memref<128x128xf32, #tpu.memory_space<vmem>>, vector<16xf32>,
      %parallel_loop3A_129 = arith.index_cast %parallel_loop3A_81 : i32 to index
      %parallel_loop3A_130 = arith.constant 96 : index
      %parallel_loop3A_131 = tpu.vector_load %arg13[%parallel_loop3A_129, %parallel_loop3A_130] {strides = array<i32>} : memref<128x128xf32, #tpu.memory_space<vmem>>, vector<16xf32>,
      %parallel_loop3A_132 = arith.mulf %parallel_loop3A_131, %parallel_loop3A_86 : vector<16xf32>
      %parallel_loop3A_133 = arith.index_cast %parallel_loop3A_81 : i32 to index
      %parallel_loop3A_134 = arith.constant 96 : index
      %parallel_loop3A_135 = tpu.vector_load %arg13[%parallel_loop3A_133, %parallel_loop3A_134] {strides = array<i32>} : memref<128x128xf32, #tpu.memory_space<vmem>>, vector<16xf32>,
      tpu.vector_store %arg13[%parallel_loop3A_133, %parallel_loop3A_134], %parallel_loop3A_132 {strides = array<i32>} : memref<128x128xf32, #tpu.memory_space<vmem>>, vector<16xf32>,
      %parallel_loop3A_136 = arith.index_cast %parallel_loop3A_81 : i32 to index
      %parallel_loop3A_137 = arith.constant 112 : index
      %parallel_loop3A_138 = tpu.vector_load %arg13[%parallel_loop3A_136, %parallel_loop3A_137] {strides = array<i32>} : memref<128x128xf32, #tpu.memory_space<vmem>>, vector<16xf32>,
      %parallel_loop3A_139 = arith.mulf %parallel_loop3A_138, %parallel_loop3A_86 : vector<16xf32>
      %parallel_loop3A_140 = arith.index_cast %parallel_loop3A_81 : i32 to index
      %parallel_loop3A_141 = arith.constant 112 : index
      %parallel_loop3A_142 = tpu.vector_load %arg13[%parallel_loop3A_140, %parallel_loop3A_141] {strides = array<i32>} : memref<128x128xf32, #tpu.memory_space<vmem>>, vector<16xf32>,
      tpu.vector_store %arg13[%parallel_loop3A_140, %parallel_loop3A_141], %parallel_loop3A_139 {strides = array<i32>} : memref<128x128xf32, #tpu.memory_space<vmem>>, vector<16xf32>,
    } {sc.loop_unroll_factor = 4 : i64, sc.parallel_access}
    %run_scoped3A = arith.constant 78 : i32
    "tpu.region"() ({
      %run_scoped3A_81 = tpu.sem_alloc : memref<!tpu.dma_semaphore, #tpu.memory_space<semaphore_mem>>
      %dma_start3A_82 = arith.constant 0 : i32
      %dma_start3A_83 = tpu.memref_slice %arg8[%run_scoped3A, %dma_start3A_82] : memref<79x128xi32, #tpu.memory_space<vmem>> -> memref<1x128xi32, #tpu.memory_space<vmem>>
      %dma_start3A_84 = tpu.memref_squeeze %dma_start3A_83 : memref<1x128xi32, #tpu.memory_space<vmem>> -> memref<128xi32, #tpu.memory_space<vmem>>
      %dma_start3A_85 = arith.constant 0 : i32
      %dma_start3A_86 = arith.constant 0 : i32
      %dma_start3A_87 = tpu.memref_slice %arg7[%dma_start3A_85, %dma_start3A_86] : memref<10240x128xf32, #tpu.memory_space<vmem_shared>> -> memref<10240x128xf32, #tpu.memory_space<vmem_shared>>
      tpu.enqueue_indirect_dma source(%arg13 : memref<128x128xf32, #tpu.memory_space<vmem>>) target(%dma_start3A_87 : memref<10240x128xf32, #tpu.memory_space<vmem_shared>>) offsets(%dma_start3A_84 : memref<128xi32, #tpu.memory_space<vmem>>) semaphore(%run_scoped3A_81 : memref<!tpu.dma_semaphore, #tpu.memory_space<semaphore_mem>>) {add = true}
      %dma_wait3A_88 = arith.constant 0 : i32
      %dma_wait3A_89 = tpu.memref_slice %arg8[%run_scoped3A, %dma_wait3A_88] : memref<79x128xi32, #tpu.memory_space<vmem>> -> memref<1x128xi32, #tpu.memory_space<vmem>>
      %dma_wait3A_90 = tpu.memref_squeeze %dma_wait3A_89 : memref<1x128xi32, #tpu.memory_space<vmem>> -> memref<128xi32, #tpu.memory_space<vmem>>
      %dma_wait3A_91 = arith.constant 0 : i32
      %dma_wait3A_92 = arith.constant 0 : i32
      %dma_wait3A_93 = tpu.memref_slice %arg7[%dma_wait3A_91, %dma_wait3A_92] : memref<10240x128xf32, #tpu.memory_space<vmem_shared>> -> memref<10240x128xf32, #tpu.memory_space<vmem_shared>>
      tpu.wait_indirect_dma semaphore(%run_scoped3A_81 : memref<!tpu.dma_semaphore, #tpu.memory_space<semaphore_mem>>) src(%arg13 : memref<128x128xf32, #tpu.memory_space<vmem>>) dst(%dma_wait3A_93 : memref<10240x128xf32, #tpu.memory_space<vmem_shared>>)
      tpu.yield
    }) : () -> ()
    %barrier3A_80 = arith.constant 0 : index
    tpu.barrier barrier_id(%barrier3A_80)
    "tpu.region"() ({
      %run_scoped3A_81 = tpu.sem_alloc : memref<!tpu.dma_semaphore, #tpu.memory_space<semaphore_mem>>
      %dma_start3A_82 = arith.constant 0 : i32
      %dma_start3A_83 = arith.constant 0 : i32
      %dma_start3A_84 = tpu.memref_slice %arg6[%arg0, %dma_start3A_82, %dma_start3A_83] : memref<2x10240x128xf32, #tpu.memory_space<hbm>> -> memref<1x10240x128xf32, #tpu.memory_space<hbm>>
      %dma_start3A_85 = tpu.memref_squeeze %dma_start3A_84 : memref<1x10240x128xf32, #tpu.memory_space<hbm>> -> memref<10240x128xf32, #tpu.memory_space<hbm>>
      %dma_start3A_86 = arith.constant 0 : i32
      %dma_start3A_87 = tpu.memref_slice %dma_start3A_85[%mul3A_7, %dma_start3A_86] : memref<10240x128xf32, #tpu.memory_space<hbm>> -> memref<640x128xf32, #tpu.memory_space<hbm>>
      %dma_start3A_88 = arith.constant 0 : i32
      %dma_start3A_89 = tpu.memref_slice %arg7[%mul3A_7, %dma_start3A_88] : memref<10240x128xf32, #tpu.memory_space<vmem_shared>> -> memref<640x128xf32, #tpu.memory_space<vmem_shared>>
      tpu.enqueue_dma source(%dma_start3A_89 : memref<640x128xf32, #tpu.memory_space<vmem_shared>>) target(%dma_start3A_87 : memref<640x128xf32, #tpu.memory_space<hbm>>) target_semaphore(%run_scoped3A_81 : memref<!tpu.dma_semaphore, #tpu.memory_space<semaphore_mem>>)
      %dma_wait3A_90 = arith.constant 0 : i32
      %dma_wait3A_91 = arith.constant 0 : i32
      %dma_wait3A_92 = tpu.memref_slice %arg6[%arg0, %dma_wait3A_90, %dma_wait3A_91] : memref<2x10240x128xf32, #tpu.memory_space<hbm>> -> memref<1x10240x128xf32, #tpu.memory_space<hbm>>
      %dma_wait3A_93 = tpu.memref_squeeze %dma_wait3A_92 : memref<1x10240x128xf32, #tpu.memory_space<hbm>> -> memref<10240x128xf32, #tpu.memory_space<hbm>>
      %dma_wait3A_94 = arith.constant 0 : i32
      %dma_wait3A_95 = tpu.memref_slice %dma_wait3A_93[%mul3A_7, %dma_wait3A_94] : memref<10240x128xf32, #tpu.memory_space<hbm>> -> memref<640x128xf32, #tpu.memory_space<hbm>>
      %dma_wait3A_96 = arith.constant 0 : i32
      %dma_wait3A_97 = tpu.memref_slice %arg7[%mul3A_7, %dma_wait3A_96] : memref<10240x128xf32, #tpu.memory_space<vmem_shared>> -> memref<640x128xf32, #tpu.memory_space<vmem_shared>>
      tpu.wait_dma2 semaphore(%run_scoped3A_81 : memref<!tpu.dma_semaphore, #tpu.memory_space<semaphore_mem>>) src(%dma_wait3A_97 : memref<640x128xf32, #tpu.memory_space<vmem_shared>>) dst(%dma_wait3A_95 : memref<640x128xf32, #tpu.memory_space<hbm>>)
      tpu.yield
    }) : () -> ()
    return
  }
}

#map = affine_map<(d0, d1) -> (0, 0, 0)>
module attributes {stable_mosaic.version = 14 : i64} {
  func.func @k(%arg0: i32, %arg1: i32, %arg2: memref<32x79x128xi32, #tpu.memory_space<hbm>>, %arg3: memref<32x79x128xf32, #tpu.memory_space<hbm>>, %arg4: memref<32x640x16xf32, #tpu.memory_space<hbm>>, %arg5: memref<640x16xf32, #tpu.memory_space<vmem>>, %arg6: memref<79x128xi32, #tpu.memory_space<vmem>>, %arg7: memref<79x128xf32, #tpu.memory_space<vmem>>) attributes {dimension_semantics = [#tpu.dimension_semantics<core_parallel>, #tpu.dimension_semantics<subcore_parallel>], iteration_bounds = array<i64: 2, 16>, scalar_prefetch = 0 : i64, scratch_operands = 3 : i64, tpu.core_type = #tpu.core_type<sc_vector_subcore>, window_params = [{transform_indices = #map}, {transform_indices = #map}, {transform_indices = #map}]} {
    %mul3A = arith.constant 2 : i32
    %mul3A_0 = arith.muli %arg1, %mul3A : i32
    %add3A = arith.addi %mul3A_0, %arg0 : i32
    "tpu.region"() ({
      %run_scoped3A = tpu.sem_alloc : memref<!tpu.dma_semaphore, #tpu.memory_space<semaphore_mem>>
      %dma_start3A = arith.constant 0 : i32
      %dma_start3A_11 = arith.constant 0 : i32
      %dma_start3A_12 = tpu.memref_slice %arg2[%add3A, %dma_start3A, %dma_start3A_11] : memref<32x79x128xi32, #tpu.memory_space<hbm>> -> memref<1x79x128xi32, #tpu.memory_space<hbm>>
      %dma_start3A_13 = tpu.memref_squeeze %dma_start3A_12 : memref<1x79x128xi32, #tpu.memory_space<hbm>> -> memref<79x128xi32, #tpu.memory_space<hbm>>
      %dma_start3A_14 = arith.constant 0 : i32
      %dma_start3A_15 = arith.constant 0 : i32
      %dma_start3A_16 = tpu.memref_slice %arg2[%add3A, %dma_start3A_14, %dma_start3A_15] : memref<32x79x128xi32, #tpu.memory_space<hbm>> -> memref<1x79x128xi32, #tpu.memory_space<hbm>>
      %dma_start3A_17 = tpu.memref_squeeze %dma_start3A_16 : memref<1x79x128xi32, #tpu.memory_space<hbm>> -> memref<79x128xi32, #tpu.memory_space<hbm>>
      tpu.enqueue_dma source(%dma_start3A_17 : memref<79x128xi32, #tpu.memory_space<hbm>>) target(%arg6 : memref<79x128xi32, #tpu.memory_space<vmem>>) target_semaphore(%run_scoped3A : memref<!tpu.dma_semaphore, #tpu.memory_space<semaphore_mem>>)
      %dma_wait3A = arith.constant 0 : i32
      %dma_wait3A_18 = arith.constant 0 : i32
      %dma_wait3A_19 = tpu.memref_slice %arg2[%add3A, %dma_wait3A, %dma_wait3A_18] : memref<32x79x128xi32, #tpu.memory_space<hbm>> -> memref<1x79x128xi32, #tpu.memory_space<hbm>>
      %dma_wait3A_20 = tpu.memref_squeeze %dma_wait3A_19 : memref<1x79x128xi32, #tpu.memory_space<hbm>> -> memref<79x128xi32, #tpu.memory_space<hbm>>
      %dma_wait3A_21 = arith.constant 0 : i32
      %dma_wait3A_22 = arith.constant 0 : i32
      %dma_wait3A_23 = tpu.memref_slice %arg2[%add3A, %dma_wait3A_21, %dma_wait3A_22] : memref<32x79x128xi32, #tpu.memory_space<hbm>> -> memref<1x79x128xi32, #tpu.memory_space<hbm>>
      %dma_wait3A_24 = tpu.memref_squeeze %dma_wait3A_23 : memref<1x79x128xi32, #tpu.memory_space<hbm>> -> memref<79x128xi32, #tpu.memory_space<hbm>>
      tpu.wait_dma2 semaphore(%run_scoped3A : memref<!tpu.dma_semaphore, #tpu.memory_space<semaphore_mem>>) src(%dma_wait3A_24 : memref<79x128xi32, #tpu.memory_space<hbm>>) dst(%arg6 : memref<79x128xi32, #tpu.memory_space<vmem>>)
      tpu.yield
    }) : () -> ()
    "tpu.region"() ({
      %run_scoped3A = tpu.sem_alloc : memref<!tpu.dma_semaphore, #tpu.memory_space<semaphore_mem>>
      %dma_start3A = arith.constant 0 : i32
      %dma_start3A_11 = arith.constant 0 : i32
      %dma_start3A_12 = tpu.memref_slice %arg3[%add3A, %dma_start3A, %dma_start3A_11] : memref<32x79x128xf32, #tpu.memory_space<hbm>> -> memref<1x79x128xf32, #tpu.memory_space<hbm>>
      %dma_start3A_13 = tpu.memref_squeeze %dma_start3A_12 : memref<1x79x128xf32, #tpu.memory_space<hbm>> -> memref<79x128xf32, #tpu.memory_space<hbm>>
      %dma_start3A_14 = arith.constant 0 : i32
      %dma_start3A_15 = arith.constant 0 : i32
      %dma_start3A_16 = tpu.memref_slice %arg3[%add3A, %dma_start3A_14, %dma_start3A_15] : memref<32x79x128xf32, #tpu.memory_space<hbm>> -> memref<1x79x128xf32, #tpu.memory_space<hbm>>
      %dma_start3A_17 = tpu.memref_squeeze %dma_start3A_16 : memref<1x79x128xf32, #tpu.memory_space<hbm>> -> memref<79x128xf32, #tpu.memory_space<hbm>>
      tpu.enqueue_dma source(%dma_start3A_17 : memref<79x128xf32, #tpu.memory_space<hbm>>) target(%arg7 : memref<79x128xf32, #tpu.memory_space<vmem>>) target_semaphore(%run_scoped3A : memref<!tpu.dma_semaphore, #tpu.memory_space<semaphore_mem>>)
      %dma_wait3A = arith.constant 0 : i32
      %dma_wait3A_18 = arith.constant 0 : i32
      %dma_wait3A_19 = tpu.memref_slice %arg3[%add3A, %dma_wait3A, %dma_wait3A_18] : memref<32x79x128xf32, #tpu.memory_space<hbm>> -> memref<1x79x128xf32, #tpu.memory_space<hbm>>
      %dma_wait3A_20 = tpu.memref_squeeze %dma_wait3A_19 : memref<1x79x128xf32, #tpu.memory_space<hbm>> -> memref<79x128xf32, #tpu.memory_space<hbm>>
      %dma_wait3A_21 = arith.constant 0 : i32
      %dma_wait3A_22 = arith.constant 0 : i32
      %dma_wait3A_23 = tpu.memref_slice %arg3[%add3A, %dma_wait3A_21, %dma_wait3A_22] : memref<32x79x128xf32, #tpu.memory_space<hbm>> -> memref<1x79x128xf32, #tpu.memory_space<hbm>>
      %dma_wait3A_24 = tpu.memref_squeeze %dma_wait3A_23 : memref<1x79x128xf32, #tpu.memory_space<hbm>> -> memref<79x128xf32, #tpu.memory_space<hbm>>
      tpu.wait_dma2 semaphore(%run_scoped3A : memref<!tpu.dma_semaphore, #tpu.memory_space<semaphore_mem>>) src(%dma_wait3A_24 : memref<79x128xf32, #tpu.memory_space<hbm>>) dst(%arg7 : memref<79x128xf32, #tpu.memory_space<vmem>>)
      tpu.yield
    }) : () -> ()
    %broadcast_in_dim3A = arith.constant 0.000000e+00 : f32
    %broadcast_in_dim3A_1 = vector.broadcast %broadcast_in_dim3A : f32 to vector<16xf32>
    %scan3A = arith.constant 0 : i32
    %scan3A_2 = arith.constant 640 : i32
    %scan3A_3 = arith.addi %scan3A, %scan3A_2 : i32
    %scan3A_4 = arith.constant 1 : i32
    scf.for %scan3A_11 = %scan3A to %scan3A_3 step %scan3A_4  : i32 {
      %mul3A_12 = arith.constant 1 : i32
      %mul3A_13 = arith.muli %scan3A_11, %mul3A_12 : i32
      %add3A_14 = arith.constant 0 : i32
      %add3A_15 = arith.addi %add3A_14, %mul3A_13 : i32
      %swap3A = arith.index_cast %add3A_15 : i32 to index
      %swap3A_16 = arith.constant 0 : index
      %swap3A_17 = tpu.vector_load %arg5[%swap3A, %swap3A_16] {strides = array<i32>} : memref<640x16xf32, #tpu.memory_space<vmem>>, vector<16xf32>,
      tpu.vector_store %arg5[%swap3A, %swap3A_16], %broadcast_in_dim3A_1 {strides = array<i32>} : memref<640x16xf32, #tpu.memory_space<vmem>>, vector<16xf32>,
    }
    %scan3A_5 = arith.constant 640 : i32
    %scan3A_6 = arith.constant 0 : i32
    %scan3A_7 = arith.constant 79 : i32
    %scan3A_8 = arith.addi %scan3A_6, %scan3A_7 : i32
    %scan3A_9 = arith.constant 1 : i32
    scf.for %scan3A_11 = %scan3A_6 to %scan3A_8 step %scan3A_9  : i32 {
      %mul3A_12 = arith.constant 1 : i32
      %mul3A_13 = arith.muli %scan3A_11, %mul3A_12 : i32
      %add3A_14 = arith.constant 0 : i32
      %add3A_15 = arith.addi %add3A_14, %mul3A_13 : i32
      %scan3A_16 = arith.constant 0 : i32
      %scan3A_17 = arith.constant 8 : i32
      %scan3A_18 = arith.addi %scan3A_16, %scan3A_17 : i32
      %scan3A_19 = arith.constant 1 : i32
      scf.for %scan3A_21 = %scan3A_16 to %scan3A_18 step %scan3A_19  : i32 {
        %mul3A_22 = arith.constant 1 : i32
        %mul3A_23 = arith.muli %scan3A_21, %mul3A_22 : i32
        %add3A_24 = arith.constant 0 : i32
        %add3A_25 = arith.addi %add3A_24, %mul3A_23 : i32
        %mul3A_26 = arith.constant 16 : i32
        %mul3A_27 = arith.muli %add3A_25, %mul3A_26 : i32
        %get3A = arith.index_cast %add3A_15 : i32 to index
        %get3A_28 = arith.index_cast %mul3A_27 : i32 to index
        %get3A_29 = tpu.vector_load %arg6[%get3A, %get3A_28] {strides = array<i32>} : memref<79x128xi32, #tpu.memory_space<vmem>>, vector<16xi32>,
        %get3A_30 = arith.index_cast %add3A_15 : i32 to index
        %get3A_31 = arith.index_cast %mul3A_27 : i32 to index
        %get3A_32 = tpu.vector_load %arg7[%get3A_30, %get3A_31] {strides = array<i32>} : memref<79x128xf32, #tpu.memory_space<vmem>>, vector<16xf32>,
        %shift_right_logical3A = arith.constant 4 : i32
        %shift_right_logical3A_33 = vector.broadcast %shift_right_logical3A : i32 to vector<16xi32>
        %shift_right_logical3A_34 = arith.shrui %get3A_29, %shift_right_logical3A_33 : vector<16xi32>
        %and3A = arith.constant 15 : i32
        %and3A_35 = vector.broadcast %and3A : i32 to vector<16xi32>
        %and3A_36 = arith.andi %get3A_29, %and3A_35 : vector<16xi32>
        tpu.vector_store_idx %arg5[%shift_right_logical3A_34, %and3A_36], %get3A_32 {add = true} : memref<640x16xf32, #tpu.memory_space<vmem>>[vector<16xi32>, vector<16xi32>], vector<16xf32>,
      }
      %scan3A_20 = arith.constant 8 : i32
    }
    %scan3A_10 = arith.constant 79 : i32
    "tpu.region"() ({
      %run_scoped3A = tpu.sem_alloc : memref<!tpu.dma_semaphore, #tpu.memory_space<semaphore_mem>>
      %dma_start3A = arith.constant 0 : i32
      %dma_start3A_11 = arith.constant 0 : i32
      %dma_start3A_12 = tpu.memref_slice %arg4[%add3A, %dma_start3A, %dma_start3A_11] : memref<32x640x16xf32, #tpu.memory_space<hbm>> -> memref<1x640x16xf32, #tpu.memory_space<hbm>>
      %dma_start3A_13 = tpu.memref_squeeze %dma_start3A_12 : memref<1x640x16xf32, #tpu.memory_space<hbm>> -> memref<640x16xf32, #tpu.memory_space<hbm>>
      %dma_start3A_14 = arith.constant 0 : i32
      %dma_start3A_15 = arith.constant 0 : i32
      %dma_start3A_16 = tpu.memref_slice %arg4[%add3A, %dma_start3A_14, %dma_start3A_15] : memref<32x640x16xf32, #tpu.memory_space<hbm>> -> memref<1x640x16xf32, #tpu.memory_space<hbm>>
      %dma_start3A_17 = tpu.memref_squeeze %dma_start3A_16 : memref<1x640x16xf32, #tpu.memory_space<hbm>> -> memref<640x16xf32, #tpu.memory_space<hbm>>
      tpu.enqueue_dma source(%arg5 : memref<640x16xf32, #tpu.memory_space<vmem>>) target(%dma_start3A_17 : memref<640x16xf32, #tpu.memory_space<hbm>>) target_semaphore(%run_scoped3A : memref<!tpu.dma_semaphore, #tpu.memory_space<semaphore_mem>>)
      %dma_wait3A = arith.constant 0 : i32
      %dma_wait3A_18 = arith.constant 0 : i32
      %dma_wait3A_19 = tpu.memref_slice %arg4[%add3A, %dma_wait3A, %dma_wait3A_18] : memref<32x640x16xf32, #tpu.memory_space<hbm>> -> memref<1x640x16xf32, #tpu.memory_space<hbm>>
      %dma_wait3A_20 = tpu.memref_squeeze %dma_wait3A_19 : memref<1x640x16xf32, #tpu.memory_space<hbm>> -> memref<640x16xf32, #tpu.memory_space<hbm>>
      %dma_wait3A_21 = arith.constant 0 : i32
      %dma_wait3A_22 = arith.constant 0 : i32
      %dma_wait3A_23 = tpu.memref_slice %arg4[%add3A, %dma_wait3A_21, %dma_wait3A_22] : memref<32x640x16xf32, #tpu.memory_space<hbm>> -> memref<1x640x16xf32, #tpu.memory_space<hbm>>
      %dma_wait3A_24 = tpu.memref_squeeze %dma_wait3A_23 : memref<1x640x16xf32, #tpu.memory_space<hbm>> -> memref<640x16xf32, #tpu.memory_space<hbm>>
      tpu.wait_dma2 semaphore(%run_scoped3A : memref<!tpu.dma_semaphore, #tpu.memory_space<semaphore_mem>>) src(%arg5 : memref<640x16xf32, #tpu.memory_space<vmem>>) dst(%dma_wait3A_24 : memref<640x16xf32, #tpu.memory_space<hbm>>)
      tpu.yield
    }) : () -> ()
    return
  }
}

#map = affine_map<(d0, d1) -> (0, 0, 0)>
module attributes {stable_mosaic.version = 14 : i64} {
  func.func @k(%arg0: i32, %arg1: i32, %arg2: memref<2x10000x128xf32, #tpu.memory_space<hbm>>, %arg3: memref<32x79x128xi32, #tpu.memory_space<hbm>>, %arg4: memref<32x79x128xi32, #tpu.memory_space<hbm>>, %arg5: memref<32x79x128xi32, #tpu.memory_space<hbm>>, %arg6: memref<2x10240x128xf32, #tpu.memory_space<hbm>>, %arg7: memref<10240x128xf32, #tpu.memory_space<vmem_shared>>, %arg8: memref<79x128xi32, #tpu.memory_space<vmem>>, %arg9: memref<1x128xi32, #tpu.memory_space<vmem>>, %arg10: memref<1x128xi32, #tpu.memory_space<vmem>>, %arg11: memref<1x128xi32, #tpu.memory_space<vmem>>, %arg12: memref<1x128xi32, #tpu.memory_space<vmem>>, %arg13: memref<128x128xf32, #tpu.memory_space<vmem>>, %arg14: memref<128x128xf32, #tpu.memory_space<vmem>>, %arg15: memref<!tpu.dma_semaphore, #tpu.memory_space<semaphore_mem>>, %arg16: memref<!tpu.dma_semaphore, #tpu.memory_space<semaphore_mem>>, %arg17: memref<!tpu.dma_semaphore, #tpu.memory_space<semaphore_mem>>, %arg18: memref<!tpu.dma_semaphore, #tpu.memory_space<semaphore_mem>>, %arg19: memref<!tpu.dma_semaphore, #tpu.memory_space<semaphore_mem>>, %arg20: memref<!tpu.dma_semaphore, #tpu.memory_space<semaphore_mem>>) attributes {dimension_semantics = [#tpu.dimension_semantics<core_parallel>, #tpu.dimension_semantics<subcore_parallel>], iteration_bounds = array<i64: 2, 16>, scalar_prefetch = 0 : i64, scratch_operands = 14 : i64, tpu.core_type = #tpu.core_type<sc_vector_subcore>, window_params = [{transform_indices = #map}, {transform_indices = #map}, {transform_indices = #map}, {transform_indices = #map}, {transform_indices = #map}]} {
    %mul3A = arith.constant 2 : i32
    %mul3A_0 = arith.muli %arg1, %mul3A : i32
    %add3A = arith.addi %mul3A_0, %arg0 : i32
    "tpu.region"() ({
      %run_scoped3A_81 = tpu.sem_alloc : memref<!tpu.dma_semaphore, #tpu.memory_space<semaphore_mem>>
      %dma_start3A_82 = arith.constant 0 : i32
      %dma_start3A_83 = arith.constant 0 : i32
      %dma_start3A_84 = tpu.memref_slice %arg4[%add3A, %dma_start3A_82, %dma_start3A_83] : memref<32x79x128xi32, #tpu.memory_space<hbm>> -> memref<1x79x128xi32, #tpu.memory_space<hbm>>
      %dma_start3A_85 = tpu.memref_squeeze %dma_start3A_84 : memref<1x79x128xi32, #tpu.memory_space<hbm>> -> memref<79x128xi32, #tpu.memory_space<hbm>>
      %dma_start3A_86 = arith.constant 0 : i32
      %dma_start3A_87 = arith.constant 0 : i32
      %dma_start3A_88 = tpu.memref_slice %arg4[%add3A, %dma_start3A_86, %dma_start3A_87] : memref<32x79x128xi32, #tpu.memory_space<hbm>> -> memref<1x79x128xi32, #tpu.memory_space<hbm>>
      %dma_start3A_89 = tpu.memref_squeeze %dma_start3A_88 : memref<1x79x128xi32, #tpu.memory_space<hbm>> -> memref<79x128xi32, #tpu.memory_space<hbm>>
      tpu.enqueue_dma source(%dma_start3A_89 : memref<79x128xi32, #tpu.memory_space<hbm>>) target(%arg8 : memref<79x128xi32, #tpu.memory_space<vmem>>) target_semaphore(%run_scoped3A_81 : memref<!tpu.dma_semaphore, #tpu.memory_space<semaphore_mem>>)
      %dma_wait3A_90 = arith.constant 0 : i32
      %dma_wait3A_91 = arith.constant 0 : i32
      %dma_wait3A_92 = tpu.memref_slice %arg4[%add3A, %dma_wait3A_90, %dma_wait3A_91] : memref<32x79x128xi32, #tpu.memory_space<hbm>> -> memref<1x79x128xi32, #tpu.memory_space<hbm>>
      %dma_wait3A_93 = tpu.memref_squeeze %dma_wait3A_92 : memref<1x79x128xi32, #tpu.memory_space<hbm>> -> memref<79x128xi32, #tpu.memory_space<hbm>>
      %dma_wait3A_94 = arith.constant 0 : i32
      %dma_wait3A_95 = arith.constant 0 : i32
      %dma_wait3A_96 = tpu.memref_slice %arg4[%add3A, %dma_wait3A_94, %dma_wait3A_95] : memref<32x79x128xi32, #tpu.memory_space<hbm>> -> memref<1x79x128xi32, #tpu.memory_space<hbm>>
      %dma_wait3A_97 = tpu.memref_squeeze %dma_wait3A_96 : memref<1x79x128xi32, #tpu.memory_space<hbm>> -> memref<79x128xi32, #tpu.memory_space<hbm>>
      tpu.wait_dma2 semaphore(%run_scoped3A_81 : memref<!tpu.dma_semaphore, #tpu.memory_space<semaphore_mem>>) src(%dma_wait3A_97 : memref<79x128xi32, #tpu.memory_space<hbm>>) dst(%arg8 : memref<79x128xi32, #tpu.memory_space<vmem>>)
      tpu.yield
    }) : () -> ()
    %broadcast_in_dim3A = arith.constant 0.000000e+00 : f32
    %broadcast_in_dim3A_1 = vector.broadcast %broadcast_in_dim3A : f32 to vector<16xf32>
    %scan3A = arith.constant 0 : i32
    %scan3A_2 = arith.constant 128 : i32
    %scan3A_3 = arith.addi %scan3A, %scan3A_2 : i32
    %scan3A_4 = arith.constant 1 : i32
    scf.for %scan3A_81 = %scan3A to %scan3A_3 step %scan3A_4  : i32 {
      %mul3A_82 = arith.constant 1 : i32
      %mul3A_83 = arith.muli %scan3A_81, %mul3A_82 : i32
      %add3A_84 = arith.constant 0 : i32
      %add3A_85 = arith.addi %add3A_84, %mul3A_83 : i32
      %swap3A = arith.index_cast %add3A_85 : i32 to index
      %swap3A_86 = arith.constant 0 : index
      %swap3A_87 = tpu.vector_load %arg13[%swap3A, %swap3A_86] {strides = array<i32>} : memref<128x128xf32, #tpu.memory_space<vmem>>, vector<16xf32>,
      tpu.vector_store %arg13[%swap3A, %swap3A_86], %broadcast_in_dim3A_1 {strides = array<i32>} : memref<128x128xf32, #tpu.memory_space<vmem>>, vector<16xf32>,
      %swap3A_88 = arith.index_cast %add3A_85 : i32 to index
      %swap3A_89 = arith.constant 16 : index
      %swap3A_90 = tpu.vector_load %arg13[%swap3A_88, %swap3A_89] {strides = array<i32>} : memref<128x128xf32, #tpu.memory_space<vmem>>, vector<16xf32>,
      tpu.vector_store %arg13[%swap3A_88, %swap3A_89], %broadcast_in_dim3A_1 {strides = array<i32>} : memref<128x128xf32, #tpu.memory_space<vmem>>, vector<16xf32>,
      %swap3A_91 = arith.index_cast %add3A_85 : i32 to index
      %swap3A_92 = arith.constant 32 : index
      %swap3A_93 = tpu.vector_load %arg13[%swap3A_91, %swap3A_92] {strides = array<i32>} : memref<128x128xf32, #tpu.memory_space<vmem>>, vector<16xf32>,
      tpu.vector_store %arg13[%swap3A_91, %swap3A_92], %broadcast_in_dim3A_1 {strides = array<i32>} : memref<128x128xf32, #tpu.memory_space<vmem>>, vector<16xf32>,
      %swap3A_94 = arith.index_cast %add3A_85 : i32 to index
      %swap3A_95 = arith.constant 48 : index
      %swap3A_96 = tpu.vector_load %arg13[%swap3A_94, %swap3A_95] {strides = array<i32>} : memref<128x128xf32, #tpu.memory_space<vmem>>, vector<16xf32>,
      tpu.vector_store %arg13[%swap3A_94, %swap3A_95], %broadcast_in_dim3A_1 {strides = array<i32>} : memref<128x128xf32, #tpu.memory_space<vmem>>, vector<16xf32>,
      %swap3A_97 = arith.index_cast %add3A_85 : i32 to index
      %swap3A_98 = arith.constant 64 : index
      %swap3A_99 = tpu.vector_load %arg13[%swap3A_97, %swap3A_98] {strides = array<i32>} : memref<128x128xf32, #tpu.memory_space<vmem>>, vector<16xf32>,
      tpu.vector_store %arg13[%swap3A_97, %swap3A_98], %broadcast_in_dim3A_1 {strides = array<i32>} : memref<128x128xf32, #tpu.memory_space<vmem>>, vector<16xf32>,
      %swap3A_100 = arith.index_cast %add3A_85 : i32 to index
      %swap3A_101 = arith.constant 80 : index
      %swap3A_102 = tpu.vector_load %arg13[%swap3A_100, %swap3A_101] {strides = array<i32>} : memref<128x128xf32, #tpu.memory_space<vmem>>, vector<16xf32>,
      tpu.vector_store %arg13[%swap3A_100, %swap3A_101], %broadcast_in_dim3A_1 {strides = array<i32>} : memref<128x128xf32, #tpu.memory_space<vmem>>, vector<16xf32>,
      %swap3A_103 = arith.index_cast %add3A_85 : i32 to index
      %swap3A_104 = arith.constant 96 : index
      %swap3A_105 = tpu.vector_load %arg13[%swap3A_103, %swap3A_104] {strides = array<i32>} : memref<128x128xf32, #tpu.memory_space<vmem>>, vector<16xf32>,
      tpu.vector_store %arg13[%swap3A_103, %swap3A_104], %broadcast_in_dim3A_1 {strides = array<i32>} : memref<128x128xf32, #tpu.memory_space<vmem>>, vector<16xf32>,
      %swap3A_106 = arith.index_cast %add3A_85 : i32 to index
      %swap3A_107 = arith.constant 112 : index
      %swap3A_108 = tpu.vector_load %arg13[%swap3A_106, %swap3A_107] {strides = array<i32>} : memref<128x128xf32, #tpu.memory_space<vmem>>, vector<16xf32>,
      tpu.vector_store %arg13[%swap3A_106, %swap3A_107], %broadcast_in_dim3A_1 {strides = array<i32>} : memref<128x128xf32, #tpu.memory_space<vmem>>, vector<16xf32>,
    }
    %scan3A_5 = arith.constant 128 : i32
    %mul3A_6 = arith.constant 640 : i32
    %mul3A_7 = arith.muli %arg1, %mul3A_6 : i32
    %add3A_8 = arith.constant 0 : i32
    %add3A_9 = arith.addi %mul3A_7, %add3A_8 : i32
    "tpu.region"() ({
      %run_scoped3A_81 = tpu.sem_alloc : memref<!tpu.dma_semaphore, #tpu.memory_space<semaphore_mem>>
      %dma_start3A_82 = arith.constant 0 : i32
      %dma_start3A_83 = tpu.memref_slice %arg7[%add3A_9, %dma_start3A_82] : memref<10240x128xf32, #tpu.memory_space<vmem_shared>> -> memref<128x128xf32, #tpu.memory_space<vmem_shared>>
      %dma_start3A_84 = arith.constant 0 : i32
      %dma_start3A_85 = tpu.memref_slice %arg7[%add3A_9, %dma_start3A_84] : memref<10240x128xf32, #tpu.memory_space<vmem_shared>> -> memref<128x128xf32, #tpu.memory_space<vmem_shared>>
      tpu.enqueue_dma source(%arg13 : memref<128x128xf32, #tpu.memory_space<vmem>>) target(%dma_start3A_85 : memref<128x128xf32, #tpu.memory_space<vmem_shared>>) target_semaphore(%run_scoped3A_81 : memref<!tpu.dma_semaphore, #tpu.memory_space<semaphore_mem>>)
      %dma_wait3A_86 = arith.constant 0 : i32
      %dma_wait3A_87 = tpu.memref_slice %arg7[%add3A_9, %dma_wait3A_86] : memref<10240x128xf32, #tpu.memory_space<vmem_shared>> -> memref<128x128xf32, #tpu.memory_space<vmem_shared>>
      %dma_wait3A_88 = arith.constant 0 : i32
      %dma_wait3A_89 = tpu.memref_slice %arg7[%add3A_9, %dma_wait3A_88] : memref<10240x128xf32, #tpu.memory_space<vmem_shared>> -> memref<128x128xf32, #tpu.memory_space<vmem_shared>>
      tpu.wait_dma2 semaphore(%run_scoped3A_81 : memref<!tpu.dma_semaphore, #tpu.memory_space<semaphore_mem>>) src(%arg13 : memref<128x128xf32, #tpu.memory_space<vmem>>) dst(%dma_wait3A_89 : memref<128x128xf32, #tpu.memory_space<vmem_shared>>)
      tpu.yield
    }) : () -> ()
    %add3A_10 = arith.constant 128 : i32
    %add3A_11 = arith.addi %mul3A_7, %add3A_10 : i32
    "tpu.region"() ({
      %run_scoped3A_81 = tpu.sem_alloc : memref<!tpu.dma_semaphore, #tpu.memory_space<semaphore_mem>>
      %dma_start3A_82 = arith.constant 0 : i32
      %dma_start3A_83 = tpu.memref_slice %arg7[%add3A_11, %dma_start3A_82] : memref<10240x128xf32, #tpu.memory_space<vmem_shared>> -> memref<128x128xf32, #tpu.memory_space<vmem_shared>>
      %dma_start3A_84 = arith.constant 0 : i32
      %dma_start3A_85 = tpu.memref_slice %arg7[%add3A_11, %dma_start3A_84] : memref<10240x128xf32, #tpu.memory_space<vmem_shared>> -> memref<128x128xf32, #tpu.memory_space<vmem_shared>>
      tpu.enqueue_dma source(%arg13 : memref<128x128xf32, #tpu.memory_space<vmem>>) target(%dma_start3A_85 : memref<128x128xf32, #tpu.memory_space<vmem_shared>>) target_semaphore(%run_scoped3A_81 : memref<!tpu.dma_semaphore, #tpu.memory_space<semaphore_mem>>)
      %dma_wait3A_86 = arith.constant 0 : i32
      %dma_wait3A_87 = tpu.memref_slice %arg7[%add3A_11, %dma_wait3A_86] : memref<10240x128xf32, #tpu.memory_space<vmem_shared>> -> memref<128x128xf32, #tpu.memory_space<vmem_shared>>
      %dma_wait3A_88 = arith.constant 0 : i32
      %dma_wait3A_89 = tpu.memref_slice %arg7[%add3A_11, %dma_wait3A_88] : memref<10240x128xf32, #tpu.memory_space<vmem_shared>> -> memref<128x128xf32, #tpu.memory_space<vmem_shared>>
      tpu.wait_dma2 semaphore(%run_scoped3A_81 : memref<!tpu.dma_semaphore, #tpu.memory_space<semaphore_mem>>) src(%arg13 : memref<128x128xf32, #tpu.memory_space<vmem>>) dst(%dma_wait3A_89 : memref<128x128xf32, #tpu.memory_space<vmem_shared>>)
      tpu.yield
    }) : () -> ()
    %add3A_12 = arith.constant 256 : i32
    %add3A_13 = arith.addi %mul3A_7, %add3A_12 : i32
    "tpu.region"() ({
      %run_scoped3A_81 = tpu.sem_alloc : memref<!tpu.dma_semaphore, #tpu.memory_space<semaphore_mem>>
      %dma_start3A_82 = arith.constant 0 : i32
      %dma_start3A_83 = tpu.memref_slice %arg7[%add3A_13, %dma_start3A_82] : memref<10240x128xf32, #tpu.memory_space<vmem_shared>> -> memref<128x128xf32, #tpu.memory_space<vmem_shared>>
      %dma_start3A_84 = arith.constant 0 : i32
      %dma_start3A_85 = tpu.memref_slice %arg7[%add3A_13, %dma_start3A_84] : memref<10240x128xf32, #tpu.memory_space<vmem_shared>> -> memref<128x128xf32, #tpu.memory_space<vmem_shared>>
      tpu.enqueue_dma source(%arg13 : memref<128x128xf32, #tpu.memory_space<vmem>>) target(%dma_start3A_85 : memref<128x128xf32, #tpu.memory_space<vmem_shared>>) target_semaphore(%run_scoped3A_81 : memref<!tpu.dma_semaphore, #tpu.memory_space<semaphore_mem>>)
      %dma_wait3A_86 = arith.constant 0 : i32
      %dma_wait3A_87 = tpu.memref_slice %arg7[%add3A_13, %dma_wait3A_86] : memref<10240x128xf32, #tpu.memory_space<vmem_shared>> -> memref<128x128xf32, #tpu.memory_space<vmem_shared>>
      %dma_wait3A_88 = arith.constant 0 : i32
      %dma_wait3A_89 = tpu.memref_slice %arg7[%add3A_13, %dma_wait3A_88] : memref<10240x128xf32, #tpu.memory_space<vmem_shared>> -> memref<128x128xf32, #tpu.memory_space<vmem_shared>>
      tpu.wait_dma2 semaphore(%run_scoped3A_81 : memref<!tpu.dma_semaphore, #tpu.memory_space<semaphore_mem>>) src(%arg13 : memref<128x128xf32, #tpu.memory_space<vmem>>) dst(%dma_wait3A_89 : memref<128x128xf32, #tpu.memory_space<vmem_shared>>)
      tpu.yield
    }) : () -> ()
    %add3A_14 = arith.constant 384 : i32
    %add3A_15 = arith.addi %mul3A_7, %add3A_14 : i32
    "tpu.region"() ({
      %run_scoped3A_81 = tpu.sem_alloc : memref<!tpu.dma_semaphore, #tpu.memory_space<semaphore_mem>>
      %dma_start3A_82 = arith.constant 0 : i32
      %dma_start3A_83 = tpu.memref_slice %arg7[%add3A_15, %dma_start3A_82] : memref<10240x128xf32, #tpu.memory_space<vmem_shared>> -> memref<128x128xf32, #tpu.memory_space<vmem_shared>>
      %dma_start3A_84 = arith.constant 0 : i32
      %dma_start3A_85 = tpu.memref_slice %arg7[%add3A_15, %dma_start3A_84] : memref<10240x128xf32, #tpu.memory_space<vmem_shared>> -> memref<128x128xf32, #tpu.memory_space<vmem_shared>>
      tpu.enqueue_dma source(%arg13 : memref<128x128xf32, #tpu.memory_space<vmem>>) target(%dma_start3A_85 : memref<128x128xf32, #tpu.memory_space<vmem_shared>>) target_semaphore(%run_scoped3A_81 : memref<!tpu.dma_semaphore, #tpu.memory_space<semaphore_mem>>)
      %dma_wait3A_86 = arith.constant 0 : i32
      %dma_wait3A_87 = tpu.memref_slice %arg7[%add3A_15, %dma_wait3A_86] : memref<10240x128xf32, #tpu.memory_space<vmem_shared>> -> memref<128x128xf32, #tpu.memory_space<vmem_shared>>
      %dma_wait3A_88 = arith.constant 0 : i32
      %dma_wait3A_89 = tpu.memref_slice %arg7[%add3A_15, %dma_wait3A_88] : memref<10240x128xf32, #tpu.memory_space<vmem_shared>> -> memref<128x128xf32, #tpu.memory_space<vmem_shared>>
      tpu.wait_dma2 semaphore(%run_scoped3A_81 : memref<!tpu.dma_semaphore, #tpu.memory_space<semaphore_mem>>) src(%arg13 : memref<128x128xf32, #tpu.memory_space<vmem>>) dst(%dma_wait3A_89 : memref<128x128xf32, #tpu.memory_space<vmem_shared>>)
      tpu.yield
    }) : () -> ()
    %add3A_16 = arith.constant 512 : i32
    %add3A_17 = arith.addi %mul3A_7, %add3A_16 : i32
    "tpu.region"() ({
      %run_scoped3A_81 = tpu.sem_alloc : memref<!tpu.dma_semaphore, #tpu.memory_space<semaphore_mem>>
      %dma_start3A_82 = arith.constant 0 : i32
      %dma_start3A_83 = tpu.memref_slice %arg7[%add3A_17, %dma_start3A_82] : memref<10240x128xf32, #tpu.memory_space<vmem_shared>> -> memref<128x128xf32, #tpu.memory_space<vmem_shared>>
      %dma_start3A_84 = arith.constant 0 : i32
      %dma_start3A_85 = tpu.memref_slice %arg7[%add3A_17, %dma_start3A_84] : memref<10240x128xf32, #tpu.memory_space<vmem_shared>> -> memref<128x128xf32, #tpu.memory_space<vmem_shared>>
      tpu.enqueue_dma source(%arg13 : memref<128x128xf32, #tpu.memory_space<vmem>>) target(%dma_start3A_85 : memref<128x128xf32, #tpu.memory_space<vmem_shared>>) target_semaphore(%run_scoped3A_81 : memref<!tpu.dma_semaphore, #tpu.memory_space<semaphore_mem>>)
      %dma_wait3A_86 = arith.constant 0 : i32
      %dma_wait3A_87 = tpu.memref_slice %arg7[%add3A_17, %dma_wait3A_86] : memref<10240x128xf32, #tpu.memory_space<vmem_shared>> -> memref<128x128xf32, #tpu.memory_space<vmem_shared>>
      %dma_wait3A_88 = arith.constant 0 : i32
      %dma_wait3A_89 = tpu.memref_slice %arg7[%add3A_17, %dma_wait3A_88] : memref<10240x128xf32, #tpu.memory_space<vmem_shared>> -> memref<128x128xf32, #tpu.memory_space<vmem_shared>>
      tpu.wait_dma2 semaphore(%run_scoped3A_81 : memref<!tpu.dma_semaphore, #tpu.memory_space<semaphore_mem>>) src(%arg13 : memref<128x128xf32, #tpu.memory_space<vmem>>) dst(%dma_wait3A_89 : memref<128x128xf32, #tpu.memory_space<vmem_shared>>)
      tpu.yield
    }) : () -> ()
    %barrier3A = arith.constant 0 : index
    tpu.barrier barrier_id(%barrier3A)
    "tpu.region"() ({
      %run_scoped3A_81 = tpu.sem_alloc : memref<!tpu.dma_semaphore, #tpu.memory_space<semaphore_mem>>
      %dma_start3A_82 = arith.constant 0 : i32
      %dma_start3A_83 = arith.constant 0 : i32
      %dma_start3A_84 = tpu.memref_slice %arg3[%add3A, %dma_start3A_82, %dma_start3A_83] : memref<32x79x128xi32, #tpu.memory_space<hbm>> -> memref<1x79x128xi32, #tpu.memory_space<hbm>>
      %dma_start3A_85 = tpu.memref_squeeze %dma_start3A_84 : memref<1x79x128xi32, #tpu.memory_space<hbm>> -> memref<79x128xi32, #tpu.memory_space<hbm>>
      %dma_start3A_86 = arith.constant 0 : i32
      %dma_start3A_87 = arith.constant 0 : i32
      %dma_start3A_88 = tpu.memref_slice %dma_start3A_85[%dma_start3A_86, %dma_start3A_87] : memref<79x128xi32, #tpu.memory_space<hbm>> -> memref<1x128xi32, #tpu.memory_space<hbm>>
      %dma_start3A_89 = arith.constant 0 : i32
      %dma_start3A_90 = arith.constant 0 : i32
      %dma_start3A_91 = tpu.memref_slice %arg3[%add3A, %dma_start3A_89, %dma_start3A_90] : memref<32x79x128xi32, #tpu.memory_space<hbm>> -> memref<1x79x128xi32, #tpu.memory_space<hbm>>
      %dma_start3A_92 = tpu.memref_squeeze %dma_start3A_91 : memref<1x79x128xi32, #tpu.memory_space<hbm>> -> memref<79x128xi32, #tpu.memory_space<hbm>>
      %dma_start3A_93 = arith.constant 0 : i32
      %dma_start3A_94 = arith.constant 0 : i32
      %dma_start3A_95 = tpu.memref_slice %dma_start3A_92[%dma_start3A_93, %dma_start3A_94] : memref<79x128xi32, #tpu.memory_space<hbm>> -> memref<1x128xi32, #tpu.memory_space<hbm>>
      tpu.enqueue_dma source(%dma_start3A_95 : memref<1x128xi32, #tpu.memory_space<hbm>>) target(%arg9 : memref<1x128xi32, #tpu.memory_space<vmem>>) target_semaphore(%run_scoped3A_81 : memref<!tpu.dma_semaphore, #tpu.memory_space<semaphore_mem>>)
      %dma_wait3A_96 = arith.constant 0 : i32
      %dma_wait3A_97 = arith.constant 0 : i32
      %dma_wait3A_98 = tpu.memref_slice %arg3[%add3A, %dma_wait3A_96, %dma_wait3A_97] : memref<32x79x128xi32, #tpu.memory_space<hbm>> -> memref<1x79x128xi32, #tpu.memory_space<hbm>>
      %dma_wait3A_99 = tpu.memref_squeeze %dma_wait3A_98 : memref<1x79x128xi32, #tpu.memory_space<hbm>> -> memref<79x128xi32, #tpu.memory_space<hbm>>
      %dma_wait3A_100 = arith.constant 0 : i32
      %dma_wait3A_101 = arith.constant 0 : i32
      %dma_wait3A_102 = tpu.memref_slice %dma_wait3A_99[%dma_wait3A_100, %dma_wait3A_101] : memref<79x128xi32, #tpu.memory_space<hbm>> -> memref<1x128xi32, #tpu.memory_space<hbm>>
      %dma_wait3A_103 = arith.constant 0 : i32
      %dma_wait3A_104 = arith.constant 0 : i32
      %dma_wait3A_105 = tpu.memref_slice %arg3[%add3A, %dma_wait3A_103, %dma_wait3A_104] : memref<32x79x128xi32, #tpu.memory_space<hbm>> -> memref<1x79x128xi32, #tpu.memory_space<hbm>>
      %dma_wait3A_106 = tpu.memref_squeeze %dma_wait3A_105 : memref<1x79x128xi32, #tpu.memory_space<hbm>> -> memref<79x128xi32, #tpu.memory_space<hbm>>
      %dma_wait3A_107 = arith.constant 0 : i32
      %dma_wait3A_108 = arith.constant 0 : i32
      %dma_wait3A_109 = tpu.memref_slice %dma_wait3A_106[%dma_wait3A_107, %dma_wait3A_108] : memref<79x128xi32, #tpu.memory_space<hbm>> -> memref<1x128xi32, #tpu.memory_space<hbm>>
      tpu.wait_dma2 semaphore(%run_scoped3A_81 : memref<!tpu.dma_semaphore, #tpu.memory_space<semaphore_mem>>) src(%dma_wait3A_109 : memref<1x128xi32, #tpu.memory_space<hbm>>) dst(%arg9 : memref<1x128xi32, #tpu.memory_space<vmem>>)
      tpu.yield
    }) : () -> ()
    "tpu.region"() ({
      %run_scoped3A_81 = tpu.sem_alloc : memref<!tpu.dma_semaphore, #tpu.memory_space<semaphore_mem>>
      %dma_start3A_82 = arith.constant 0 : i32
      %dma_start3A_83 = arith.constant 0 : i32
      %dma_start3A_84 = tpu.memref_slice %arg5[%add3A, %dma_start3A_82, %dma_start3A_83] : memref<32x79x128xi32, #tpu.memory_space<hbm>> -> memref<1x79x128xi32, #tpu.memory_space<hbm>>
      %dma_start3A_85 = tpu.memref_squeeze %dma_start3A_84 : memref<1x79x128xi32, #tpu.memory_space<hbm>> -> memref<79x128xi32, #tpu.memory_space<hbm>>
      %dma_start3A_86 = arith.constant 0 : i32
      %dma_start3A_87 = arith.constant 0 : i32
      %dma_start3A_88 = tpu.memref_slice %dma_start3A_85[%dma_start3A_86, %dma_start3A_87] : memref<79x128xi32, #tpu.memory_space<hbm>> -> memref<1x128xi32, #tpu.memory_space<hbm>>
      %dma_start3A_89 = arith.constant 0 : i32
      %dma_start3A_90 = arith.constant 0 : i32
      %dma_start3A_91 = tpu.memref_slice %arg5[%add3A, %dma_start3A_89, %dma_start3A_90] : memref<32x79x128xi32, #tpu.memory_space<hbm>> -> memref<1x79x128xi32, #tpu.memory_space<hbm>>
      %dma_start3A_92 = tpu.memref_squeeze %dma_start3A_91 : memref<1x79x128xi32, #tpu.memory_space<hbm>> -> memref<79x128xi32, #tpu.memory_space<hbm>>
      %dma_start3A_93 = arith.constant 0 : i32
      %dma_start3A_94 = arith.constant 0 : i32
      %dma_start3A_95 = tpu.memref_slice %dma_start3A_92[%dma_start3A_93, %dma_start3A_94] : memref<79x128xi32, #tpu.memory_space<hbm>> -> memref<1x128xi32, #tpu.memory_space<hbm>>
      tpu.enqueue_dma source(%dma_start3A_95 : memref<1x128xi32, #tpu.memory_space<hbm>>) target(%arg10 : memref<1x128xi32, #tpu.memory_space<vmem>>) target_semaphore(%run_scoped3A_81 : memref<!tpu.dma_semaphore, #tpu.memory_space<semaphore_mem>>)
      %dma_wait3A_96 = arith.constant 0 : i32
      %dma_wait3A_97 = arith.constant 0 : i32
      %dma_wait3A_98 = tpu.memref_slice %arg5[%add3A, %dma_wait3A_96, %dma_wait3A_97] : memref<32x79x128xi32, #tpu.memory_space<hbm>> -> memref<1x79x128xi32, #tpu.memory_space<hbm>>
      %dma_wait3A_99 = tpu.memref_squeeze %dma_wait3A_98 : memref<1x79x128xi32, #tpu.memory_space<hbm>> -> memref<79x128xi32, #tpu.memory_space<hbm>>
      %dma_wait3A_100 = arith.constant 0 : i32
      %dma_wait3A_101 = arith.constant 0 : i32
      %dma_wait3A_102 = tpu.memref_slice %dma_wait3A_99[%dma_wait3A_100, %dma_wait3A_101] : memref<79x128xi32, #tpu.memory_space<hbm>> -> memref<1x128xi32, #tpu.memory_space<hbm>>
      %dma_wait3A_103 = arith.constant 0 : i32
      %dma_wait3A_104 = arith.constant 0 : i32
      %dma_wait3A_105 = tpu.memref_slice %arg5[%add3A, %dma_wait3A_103, %dma_wait3A_104] : memref<32x79x128xi32, #tpu.memory_space<hbm>> -> memref<1x79x128xi32, #tpu.memory_space<hbm>>
      %dma_wait3A_106 = tpu.memref_squeeze %dma_wait3A_105 : memref<1x79x128xi32, #tpu.memory_space<hbm>> -> memref<79x128xi32, #tpu.memory_space<hbm>>
      %dma_wait3A_107 = arith.constant 0 : i32
      %dma_wait3A_108 = arith.constant 0 : i32
      %dma_wait3A_109 = tpu.memref_slice %dma_wait3A_106[%dma_wait3A_107, %dma_wait3A_108] : memref<79x128xi32, #tpu.memory_space<hbm>> -> memref<1x128xi32, #tpu.memory_space<hbm>>
      tpu.wait_dma2 semaphore(%run_scoped3A_81 : memref<!tpu.dma_semaphore, #tpu.memory_space<semaphore_mem>>) src(%dma_wait3A_109 : memref<1x128xi32, #tpu.memory_space<hbm>>) dst(%arg10 : memref<1x128xi32, #tpu.memory_space<vmem>>)
      tpu.yield
    }) : () -> ()
    %dma_start3A = arith.constant 0 : i32
    %dma_start3A_18 = arith.constant 0 : i32
    %dma_start3A_19 = tpu.memref_slice %arg9[%dma_start3A, %dma_start3A_18] : memref<1x128xi32, #tpu.memory_space<vmem>> -> memref<1x128xi32, #tpu.memory_space<vmem>>
    %dma_start3A_20 = tpu.memref_squeeze %dma_start3A_19 : memref<1x128xi32, #tpu.memory_space<vmem>> -> memref<128xi32, #tpu.memory_space<vmem>>
    %dma_start3A_21 = arith.constant 0 : i32
    %dma_start3A_22 = arith.constant 0 : i32
    %dma_start3A_23 = tpu.memref_slice %arg2[%arg0, %dma_start3A_21, %dma_start3A_22] : memref<2x10000x128xf32, #tpu.memory_space<hbm>> -> memref<1x10000x128xf32, #tpu.memory_space<hbm>>
    %dma_start3A_24 = tpu.memref_squeeze %dma_start3A_23 : memref<1x10000x128xf32, #tpu.memory_space<hbm>> -> memref<10000x128xf32, #tpu.memory_space<hbm>>
    %dma_start3A_25 = arith.constant 0 : i32
    %dma_start3A_26 = arith.constant 0 : i32
    %dma_start3A_27 = tpu.memref_slice %dma_start3A_24[%dma_start3A_25, %dma_start3A_26] : memref<10000x128xf32, #tpu.memory_space<hbm>> -> memref<10000x128xf32, #tpu.memory_space<hbm>>
    tpu.enqueue_indirect_dma source(%dma_start3A_27 : memref<10000x128xf32, #tpu.memory_space<hbm>>) target(%arg13 : memref<128x128xf32, #tpu.memory_space<vmem>>) offsets(%dma_start3A_20 : memref<128xi32, #tpu.memory_space<vmem>>) semaphore(%arg17 : memref<!tpu.dma_semaphore, #tpu.memory_space<semaphore_mem>>)
    %dma_start3A_28 = arith.constant 0 : i32
    %dma_start3A_29 = arith.constant 0 : i32
    %dma_start3A_30 = tpu.memref_slice %arg3[%add3A, %dma_start3A_28, %dma_start3A_29] : memref<32x79x128xi32, #tpu.memory_space<hbm>> -> memref<1x79x128xi32, #tpu.memory_space<hbm>>
    %dma_start3A_31 = tpu.memref_squeeze %dma_start3A_30 : memref<1x79x128xi32, #tpu.memory_space<hbm>> -> memref<79x128xi32, #tpu.memory_space<hbm>>
    %dma_start3A_32 = arith.constant 1 : i32
    %dma_start3A_33 = arith.constant 0 : i32
    %dma_start3A_34 = tpu.memref_slice %dma_start3A_31[%dma_start3A_32, %dma_start3A_33] : memref<79x128xi32, #tpu.memory_space<hbm>> -> memref<1x128xi32, #tpu.memory_space<hbm>>
    %dma_start3A_35 = arith.constant 0 : i32
    %dma_start3A_36 = arith.constant 0 : i32
    %dma_start3A_37 = tpu.memref_slice %arg3[%add3A, %dma_start3A_35, %dma_start3A_36] : memref<32x79x128xi32, #tpu.memory_space<hbm>> -> memref<1x79x128xi32, #tpu.memory_space<hbm>>
    %dma_start3A_38 = tpu.memref_squeeze %dma_start3A_37 : memref<1x79x128xi32, #tpu.memory_space<hbm>> -> memref<79x128xi32, #tpu.memory_space<hbm>>
    %dma_start3A_39 = arith.constant 1 : i32
    %dma_start3A_40 = arith.constant 0 : i32
    %dma_start3A_41 = tpu.memref_slice %dma_start3A_38[%dma_start3A_39, %dma_start3A_40] : memref<79x128xi32, #tpu.memory_space<hbm>> -> memref<1x128xi32, #tpu.memory_space<hbm>>
    tpu.enqueue_dma source(%dma_start3A_41 : memref<1x128xi32, #tpu.memory_space<hbm>>) target(%arg11 : memref<1x128xi32, #tpu.memory_space<vmem>>) target_semaphore(%arg16 : memref<!tpu.dma_semaphore, #tpu.memory_space<semaphore_mem>>)
    %dma_start3A_42 = arith.constant 0 : i32
    %dma_start3A_43 = arith.constant 0 : i32
    %dma_start3A_44 = tpu.memref_slice %arg5[%add3A, %dma_start3A_42, %dma_start3A_43] : memref<32x79x128xi32, #tpu.memory_space<hbm>> -> memref<1x79x128xi32, #tpu.memory_space<hbm>>
    %dma_start3A_45 = tpu.memref_squeeze %dma_start3A_44 : memref<1x79x128xi32, #tpu.memory_space<hbm>> -> memref<79x128xi32, #tpu.memory_space<hbm>>
    %dma_start3A_46 = arith.constant 1 : i32
    %dma_start3A_47 = arith.constant 0 : i32
    %dma_start3A_48 = tpu.memref_slice %dma_start3A_45[%dma_start3A_46, %dma_start3A_47] : memref<79x128xi32, #tpu.memory_space<hbm>> -> memref<1x128xi32, #tpu.memory_space<hbm>>
    %dma_start3A_49 = arith.constant 0 : i32
    %dma_start3A_50 = arith.constant 0 : i32
    %dma_start3A_51 = tpu.memref_slice %arg5[%add3A, %dma_start3A_49, %dma_start3A_50] : memref<32x79x128xi32, #tpu.memory_space<hbm>> -> memref<1x79x128xi32, #tpu.memory_space<hbm>>
    %dma_start3A_52 = tpu.memref_squeeze %dma_start3A_51 : memref<1x79x128xi32, #tpu.memory_space<hbm>> -> memref<79x128xi32, #tpu.memory_space<hbm>>
    %dma_start3A_53 = arith.constant 1 : i32
    %dma_start3A_54 = arith.constant 0 : i32
    %dma_start3A_55 = tpu.memref_slice %dma_start3A_52[%dma_start3A_53, %dma_start3A_54] : memref<79x128xi32, #tpu.memory_space<hbm>> -> memref<1x128xi32, #tpu.memory_space<hbm>>
    tpu.enqueue_dma source(%dma_start3A_55 : memref<1x128xi32, #tpu.memory_space<hbm>>) target(%arg12 : memref<1x128xi32, #tpu.memory_space<vmem>>) target_semaphore(%arg16 : memref<!tpu.dma_semaphore, #tpu.memory_space<semaphore_mem>>)
    %scan3A_56 = arith.constant 0 : i32
    %scan3A_57 = arith.constant 39 : i32
    %scan3A_58 = arith.addi %scan3A_56, %scan3A_57 : i32
    %scan3A_59 = arith.constant 1 : i32
    scf.for %scan3A_81 = %scan3A_56 to %scan3A_58 step %scan3A_59  : i32 {
      %mul3A_82 = arith.constant 1 : i32
      %mul3A_83 = arith.muli %scan3A_81, %mul3A_82 : i32
      %add3A_84 = arith.constant 0 : i32
      %add3A_85 = arith.addi %add3A_84, %mul3A_83 : i32
      %mul3A_86 = arith.constant 2 : i32
      %mul3A_87 = arith.muli %mul3A_86, %add3A_85 : i32
      %add3A_88 = arith.constant 1 : i32
      %add3A_89 = arith.addi %mul3A_87, %add3A_88 : i32
      %dma_wait3A_90 = arith.constant 0 : i32
      %dma_wait3A_91 = arith.constant 0 : i32
      %dma_wait3A_92 = tpu.memref_slice %arg3[%add3A, %dma_wait3A_90, %dma_wait3A_91] : memref<32x79x128xi32, #tpu.memory_space<hbm>> -> memref<1x79x128xi32, #tpu.memory_space<hbm>>
      %dma_wait3A_93 = tpu.memref_squeeze %dma_wait3A_92 : memref<1x79x128xi32, #tpu.memory_space<hbm>> -> memref<79x128xi32, #tpu.memory_space<hbm>>
      %dma_wait3A_94 = arith.constant 0 : i32
      %dma_wait3A_95 = tpu.memref_slice %dma_wait3A_93[%add3A_89, %dma_wait3A_94] : memref<79x128xi32, #tpu.memory_space<hbm>> -> memref<1x128xi32, #tpu.memory_space<hbm>>
      %dma_wait3A_96 = arith.constant 0 : i32
      %dma_wait3A_97 = arith.constant 0 : i32
      %dma_wait3A_98 = tpu.memref_slice %arg3[%add3A, %dma_wait3A_96, %dma_wait3A_97] : memref<32x79x128xi32, #tpu.memory_space<hbm>> -> memref<1x79x128xi32, #tpu.memory_space<hbm>>
      %dma_wait3A_99 = tpu.memref_squeeze %dma_wait3A_98 : memref<1x79x128xi32, #tpu.memory_space<hbm>> -> memref<79x128xi32, #tpu.memory_space<hbm>>
      %dma_wait3A_100 = arith.constant 0 : i32
      %dma_wait3A_101 = tpu.memref_slice %dma_wait3A_99[%add3A_89, %dma_wait3A_100] : memref<79x128xi32, #tpu.memory_space<hbm>> -> memref<1x128xi32, #tpu.memory_space<hbm>>
      tpu.wait_dma2 semaphore(%arg16 : memref<!tpu.dma_semaphore, #tpu.memory_space<semaphore_mem>>) src(%dma_wait3A_101 : memref<1x128xi32, #tpu.memory_space<hbm>>) dst(%arg11 : memref<1x128xi32, #tpu.memory_space<vmem>>)
      %dma_wait3A_102 = arith.constant 0 : i32
      %dma_wait3A_103 = arith.constant 0 : i32
      %dma_wait3A_104 = tpu.memref_slice %arg5[%add3A, %dma_wait3A_102, %dma_wait3A_103] : memref<32x79x128xi32, #tpu.memory_space<hbm>> -> memref<1x79x128xi32, #tpu.memory_space<hbm>>
      %dma_wait3A_105 = tpu.memref_squeeze %dma_wait3A_104 : memref<1x79x128xi32, #tpu.memory_space<hbm>> -> memref<79x128xi32, #tpu.memory_space<hbm>>
      %dma_wait3A_106 = arith.constant 0 : i32
      %dma_wait3A_107 = tpu.memref_slice %dma_wait3A_105[%add3A_89, %dma_wait3A_106] : memref<79x128xi32, #tpu.memory_space<hbm>> -> memref<1x128xi32, #tpu.memory_space<hbm>>
      %dma_wait3A_108 = arith.constant 0 : i32
      %dma_wait3A_109 = arith.constant 0 : i32
      %dma_wait3A_110 = tpu.memref_slice %arg5[%add3A, %dma_wait3A_108, %dma_wait3A_109] : memref<32x79x128xi32, #tpu.memory_space<hbm>> -> memref<1x79x128xi32, #tpu.memory_space<hbm>>
      %dma_wait3A_111 = tpu.memref_squeeze %dma_wait3A_110 : memref<1x79x128xi32, #tpu.memory_space<hbm>> -> memref<79x128xi32, #tpu.memory_space<hbm>>
      %dma_wait3A_112 = arith.constant 0 : i32
      %dma_wait3A_113 = tpu.memref_slice %dma_wait3A_111[%add3A_89, %dma_wait3A_112] : memref<79x128xi32, #tpu.memory_space<hbm>> -> memref<1x128xi32, #tpu.memory_space<hbm>>
      tpu.wait_dma2 semaphore(%arg16 : memref<!tpu.dma_semaphore, #tpu.memory_space<semaphore_mem>>) src(%dma_wait3A_113 : memref<1x128xi32, #tpu.memory_space<hbm>>) dst(%arg12 : memref<1x128xi32, #tpu.memory_space<vmem>>)
      %gt3A = arith.constant 0 : i32
      %gt3A_114 = arith.cmpi sgt, %add3A_85, %gt3A : i32
      %convert_element_type3A = arith.extui %gt3A_114 : i1 to i32
      %cond3A = arith.constant 0 : i32
      %cond3A_115 = arith.cmpi ne, %convert_element_type3A, %cond3A : i32
      scf.if %cond3A_115 {
        %sub3A = arith.constant 1 : i32
        %sub3A_244 = arith.subi %mul3A_87, %sub3A : i32
        %dma_wait3A_245 = arith.constant 0 : i32
        %dma_wait3A_246 = tpu.memref_slice %arg8[%sub3A_244, %dma_wait3A_245] : memref<79x128xi32, #tpu.memory_space<vmem>> -> memref<1x128xi32, #tpu.memory_space<vmem>>
        %dma_wait3A_247 = tpu.memref_squeeze %dma_wait3A_246 : memref<1x128xi32, #tpu.memory_space<vmem>> -> memref<128xi32, #tpu.memory_space<vmem>>
        %dma_wait3A_248 = arith.constant 0 : i32
        %dma_wait3A_249 = arith.constant 0 : i32
        %dma_wait3A_250 = tpu.memref_slice %arg7[%dma_wait3A_248, %dma_wait3A_249] : memref<10240x128xf32, #tpu.memory_space<vmem_shared>> -> memref<10240x128xf32, #tpu.memory_space<vmem_shared>>
        tpu.wait_indirect_dma semaphore(%arg20 : memref<!tpu.dma_semaphore, #tpu.memory_space<semaphore_mem>>) src(%arg14 : memref<128x128xf32, #tpu.memory_space<vmem>>) dst(%dma_wait3A_250 : memref<10240x128xf32, #tpu.memory_space<vmem_shared>>)
      } else {
      }
      %dma_start3A_116 = arith.constant 0 : i32
      %dma_start3A_117 = arith.constant 0 : i32
      %dma_start3A_118 = tpu.memref_slice %arg11[%dma_start3A_116, %dma_start3A_117] : memref<1x128xi32, #tpu.memory_space<vmem>> -> memref<1x128xi32, #tpu.memory_space<vmem>>
      %dma_start3A_119 = tpu.memref_squeeze %dma_start3A_118 : memref<1x128xi32, #tpu.memory_space<vmem>> -> memref<128xi32, #tpu.memory_space<vmem>>
      %dma_start3A_120 = arith.constant 0 : i32
      %dma_start3A_121 = arith.constant 0 : i32
      %dma_start3A_122 = tpu.memref_slice %arg2[%arg0, %dma_start3A_120, %dma_start3A_121] : memref<2x10000x128xf32, #tpu.memory_space<hbm>> -> memref<1x10000x128xf32, #tpu.memory_space<hbm>>
      %dma_start3A_123 = tpu.memref_squeeze %dma_start3A_122 : memref<1x10000x128xf32, #tpu.memory_space<hbm>> -> memref<10000x128xf32, #tpu.memory_space<hbm>>
      %dma_start3A_124 = arith.constant 0 : i32
      %dma_start3A_125 = arith.constant 0 : i32
      %dma_start3A_126 = tpu.memref_slice %dma_start3A_123[%dma_start3A_124, %dma_start3A_125] : memref<10000x128xf32, #tpu.memory_space<hbm>> -> memref<10000x128xf32, #tpu.memory_space<hbm>>
      tpu.enqueue_indirect_dma source(%dma_start3A_126 : memref<10000x128xf32, #tpu.memory_space<hbm>>) target(%arg14 : memref<128x128xf32, #tpu.memory_space<vmem>>) offsets(%dma_start3A_119 : memref<128xi32, #tpu.memory_space<vmem>>) semaphore(%arg18 : memref<!tpu.dma_semaphore, #tpu.memory_space<semaphore_mem>>)
      %dma_wait3A_127 = arith.constant 0 : i32
      %dma_wait3A_128 = arith.constant 0 : i32
      %dma_wait3A_129 = tpu.memref_slice %arg9[%dma_wait3A_127, %dma_wait3A_128] : memref<1x128xi32, #tpu.memory_space<vmem>> -> memref<1x128xi32, #tpu.memory_space<vmem>>
      %dma_wait3A_130 = tpu.memref_squeeze %dma_wait3A_129 : memref<1x128xi32, #tpu.memory_space<vmem>> -> memref<128xi32, #tpu.memory_space<vmem>>
      %dma_wait3A_131 = arith.constant 0 : i32
      %dma_wait3A_132 = arith.constant 0 : i32
      %dma_wait3A_133 = tpu.memref_slice %arg2[%arg0, %dma_wait3A_131, %dma_wait3A_132] : memref<2x10000x128xf32, #tpu.memory_space<hbm>> -> memref<1x10000x128xf32, #tpu.memory_space<hbm>>
      %dma_wait3A_134 = tpu.memref_squeeze %dma_wait3A_133 : memref<1x10000x128xf32, #tpu.memory_space<hbm>> -> memref<10000x128xf32, #tpu.memory_space<hbm>>
      %dma_wait3A_135 = arith.constant 0 : i32
      %dma_wait3A_136 = arith.constant 0 : i32
      %dma_wait3A_137 = tpu.memref_slice %dma_wait3A_134[%dma_wait3A_135, %dma_wait3A_136] : memref<10000x128xf32, #tpu.memory_space<hbm>> -> memref<10000x128xf32, #tpu.memory_space<hbm>>
      tpu.wait_indirect_dma semaphore(%arg17 : memref<!tpu.dma_semaphore, #tpu.memory_space<semaphore_mem>>) src(%dma_wait3A_137 : memref<10000x128xf32, #tpu.memory_space<hbm>>) dst(%arg13 : memref<128x128xf32, #tpu.memory_space<vmem>>)
      %parallel_loop3A_138 = arith.constant 0 : i32
      %parallel_loop3A_139 = arith.constant 128 : i32
      %parallel_loop3A_140 = arith.constant 1 : i32
      scf.for %parallel_loop3A_244 = %parallel_loop3A_138 to %parallel_loop3A_139 step %parallel_loop3A_140  : i32 {
        %parallel_loop3A_245 = arith.constant 0 : i32
        %parallel_loop3A_246 = vector.broadcast %parallel_loop3A_245 : i32 to vector<16xi32>
        %parallel_loop3A_247 = vector.broadcast %parallel_loop3A_244 : i32 to vector<16xi32>
        %parallel_loop3A_248 = tpu.vector_load_idx %arg10[%parallel_loop3A_246, %parallel_loop3A_247] : memref<1x128xi32, #tpu.memory_space<vmem>>[vector<16xi32>, vector<16xi32>], vector<16xi32>,
        %parallel_loop3A_249 = vector.bitcast %parallel_loop3A_248 : vector<16xi32> to vector<16xf32>
        %parallel_loop3A_250 = arith.index_cast %parallel_loop3A_244 : i32 to index
        %parallel_loop3A_251 = arith.constant 0 : index
        %parallel_loop3A_252 = tpu.vector_load %arg13[%parallel_loop3A_250, %parallel_loop3A_251] {strides = array<i32>} : memref<128x128xf32, #tpu.memory_space<vmem>>, vector<16xf32>,
        %parallel_loop3A_253 = arith.mulf %parallel_loop3A_252, %parallel_loop3A_249 : vector<16xf32>
        %parallel_loop3A_254 = arith.index_cast %parallel_loop3A_244 : i32 to index
        %parallel_loop3A_255 = arith.constant 0 : index
        %parallel_loop3A_256 = tpu.vector_load %arg13[%parallel_loop3A_254, %parallel_loop3A_255] {strides = array<i32>} : memref<128x128xf32, #tpu.memory_space<vmem>>, vector<16xf32>,
        tpu.vector_store %arg13[%parallel_loop3A_254, %parallel_loop3A_255], %parallel_loop3A_253 {strides = array<i32>} : memref<128x128xf32, #tpu.memory_space<vmem>>, vector<16xf32>,
        %parallel_loop3A_257 = arith.index_cast %parallel_loop3A_244 : i32 to index
        %parallel_loop3A_258 = arith.constant 16 : index
        %parallel_loop3A_259 = tpu.vector_load %arg13[%parallel_loop3A_257, %parallel_loop3A_258] {strides = array<i32>} : memref<128x128xf32, #tpu.memory_space<vmem>>, vector<16xf32>,
        %parallel_loop3A_260 = arith.mulf %parallel_loop3A_259, %parallel_loop3A_249 : vector<16xf32>
        %parallel_loop3A_261 = arith.index_cast %parallel_loop3A_244 : i32 to index
        %parallel_loop3A_262 = arith.constant 16 : index
        %parallel_loop3A_263 = tpu.vector_load %arg13[%parallel_loop3A_261, %parallel_loop3A_262] {strides = array<i32>} : memref<128x128xf32, #tpu.memory_space<vmem>>, vector<16xf32>,
        tpu.vector_store %arg13[%parallel_loop3A_261, %parallel_loop3A_262], %parallel_loop3A_260 {strides = array<i32>} : memref<128x128xf32, #tpu.memory_space<vmem>>, vector<16xf32>,
        %parallel_loop3A_264 = arith.index_cast %parallel_loop3A_244 : i32 to index
        %parallel_loop3A_265 = arith.constant 32 : index
        %parallel_loop3A_266 = tpu.vector_load %arg13[%parallel_loop3A_264, %parallel_loop3A_265] {strides = array<i32>} : memref<128x128xf32, #tpu.memory_space<vmem>>, vector<16xf32>,
        %parallel_loop3A_267 = arith.mulf %parallel_loop3A_266, %parallel_loop3A_249 : vector<16xf32>
        %parallel_loop3A_268 = arith.index_cast %parallel_loop3A_244 : i32 to index
        %parallel_loop3A_269 = arith.constant 32 : index
        %parallel_loop3A_270 = tpu.vector_load %arg13[%parallel_loop3A_268, %parallel_loop3A_269] {strides = array<i32>} : memref<128x128xf32, #tpu.memory_space<vmem>>, vector<16xf32>,
        tpu.vector_store %arg13[%parallel_loop3A_268, %parallel_loop3A_269], %parallel_loop3A_267 {strides = array<i32>} : memref<128x128xf32, #tpu.memory_space<vmem>>, vector<16xf32>,
        %parallel_loop3A_271 = arith.index_cast %parallel_loop3A_244 : i32 to index
        %parallel_loop3A_272 = arith.constant 48 : index
        %parallel_loop3A_273 = tpu.vector_load %arg13[%parallel_loop3A_271, %parallel_loop3A_272] {strides = array<i32>} : memref<128x128xf32, #tpu.memory_space<vmem>>, vector<16xf32>,
        %parallel_loop3A_274 = arith.mulf %parallel_loop3A_273, %parallel_loop3A_249 : vector<16xf32>
        %parallel_loop3A_275 = arith.index_cast %parallel_loop3A_244 : i32 to index
        %parallel_loop3A_276 = arith.constant 48 : index
        %parallel_loop3A_277 = tpu.vector_load %arg13[%parallel_loop3A_275, %parallel_loop3A_276] {strides = array<i32>} : memref<128x128xf32, #tpu.memory_space<vmem>>, vector<16xf32>,
        tpu.vector_store %arg13[%parallel_loop3A_275, %parallel_loop3A_276], %parallel_loop3A_274 {strides = array<i32>} : memref<128x128xf32, #tpu.memory_space<vmem>>, vector<16xf32>,
        %parallel_loop3A_278 = arith.index_cast %parallel_loop3A_244 : i32 to index
        %parallel_loop3A_279 = arith.constant 64 : index
        %parallel_loop3A_280 = tpu.vector_load %arg13[%parallel_loop3A_278, %parallel_loop3A_279] {strides = array<i32>} : memref<128x128xf32, #tpu.memory_space<vmem>>, vector<16xf32>,
        %parallel_loop3A_281 = arith.mulf %parallel_loop3A_280, %parallel_loop3A_249 : vector<16xf32>
        %parallel_loop3A_282 = arith.index_cast %parallel_loop3A_244 : i32 to index
        %parallel_loop3A_283 = arith.constant 64 : index
        %parallel_loop3A_284 = tpu.vector_load %arg13[%parallel_loop3A_282, %parallel_loop3A_283] {strides = array<i32>} : memref<128x128xf32, #tpu.memory_space<vmem>>, vector<16xf32>,
        tpu.vector_store %arg13[%parallel_loop3A_282, %parallel_loop3A_283], %parallel_loop3A_281 {strides = array<i32>} : memref<128x128xf32, #tpu.memory_space<vmem>>, vector<16xf32>,
        %parallel_loop3A_285 = arith.index_cast %parallel_loop3A_244 : i32 to index
        %parallel_loop3A_286 = arith.constant 80 : index
        %parallel_loop3A_287 = tpu.vector_load %arg13[%parallel_loop3A_285, %parallel_loop3A_286] {strides = array<i32>} : memref<128x128xf32, #tpu.memory_space<vmem>>, vector<16xf32>,
        %parallel_loop3A_288 = arith.mulf %parallel_loop3A_287, %parallel_loop3A_249 : vector<16xf32>
        %parallel_loop3A_289 = arith.index_cast %parallel_loop3A_244 : i32 to index
        %parallel_loop3A_290 = arith.constant 80 : index
        %parallel_loop3A_291 = tpu.vector_load %arg13[%parallel_loop3A_289, %parallel_loop3A_290] {strides = array<i32>} : memref<128x128xf32, #tpu.memory_space<vmem>>, vector<16xf32>,
        tpu.vector_store %arg13[%parallel_loop3A_289, %parallel_loop3A_290], %parallel_loop3A_288 {strides = array<i32>} : memref<128x128xf32, #tpu.memory_space<vmem>>, vector<16xf32>,
        %parallel_loop3A_292 = arith.index_cast %parallel_loop3A_244 : i32 to index
        %parallel_loop3A_293 = arith.constant 96 : index
        %parallel_loop3A_294 = tpu.vector_load %arg13[%parallel_loop3A_292, %parallel_loop3A_293] {strides = array<i32>} : memref<128x128xf32, #tpu.memory_space<vmem>>, vector<16xf32>,
        %parallel_loop3A_295 = arith.mulf %parallel_loop3A_294, %parallel_loop3A_249 : vector<16xf32>
        %parallel_loop3A_296 = arith.index_cast %parallel_loop3A_244 : i32 to index
        %parallel_loop3A_297 = arith.constant 96 : index
        %parallel_loop3A_298 = tpu.vector_load %arg13[%parallel_loop3A_296, %parallel_loop3A_297] {strides = array<i32>} : memref<128x128xf32, #tpu.memory_space<vmem>>, vector<16xf32>,
        tpu.vector_store %arg13[%parallel_loop3A_296, %parallel_loop3A_297], %parallel_loop3A_295 {strides = array<i32>} : memref<128x128xf32, #tpu.memory_space<vmem>>, vector<16xf32>,
        %parallel_loop3A_299 = arith.index_cast %parallel_loop3A_244 : i32 to index
        %parallel_loop3A_300 = arith.constant 112 : index
        %parallel_loop3A_301 = tpu.vector_load %arg13[%parallel_loop3A_299, %parallel_loop3A_300] {strides = array<i32>} : memref<128x128xf32, #tpu.memory_space<vmem>>, vector<16xf32>,
        %parallel_loop3A_302 = arith.mulf %parallel_loop3A_301, %parallel_loop3A_249 : vector<16xf32>
        %parallel_loop3A_303 = arith.index_cast %parallel_loop3A_244 : i32 to index
        %parallel_loop3A_304 = arith.constant 112 : index
        %parallel_loop3A_305 = tpu.vector_load %arg13[%parallel_loop3A_303, %parallel_loop3A_304] {strides = array<i32>} : memref<128x128xf32, #tpu.memory_space<vmem>>, vector<16xf32>,
        tpu.vector_store %arg13[%parallel_loop3A_303, %parallel_loop3A_304], %parallel_loop3A_302 {strides = array<i32>} : memref<128x128xf32, #tpu.memory_space<vmem>>, vector<16xf32>,
      } {sc.loop_unroll_factor = 4 : i64, sc.parallel_access}
      %dma_start3A_141 = arith.constant 0 : i32
      %dma_start3A_142 = tpu.memref_slice %arg8[%mul3A_87, %dma_start3A_141] : memref<79x128xi32, #tpu.memory_space<vmem>> -> memref<1x128xi32, #tpu.memory_space<vmem>>
      %dma_start3A_143 = tpu.memref_squeeze %dma_start3A_142 : memref<1x128xi32, #tpu.memory_space<vmem>> -> memref<128xi32, #tpu.memory_space<vmem>>
      %dma_start3A_144 = arith.constant 0 : i32
      %dma_start3A_145 = arith.constant 0 : i32
      %dma_start3A_146 = tpu.memref_slice %arg7[%dma_start3A_144, %dma_start3A_145] : memref<10240x128xf32, #tpu.memory_space<vmem_shared>> -> memref<10240x128xf32, #tpu.memory_space<vmem_shared>>
      tpu.enqueue_indirect_dma source(%arg13 : memref<128x128xf32, #tpu.memory_space<vmem>>) target(%dma_start3A_146 : memref<10240x128xf32, #tpu.memory_space<vmem_shared>>) offsets(%dma_start3A_143 : memref<128xi32, #tpu.memory_space<vmem>>) semaphore(%arg19 : memref<!tpu.dma_semaphore, #tpu.memory_space<semaphore_mem>>) {add = true}
      %add3A_147 = arith.constant 2 : i32
      %add3A_148 = arith.addi %mul3A_87, %add3A_147 : i32
      %dma_start3A_149 = arith.constant 0 : i32
      %dma_start3A_150 = arith.constant 0 : i32
      %dma_start3A_151 = tpu.memref_slice %arg3[%add3A, %dma_start3A_149, %dma_start3A_150] : memref<32x79x128xi32, #tpu.memory_space<hbm>> -> memref<1x79x128xi32, #tpu.memory_space<hbm>>
      %dma_start3A_152 = tpu.memref_squeeze %dma_start3A_151 : memref<1x79x128xi32, #tpu.memory_space<hbm>> -> memref<79x128xi32, #tpu.memory_space<hbm>>
      %dma_start3A_153 = arith.constant 0 : i32
      %dma_start3A_154 = tpu.memref_slice %dma_start3A_152[%add3A_148, %dma_start3A_153] : memref<79x128xi32, #tpu.memory_space<hbm>> -> memref<1x128xi32, #tpu.memory_space<hbm>>
      %dma_start3A_155 = arith.constant 0 : i32
      %dma_start3A_156 = arith.constant 0 : i32
      %dma_start3A_157 = tpu.memref_slice %arg3[%add3A, %dma_start3A_155, %dma_start3A_156] : memref<32x79x128xi32, #tpu.memory_space<hbm>> -> memref<1x79x128xi32, #tpu.memory_space<hbm>>
      %dma_start3A_158 = tpu.memref_squeeze %dma_start3A_157 : memref<1x79x128xi32, #tpu.memory_space<hbm>> -> memref<79x128xi32, #tpu.memory_space<hbm>>
      %dma_start3A_159 = arith.constant 0 : i32
      %dma_start3A_160 = tpu.memref_slice %dma_start3A_158[%add3A_148, %dma_start3A_159] : memref<79x128xi32, #tpu.memory_space<hbm>> -> memref<1x128xi32, #tpu.memory_space<hbm>>
      tpu.enqueue_dma source(%dma_start3A_160 : memref<1x128xi32, #tpu.memory_space<hbm>>) target(%arg9 : memref<1x128xi32, #tpu.memory_space<vmem>>) target_semaphore(%arg15 : memref<!tpu.dma_semaphore, #tpu.memory_space<semaphore_mem>>)
      %dma_start3A_161 = arith.constant 0 : i32
      %dma_start3A_162 = arith.constant 0 : i32
      %dma_start3A_163 = tpu.memref_slice %arg5[%add3A, %dma_start3A_161, %dma_start3A_162] : memref<32x79x128xi32, #tpu.memory_space<hbm>> -> memref<1x79x128xi32, #tpu.memory_space<hbm>>
      %dma_start3A_164 = tpu.memref_squeeze %dma_start3A_163 : memref<1x79x128xi32, #tpu.memory_space<hbm>> -> memref<79x128xi32, #tpu.memory_space<hbm>>
      %dma_start3A_165 = arith.constant 0 : i32
      %dma_start3A_166 = tpu.memref_slice %dma_start3A_164[%add3A_148, %dma_start3A_165] : memref<79x128xi32, #tpu.memory_space<hbm>> -> memref<1x128xi32, #tpu.memory_space<hbm>>
      %dma_start3A_167 = arith.constant 0 : i32
      %dma_start3A_168 = arith.constant 0 : i32
      %dma_start3A_169 = tpu.memref_slice %arg5[%add3A, %dma_start3A_167, %dma_start3A_168] : memref<32x79x128xi32, #tpu.memory_space<hbm>> -> memref<1x79x128xi32, #tpu.memory_space<hbm>>
      %dma_start3A_170 = tpu.memref_squeeze %dma_start3A_169 : memref<1x79x128xi32, #tpu.memory_space<hbm>> -> memref<79x128xi32, #tpu.memory_space<hbm>>
      %dma_start3A_171 = arith.constant 0 : i32
      %dma_start3A_172 = tpu.memref_slice %dma_start3A_170[%add3A_148, %dma_start3A_171] : memref<79x128xi32, #tpu.memory_space<hbm>> -> memref<1x128xi32, #tpu.memory_space<hbm>>
      tpu.enqueue_dma source(%dma_start3A_172 : memref<1x128xi32, #tpu.memory_space<hbm>>) target(%arg10 : memref<1x128xi32, #tpu.memory_space<vmem>>) target_semaphore(%arg15 : memref<!tpu.dma_semaphore, #tpu.memory_space<semaphore_mem>>)
      %add3A_173 = arith.constant 2 : i32
      %add3A_174 = arith.addi %mul3A_87, %add3A_173 : i32
      %dma_wait3A_175 = arith.constant 0 : i32
      %dma_wait3A_176 = arith.constant 0 : i32
      %dma_wait3A_177 = tpu.memref_slice %arg3[%add3A, %dma_wait3A_175, %dma_wait3A_176] : memref<32x79x128xi32, #tpu.memory_space<hbm>> -> memref<1x79x128xi32, #tpu.memory_space<hbm>>
      %dma_wait3A_178 = tpu.memref_squeeze %dma_wait3A_177 : memref<1x79x128xi32, #tpu.memory_space<hbm>> -> memref<79x128xi32, #tpu.memory_space<hbm>>
      %dma_wait3A_179 = arith.constant 0 : i32
      %dma_wait3A_180 = tpu.memref_slice %dma_wait3A_178[%add3A_174, %dma_wait3A_179] : memref<79x128xi32, #tpu.memory_space<hbm>> -> memref<1x128xi32, #tpu.memory_space<hbm>>
      %dma_wait3A_181 = arith.constant 0 : i32
      %dma_wait3A_182 = arith.constant 0 : i32
      %dma_wait3A_183 = tpu.memref_slice %arg3[%add3A, %dma_wait3A_181, %dma_wait3A_182] : memref<32x79x128xi32, #tpu.memory_space<hbm>> -> memref<1x79x128xi32, #tpu.memory_space<hbm>>
      %dma_wait3A_184 = tpu.memref_squeeze %dma_wait3A_183 : memref<1x79x128xi32, #tpu.memory_space<hbm>> -> memref<79x128xi32, #tpu.memory_space<hbm>>
      %dma_wait3A_185 = arith.constant 0 : i32
      %dma_wait3A_186 = tpu.memref_slice %dma_wait3A_184[%add3A_174, %dma_wait3A_185] : memref<79x128xi32, #tpu.memory_space<hbm>> -> memref<1x128xi32, #tpu.memory_space<hbm>>
      tpu.wait_dma2 semaphore(%arg15 : memref<!tpu.dma_semaphore, #tpu.memory_space<semaphore_mem>>) src(%dma_wait3A_186 : memref<1x128xi32, #tpu.memory_space<hbm>>) dst(%arg9 : memref<1x128xi32, #tpu.memory_space<vmem>>)
      %dma_wait3A_187 = arith.constant 0 : i32
      %dma_wait3A_188 = arith.constant 0 : i32
      %dma_wait3A_189 = tpu.memref_slice %arg5[%add3A, %dma_wait3A_187, %dma_wait3A_188] : memref<32x79x128xi32, #tpu.memory_space<hbm>> -> memref<1x79x128xi32, #tpu.memory_space<hbm>>
      %dma_wait3A_190 = tpu.memref_squeeze %dma_wait3A_189 : memref<1x79x128xi32, #tpu.memory_space<hbm>> -> memref<79x128xi32, #tpu.memory_space<hbm>>
      %dma_wait3A_191 = arith.constant 0 : i32
      %dma_wait3A_192 = tpu.memref_slice %dma_wait3A_190[%add3A_174, %dma_wait3A_191] : memref<79x128xi32, #tpu.memory_space<hbm>> -> memref<1x128xi32, #tpu.memory_space<hbm>>
      %dma_wait3A_193 = arith.constant 0 : i32
      %dma_wait3A_194 = arith.constant 0 : i32
      %dma_wait3A_195 = tpu.memref_slice %arg5[%add3A, %dma_wait3A_193, %dma_wait3A_194] : memref<32x79x128xi32, #tpu.memory_space<hbm>> -> memref<1x79x128xi32, #tpu.memory_space<hbm>>
      %dma_wait3A_196 = tpu.memref_squeeze %dma_wait3A_195 : memref<1x79x128xi32, #tpu.memory_space<hbm>> -> memref<79x128xi32, #tpu.memory_space<hbm>>
      %dma_wait3A_197 = arith.constant 0 : i32
      %dma_wait3A_198 = tpu.memref_slice %dma_wait3A_196[%add3A_174, %dma_wait3A_197] : memref<79x128xi32, #tpu.memory_space<hbm>> -> memref<1x128xi32, #tpu.memory_space<hbm>>
      tpu.wait_dma2 semaphore(%arg15 : memref<!tpu.dma_semaphore, #tpu.memory_space<semaphore_mem>>) src(%dma_wait3A_198 : memref<1x128xi32, #tpu.memory_space<hbm>>) dst(%arg10 : memref<1x128xi32, #tpu.memory_space<vmem>>)
      %dma_wait3A_199 = arith.constant 0 : i32
      %dma_wait3A_200 = tpu.memref_slice %arg8[%mul3A_87, %dma_wait3A_199] : memref<79x128xi32, #tpu.memory_space<vmem>> -> memref<1x128xi32, #tpu.memory_space<vmem>>
      %dma_wait3A_201 = tpu.memref_squeeze %dma_wait3A_200 : memref<1x128xi32, #tpu.memory_space<vmem>> -> memref<128xi32, #tpu.memory_space<vmem>>
      %dma_wait3A_202 = arith.constant 0 : i32
      %dma_wait3A_203 = arith.constant 0 : i32
      %dma_wait3A_204 = tpu.memref_slice %arg7[%dma_wait3A_202, %dma_wait3A_203] : memref<10240x128xf32, #tpu.memory_space<vmem_shared>> -> memref<10240x128xf32, #tpu.memory_space<vmem_shared>>
      tpu.wait_indirect_dma semaphore(%arg19 : memref<!tpu.dma_semaphore, #tpu.memory_space<semaphore_mem>>) src(%arg13 : memref<128x128xf32, #tpu.memory_space<vmem>>) dst(%dma_wait3A_204 : memref<10240x128xf32, #tpu.memory_space<vmem_shared>>)
      %dma_start3A_205 = arith.constant 0 : i32
      %dma_start3A_206 = arith.constant 0 : i32
      %dma_start3A_207 = tpu.memref_slice %arg9[%dma_start3A_205, %dma_start3A_206] : memref<1x128xi32, #tpu.memory_space<vmem>> -> memref<1x128xi32, #tpu.memory_space<vmem>>
      %dma_start3A_208 = tpu.memref_squeeze %dma_start3A_207 : memref<1x128xi32, #tpu.memory_space<vmem>> -> memref<128xi32, #tpu.memory_space<vmem>>
      %dma_start3A_209 = arith.constant 0 : i32
      %dma_start3A_210 = arith.constant 0 : i32
      %dma_start3A_211 = tpu.memref_slice %arg2[%arg0, %dma_start3A_209, %dma_start3A_210] : memref<2x10000x128xf32, #tpu.memory_space<hbm>> -> memref<1x10000x128xf32, #tpu.memory_space<hbm>>
      %dma_start3A_212 = tpu.memref_squeeze %dma_start3A_211 : memref<1x10000x128xf32, #tpu.memory_space<hbm>> -> memref<10000x128xf32, #tpu.memory_space<hbm>>
      %dma_start3A_213 = arith.constant 0 : i32
      %dma_start3A_214 = arith.constant 0 : i32
      %dma_start3A_215 = tpu.memref_slice %dma_start3A_212[%dma_start3A_213, %dma_start3A_214] : memref<10000x128xf32, #tpu.memory_space<hbm>> -> memref<10000x128xf32, #tpu.memory_space<hbm>>
      tpu.enqueue_indirect_dma source(%dma_start3A_215 : memref<10000x128xf32, #tpu.memory_space<hbm>>) target(%arg13 : memref<128x128xf32, #tpu.memory_space<vmem>>) offsets(%dma_start3A_208 : memref<128xi32, #tpu.memory_space<vmem>>) semaphore(%arg17 : memref<!tpu.dma_semaphore, #tpu.memory_space<semaphore_mem>>)
      %dma_wait3A_216 = arith.constant 0 : i32
      %dma_wait3A_217 = arith.constant 0 : i32
      %dma_wait3A_218 = tpu.memref_slice %arg11[%dma_wait3A_216, %dma_wait3A_217] : memref<1x128xi32, #tpu.memory_space<vmem>> -> memref<1x128xi32, #tpu.memory_space<vmem>>
      %dma_wait3A_219 = tpu.memref_squeeze %dma_wait3A_218 : memref<1x128xi32, #tpu.memory_space<vmem>> -> memref<128xi32, #tpu.memory_space<vmem>>
      %dma_wait3A_220 = arith.constant 0 : i32
      %dma_wait3A_221 = arith.constant 0 : i32
      %dma_wait3A_222 = tpu.memref_slice %arg2[%arg0, %dma_wait3A_220, %dma_wait3A_221] : memref<2x10000x128xf32, #tpu.memory_space<hbm>> -> memref<1x10000x128xf32, #tpu.memory_space<hbm>>
      %dma_wait3A_223 = tpu.memref_squeeze %dma_wait3A_222 : memref<1x10000x128xf32, #tpu.memory_space<hbm>> -> memref<10000x128xf32, #tpu.memory_space<hbm>>
      %dma_wait3A_224 = arith.constant 0 : i32
      %dma_wait3A_225 = arith.constant 0 : i32
      %dma_wait3A_226 = tpu.memref_slice %dma_wait3A_223[%dma_wait3A_224, %dma_wait3A_225] : memref<10000x128xf32, #tpu.memory_space<hbm>> -> memref<10000x128xf32, #tpu.memory_space<hbm>>
      tpu.wait_indirect_dma semaphore(%arg18 : memref<!tpu.dma_semaphore, #tpu.memory_space<semaphore_mem>>) src(%dma_wait3A_226 : memref<10000x128xf32, #tpu.memory_space<hbm>>) dst(%arg14 : memref<128x128xf32, #tpu.memory_space<vmem>>)
      %parallel_loop3A_227 = arith.constant 0 : i32
      %parallel_loop3A_228 = arith.constant 128 : i32
      %parallel_loop3A_229 = arith.constant 1 : i32
      scf.for %parallel_loop3A_244 = %parallel_loop3A_227 to %parallel_loop3A_228 step %parallel_loop3A_229  : i32 {
        %parallel_loop3A_245 = arith.constant 0 : i32
        %parallel_loop3A_246 = vector.broadcast %parallel_loop3A_245 : i32 to vector<16xi32>
        %parallel_loop3A_247 = vector.broadcast %parallel_loop3A_244 : i32 to vector<16xi32>
        %parallel_loop3A_248 = tpu.vector_load_idx %arg12[%parallel_loop3A_246, %parallel_loop3A_247] : memref<1x128xi32, #tpu.memory_space<vmem>>[vector<16xi32>, vector<16xi32>], vector<16xi32>,
        %parallel_loop3A_249 = vector.bitcast %parallel_loop3A_248 : vector<16xi32> to vector<16xf32>
        %parallel_loop3A_250 = arith.index_cast %parallel_loop3A_244 : i32 to index
        %parallel_loop3A_251 = arith.constant 0 : index
        %parallel_loop3A_252 = tpu.vector_load %arg14[%parallel_loop3A_250, %parallel_loop3A_251] {strides = array<i32>} : memref<128x128xf32, #tpu.memory_space<vmem>>, vector<16xf32>,
        %parallel_loop3A_253 = arith.mulf %parallel_loop3A_252, %parallel_loop3A_249 : vector<16xf32>
        %parallel_loop3A_254 = arith.index_cast %parallel_loop3A_244 : i32 to index
        %parallel_loop3A_255 = arith.constant 0 : index
        %parallel_loop3A_256 = tpu.vector_load %arg14[%parallel_loop3A_254, %parallel_loop3A_255] {strides = array<i32>} : memref<128x128xf32, #tpu.memory_space<vmem>>, vector<16xf32>,
        tpu.vector_store %arg14[%parallel_loop3A_254, %parallel_loop3A_255], %parallel_loop3A_253 {strides = array<i32>} : memref<128x128xf32, #tpu.memory_space<vmem>>, vector<16xf32>,
        %parallel_loop3A_257 = arith.index_cast %parallel_loop3A_244 : i32 to index
        %parallel_loop3A_258 = arith.constant 16 : index
        %parallel_loop3A_259 = tpu.vector_load %arg14[%parallel_loop3A_257, %parallel_loop3A_258] {strides = array<i32>} : memref<128x128xf32, #tpu.memory_space<vmem>>, vector<16xf32>,
        %parallel_loop3A_260 = arith.mulf %parallel_loop3A_259, %parallel_loop3A_249 : vector<16xf32>
        %parallel_loop3A_261 = arith.index_cast %parallel_loop3A_244 : i32 to index
        %parallel_loop3A_262 = arith.constant 16 : index
        %parallel_loop3A_263 = tpu.vector_load %arg14[%parallel_loop3A_261, %parallel_loop3A_262] {strides = array<i32>} : memref<128x128xf32, #tpu.memory_space<vmem>>, vector<16xf32>,
        tpu.vector_store %arg14[%parallel_loop3A_261, %parallel_loop3A_262], %parallel_loop3A_260 {strides = array<i32>} : memref<128x128xf32, #tpu.memory_space<vmem>>, vector<16xf32>,
        %parallel_loop3A_264 = arith.index_cast %parallel_loop3A_244 : i32 to index
        %parallel_loop3A_265 = arith.constant 32 : index
        %parallel_loop3A_266 = tpu.vector_load %arg14[%parallel_loop3A_264, %parallel_loop3A_265] {strides = array<i32>} : memref<128x128xf32, #tpu.memory_space<vmem>>, vector<16xf32>,
        %parallel_loop3A_267 = arith.mulf %parallel_loop3A_266, %parallel_loop3A_249 : vector<16xf32>
        %parallel_loop3A_268 = arith.index_cast %parallel_loop3A_244 : i32 to index
        %parallel_loop3A_269 = arith.constant 32 : index
        %parallel_loop3A_270 = tpu.vector_load %arg14[%parallel_loop3A_268, %parallel_loop3A_269] {strides = array<i32>} : memref<128x128xf32, #tpu.memory_space<vmem>>, vector<16xf32>,
        tpu.vector_store %arg14[%parallel_loop3A_268, %parallel_loop3A_269], %parallel_loop3A_267 {strides = array<i32>} : memref<128x128xf32, #tpu.memory_space<vmem>>, vector<16xf32>,
        %parallel_loop3A_271 = arith.index_cast %parallel_loop3A_244 : i32 to index
        %parallel_loop3A_272 = arith.constant 48 : index
        %parallel_loop3A_273 = tpu.vector_load %arg14[%parallel_loop3A_271, %parallel_loop3A_272] {strides = array<i32>} : memref<128x128xf32, #tpu.memory_space<vmem>>, vector<16xf32>,
        %parallel_loop3A_274 = arith.mulf %parallel_loop3A_273, %parallel_loop3A_249 : vector<16xf32>
        %parallel_loop3A_275 = arith.index_cast %parallel_loop3A_244 : i32 to index
        %parallel_loop3A_276 = arith.constant 48 : index
        %parallel_loop3A_277 = tpu.vector_load %arg14[%parallel_loop3A_275, %parallel_loop3A_276] {strides = array<i32>} : memref<128x128xf32, #tpu.memory_space<vmem>>, vector<16xf32>,
        tpu.vector_store %arg14[%parallel_loop3A_275, %parallel_loop3A_276], %parallel_loop3A_274 {strides = array<i32>} : memref<128x128xf32, #tpu.memory_space<vmem>>, vector<16xf32>,
        %parallel_loop3A_278 = arith.index_cast %parallel_loop3A_244 : i32 to index
        %parallel_loop3A_279 = arith.constant 64 : index
        %parallel_loop3A_280 = tpu.vector_load %arg14[%parallel_loop3A_278, %parallel_loop3A_279] {strides = array<i32>} : memref<128x128xf32, #tpu.memory_space<vmem>>, vector<16xf32>,
        %parallel_loop3A_281 = arith.mulf %parallel_loop3A_280, %parallel_loop3A_249 : vector<16xf32>
        %parallel_loop3A_282 = arith.index_cast %parallel_loop3A_244 : i32 to index
        %parallel_loop3A_283 = arith.constant 64 : index
        %parallel_loop3A_284 = tpu.vector_load %arg14[%parallel_loop3A_282, %parallel_loop3A_283] {strides = array<i32>} : memref<128x128xf32, #tpu.memory_space<vmem>>, vector<16xf32>,
        tpu.vector_store %arg14[%parallel_loop3A_282, %parallel_loop3A_283], %parallel_loop3A_281 {strides = array<i32>} : memref<128x128xf32, #tpu.memory_space<vmem>>, vector<16xf32>,
        %parallel_loop3A_285 = arith.index_cast %parallel_loop3A_244 : i32 to index
        %parallel_loop3A_286 = arith.constant 80 : index
        %parallel_loop3A_287 = tpu.vector_load %arg14[%parallel_loop3A_285, %parallel_loop3A_286] {strides = array<i32>} : memref<128x128xf32, #tpu.memory_space<vmem>>, vector<16xf32>,
        %parallel_loop3A_288 = arith.mulf %parallel_loop3A_287, %parallel_loop3A_249 : vector<16xf32>
        %parallel_loop3A_289 = arith.index_cast %parallel_loop3A_244 : i32 to index
        %parallel_loop3A_290 = arith.constant 80 : index
        %parallel_loop3A_291 = tpu.vector_load %arg14[%parallel_loop3A_289, %parallel_loop3A_290] {strides = array<i32>} : memref<128x128xf32, #tpu.memory_space<vmem>>, vector<16xf32>,
        tpu.vector_store %arg14[%parallel_loop3A_289, %parallel_loop3A_290], %parallel_loop3A_288 {strides = array<i32>} : memref<128x128xf32, #tpu.memory_space<vmem>>, vector<16xf32>,
        %parallel_loop3A_292 = arith.index_cast %parallel_loop3A_244 : i32 to index
        %parallel_loop3A_293 = arith.constant 96 : index
        %parallel_loop3A_294 = tpu.vector_load %arg14[%parallel_loop3A_292, %parallel_loop3A_293] {strides = array<i32>} : memref<128x128xf32, #tpu.memory_space<vmem>>, vector<16xf32>,
        %parallel_loop3A_295 = arith.mulf %parallel_loop3A_294, %parallel_loop3A_249 : vector<16xf32>
        %parallel_loop3A_296 = arith.index_cast %parallel_loop3A_244 : i32 to index
        %parallel_loop3A_297 = arith.constant 96 : index
        %parallel_loop3A_298 = tpu.vector_load %arg14[%parallel_loop3A_296, %parallel_loop3A_297] {strides = array<i32>} : memref<128x128xf32, #tpu.memory_space<vmem>>, vector<16xf32>,
        tpu.vector_store %arg14[%parallel_loop3A_296, %parallel_loop3A_297], %parallel_loop3A_295 {strides = array<i32>} : memref<128x128xf32, #tpu.memory_space<vmem>>, vector<16xf32>,
        %parallel_loop3A_299 = arith.index_cast %parallel_loop3A_244 : i32 to index
        %parallel_loop3A_300 = arith.constant 112 : index
        %parallel_loop3A_301 = tpu.vector_load %arg14[%parallel_loop3A_299, %parallel_loop3A_300] {strides = array<i32>} : memref<128x128xf32, #tpu.memory_space<vmem>>, vector<16xf32>,
        %parallel_loop3A_302 = arith.mulf %parallel_loop3A_301, %parallel_loop3A_249 : vector<16xf32>
        %parallel_loop3A_303 = arith.index_cast %parallel_loop3A_244 : i32 to index
        %parallel_loop3A_304 = arith.constant 112 : index
        %parallel_loop3A_305 = tpu.vector_load %arg14[%parallel_loop3A_303, %parallel_loop3A_304] {strides = array<i32>} : memref<128x128xf32, #tpu.memory_space<vmem>>, vector<16xf32>,
        tpu.vector_store %arg14[%parallel_loop3A_303, %parallel_loop3A_304], %parallel_loop3A_302 {strides = array<i32>} : memref<128x128xf32, #tpu.memory_space<vmem>>, vector<16xf32>,
      } {sc.loop_unroll_factor = 4 : i64, sc.parallel_access}
      %add3A_230 = arith.constant 1 : i32
      %add3A_231 = arith.addi %mul3A_87, %add3A_230 : i32
      %dma_start3A_232 = arith.constant 0 : i32
      %dma_start3A_233 = tpu.memref_slice %arg8[%add3A_231, %dma_start3A_232] : memref<79x128xi32, #tpu.memory_space<vmem>> -> memref<1x128xi32, #tpu.memory_space<vmem>>
      %dma_start3A_234 = tpu.memref_squeeze %dma_start3A_233 : memref<1x128xi32, #tpu.memory_space<vmem>> -> memref<128xi32, #tpu.memory_space<vmem>>
      %dma_start3A_235 = arith.constant 0 : i32
      %dma_start3A_236 = arith.constant 0 : i32
      %dma_start3A_237 = tpu.memref_slice %arg7[%dma_start3A_235, %dma_start3A_236] : memref<10240x128xf32, #tpu.memory_space<vmem_shared>> -> memref<10240x128xf32, #tpu.memory_space<vmem_shared>>
      tpu.enqueue_indirect_dma source(%arg14 : memref<128x128xf32, #tpu.memory_space<vmem>>) target(%dma_start3A_237 : memref<10240x128xf32, #tpu.memory_space<vmem_shared>>) offsets(%dma_start3A_234 : memref<128xi32, #tpu.memory_space<vmem>>) semaphore(%arg20 : memref<!tpu.dma_semaphore, #tpu.memory_space<semaphore_mem>>) {add = true}
      %add3A_238 = arith.constant 3 : i32
      %add3A_239 = arith.addi %mul3A_87, %add3A_238 : i32
      %lt3A = arith.constant 79 : i32
      %lt3A_240 = arith.cmpi slt, %add3A_239, %lt3A : i32
      %convert_element_type3A_241 = arith.extui %lt3A_240 : i1 to i32
      %cond3A_242 = arith.constant 0 : i32
      %cond3A_243 = arith.cmpi ne, %convert_element_type3A_241, %cond3A_242 : i32
      scf.if %cond3A_243 {
        %add3A_244 = arith.constant 3 : i32
        %add3A_245 = arith.addi %mul3A_87, %add3A_244 : i32
        %dma_start3A_246 = arith.constant 0 : i32
        %dma_start3A_247 = arith.constant 0 : i32
        %dma_start3A_248 = tpu.memref_slice %arg3[%add3A, %dma_start3A_246, %dma_start3A_247] : memref<32x79x128xi32, #tpu.memory_space<hbm>> -> memref<1x79x128xi32, #tpu.memory_space<hbm>>
        %dma_start3A_249 = tpu.memref_squeeze %dma_start3A_248 : memref<1x79x128xi32, #tpu.memory_space<hbm>> -> memref<79x128xi32, #tpu.memory_space<hbm>>
        %dma_start3A_250 = arith.constant 0 : i32
        %dma_start3A_251 = tpu.memref_slice %dma_start3A_249[%add3A_245, %dma_start3A_250] : memref<79x128xi32, #tpu.memory_space<hbm>> -> memref<1x128xi32, #tpu.memory_space<hbm>>
        %dma_start3A_252 = arith.constant 0 : i32
        %dma_start3A_253 = arith.constant 0 : i32
        %dma_start3A_254 = tpu.memref_slice %arg3[%add3A, %dma_start3A_252, %dma_start3A_253] : memref<32x79x128xi32, #tpu.memory_space<hbm>> -> memref<1x79x128xi32, #tpu.memory_space<hbm>>
        %dma_start3A_255 = tpu.memref_squeeze %dma_start3A_254 : memref<1x79x128xi32, #tpu.memory_space<hbm>> -> memref<79x128xi32, #tpu.memory_space<hbm>>
        %dma_start3A_256 = arith.constant 0 : i32
        %dma_start3A_257 = tpu.memref_slice %dma_start3A_255[%add3A_245, %dma_start3A_256] : memref<79x128xi32, #tpu.memory_space<hbm>> -> memref<1x128xi32, #tpu.memory_space<hbm>>
        tpu.enqueue_dma source(%dma_start3A_257 : memref<1x128xi32, #tpu.memory_space<hbm>>) target(%arg11 : memref<1x128xi32, #tpu.memory_space<vmem>>) target_semaphore(%arg16 : memref<!tpu.dma_semaphore, #tpu.memory_space<semaphore_mem>>)
        %dma_start3A_258 = arith.constant 0 : i32
        %dma_start3A_259 = arith.constant 0 : i32
        %dma_start3A_260 = tpu.memref_slice %arg5[%add3A, %dma_start3A_258, %dma_start3A_259] : memref<32x79x128xi32, #tpu.memory_space<hbm>> -> memref<1x79x128xi32, #tpu.memory_space<hbm>>
        %dma_start3A_261 = tpu.memref_squeeze %dma_start3A_260 : memref<1x79x128xi32, #tpu.memory_space<hbm>> -> memref<79x128xi32, #tpu.memory_space<hbm>>
        %dma_start3A_262 = arith.constant 0 : i32
        %dma_start3A_263 = tpu.memref_slice %dma_start3A_261[%add3A_245, %dma_start3A_262] : memref<79x128xi32, #tpu.memory_space<hbm>> -> memref<1x128xi32, #tpu.memory_space<hbm>>
        %dma_start3A_264 = arith.constant 0 : i32
        %dma_start3A_265 = arith.constant 0 : i32
        %dma_start3A_266 = tpu.memref_slice %arg5[%add3A, %dma_start3A_264, %dma_start3A_265] : memref<32x79x128xi32, #tpu.memory_space<hbm>> -> memref<1x79x128xi32, #tpu.memory_space<hbm>>
        %dma_start3A_267 = tpu.memref_squeeze %dma_start3A_266 : memref<1x79x128xi32, #tpu.memory_space<hbm>> -> memref<79x128xi32, #tpu.memory_space<hbm>>
        %dma_start3A_268 = arith.constant 0 : i32
        %dma_start3A_269 = tpu.memref_slice %dma_start3A_267[%add3A_245, %dma_start3A_268] : memref<79x128xi32, #tpu.memory_space<hbm>> -> memref<1x128xi32, #tpu.memory_space<hbm>>
        tpu.enqueue_dma source(%dma_start3A_269 : memref<1x128xi32, #tpu.memory_space<hbm>>) target(%arg12 : memref<1x128xi32, #tpu.memory_space<vmem>>) target_semaphore(%arg16 : memref<!tpu.dma_semaphore, #tpu.memory_space<semaphore_mem>>)
      } else {
      }
    }
    %scan3A_60 = arith.constant 39 : i32
    %dma_wait3A = arith.constant 77 : i32
    %dma_wait3A_61 = arith.constant 0 : i32
    %dma_wait3A_62 = tpu.memref_slice %arg8[%dma_wait3A, %dma_wait3A_61] : memref<79x128xi32, #tpu.memory_space<vmem>> -> memref<1x128xi32, #tpu.memory_space<vmem>>
    %dma_wait3A_63 = tpu.memref_squeeze %dma_wait3A_62 : memref<1x128xi32, #tpu.memory_space<vmem>> -> memref<128xi32, #tpu.memory_space<vmem>>
    %dma_wait3A_64 = arith.constant 0 : i32
    %dma_wait3A_65 = arith.constant 0 : i32
    %dma_wait3A_66 = tpu.memref_slice %arg7[%dma_wait3A_64, %dma_wait3A_65] : memref<10240x128xf32, #tpu.memory_space<vmem_shared>> -> memref<10240x128xf32, #tpu.memory_space<vmem_shared>>
    tpu.wait_indirect_dma semaphore(%arg20 : memref<!tpu.dma_semaphore, #tpu.memory_space<semaphore_mem>>) src(%arg14 : memref<128x128xf32, #tpu.memory_space<vmem>>) dst(%dma_wait3A_66 : memref<10240x128xf32, #tpu.memory_space<vmem_shared>>)
    %dma_wait3A_67 = arith.constant 0 : i32
    %dma_wait3A_68 = arith.constant 0 : i32
    %dma_wait3A_69 = tpu.memref_slice %arg9[%dma_wait3A_67, %dma_wait3A_68] : memref<1x128xi32, #tpu.memory_space<vmem>> -> memref<1x128xi32, #tpu.memory_space<vmem>>
    %dma_wait3A_70 = tpu.memref_squeeze %dma_wait3A_69 : memref<1x128xi32, #tpu.memory_space<vmem>> -> memref<128xi32, #tpu.memory_space<vmem>>
    %dma_wait3A_71 = arith.constant 0 : i32
    %dma_wait3A_72 = arith.constant 0 : i32
    %dma_wait3A_73 = tpu.memref_slice %arg2[%arg0, %dma_wait3A_71, %dma_wait3A_72] : memref<2x10000x128xf32, #tpu.memory_space<hbm>> -> memref<1x10000x128xf32, #tpu.memory_space<hbm>>
    %dma_wait3A_74 = tpu.memref_squeeze %dma_wait3A_73 : memref<1x10000x128xf32, #tpu.memory_space<hbm>> -> memref<10000x128xf32, #tpu.memory_space<hbm>>
    %dma_wait3A_75 = arith.constant 0 : i32
    %dma_wait3A_76 = arith.constant 0 : i32
    %dma_wait3A_77 = tpu.memref_slice %dma_wait3A_74[%dma_wait3A_75, %dma_wait3A_76] : memref<10000x128xf32, #tpu.memory_space<hbm>> -> memref<10000x128xf32, #tpu.memory_space<hbm>>
    tpu.wait_indirect_dma semaphore(%arg17 : memref<!tpu.dma_semaphore, #tpu.memory_space<semaphore_mem>>) src(%dma_wait3A_77 : memref<10000x128xf32, #tpu.memory_space<hbm>>) dst(%arg13 : memref<128x128xf32, #tpu.memory_space<vmem>>)
    %parallel_loop3A = arith.constant 0 : i32
    %parallel_loop3A_78 = arith.constant 128 : i32
    %parallel_loop3A_79 = arith.constant 1 : i32
    scf.for %parallel_loop3A_81 = %parallel_loop3A to %parallel_loop3A_78 step %parallel_loop3A_79  : i32 {
      %parallel_loop3A_82 = arith.constant 0 : i32
      %parallel_loop3A_83 = vector.broadcast %parallel_loop3A_82 : i32 to vector<16xi32>
      %parallel_loop3A_84 = vector.broadcast %parallel_loop3A_81 : i32 to vector<16xi32>
      %parallel_loop3A_85 = tpu.vector_load_idx %arg10[%parallel_loop3A_83, %parallel_loop3A_84] : memref<1x128xi32, #tpu.memory_space<vmem>>[vector<16xi32>, vector<16xi32>], vector<16xi32>,
      %parallel_loop3A_86 = vector.bitcast %parallel_loop3A_85 : vector<16xi32> to vector<16xf32>
      %parallel_loop3A_87 = arith.index_cast %parallel_loop3A_81 : i32 to index
      %parallel_loop3A_88 = arith.constant 0 : index
      %parallel_loop3A_89 = tpu.vector_load %arg13[%parallel_loop3A_87, %parallel_loop3A_88] {strides = array<i32>} : memref<128x128xf32, #tpu.memory_space<vmem>>, vector<16xf32>,
      %parallel_loop3A_90 = arith.mulf %parallel_loop3A_89, %parallel_loop3A_86 : vector<16xf32>
      %parallel_loop3A_91 = arith.index_cast %parallel_loop3A_81 : i32 to index
      %parallel_loop3A_92 = arith.constant 0 : index
      %parallel_loop3A_93 = tpu.vector_load %arg13[%parallel_loop3A_91, %parallel_loop3A_92] {strides = array<i32>} : memref<128x128xf32, #tpu.memory_space<vmem>>, vector<16xf32>,
      tpu.vector_store %arg13[%parallel_loop3A_91, %parallel_loop3A_92], %parallel_loop3A_90 {strides = array<i32>} : memref<128x128xf32, #tpu.memory_space<vmem>>, vector<16xf32>,
      %parallel_loop3A_94 = arith.index_cast %parallel_loop3A_81 : i32 to index
      %parallel_loop3A_95 = arith.constant 16 : index
      %parallel_loop3A_96 = tpu.vector_load %arg13[%parallel_loop3A_94, %parallel_loop3A_95] {strides = array<i32>} : memref<128x128xf32, #tpu.memory_space<vmem>>, vector<16xf32>,
      %parallel_loop3A_97 = arith.mulf %parallel_loop3A_96, %parallel_loop3A_86 : vector<16xf32>
      %parallel_loop3A_98 = arith.index_cast %parallel_loop3A_81 : i32 to index
      %parallel_loop3A_99 = arith.constant 16 : index
      %parallel_loop3A_100 = tpu.vector_load %arg13[%parallel_loop3A_98, %parallel_loop3A_99] {strides = array<i32>} : memref<128x128xf32, #tpu.memory_space<vmem>>, vector<16xf32>,
      tpu.vector_store %arg13[%parallel_loop3A_98, %parallel_loop3A_99], %parallel_loop3A_97 {strides = array<i32>} : memref<128x128xf32, #tpu.memory_space<vmem>>, vector<16xf32>,
      %parallel_loop3A_101 = arith.index_cast %parallel_loop3A_81 : i32 to index
      %parallel_loop3A_102 = arith.constant 32 : index
      %parallel_loop3A_103 = tpu.vector_load %arg13[%parallel_loop3A_101, %parallel_loop3A_102] {strides = array<i32>} : memref<128x128xf32, #tpu.memory_space<vmem>>, vector<16xf32>,
      %parallel_loop3A_104 = arith.mulf %parallel_loop3A_103, %parallel_loop3A_86 : vector<16xf32>
      %parallel_loop3A_105 = arith.index_cast %parallel_loop3A_81 : i32 to index
      %parallel_loop3A_106 = arith.constant 32 : index
      %parallel_loop3A_107 = tpu.vector_load %arg13[%parallel_loop3A_105, %parallel_loop3A_106] {strides = array<i32>} : memref<128x128xf32, #tpu.memory_space<vmem>>, vector<16xf32>,
      tpu.vector_store %arg13[%parallel_loop3A_105, %parallel_loop3A_106], %parallel_loop3A_104 {strides = array<i32>} : memref<128x128xf32, #tpu.memory_space<vmem>>, vector<16xf32>,
      %parallel_loop3A_108 = arith.index_cast %parallel_loop3A_81 : i32 to index
      %parallel_loop3A_109 = arith.constant 48 : index
      %parallel_loop3A_110 = tpu.vector_load %arg13[%parallel_loop3A_108, %parallel_loop3A_109] {strides = array<i32>} : memref<128x128xf32, #tpu.memory_space<vmem>>, vector<16xf32>,
      %parallel_loop3A_111 = arith.mulf %parallel_loop3A_110, %parallel_loop3A_86 : vector<16xf32>
      %parallel_loop3A_112 = arith.index_cast %parallel_loop3A_81 : i32 to index
      %parallel_loop3A_113 = arith.constant 48 : index
      %parallel_loop3A_114 = tpu.vector_load %arg13[%parallel_loop3A_112, %parallel_loop3A_113] {strides = array<i32>} : memref<128x128xf32, #tpu.memory_space<vmem>>, vector<16xf32>,
      tpu.vector_store %arg13[%parallel_loop3A_112, %parallel_loop3A_113], %parallel_loop3A_111 {strides = array<i32>} : memref<128x128xf32, #tpu.memory_space<vmem>>, vector<16xf32>,
      %parallel_loop3A_115 = arith.index_cast %parallel_loop3A_81 : i32 to index
      %parallel_loop3A_116 = arith.constant 64 : index
      %parallel_loop3A_117 = tpu.vector_load %arg13[%parallel_loop3A_115, %parallel_loop3A_116] {strides = array<i32>} : memref<128x128xf32, #tpu.memory_space<vmem>>, vector<16xf32>,
      %parallel_loop3A_118 = arith.mulf %parallel_loop3A_117, %parallel_loop3A_86 : vector<16xf32>
      %parallel_loop3A_119 = arith.index_cast %parallel_loop3A_81 : i32 to index
      %parallel_loop3A_120 = arith.constant 64 : index
      %parallel_loop3A_121 = tpu.vector_load %arg13[%parallel_loop3A_119, %parallel_loop3A_120] {strides = array<i32>} : memref<128x128xf32, #tpu.memory_space<vmem>>, vector<16xf32>,
      tpu.vector_store %arg13[%parallel_loop3A_119, %parallel_loop3A_120], %parallel_loop3A_118 {strides = array<i32>} : memref<128x128xf32, #tpu.memory_space<vmem>>, vector<16xf32>,
      %parallel_loop3A_122 = arith.index_cast %parallel_loop3A_81 : i32 to index
      %parallel_loop3A_123 = arith.constant 80 : index
      %parallel_loop3A_124 = tpu.vector_load %arg13[%parallel_loop3A_122, %parallel_loop3A_123] {strides = array<i32>} : memref<128x128xf32, #tpu.memory_space<vmem>>, vector<16xf32>,
      %parallel_loop3A_125 = arith.mulf %parallel_loop3A_124, %parallel_loop3A_86 : vector<16xf32>
      %parallel_loop3A_126 = arith.index_cast %parallel_loop3A_81 : i32 to index
      %parallel_loop3A_127 = arith.constant 80 : index
      %parallel_loop3A_128 = tpu.vector_load %arg13[%parallel_loop3A_126, %parallel_loop3A_127] {strides = array<i32>} : memref<128x128xf32, #tpu.memory_space<vmem>>, vector<16xf32>,
      tpu.vector_store %arg13[%parallel_loop3A_126, %parallel_loop3A_127], %parallel_loop3A_125 {strides = array<i32>} : memref<128x128xf32, #tpu.memory_space<vmem>>, vector<16xf32>,
      %parallel_loop3A_129 = arith.index_cast %parallel_loop3A_81 : i32 to index
      %parallel_loop3A_130 = arith.constant 96 : index
      %parallel_loop3A_131 = tpu.vector_load %arg13[%parallel_loop3A_129, %parallel_loop3A_130] {strides = array<i32>} : memref<128x128xf32, #tpu.memory_space<vmem>>, vector<16xf32>,
      %parallel_loop3A_132 = arith.mulf %parallel_loop3A_131, %parallel_loop3A_86 : vector<16xf32>
      %parallel_loop3A_133 = arith.index_cast %parallel_loop3A_81 : i32 to index
      %parallel_loop3A_134 = arith.constant 96 : index
      %parallel_loop3A_135 = tpu.vector_load %arg13[%parallel_loop3A_133, %parallel_loop3A_134] {strides = array<i32>} : memref<128x128xf32, #tpu.memory_space<vmem>>, vector<16xf32>,
      tpu.vector_store %arg13[%parallel_loop3A_133, %parallel_loop3A_134], %parallel_loop3A_132 {strides = array<i32>} : memref<128x128xf32, #tpu.memory_space<vmem>>, vector<16xf32>,
      %parallel_loop3A_136 = arith.index_cast %parallel_loop3A_81 : i32 to index
      %parallel_loop3A_137 = arith.constant 112 : index
      %parallel_loop3A_138 = tpu.vector_load %arg13[%parallel_loop3A_136, %parallel_loop3A_137] {strides = array<i32>} : memref<128x128xf32, #tpu.memory_space<vmem>>, vector<16xf32>,
      %parallel_loop3A_139 = arith.mulf %parallel_loop3A_138, %parallel_loop3A_86 : vector<16xf32>
      %parallel_loop3A_140 = arith.index_cast %parallel_loop3A_81 : i32 to index
      %parallel_loop3A_141 = arith.constant 112 : index
      %parallel_loop3A_142 = tpu.vector_load %arg13[%parallel_loop3A_140, %parallel_loop3A_141] {strides = array<i32>} : memref<128x128xf32, #tpu.memory_space<vmem>>, vector<16xf32>,
      tpu.vector_store %arg13[%parallel_loop3A_140, %parallel_loop3A_141], %parallel_loop3A_139 {strides = array<i32>} : memref<128x128xf32, #tpu.memory_space<vmem>>, vector<16xf32>,
    } {sc.loop_unroll_factor = 4 : i64, sc.parallel_access}
    %run_scoped3A = arith.constant 78 : i32
    "tpu.region"() ({
      %run_scoped3A_81 = tpu.sem_alloc : memref<!tpu.dma_semaphore, #tpu.memory_space<semaphore_mem>>
      %dma_start3A_82 = arith.constant 0 : i32
      %dma_start3A_83 = tpu.memref_slice %arg8[%run_scoped3A, %dma_start3A_82] : memref<79x128xi32, #tpu.memory_space<vmem>> -> memref<1x128xi32, #tpu.memory_space<vmem>>
      %dma_start3A_84 = tpu.memref_squeeze %dma_start3A_83 : memref<1x128xi32, #tpu.memory_space<vmem>> -> memref<128xi32, #tpu.memory_space<vmem>>
      %dma_start3A_85 = arith.constant 0 : i32
      %dma_start3A_86 = arith.constant 0 : i32
      %dma_start3A_87 = tpu.memref_slice %arg7[%dma_start3A_85, %dma_start3A_86] : memref<10240x128xf32, #tpu.memory_space<vmem_shared>> -> memref<10240x128xf32, #tpu.memory_space<vmem_shared>>
      tpu.enqueue_indirect_dma source(%arg13 : memref<128x128xf32, #tpu.memory_space<vmem>>) target(%dma_start3A_87 : memref<10240x128xf32, #tpu.memory_space<vmem_shared>>) offsets(%dma_start3A_84 : memref<128xi32, #tpu.memory_space<vmem>>) semaphore(%run_scoped3A_81 : memref<!tpu.dma_semaphore, #tpu.memory_space<semaphore_mem>>) {add = true}
      %dma_wait3A_88 = arith.constant 0 : i32
      %dma_wait3A_89 = tpu.memref_slice %arg8[%run_scoped3A, %dma_wait3A_88] : memref<79x128xi32, #tpu.memory_space<vmem>> -> memref<1x128xi32, #tpu.memory_space<vmem>>
      %dma_wait3A_90 = tpu.memref_squeeze %dma_wait3A_89 : memref<1x128xi32, #tpu.memory_space<vmem>> -> memref<128xi32, #tpu.memory_space<vmem>>
      %dma_wait3A_91 = arith.constant 0 : i32
      %dma_wait3A_92 = arith.constant 0 : i32
      %dma_wait3A_93 = tpu.memref_slice %arg7[%dma_wait3A_91, %dma_wait3A_92] : memref<10240x128xf32, #tpu.memory_space<vmem_shared>> -> memref<10240x128xf32, #tpu.memory_space<vmem_shared>>
      tpu.wait_indirect_dma semaphore(%run_scoped3A_81 : memref<!tpu.dma_semaphore, #tpu.memory_space<semaphore_mem>>) src(%arg13 : memref<128x128xf32, #tpu.memory_space<vmem>>) dst(%dma_wait3A_93 : memref<10240x128xf32, #tpu.memory_space<vmem_shared>>)
      tpu.yield
    }) : () -> ()
    %barrier3A_80 = arith.constant 0 : index
    tpu.barrier barrier_id(%barrier3A_80)
    "tpu.region"() ({
      %run_scoped3A_81 = tpu.sem_alloc : memref<!tpu.dma_semaphore, #tpu.memory_space<semaphore_mem>>
      %dma_start3A_82 = arith.constant 0 : i32
      %dma_start3A_83 = arith.constant 0 : i32
      %dma_start3A_84 = tpu.memref_slice %arg6[%arg0, %dma_start3A_82, %dma_start3A_83] : memref<2x10240x128xf32, #tpu.memory_space<hbm>> -> memref<1x10240x128xf32, #tpu.memory_space<hbm>>
      %dma_start3A_85 = tpu.memref_squeeze %dma_start3A_84 : memref<1x10240x128xf32, #tpu.memory_space<hbm>> -> memref<10240x128xf32, #tpu.memory_space<hbm>>
      %dma_start3A_86 = arith.constant 0 : i32
      %dma_start3A_87 = tpu.memref_slice %dma_start3A_85[%mul3A_7, %dma_start3A_86] : memref<10240x128xf32, #tpu.memory_space<hbm>> -> memref<640x128xf32, #tpu.memory_space<hbm>>
      %dma_start3A_88 = arith.constant 0 : i32
      %dma_start3A_89 = tpu.memref_slice %arg7[%mul3A_7, %dma_start3A_88] : memref<10240x128xf32, #tpu.memory_space<vmem_shared>> -> memref<640x128xf32, #tpu.memory_space<vmem_shared>>
      tpu.enqueue_dma source(%dma_start3A_89 : memref<640x128xf32, #tpu.memory_space<vmem_shared>>) target(%dma_start3A_87 : memref<640x128xf32, #tpu.memory_space<hbm>>) target_semaphore(%run_scoped3A_81 : memref<!tpu.dma_semaphore, #tpu.memory_space<semaphore_mem>>)
      %dma_wait3A_90 = arith.constant 0 : i32
      %dma_wait3A_91 = arith.constant 0 : i32
      %dma_wait3A_92 = tpu.memref_slice %arg6[%arg0, %dma_wait3A_90, %dma_wait3A_91] : memref<2x10240x128xf32, #tpu.memory_space<hbm>> -> memref<1x10240x128xf32, #tpu.memory_space<hbm>>
      %dma_wait3A_93 = tpu.memref_squeeze %dma_wait3A_92 : memref<1x10240x128xf32, #tpu.memory_space<hbm>> -> memref<10240x128xf32, #tpu.memory_space<hbm>>
      %dma_wait3A_94 = arith.constant 0 : i32
      %dma_wait3A_95 = tpu.memref_slice %dma_wait3A_93[%mul3A_7, %dma_wait3A_94] : memref<10240x128xf32, #tpu.memory_space<hbm>> -> memref<640x128xf32, #tpu.memory_space<hbm>>
      %dma_wait3A_96 = arith.constant 0 : i32
      %dma_wait3A_97 = tpu.memref_slice %arg7[%mul3A_7, %dma_wait3A_96] : memref<10240x128xf32, #tpu.memory_space<vmem_shared>> -> memref<640x128xf32, #tpu.memory_space<vmem_shared>>
      tpu.wait_dma2 semaphore(%run_scoped3A_81 : memref<!tpu.dma_semaphore, #tpu.memory_space<semaphore_mem>>) src(%dma_wait3A_97 : memref<640x128xf32, #tpu.memory_space<vmem_shared>>) dst(%dma_wait3A_95 : memref<640x128xf32, #tpu.memory_space<hbm>>)
      tpu.yield
    }) : () -> ()
    return
  }
}

#map = affine_map<(d0, d1) -> (0, 0, 0)>
module attributes {stable_mosaic.version = 14 : i64} {
  func.func @k(%arg0: i32, %arg1: i32, %arg2: memref<2x10000x128xf32, #tpu.memory_space<hbm>>, %arg3: memref<32x79x128xi32, #tpu.memory_space<hbm>>, %arg4: memref<32x79x128xi32, #tpu.memory_space<hbm>>, %arg5: memref<32x79x128xi32, #tpu.memory_space<hbm>>, %arg6: memref<2x10240x128xf32, #tpu.memory_space<hbm>>, %arg7: memref<10240x128xf32, #tpu.memory_space<vmem_shared>>, %arg8: memref<79x128xi32, #tpu.memory_space<vmem>>, %arg9: memref<1x128xi32, #tpu.memory_space<vmem>>, %arg10: memref<1x128xi32, #tpu.memory_space<vmem>>, %arg11: memref<1x128xi32, #tpu.memory_space<vmem>>, %arg12: memref<1x128xi32, #tpu.memory_space<vmem>>, %arg13: memref<128x128xf32, #tpu.memory_space<vmem>>, %arg14: memref<128x128xf32, #tpu.memory_space<vmem>>, %arg15: memref<!tpu.dma_semaphore, #tpu.memory_space<semaphore_mem>>, %arg16: memref<!tpu.dma_semaphore, #tpu.memory_space<semaphore_mem>>, %arg17: memref<!tpu.dma_semaphore, #tpu.memory_space<semaphore_mem>>, %arg18: memref<!tpu.dma_semaphore, #tpu.memory_space<semaphore_mem>>, %arg19: memref<!tpu.dma_semaphore, #tpu.memory_space<semaphore_mem>>, %arg20: memref<!tpu.dma_semaphore, #tpu.memory_space<semaphore_mem>>) attributes {dimension_semantics = [#tpu.dimension_semantics<core_parallel>, #tpu.dimension_semantics<subcore_parallel>], iteration_bounds = array<i64: 2, 16>, scalar_prefetch = 0 : i64, scratch_operands = 14 : i64, tpu.core_type = #tpu.core_type<sc_vector_subcore>, window_params = [{transform_indices = #map}, {transform_indices = #map}, {transform_indices = #map}, {transform_indices = #map}, {transform_indices = #map}]} {
    %mul3A = arith.constant 2 : i32
    %mul3A_0 = arith.muli %arg1, %mul3A : i32
    %add3A = arith.addi %mul3A_0, %arg0 : i32
    "tpu.region"() ({
      %run_scoped3A_81 = tpu.sem_alloc : memref<!tpu.dma_semaphore, #tpu.memory_space<semaphore_mem>>
      %dma_start3A_82 = arith.constant 0 : i32
      %dma_start3A_83 = arith.constant 0 : i32
      %dma_start3A_84 = tpu.memref_slice %arg4[%add3A, %dma_start3A_82, %dma_start3A_83] : memref<32x79x128xi32, #tpu.memory_space<hbm>> -> memref<1x79x128xi32, #tpu.memory_space<hbm>>
      %dma_start3A_85 = tpu.memref_squeeze %dma_start3A_84 : memref<1x79x128xi32, #tpu.memory_space<hbm>> -> memref<79x128xi32, #tpu.memory_space<hbm>>
      %dma_start3A_86 = arith.constant 0 : i32
      %dma_start3A_87 = arith.constant 0 : i32
      %dma_start3A_88 = tpu.memref_slice %arg4[%add3A, %dma_start3A_86, %dma_start3A_87] : memref<32x79x128xi32, #tpu.memory_space<hbm>> -> memref<1x79x128xi32, #tpu.memory_space<hbm>>
      %dma_start3A_89 = tpu.memref_squeeze %dma_start3A_88 : memref<1x79x128xi32, #tpu.memory_space<hbm>> -> memref<79x128xi32, #tpu.memory_space<hbm>>
      tpu.enqueue_dma source(%dma_start3A_89 : memref<79x128xi32, #tpu.memory_space<hbm>>) target(%arg8 : memref<79x128xi32, #tpu.memory_space<vmem>>) target_semaphore(%run_scoped3A_81 : memref<!tpu.dma_semaphore, #tpu.memory_space<semaphore_mem>>)
      %dma_wait3A_90 = arith.constant 0 : i32
      %dma_wait3A_91 = arith.constant 0 : i32
      %dma_wait3A_92 = tpu.memref_slice %arg4[%add3A, %dma_wait3A_90, %dma_wait3A_91] : memref<32x79x128xi32, #tpu.memory_space<hbm>> -> memref<1x79x128xi32, #tpu.memory_space<hbm>>
      %dma_wait3A_93 = tpu.memref_squeeze %dma_wait3A_92 : memref<1x79x128xi32, #tpu.memory_space<hbm>> -> memref<79x128xi32, #tpu.memory_space<hbm>>
      %dma_wait3A_94 = arith.constant 0 : i32
      %dma_wait3A_95 = arith.constant 0 : i32
      %dma_wait3A_96 = tpu.memref_slice %arg4[%add3A, %dma_wait3A_94, %dma_wait3A_95] : memref<32x79x128xi32, #tpu.memory_space<hbm>> -> memref<1x79x128xi32, #tpu.memory_space<hbm>>
      %dma_wait3A_97 = tpu.memref_squeeze %dma_wait3A_96 : memref<1x79x128xi32, #tpu.memory_space<hbm>> -> memref<79x128xi32, #tpu.memory_space<hbm>>
      tpu.wait_dma2 semaphore(%run_scoped3A_81 : memref<!tpu.dma_semaphore, #tpu.memory_space<semaphore_mem>>) src(%dma_wait3A_97 : memref<79x128xi32, #tpu.memory_space<hbm>>) dst(%arg8 : memref<79x128xi32, #tpu.memory_space<vmem>>)
      tpu.yield
    }) : () -> ()
    %broadcast_in_dim3A = arith.constant 0.000000e+00 : f32
    %broadcast_in_dim3A_1 = vector.broadcast %broadcast_in_dim3A : f32 to vector<16xf32>
    %scan3A = arith.constant 0 : i32
    %scan3A_2 = arith.constant 128 : i32
    %scan3A_3 = arith.addi %scan3A, %scan3A_2 : i32
    %scan3A_4 = arith.constant 1 : i32
    scf.for %scan3A_81 = %scan3A to %scan3A_3 step %scan3A_4  : i32 {
      %mul3A_82 = arith.constant 1 : i32
      %mul3A_83 = arith.muli %scan3A_81, %mul3A_82 : i32
      %add3A_84 = arith.constant 0 : i32
      %add3A_85 = arith.addi %add3A_84, %mul3A_83 : i32
      %swap3A = arith.index_cast %add3A_85 : i32 to index
      %swap3A_86 = arith.constant 0 : index
      %swap3A_87 = tpu.vector_load %arg13[%swap3A, %swap3A_86] {strides = array<i32>} : memref<128x128xf32, #tpu.memory_space<vmem>>, vector<16xf32>,
      tpu.vector_store %arg13[%swap3A, %swap3A_86], %broadcast_in_dim3A_1 {strides = array<i32>} : memref<128x128xf32, #tpu.memory_space<vmem>>, vector<16xf32>,
      %swap3A_88 = arith.index_cast %add3A_85 : i32 to index
      %swap3A_89 = arith.constant 16 : index
      %swap3A_90 = tpu.vector_load %arg13[%swap3A_88, %swap3A_89] {strides = array<i32>} : memref<128x128xf32, #tpu.memory_space<vmem>>, vector<16xf32>,
      tpu.vector_store %arg13[%swap3A_88, %swap3A_89], %broadcast_in_dim3A_1 {strides = array<i32>} : memref<128x128xf32, #tpu.memory_space<vmem>>, vector<16xf32>,
      %swap3A_91 = arith.index_cast %add3A_85 : i32 to index
      %swap3A_92 = arith.constant 32 : index
      %swap3A_93 = tpu.vector_load %arg13[%swap3A_91, %swap3A_92] {strides = array<i32>} : memref<128x128xf32, #tpu.memory_space<vmem>>, vector<16xf32>,
      tpu.vector_store %arg13[%swap3A_91, %swap3A_92], %broadcast_in_dim3A_1 {strides = array<i32>} : memref<128x128xf32, #tpu.memory_space<vmem>>, vector<16xf32>,
      %swap3A_94 = arith.index_cast %add3A_85 : i32 to index
      %swap3A_95 = arith.constant 48 : index
      %swap3A_96 = tpu.vector_load %arg13[%swap3A_94, %swap3A_95] {strides = array<i32>} : memref<128x128xf32, #tpu.memory_space<vmem>>, vector<16xf32>,
      tpu.vector_store %arg13[%swap3A_94, %swap3A_95], %broadcast_in_dim3A_1 {strides = array<i32>} : memref<128x128xf32, #tpu.memory_space<vmem>>, vector<16xf32>,
      %swap3A_97 = arith.index_cast %add3A_85 : i32 to index
      %swap3A_98 = arith.constant 64 : index
      %swap3A_99 = tpu.vector_load %arg13[%swap3A_97, %swap3A_98] {strides = array<i32>} : memref<128x128xf32, #tpu.memory_space<vmem>>, vector<16xf32>,
      tpu.vector_store %arg13[%swap3A_97, %swap3A_98], %broadcast_in_dim3A_1 {strides = array<i32>} : memref<128x128xf32, #tpu.memory_space<vmem>>, vector<16xf32>,
      %swap3A_100 = arith.index_cast %add3A_85 : i32 to index
      %swap3A_101 = arith.constant 80 : index
      %swap3A_102 = tpu.vector_load %arg13[%swap3A_100, %swap3A_101] {strides = array<i32>} : memref<128x128xf32, #tpu.memory_space<vmem>>, vector<16xf32>,
      tpu.vector_store %arg13[%swap3A_100, %swap3A_101], %broadcast_in_dim3A_1 {strides = array<i32>} : memref<128x128xf32, #tpu.memory_space<vmem>>, vector<16xf32>,
      %swap3A_103 = arith.index_cast %add3A_85 : i32 to index
      %swap3A_104 = arith.constant 96 : index
      %swap3A_105 = tpu.vector_load %arg13[%swap3A_103, %swap3A_104] {strides = array<i32>} : memref<128x128xf32, #tpu.memory_space<vmem>>, vector<16xf32>,
      tpu.vector_store %arg13[%swap3A_103, %swap3A_104], %broadcast_in_dim3A_1 {strides = array<i32>} : memref<128x128xf32, #tpu.memory_space<vmem>>, vector<16xf32>,
      %swap3A_106 = arith.index_cast %add3A_85 : i32 to index
      %swap3A_107 = arith.constant 112 : index
      %swap3A_108 = tpu.vector_load %arg13[%swap3A_106, %swap3A_107] {strides = array<i32>} : memref<128x128xf32, #tpu.memory_space<vmem>>, vector<16xf32>,
      tpu.vector_store %arg13[%swap3A_106, %swap3A_107], %broadcast_in_dim3A_1 {strides = array<i32>} : memref<128x128xf32, #tpu.memory_space<vmem>>, vector<16xf32>,
    }
    %scan3A_5 = arith.constant 128 : i32
    %mul3A_6 = arith.constant 640 : i32
    %mul3A_7 = arith.muli %arg1, %mul3A_6 : i32
    %add3A_8 = arith.constant 0 : i32
    %add3A_9 = arith.addi %mul3A_7, %add3A_8 : i32
    "tpu.region"() ({
      %run_scoped3A_81 = tpu.sem_alloc : memref<!tpu.dma_semaphore, #tpu.memory_space<semaphore_mem>>
      %dma_start3A_82 = arith.constant 0 : i32
      %dma_start3A_83 = tpu.memref_slice %arg7[%add3A_9, %dma_start3A_82] : memref<10240x128xf32, #tpu.memory_space<vmem_shared>> -> memref<128x128xf32, #tpu.memory_space<vmem_shared>>
      %dma_start3A_84 = arith.constant 0 : i32
      %dma_start3A_85 = tpu.memref_slice %arg7[%add3A_9, %dma_start3A_84] : memref<10240x128xf32, #tpu.memory_space<vmem_shared>> -> memref<128x128xf32, #tpu.memory_space<vmem_shared>>
      tpu.enqueue_dma source(%arg13 : memref<128x128xf32, #tpu.memory_space<vmem>>) target(%dma_start3A_85 : memref<128x128xf32, #tpu.memory_space<vmem_shared>>) target_semaphore(%run_scoped3A_81 : memref<!tpu.dma_semaphore, #tpu.memory_space<semaphore_mem>>)
      %dma_wait3A_86 = arith.constant 0 : i32
      %dma_wait3A_87 = tpu.memref_slice %arg7[%add3A_9, %dma_wait3A_86] : memref<10240x128xf32, #tpu.memory_space<vmem_shared>> -> memref<128x128xf32, #tpu.memory_space<vmem_shared>>
      %dma_wait3A_88 = arith.constant 0 : i32
      %dma_wait3A_89 = tpu.memref_slice %arg7[%add3A_9, %dma_wait3A_88] : memref<10240x128xf32, #tpu.memory_space<vmem_shared>> -> memref<128x128xf32, #tpu.memory_space<vmem_shared>>
      tpu.wait_dma2 semaphore(%run_scoped3A_81 : memref<!tpu.dma_semaphore, #tpu.memory_space<semaphore_mem>>) src(%arg13 : memref<128x128xf32, #tpu.memory_space<vmem>>) dst(%dma_wait3A_89 : memref<128x128xf32, #tpu.memory_space<vmem_shared>>)
      tpu.yield
    }) : () -> ()
    %add3A_10 = arith.constant 128 : i32
    %add3A_11 = arith.addi %mul3A_7, %add3A_10 : i32
    "tpu.region"() ({
      %run_scoped3A_81 = tpu.sem_alloc : memref<!tpu.dma_semaphore, #tpu.memory_space<semaphore_mem>>
      %dma_start3A_82 = arith.constant 0 : i32
      %dma_start3A_83 = tpu.memref_slice %arg7[%add3A_11, %dma_start3A_82] : memref<10240x128xf32, #tpu.memory_space<vmem_shared>> -> memref<128x128xf32, #tpu.memory_space<vmem_shared>>
      %dma_start3A_84 = arith.constant 0 : i32
      %dma_start3A_85 = tpu.memref_slice %arg7[%add3A_11, %dma_start3A_84] : memref<10240x128xf32, #tpu.memory_space<vmem_shared>> -> memref<128x128xf32, #tpu.memory_space<vmem_shared>>
      tpu.enqueue_dma source(%arg13 : memref<128x128xf32, #tpu.memory_space<vmem>>) target(%dma_start3A_85 : memref<128x128xf32, #tpu.memory_space<vmem_shared>>) target_semaphore(%run_scoped3A_81 : memref<!tpu.dma_semaphore, #tpu.memory_space<semaphore_mem>>)
      %dma_wait3A_86 = arith.constant 0 : i32
      %dma_wait3A_87 = tpu.memref_slice %arg7[%add3A_11, %dma_wait3A_86] : memref<10240x128xf32, #tpu.memory_space<vmem_shared>> -> memref<128x128xf32, #tpu.memory_space<vmem_shared>>
      %dma_wait3A_88 = arith.constant 0 : i32
      %dma_wait3A_89 = tpu.memref_slice %arg7[%add3A_11, %dma_wait3A_88] : memref<10240x128xf32, #tpu.memory_space<vmem_shared>> -> memref<128x128xf32, #tpu.memory_space<vmem_shared>>
      tpu.wait_dma2 semaphore(%run_scoped3A_81 : memref<!tpu.dma_semaphore, #tpu.memory_space<semaphore_mem>>) src(%arg13 : memref<128x128xf32, #tpu.memory_space<vmem>>) dst(%dma_wait3A_89 : memref<128x128xf32, #tpu.memory_space<vmem_shared>>)
      tpu.yield
    }) : () -> ()
    %add3A_12 = arith.constant 256 : i32
    %add3A_13 = arith.addi %mul3A_7, %add3A_12 : i32
    "tpu.region"() ({
      %run_scoped3A_81 = tpu.sem_alloc : memref<!tpu.dma_semaphore, #tpu.memory_space<semaphore_mem>>
      %dma_start3A_82 = arith.constant 0 : i32
      %dma_start3A_83 = tpu.memref_slice %arg7[%add3A_13, %dma_start3A_82] : memref<10240x128xf32, #tpu.memory_space<vmem_shared>> -> memref<128x128xf32, #tpu.memory_space<vmem_shared>>
      %dma_start3A_84 = arith.constant 0 : i32
      %dma_start3A_85 = tpu.memref_slice %arg7[%add3A_13, %dma_start3A_84] : memref<10240x128xf32, #tpu.memory_space<vmem_shared>> -> memref<128x128xf32, #tpu.memory_space<vmem_shared>>
      tpu.enqueue_dma source(%arg13 : memref<128x128xf32, #tpu.memory_space<vmem>>) target(%dma_start3A_85 : memref<128x128xf32, #tpu.memory_space<vmem_shared>>) target_semaphore(%run_scoped3A_81 : memref<!tpu.dma_semaphore, #tpu.memory_space<semaphore_mem>>)
      %dma_wait3A_86 = arith.constant 0 : i32
      %dma_wait3A_87 = tpu.memref_slice %arg7[%add3A_13, %dma_wait3A_86] : memref<10240x128xf32, #tpu.memory_space<vmem_shared>> -> memref<128x128xf32, #tpu.memory_space<vmem_shared>>
      %dma_wait3A_88 = arith.constant 0 : i32
      %dma_wait3A_89 = tpu.memref_slice %arg7[%add3A_13, %dma_wait3A_88] : memref<10240x128xf32, #tpu.memory_space<vmem_shared>> -> memref<128x128xf32, #tpu.memory_space<vmem_shared>>
      tpu.wait_dma2 semaphore(%run_scoped3A_81 : memref<!tpu.dma_semaphore, #tpu.memory_space<semaphore_mem>>) src(%arg13 : memref<128x128xf32, #tpu.memory_space<vmem>>) dst(%dma_wait3A_89 : memref<128x128xf32, #tpu.memory_space<vmem_shared>>)
      tpu.yield
    }) : () -> ()
    %add3A_14 = arith.constant 384 : i32
    %add3A_15 = arith.addi %mul3A_7, %add3A_14 : i32
    "tpu.region"() ({
      %run_scoped3A_81 = tpu.sem_alloc : memref<!tpu.dma_semaphore, #tpu.memory_space<semaphore_mem>>
      %dma_start3A_82 = arith.constant 0 : i32
      %dma_start3A_83 = tpu.memref_slice %arg7[%add3A_15, %dma_start3A_82] : memref<10240x128xf32, #tpu.memory_space<vmem_shared>> -> memref<128x128xf32, #tpu.memory_space<vmem_shared>>
      %dma_start3A_84 = arith.constant 0 : i32
      %dma_start3A_85 = tpu.memref_slice %arg7[%add3A_15, %dma_start3A_84] : memref<10240x128xf32, #tpu.memory_space<vmem_shared>> -> memref<128x128xf32, #tpu.memory_space<vmem_shared>>
      tpu.enqueue_dma source(%arg13 : memref<128x128xf32, #tpu.memory_space<vmem>>) target(%dma_start3A_85 : memref<128x128xf32, #tpu.memory_space<vmem_shared>>) target_semaphore(%run_scoped3A_81 : memref<!tpu.dma_semaphore, #tpu.memory_space<semaphore_mem>>)
      %dma_wait3A_86 = arith.constant 0 : i32
      %dma_wait3A_87 = tpu.memref_slice %arg7[%add3A_15, %dma_wait3A_86] : memref<10240x128xf32, #tpu.memory_space<vmem_shared>> -> memref<128x128xf32, #tpu.memory_space<vmem_shared>>
      %dma_wait3A_88 = arith.constant 0 : i32
      %dma_wait3A_89 = tpu.memref_slice %arg7[%add3A_15, %dma_wait3A_88] : memref<10240x128xf32, #tpu.memory_space<vmem_shared>> -> memref<128x128xf32, #tpu.memory_space<vmem_shared>>
      tpu.wait_dma2 semaphore(%run_scoped3A_81 : memref<!tpu.dma_semaphore, #tpu.memory_space<semaphore_mem>>) src(%arg13 : memref<128x128xf32, #tpu.memory_space<vmem>>) dst(%dma_wait3A_89 : memref<128x128xf32, #tpu.memory_space<vmem_shared>>)
      tpu.yield
    }) : () -> ()
    %add3A_16 = arith.constant 512 : i32
    %add3A_17 = arith.addi %mul3A_7, %add3A_16 : i32
    "tpu.region"() ({
      %run_scoped3A_81 = tpu.sem_alloc : memref<!tpu.dma_semaphore, #tpu.memory_space<semaphore_mem>>
      %dma_start3A_82 = arith.constant 0 : i32
      %dma_start3A_83 = tpu.memref_slice %arg7[%add3A_17, %dma_start3A_82] : memref<10240x128xf32, #tpu.memory_space<vmem_shared>> -> memref<128x128xf32, #tpu.memory_space<vmem_shared>>
      %dma_start3A_84 = arith.constant 0 : i32
      %dma_start3A_85 = tpu.memref_slice %arg7[%add3A_17, %dma_start3A_84] : memref<10240x128xf32, #tpu.memory_space<vmem_shared>> -> memref<128x128xf32, #tpu.memory_space<vmem_shared>>
      tpu.enqueue_dma source(%arg13 : memref<128x128xf32, #tpu.memory_space<vmem>>) target(%dma_start3A_85 : memref<128x128xf32, #tpu.memory_space<vmem_shared>>) target_semaphore(%run_scoped3A_81 : memref<!tpu.dma_semaphore, #tpu.memory_space<semaphore_mem>>)
      %dma_wait3A_86 = arith.constant 0 : i32
      %dma_wait3A_87 = tpu.memref_slice %arg7[%add3A_17, %dma_wait3A_86] : memref<10240x128xf32, #tpu.memory_space<vmem_shared>> -> memref<128x128xf32, #tpu.memory_space<vmem_shared>>
      %dma_wait3A_88 = arith.constant 0 : i32
      %dma_wait3A_89 = tpu.memref_slice %arg7[%add3A_17, %dma_wait3A_88] : memref<10240x128xf32, #tpu.memory_space<vmem_shared>> -> memref<128x128xf32, #tpu.memory_space<vmem_shared>>
      tpu.wait_dma2 semaphore(%run_scoped3A_81 : memref<!tpu.dma_semaphore, #tpu.memory_space<semaphore_mem>>) src(%arg13 : memref<128x128xf32, #tpu.memory_space<vmem>>) dst(%dma_wait3A_89 : memref<128x128xf32, #tpu.memory_space<vmem_shared>>)
      tpu.yield
    }) : () -> ()
    %barrier3A = arith.constant 0 : index
    tpu.barrier barrier_id(%barrier3A)
    "tpu.region"() ({
      %run_scoped3A_81 = tpu.sem_alloc : memref<!tpu.dma_semaphore, #tpu.memory_space<semaphore_mem>>
      %dma_start3A_82 = arith.constant 0 : i32
      %dma_start3A_83 = arith.constant 0 : i32
      %dma_start3A_84 = tpu.memref_slice %arg3[%add3A, %dma_start3A_82, %dma_start3A_83] : memref<32x79x128xi32, #tpu.memory_space<hbm>> -> memref<1x79x128xi32, #tpu.memory_space<hbm>>
      %dma_start3A_85 = tpu.memref_squeeze %dma_start3A_84 : memref<1x79x128xi32, #tpu.memory_space<hbm>> -> memref<79x128xi32, #tpu.memory_space<hbm>>
      %dma_start3A_86 = arith.constant 0 : i32
      %dma_start3A_87 = arith.constant 0 : i32
      %dma_start3A_88 = tpu.memref_slice %dma_start3A_85[%dma_start3A_86, %dma_start3A_87] : memref<79x128xi32, #tpu.memory_space<hbm>> -> memref<1x128xi32, #tpu.memory_space<hbm>>
      %dma_start3A_89 = arith.constant 0 : i32
      %dma_start3A_90 = arith.constant 0 : i32
      %dma_start3A_91 = tpu.memref_slice %arg3[%add3A, %dma_start3A_89, %dma_start3A_90] : memref<32x79x128xi32, #tpu.memory_space<hbm>> -> memref<1x79x128xi32, #tpu.memory_space<hbm>>
      %dma_start3A_92 = tpu.memref_squeeze %dma_start3A_91 : memref<1x79x128xi32, #tpu.memory_space<hbm>> -> memref<79x128xi32, #tpu.memory_space<hbm>>
      %dma_start3A_93 = arith.constant 0 : i32
      %dma_start3A_94 = arith.constant 0 : i32
      %dma_start3A_95 = tpu.memref_slice %dma_start3A_92[%dma_start3A_93, %dma_start3A_94] : memref<79x128xi32, #tpu.memory_space<hbm>> -> memref<1x128xi32, #tpu.memory_space<hbm>>
      tpu.enqueue_dma source(%dma_start3A_95 : memref<1x128xi32, #tpu.memory_space<hbm>>) target(%arg9 : memref<1x128xi32, #tpu.memory_space<vmem>>) target_semaphore(%run_scoped3A_81 : memref<!tpu.dma_semaphore, #tpu.memory_space<semaphore_mem>>)
      %dma_wait3A_96 = arith.constant 0 : i32
      %dma_wait3A_97 = arith.constant 0 : i32
      %dma_wait3A_98 = tpu.memref_slice %arg3[%add3A, %dma_wait3A_96, %dma_wait3A_97] : memref<32x79x128xi32, #tpu.memory_space<hbm>> -> memref<1x79x128xi32, #tpu.memory_space<hbm>>
      %dma_wait3A_99 = tpu.memref_squeeze %dma_wait3A_98 : memref<1x79x128xi32, #tpu.memory_space<hbm>> -> memref<79x128xi32, #tpu.memory_space<hbm>>
      %dma_wait3A_100 = arith.constant 0 : i32
      %dma_wait3A_101 = arith.constant 0 : i32
      %dma_wait3A_102 = tpu.memref_slice %dma_wait3A_99[%dma_wait3A_100, %dma_wait3A_101] : memref<79x128xi32, #tpu.memory_space<hbm>> -> memref<1x128xi32, #tpu.memory_space<hbm>>
      %dma_wait3A_103 = arith.constant 0 : i32
      %dma_wait3A_104 = arith.constant 0 : i32
      %dma_wait3A_105 = tpu.memref_slice %arg3[%add3A, %dma_wait3A_103, %dma_wait3A_104] : memref<32x79x128xi32, #tpu.memory_space<hbm>> -> memref<1x79x128xi32, #tpu.memory_space<hbm>>
      %dma_wait3A_106 = tpu.memref_squeeze %dma_wait3A_105 : memref<1x79x128xi32, #tpu.memory_space<hbm>> -> memref<79x128xi32, #tpu.memory_space<hbm>>
      %dma_wait3A_107 = arith.constant 0 : i32
      %dma_wait3A_108 = arith.constant 0 : i32
      %dma_wait3A_109 = tpu.memref_slice %dma_wait3A_106[%dma_wait3A_107, %dma_wait3A_108] : memref<79x128xi32, #tpu.memory_space<hbm>> -> memref<1x128xi32, #tpu.memory_space<hbm>>
      tpu.wait_dma2 semaphore(%run_scoped3A_81 : memref<!tpu.dma_semaphore, #tpu.memory_space<semaphore_mem>>) src(%dma_wait3A_109 : memref<1x128xi32, #tpu.memory_space<hbm>>) dst(%arg9 : memref<1x128xi32, #tpu.memory_space<vmem>>)
      tpu.yield
    }) : () -> ()
    "tpu.region"() ({
      %run_scoped3A_81 = tpu.sem_alloc : memref<!tpu.dma_semaphore, #tpu.memory_space<semaphore_mem>>
      %dma_start3A_82 = arith.constant 0 : i32
      %dma_start3A_83 = arith.constant 0 : i32
      %dma_start3A_84 = tpu.memref_slice %arg5[%add3A, %dma_start3A_82, %dma_start3A_83] : memref<32x79x128xi32, #tpu.memory_space<hbm>> -> memref<1x79x128xi32, #tpu.memory_space<hbm>>
      %dma_start3A_85 = tpu.memref_squeeze %dma_start3A_84 : memref<1x79x128xi32, #tpu.memory_space<hbm>> -> memref<79x128xi32, #tpu.memory_space<hbm>>
      %dma_start3A_86 = arith.constant 0 : i32
      %dma_start3A_87 = arith.constant 0 : i32
      %dma_start3A_88 = tpu.memref_slice %dma_start3A_85[%dma_start3A_86, %dma_start3A_87] : memref<79x128xi32, #tpu.memory_space<hbm>> -> memref<1x128xi32, #tpu.memory_space<hbm>>
      %dma_start3A_89 = arith.constant 0 : i32
      %dma_start3A_90 = arith.constant 0 : i32
      %dma_start3A_91 = tpu.memref_slice %arg5[%add3A, %dma_start3A_89, %dma_start3A_90] : memref<32x79x128xi32, #tpu.memory_space<hbm>> -> memref<1x79x128xi32, #tpu.memory_space<hbm>>
      %dma_start3A_92 = tpu.memref_squeeze %dma_start3A_91 : memref<1x79x128xi32, #tpu.memory_space<hbm>> -> memref<79x128xi32, #tpu.memory_space<hbm>>
      %dma_start3A_93 = arith.constant 0 : i32
      %dma_start3A_94 = arith.constant 0 : i32
      %dma_start3A_95 = tpu.memref_slice %dma_start3A_92[%dma_start3A_93, %dma_start3A_94] : memref<79x128xi32, #tpu.memory_space<hbm>> -> memref<1x128xi32, #tpu.memory_space<hbm>>
      tpu.enqueue_dma source(%dma_start3A_95 : memref<1x128xi32, #tpu.memory_space<hbm>>) target(%arg10 : memref<1x128xi32, #tpu.memory_space<vmem>>) target_semaphore(%run_scoped3A_81 : memref<!tpu.dma_semaphore, #tpu.memory_space<semaphore_mem>>)
      %dma_wait3A_96 = arith.constant 0 : i32
      %dma_wait3A_97 = arith.constant 0 : i32
      %dma_wait3A_98 = tpu.memref_slice %arg5[%add3A, %dma_wait3A_96, %dma_wait3A_97] : memref<32x79x128xi32, #tpu.memory_space<hbm>> -> memref<1x79x128xi32, #tpu.memory_space<hbm>>
      %dma_wait3A_99 = tpu.memref_squeeze %dma_wait3A_98 : memref<1x79x128xi32, #tpu.memory_space<hbm>> -> memref<79x128xi32, #tpu.memory_space<hbm>>
      %dma_wait3A_100 = arith.constant 0 : i32
      %dma_wait3A_101 = arith.constant 0 : i32
      %dma_wait3A_102 = tpu.memref_slice %dma_wait3A_99[%dma_wait3A_100, %dma_wait3A_101] : memref<79x128xi32, #tpu.memory_space<hbm>> -> memref<1x128xi32, #tpu.memory_space<hbm>>
      %dma_wait3A_103 = arith.constant 0 : i32
      %dma_wait3A_104 = arith.constant 0 : i32
      %dma_wait3A_105 = tpu.memref_slice %arg5[%add3A, %dma_wait3A_103, %dma_wait3A_104] : memref<32x79x128xi32, #tpu.memory_space<hbm>> -> memref<1x79x128xi32, #tpu.memory_space<hbm>>
      %dma_wait3A_106 = tpu.memref_squeeze %dma_wait3A_105 : memref<1x79x128xi32, #tpu.memory_space<hbm>> -> memref<79x128xi32, #tpu.memory_space<hbm>>
      %dma_wait3A_107 = arith.constant 0 : i32
      %dma_wait3A_108 = arith.constant 0 : i32
      %dma_wait3A_109 = tpu.memref_slice %dma_wait3A_106[%dma_wait3A_107, %dma_wait3A_108] : memref<79x128xi32, #tpu.memory_space<hbm>> -> memref<1x128xi32, #tpu.memory_space<hbm>>
      tpu.wait_dma2 semaphore(%run_scoped3A_81 : memref<!tpu.dma_semaphore, #tpu.memory_space<semaphore_mem>>) src(%dma_wait3A_109 : memref<1x128xi32, #tpu.memory_space<hbm>>) dst(%arg10 : memref<1x128xi32, #tpu.memory_space<vmem>>)
      tpu.yield
    }) : () -> ()
    %dma_start3A = arith.constant 0 : i32
    %dma_start3A_18 = arith.constant 0 : i32
    %dma_start3A_19 = tpu.memref_slice %arg9[%dma_start3A, %dma_start3A_18] : memref<1x128xi32, #tpu.memory_space<vmem>> -> memref<1x128xi32, #tpu.memory_space<vmem>>
    %dma_start3A_20 = tpu.memref_squeeze %dma_start3A_19 : memref<1x128xi32, #tpu.memory_space<vmem>> -> memref<128xi32, #tpu.memory_space<vmem>>
    %dma_start3A_21 = arith.constant 0 : i32
    %dma_start3A_22 = arith.constant 0 : i32
    %dma_start3A_23 = tpu.memref_slice %arg2[%arg0, %dma_start3A_21, %dma_start3A_22] : memref<2x10000x128xf32, #tpu.memory_space<hbm>> -> memref<1x10000x128xf32, #tpu.memory_space<hbm>>
    %dma_start3A_24 = tpu.memref_squeeze %dma_start3A_23 : memref<1x10000x128xf32, #tpu.memory_space<hbm>> -> memref<10000x128xf32, #tpu.memory_space<hbm>>
    %dma_start3A_25 = arith.constant 0 : i32
    %dma_start3A_26 = arith.constant 0 : i32
    %dma_start3A_27 = tpu.memref_slice %dma_start3A_24[%dma_start3A_25, %dma_start3A_26] : memref<10000x128xf32, #tpu.memory_space<hbm>> -> memref<10000x128xf32, #tpu.memory_space<hbm>>
    tpu.enqueue_indirect_dma source(%dma_start3A_27 : memref<10000x128xf32, #tpu.memory_space<hbm>>) target(%arg13 : memref<128x128xf32, #tpu.memory_space<vmem>>) offsets(%dma_start3A_20 : memref<128xi32, #tpu.memory_space<vmem>>) semaphore(%arg17 : memref<!tpu.dma_semaphore, #tpu.memory_space<semaphore_mem>>)
    %dma_start3A_28 = arith.constant 0 : i32
    %dma_start3A_29 = arith.constant 0 : i32
    %dma_start3A_30 = tpu.memref_slice %arg3[%add3A, %dma_start3A_28, %dma_start3A_29] : memref<32x79x128xi32, #tpu.memory_space<hbm>> -> memref<1x79x128xi32, #tpu.memory_space<hbm>>
    %dma_start3A_31 = tpu.memref_squeeze %dma_start3A_30 : memref<1x79x128xi32, #tpu.memory_space<hbm>> -> memref<79x128xi32, #tpu.memory_space<hbm>>
    %dma_start3A_32 = arith.constant 1 : i32
    %dma_start3A_33 = arith.constant 0 : i32
    %dma_start3A_34 = tpu.memref_slice %dma_start3A_31[%dma_start3A_32, %dma_start3A_33] : memref<79x128xi32, #tpu.memory_space<hbm>> -> memref<1x128xi32, #tpu.memory_space<hbm>>
    %dma_start3A_35 = arith.constant 0 : i32
    %dma_start3A_36 = arith.constant 0 : i32
    %dma_start3A_37 = tpu.memref_slice %arg3[%add3A, %dma_start3A_35, %dma_start3A_36] : memref<32x79x128xi32, #tpu.memory_space<hbm>> -> memref<1x79x128xi32, #tpu.memory_space<hbm>>
    %dma_start3A_38 = tpu.memref_squeeze %dma_start3A_37 : memref<1x79x128xi32, #tpu.memory_space<hbm>> -> memref<79x128xi32, #tpu.memory_space<hbm>>
    %dma_start3A_39 = arith.constant 1 : i32
    %dma_start3A_40 = arith.constant 0 : i32
    %dma_start3A_41 = tpu.memref_slice %dma_start3A_38[%dma_start3A_39, %dma_start3A_40] : memref<79x128xi32, #tpu.memory_space<hbm>> -> memref<1x128xi32, #tpu.memory_space<hbm>>
    tpu.enqueue_dma source(%dma_start3A_41 : memref<1x128xi32, #tpu.memory_space<hbm>>) target(%arg11 : memref<1x128xi32, #tpu.memory_space<vmem>>) target_semaphore(%arg16 : memref<!tpu.dma_semaphore, #tpu.memory_space<semaphore_mem>>)
    %dma_start3A_42 = arith.constant 0 : i32
    %dma_start3A_43 = arith.constant 0 : i32
    %dma_start3A_44 = tpu.memref_slice %arg5[%add3A, %dma_start3A_42, %dma_start3A_43] : memref<32x79x128xi32, #tpu.memory_space<hbm>> -> memref<1x79x128xi32, #tpu.memory_space<hbm>>
    %dma_start3A_45 = tpu.memref_squeeze %dma_start3A_44 : memref<1x79x128xi32, #tpu.memory_space<hbm>> -> memref<79x128xi32, #tpu.memory_space<hbm>>
    %dma_start3A_46 = arith.constant 1 : i32
    %dma_start3A_47 = arith.constant 0 : i32
    %dma_start3A_48 = tpu.memref_slice %dma_start3A_45[%dma_start3A_46, %dma_start3A_47] : memref<79x128xi32, #tpu.memory_space<hbm>> -> memref<1x128xi32, #tpu.memory_space<hbm>>
    %dma_start3A_49 = arith.constant 0 : i32
    %dma_start3A_50 = arith.constant 0 : i32
    %dma_start3A_51 = tpu.memref_slice %arg5[%add3A, %dma_start3A_49, %dma_start3A_50] : memref<32x79x128xi32, #tpu.memory_space<hbm>> -> memref<1x79x128xi32, #tpu.memory_space<hbm>>
    %dma_start3A_52 = tpu.memref_squeeze %dma_start3A_51 : memref<1x79x128xi32, #tpu.memory_space<hbm>> -> memref<79x128xi32, #tpu.memory_space<hbm>>
    %dma_start3A_53 = arith.constant 1 : i32
    %dma_start3A_54 = arith.constant 0 : i32
    %dma_start3A_55 = tpu.memref_slice %dma_start3A_52[%dma_start3A_53, %dma_start3A_54] : memref<79x128xi32, #tpu.memory_space<hbm>> -> memref<1x128xi32, #tpu.memory_space<hbm>>
    tpu.enqueue_dma source(%dma_start3A_55 : memref<1x128xi32, #tpu.memory_space<hbm>>) target(%arg12 : memref<1x128xi32, #tpu.memory_space<vmem>>) target_semaphore(%arg16 : memref<!tpu.dma_semaphore, #tpu.memory_space<semaphore_mem>>)
    %scan3A_56 = arith.constant 0 : i32
    %scan3A_57 = arith.constant 39 : i32
    %scan3A_58 = arith.addi %scan3A_56, %scan3A_57 : i32
    %scan3A_59 = arith.constant 1 : i32
    scf.for %scan3A_81 = %scan3A_56 to %scan3A_58 step %scan3A_59  : i32 {
      %mul3A_82 = arith.constant 1 : i32
      %mul3A_83 = arith.muli %scan3A_81, %mul3A_82 : i32
      %add3A_84 = arith.constant 0 : i32
      %add3A_85 = arith.addi %add3A_84, %mul3A_83 : i32
      %mul3A_86 = arith.constant 2 : i32
      %mul3A_87 = arith.muli %mul3A_86, %add3A_85 : i32
      %add3A_88 = arith.constant 1 : i32
      %add3A_89 = arith.addi %mul3A_87, %add3A_88 : i32
      %dma_wait3A_90 = arith.constant 0 : i32
      %dma_wait3A_91 = arith.constant 0 : i32
      %dma_wait3A_92 = tpu.memref_slice %arg3[%add3A, %dma_wait3A_90, %dma_wait3A_91] : memref<32x79x128xi32, #tpu.memory_space<hbm>> -> memref<1x79x128xi32, #tpu.memory_space<hbm>>
      %dma_wait3A_93 = tpu.memref_squeeze %dma_wait3A_92 : memref<1x79x128xi32, #tpu.memory_space<hbm>> -> memref<79x128xi32, #tpu.memory_space<hbm>>
      %dma_wait3A_94 = arith.constant 0 : i32
      %dma_wait3A_95 = tpu.memref_slice %dma_wait3A_93[%add3A_89, %dma_wait3A_94] : memref<79x128xi32, #tpu.memory_space<hbm>> -> memref<1x128xi32, #tpu.memory_space<hbm>>
      %dma_wait3A_96 = arith.constant 0 : i32
      %dma_wait3A_97 = arith.constant 0 : i32
      %dma_wait3A_98 = tpu.memref_slice %arg3[%add3A, %dma_wait3A_96, %dma_wait3A_97] : memref<32x79x128xi32, #tpu.memory_space<hbm>> -> memref<1x79x128xi32, #tpu.memory_space<hbm>>
      %dma_wait3A_99 = tpu.memref_squeeze %dma_wait3A_98 : memref<1x79x128xi32, #tpu.memory_space<hbm>> -> memref<79x128xi32, #tpu.memory_space<hbm>>
      %dma_wait3A_100 = arith.constant 0 : i32
      %dma_wait3A_101 = tpu.memref_slice %dma_wait3A_99[%add3A_89, %dma_wait3A_100] : memref<79x128xi32, #tpu.memory_space<hbm>> -> memref<1x128xi32, #tpu.memory_space<hbm>>
      tpu.wait_dma2 semaphore(%arg16 : memref<!tpu.dma_semaphore, #tpu.memory_space<semaphore_mem>>) src(%dma_wait3A_101 : memref<1x128xi32, #tpu.memory_space<hbm>>) dst(%arg11 : memref<1x128xi32, #tpu.memory_space<vmem>>)
      %dma_wait3A_102 = arith.constant 0 : i32
      %dma_wait3A_103 = arith.constant 0 : i32
      %dma_wait3A_104 = tpu.memref_slice %arg5[%add3A, %dma_wait3A_102, %dma_wait3A_103] : memref<32x79x128xi32, #tpu.memory_space<hbm>> -> memref<1x79x128xi32, #tpu.memory_space<hbm>>
      %dma_wait3A_105 = tpu.memref_squeeze %dma_wait3A_104 : memref<1x79x128xi32, #tpu.memory_space<hbm>> -> memref<79x128xi32, #tpu.memory_space<hbm>>
      %dma_wait3A_106 = arith.constant 0 : i32
      %dma_wait3A_107 = tpu.memref_slice %dma_wait3A_105[%add3A_89, %dma_wait3A_106] : memref<79x128xi32, #tpu.memory_space<hbm>> -> memref<1x128xi32, #tpu.memory_space<hbm>>
      %dma_wait3A_108 = arith.constant 0 : i32
      %dma_wait3A_109 = arith.constant 0 : i32
      %dma_wait3A_110 = tpu.memref_slice %arg5[%add3A, %dma_wait3A_108, %dma_wait3A_109] : memref<32x79x128xi32, #tpu.memory_space<hbm>> -> memref<1x79x128xi32, #tpu.memory_space<hbm>>
      %dma_wait3A_111 = tpu.memref_squeeze %dma_wait3A_110 : memref<1x79x128xi32, #tpu.memory_space<hbm>> -> memref<79x128xi32, #tpu.memory_space<hbm>>
      %dma_wait3A_112 = arith.constant 0 : i32
      %dma_wait3A_113 = tpu.memref_slice %dma_wait3A_111[%add3A_89, %dma_wait3A_112] : memref<79x128xi32, #tpu.memory_space<hbm>> -> memref<1x128xi32, #tpu.memory_space<hbm>>
      tpu.wait_dma2 semaphore(%arg16 : memref<!tpu.dma_semaphore, #tpu.memory_space<semaphore_mem>>) src(%dma_wait3A_113 : memref<1x128xi32, #tpu.memory_space<hbm>>) dst(%arg12 : memref<1x128xi32, #tpu.memory_space<vmem>>)
      %gt3A = arith.constant 0 : i32
      %gt3A_114 = arith.cmpi sgt, %add3A_85, %gt3A : i32
      %convert_element_type3A = arith.extui %gt3A_114 : i1 to i32
      %cond3A = arith.constant 0 : i32
      %cond3A_115 = arith.cmpi ne, %convert_element_type3A, %cond3A : i32
      scf.if %cond3A_115 {
        %sub3A = arith.constant 1 : i32
        %sub3A_244 = arith.subi %mul3A_87, %sub3A : i32
        %dma_wait3A_245 = arith.constant 0 : i32
        %dma_wait3A_246 = tpu.memref_slice %arg8[%sub3A_244, %dma_wait3A_245] : memref<79x128xi32, #tpu.memory_space<vmem>> -> memref<1x128xi32, #tpu.memory_space<vmem>>
        %dma_wait3A_247 = tpu.memref_squeeze %dma_wait3A_246 : memref<1x128xi32, #tpu.memory_space<vmem>> -> memref<128xi32, #tpu.memory_space<vmem>>
        %dma_wait3A_248 = arith.constant 0 : i32
        %dma_wait3A_249 = arith.constant 0 : i32
        %dma_wait3A_250 = tpu.memref_slice %arg7[%dma_wait3A_248, %dma_wait3A_249] : memref<10240x128xf32, #tpu.memory_space<vmem_shared>> -> memref<10240x128xf32, #tpu.memory_space<vmem_shared>>
        tpu.wait_indirect_dma semaphore(%arg20 : memref<!tpu.dma_semaphore, #tpu.memory_space<semaphore_mem>>) src(%arg14 : memref<128x128xf32, #tpu.memory_space<vmem>>) dst(%dma_wait3A_250 : memref<10240x128xf32, #tpu.memory_space<vmem_shared>>)
      } else {
      }
      %dma_start3A_116 = arith.constant 0 : i32
      %dma_start3A_117 = arith.constant 0 : i32
      %dma_start3A_118 = tpu.memref_slice %arg11[%dma_start3A_116, %dma_start3A_117] : memref<1x128xi32, #tpu.memory_space<vmem>> -> memref<1x128xi32, #tpu.memory_space<vmem>>
      %dma_start3A_119 = tpu.memref_squeeze %dma_start3A_118 : memref<1x128xi32, #tpu.memory_space<vmem>> -> memref<128xi32, #tpu.memory_space<vmem>>
      %dma_start3A_120 = arith.constant 0 : i32
      %dma_start3A_121 = arith.constant 0 : i32
      %dma_start3A_122 = tpu.memref_slice %arg2[%arg0, %dma_start3A_120, %dma_start3A_121] : memref<2x10000x128xf32, #tpu.memory_space<hbm>> -> memref<1x10000x128xf32, #tpu.memory_space<hbm>>
      %dma_start3A_123 = tpu.memref_squeeze %dma_start3A_122 : memref<1x10000x128xf32, #tpu.memory_space<hbm>> -> memref<10000x128xf32, #tpu.memory_space<hbm>>
      %dma_start3A_124 = arith.constant 0 : i32
      %dma_start3A_125 = arith.constant 0 : i32
      %dma_start3A_126 = tpu.memref_slice %dma_start3A_123[%dma_start3A_124, %dma_start3A_125] : memref<10000x128xf32, #tpu.memory_space<hbm>> -> memref<10000x128xf32, #tpu.memory_space<hbm>>
      tpu.enqueue_indirect_dma source(%dma_start3A_126 : memref<10000x128xf32, #tpu.memory_space<hbm>>) target(%arg14 : memref<128x128xf32, #tpu.memory_space<vmem>>) offsets(%dma_start3A_119 : memref<128xi32, #tpu.memory_space<vmem>>) semaphore(%arg18 : memref<!tpu.dma_semaphore, #tpu.memory_space<semaphore_mem>>)
      %dma_wait3A_127 = arith.constant 0 : i32
      %dma_wait3A_128 = arith.constant 0 : i32
      %dma_wait3A_129 = tpu.memref_slice %arg9[%dma_wait3A_127, %dma_wait3A_128] : memref<1x128xi32, #tpu.memory_space<vmem>> -> memref<1x128xi32, #tpu.memory_space<vmem>>
      %dma_wait3A_130 = tpu.memref_squeeze %dma_wait3A_129 : memref<1x128xi32, #tpu.memory_space<vmem>> -> memref<128xi32, #tpu.memory_space<vmem>>
      %dma_wait3A_131 = arith.constant 0 : i32
      %dma_wait3A_132 = arith.constant 0 : i32
      %dma_wait3A_133 = tpu.memref_slice %arg2[%arg0, %dma_wait3A_131, %dma_wait3A_132] : memref<2x10000x128xf32, #tpu.memory_space<hbm>> -> memref<1x10000x128xf32, #tpu.memory_space<hbm>>
      %dma_wait3A_134 = tpu.memref_squeeze %dma_wait3A_133 : memref<1x10000x128xf32, #tpu.memory_space<hbm>> -> memref<10000x128xf32, #tpu.memory_space<hbm>>
      %dma_wait3A_135 = arith.constant 0 : i32
      %dma_wait3A_136 = arith.constant 0 : i32
      %dma_wait3A_137 = tpu.memref_slice %dma_wait3A_134[%dma_wait3A_135, %dma_wait3A_136] : memref<10000x128xf32, #tpu.memory_space<hbm>> -> memref<10000x128xf32, #tpu.memory_space<hbm>>
      tpu.wait_indirect_dma semaphore(%arg17 : memref<!tpu.dma_semaphore, #tpu.memory_space<semaphore_mem>>) src(%dma_wait3A_137 : memref<10000x128xf32, #tpu.memory_space<hbm>>) dst(%arg13 : memref<128x128xf32, #tpu.memory_space<vmem>>)
      %parallel_loop3A_138 = arith.constant 0 : i32
      %parallel_loop3A_139 = arith.constant 128 : i32
      %parallel_loop3A_140 = arith.constant 1 : i32
      scf.for %parallel_loop3A_244 = %parallel_loop3A_138 to %parallel_loop3A_139 step %parallel_loop3A_140  : i32 {
        %parallel_loop3A_245 = arith.constant 0 : i32
        %parallel_loop3A_246 = vector.broadcast %parallel_loop3A_245 : i32 to vector<16xi32>
        %parallel_loop3A_247 = vector.broadcast %parallel_loop3A_244 : i32 to vector<16xi32>
        %parallel_loop3A_248 = tpu.vector_load_idx %arg10[%parallel_loop3A_246, %parallel_loop3A_247] : memref<1x128xi32, #tpu.memory_space<vmem>>[vector<16xi32>, vector<16xi32>], vector<16xi32>,
        %parallel_loop3A_249 = vector.bitcast %parallel_loop3A_248 : vector<16xi32> to vector<16xf32>
        %parallel_loop3A_250 = arith.index_cast %parallel_loop3A_244 : i32 to index
        %parallel_loop3A_251 = arith.constant 0 : index
        %parallel_loop3A_252 = tpu.vector_load %arg13[%parallel_loop3A_250, %parallel_loop3A_251] {strides = array<i32>} : memref<128x128xf32, #tpu.memory_space<vmem>>, vector<16xf32>,
        %parallel_loop3A_253 = arith.mulf %parallel_loop3A_252, %parallel_loop3A_249 : vector<16xf32>
        %parallel_loop3A_254 = arith.index_cast %parallel_loop3A_244 : i32 to index
        %parallel_loop3A_255 = arith.constant 0 : index
        %parallel_loop3A_256 = tpu.vector_load %arg13[%parallel_loop3A_254, %parallel_loop3A_255] {strides = array<i32>} : memref<128x128xf32, #tpu.memory_space<vmem>>, vector<16xf32>,
        tpu.vector_store %arg13[%parallel_loop3A_254, %parallel_loop3A_255], %parallel_loop3A_253 {strides = array<i32>} : memref<128x128xf32, #tpu.memory_space<vmem>>, vector<16xf32>,
        %parallel_loop3A_257 = arith.index_cast %parallel_loop3A_244 : i32 to index
        %parallel_loop3A_258 = arith.constant 16 : index
        %parallel_loop3A_259 = tpu.vector_load %arg13[%parallel_loop3A_257, %parallel_loop3A_258] {strides = array<i32>} : memref<128x128xf32, #tpu.memory_space<vmem>>, vector<16xf32>,
        %parallel_loop3A_260 = arith.mulf %parallel_loop3A_259, %parallel_loop3A_249 : vector<16xf32>
        %parallel_loop3A_261 = arith.index_cast %parallel_loop3A_244 : i32 to index
        %parallel_loop3A_262 = arith.constant 16 : index
        %parallel_loop3A_263 = tpu.vector_load %arg13[%parallel_loop3A_261, %parallel_loop3A_262] {strides = array<i32>} : memref<128x128xf32, #tpu.memory_space<vmem>>, vector<16xf32>,
        tpu.vector_store %arg13[%parallel_loop3A_261, %parallel_loop3A_262], %parallel_loop3A_260 {strides = array<i32>} : memref<128x128xf32, #tpu.memory_space<vmem>>, vector<16xf32>,
        %parallel_loop3A_264 = arith.index_cast %parallel_loop3A_244 : i32 to index
        %parallel_loop3A_265 = arith.constant 32 : index
        %parallel_loop3A_266 = tpu.vector_load %arg13[%parallel_loop3A_264, %parallel_loop3A_265] {strides = array<i32>} : memref<128x128xf32, #tpu.memory_space<vmem>>, vector<16xf32>,
        %parallel_loop3A_267 = arith.mulf %parallel_loop3A_266, %parallel_loop3A_249 : vector<16xf32>
        %parallel_loop3A_268 = arith.index_cast %parallel_loop3A_244 : i32 to index
        %parallel_loop3A_269 = arith.constant 32 : index
        %parallel_loop3A_270 = tpu.vector_load %arg13[%parallel_loop3A_268, %parallel_loop3A_269] {strides = array<i32>} : memref<128x128xf32, #tpu.memory_space<vmem>>, vector<16xf32>,
        tpu.vector_store %arg13[%parallel_loop3A_268, %parallel_loop3A_269], %parallel_loop3A_267 {strides = array<i32>} : memref<128x128xf32, #tpu.memory_space<vmem>>, vector<16xf32>,
        %parallel_loop3A_271 = arith.index_cast %parallel_loop3A_244 : i32 to index
        %parallel_loop3A_272 = arith.constant 48 : index
        %parallel_loop3A_273 = tpu.vector_load %arg13[%parallel_loop3A_271, %parallel_loop3A_272] {strides = array<i32>} : memref<128x128xf32, #tpu.memory_space<vmem>>, vector<16xf32>,
        %parallel_loop3A_274 = arith.mulf %parallel_loop3A_273, %parallel_loop3A_249 : vector<16xf32>
        %parallel_loop3A_275 = arith.index_cast %parallel_loop3A_244 : i32 to index
        %parallel_loop3A_276 = arith.constant 48 : index
        %parallel_loop3A_277 = tpu.vector_load %arg13[%parallel_loop3A_275, %parallel_loop3A_276] {strides = array<i32>} : memref<128x128xf32, #tpu.memory_space<vmem>>, vector<16xf32>,
        tpu.vector_store %arg13[%parallel_loop3A_275, %parallel_loop3A_276], %parallel_loop3A_274 {strides = array<i32>} : memref<128x128xf32, #tpu.memory_space<vmem>>, vector<16xf32>,
        %parallel_loop3A_278 = arith.index_cast %parallel_loop3A_244 : i32 to index
        %parallel_loop3A_279 = arith.constant 64 : index
        %parallel_loop3A_280 = tpu.vector_load %arg13[%parallel_loop3A_278, %parallel_loop3A_279] {strides = array<i32>} : memref<128x128xf32, #tpu.memory_space<vmem>>, vector<16xf32>,
        %parallel_loop3A_281 = arith.mulf %parallel_loop3A_280, %parallel_loop3A_249 : vector<16xf32>
        %parallel_loop3A_282 = arith.index_cast %parallel_loop3A_244 : i32 to index
        %parallel_loop3A_283 = arith.constant 64 : index
        %parallel_loop3A_284 = tpu.vector_load %arg13[%parallel_loop3A_282, %parallel_loop3A_283] {strides = array<i32>} : memref<128x128xf32, #tpu.memory_space<vmem>>, vector<16xf32>,
        tpu.vector_store %arg13[%parallel_loop3A_282, %parallel_loop3A_283], %parallel_loop3A_281 {strides = array<i32>} : memref<128x128xf32, #tpu.memory_space<vmem>>, vector<16xf32>,
        %parallel_loop3A_285 = arith.index_cast %parallel_loop3A_244 : i32 to index
        %parallel_loop3A_286 = arith.constant 80 : index
        %parallel_loop3A_287 = tpu.vector_load %arg13[%parallel_loop3A_285, %parallel_loop3A_286] {strides = array<i32>} : memref<128x128xf32, #tpu.memory_space<vmem>>, vector<16xf32>,
        %parallel_loop3A_288 = arith.mulf %parallel_loop3A_287, %parallel_loop3A_249 : vector<16xf32>
        %parallel_loop3A_289 = arith.index_cast %parallel_loop3A_244 : i32 to index
        %parallel_loop3A_290 = arith.constant 80 : index
        %parallel_loop3A_291 = tpu.vector_load %arg13[%parallel_loop3A_289, %parallel_loop3A_290] {strides = array<i32>} : memref<128x128xf32, #tpu.memory_space<vmem>>, vector<16xf32>,
        tpu.vector_store %arg13[%parallel_loop3A_289, %parallel_loop3A_290], %parallel_loop3A_288 {strides = array<i32>} : memref<128x128xf32, #tpu.memory_space<vmem>>, vector<16xf32>,
        %parallel_loop3A_292 = arith.index_cast %parallel_loop3A_244 : i32 to index
        %parallel_loop3A_293 = arith.constant 96 : index
        %parallel_loop3A_294 = tpu.vector_load %arg13[%parallel_loop3A_292, %parallel_loop3A_293] {strides = array<i32>} : memref<128x128xf32, #tpu.memory_space<vmem>>, vector<16xf32>,
        %parallel_loop3A_295 = arith.mulf %parallel_loop3A_294, %parallel_loop3A_249 : vector<16xf32>
        %parallel_loop3A_296 = arith.index_cast %parallel_loop3A_244 : i32 to index
        %parallel_loop3A_297 = arith.constant 96 : index
        %parallel_loop3A_298 = tpu.vector_load %arg13[%parallel_loop3A_296, %parallel_loop3A_297] {strides = array<i32>} : memref<128x128xf32, #tpu.memory_space<vmem>>, vector<16xf32>,
        tpu.vector_store %arg13[%parallel_loop3A_296, %parallel_loop3A_297], %parallel_loop3A_295 {strides = array<i32>} : memref<128x128xf32, #tpu.memory_space<vmem>>, vector<16xf32>,
        %parallel_loop3A_299 = arith.index_cast %parallel_loop3A_244 : i32 to index
        %parallel_loop3A_300 = arith.constant 112 : index
        %parallel_loop3A_301 = tpu.vector_load %arg13[%parallel_loop3A_299, %parallel_loop3A_300] {strides = array<i32>} : memref<128x128xf32, #tpu.memory_space<vmem>>, vector<16xf32>,
        %parallel_loop3A_302 = arith.mulf %parallel_loop3A_301, %parallel_loop3A_249 : vector<16xf32>
        %parallel_loop3A_303 = arith.index_cast %parallel_loop3A_244 : i32 to index
        %parallel_loop3A_304 = arith.constant 112 : index
        %parallel_loop3A_305 = tpu.vector_load %arg13[%parallel_loop3A_303, %parallel_loop3A_304] {strides = array<i32>} : memref<128x128xf32, #tpu.memory_space<vmem>>, vector<16xf32>,
        tpu.vector_store %arg13[%parallel_loop3A_303, %parallel_loop3A_304], %parallel_loop3A_302 {strides = array<i32>} : memref<128x128xf32, #tpu.memory_space<vmem>>, vector<16xf32>,
      } {sc.loop_unroll_factor = 4 : i64, sc.parallel_access}
      %dma_start3A_141 = arith.constant 0 : i32
      %dma_start3A_142 = tpu.memref_slice %arg8[%mul3A_87, %dma_start3A_141] : memref<79x128xi32, #tpu.memory_space<vmem>> -> memref<1x128xi32, #tpu.memory_space<vmem>>
      %dma_start3A_143 = tpu.memref_squeeze %dma_start3A_142 : memref<1x128xi32, #tpu.memory_space<vmem>> -> memref<128xi32, #tpu.memory_space<vmem>>
      %dma_start3A_144 = arith.constant 0 : i32
      %dma_start3A_145 = arith.constant 0 : i32
      %dma_start3A_146 = tpu.memref_slice %arg7[%dma_start3A_144, %dma_start3A_145] : memref<10240x128xf32, #tpu.memory_space<vmem_shared>> -> memref<10240x128xf32, #tpu.memory_space<vmem_shared>>
      tpu.enqueue_indirect_dma source(%arg13 : memref<128x128xf32, #tpu.memory_space<vmem>>) target(%dma_start3A_146 : memref<10240x128xf32, #tpu.memory_space<vmem_shared>>) offsets(%dma_start3A_143 : memref<128xi32, #tpu.memory_space<vmem>>) semaphore(%arg19 : memref<!tpu.dma_semaphore, #tpu.memory_space<semaphore_mem>>) {add = true}
      %add3A_147 = arith.constant 2 : i32
      %add3A_148 = arith.addi %mul3A_87, %add3A_147 : i32
      %dma_start3A_149 = arith.constant 0 : i32
      %dma_start3A_150 = arith.constant 0 : i32
      %dma_start3A_151 = tpu.memref_slice %arg3[%add3A, %dma_start3A_149, %dma_start3A_150] : memref<32x79x128xi32, #tpu.memory_space<hbm>> -> memref<1x79x128xi32, #tpu.memory_space<hbm>>
      %dma_start3A_152 = tpu.memref_squeeze %dma_start3A_151 : memref<1x79x128xi32, #tpu.memory_space<hbm>> -> memref<79x128xi32, #tpu.memory_space<hbm>>
      %dma_start3A_153 = arith.constant 0 : i32
      %dma_start3A_154 = tpu.memref_slice %dma_start3A_152[%add3A_148, %dma_start3A_153] : memref<79x128xi32, #tpu.memory_space<hbm>> -> memref<1x128xi32, #tpu.memory_space<hbm>>
      %dma_start3A_155 = arith.constant 0 : i32
      %dma_start3A_156 = arith.constant 0 : i32
      %dma_start3A_157 = tpu.memref_slice %arg3[%add3A, %dma_start3A_155, %dma_start3A_156] : memref<32x79x128xi32, #tpu.memory_space<hbm>> -> memref<1x79x128xi32, #tpu.memory_space<hbm>>
      %dma_start3A_158 = tpu.memref_squeeze %dma_start3A_157 : memref<1x79x128xi32, #tpu.memory_space<hbm>> -> memref<79x128xi32, #tpu.memory_space<hbm>>
      %dma_start3A_159 = arith.constant 0 : i32
      %dma_start3A_160 = tpu.memref_slice %dma_start3A_158[%add3A_148, %dma_start3A_159] : memref<79x128xi32, #tpu.memory_space<hbm>> -> memref<1x128xi32, #tpu.memory_space<hbm>>
      tpu.enqueue_dma source(%dma_start3A_160 : memref<1x128xi32, #tpu.memory_space<hbm>>) target(%arg9 : memref<1x128xi32, #tpu.memory_space<vmem>>) target_semaphore(%arg15 : memref<!tpu.dma_semaphore, #tpu.memory_space<semaphore_mem>>)
      %dma_start3A_161 = arith.constant 0 : i32
      %dma_start3A_162 = arith.constant 0 : i32
      %dma_start3A_163 = tpu.memref_slice %arg5[%add3A, %dma_start3A_161, %dma_start3A_162] : memref<32x79x128xi32, #tpu.memory_space<hbm>> -> memref<1x79x128xi32, #tpu.memory_space<hbm>>
      %dma_start3A_164 = tpu.memref_squeeze %dma_start3A_163 : memref<1x79x128xi32, #tpu.memory_space<hbm>> -> memref<79x128xi32, #tpu.memory_space<hbm>>
      %dma_start3A_165 = arith.constant 0 : i32
      %dma_start3A_166 = tpu.memref_slice %dma_start3A_164[%add3A_148, %dma_start3A_165] : memref<79x128xi32, #tpu.memory_space<hbm>> -> memref<1x128xi32, #tpu.memory_space<hbm>>
      %dma_start3A_167 = arith.constant 0 : i32
      %dma_start3A_168 = arith.constant 0 : i32
      %dma_start3A_169 = tpu.memref_slice %arg5[%add3A, %dma_start3A_167, %dma_start3A_168] : memref<32x79x128xi32, #tpu.memory_space<hbm>> -> memref<1x79x128xi32, #tpu.memory_space<hbm>>
      %dma_start3A_170 = tpu.memref_squeeze %dma_start3A_169 : memref<1x79x128xi32, #tpu.memory_space<hbm>> -> memref<79x128xi32, #tpu.memory_space<hbm>>
      %dma_start3A_171 = arith.constant 0 : i32
      %dma_start3A_172 = tpu.memref_slice %dma_start3A_170[%add3A_148, %dma_start3A_171] : memref<79x128xi32, #tpu.memory_space<hbm>> -> memref<1x128xi32, #tpu.memory_space<hbm>>
      tpu.enqueue_dma source(%dma_start3A_172 : memref<1x128xi32, #tpu.memory_space<hbm>>) target(%arg10 : memref<1x128xi32, #tpu.memory_space<vmem>>) target_semaphore(%arg15 : memref<!tpu.dma_semaphore, #tpu.memory_space<semaphore_mem>>)
      %add3A_173 = arith.constant 2 : i32
      %add3A_174 = arith.addi %mul3A_87, %add3A_173 : i32
      %dma_wait3A_175 = arith.constant 0 : i32
      %dma_wait3A_176 = arith.constant 0 : i32
      %dma_wait3A_177 = tpu.memref_slice %arg3[%add3A, %dma_wait3A_175, %dma_wait3A_176] : memref<32x79x128xi32, #tpu.memory_space<hbm>> -> memref<1x79x128xi32, #tpu.memory_space<hbm>>
      %dma_wait3A_178 = tpu.memref_squeeze %dma_wait3A_177 : memref<1x79x128xi32, #tpu.memory_space<hbm>> -> memref<79x128xi32, #tpu.memory_space<hbm>>
      %dma_wait3A_179 = arith.constant 0 : i32
      %dma_wait3A_180 = tpu.memref_slice %dma_wait3A_178[%add3A_174, %dma_wait3A_179] : memref<79x128xi32, #tpu.memory_space<hbm>> -> memref<1x128xi32, #tpu.memory_space<hbm>>
      %dma_wait3A_181 = arith.constant 0 : i32
      %dma_wait3A_182 = arith.constant 0 : i32
      %dma_wait3A_183 = tpu.memref_slice %arg3[%add3A, %dma_wait3A_181, %dma_wait3A_182] : memref<32x79x128xi32, #tpu.memory_space<hbm>> -> memref<1x79x128xi32, #tpu.memory_space<hbm>>
      %dma_wait3A_184 = tpu.memref_squeeze %dma_wait3A_183 : memref<1x79x128xi32, #tpu.memory_space<hbm>> -> memref<79x128xi32, #tpu.memory_space<hbm>>
      %dma_wait3A_185 = arith.constant 0 : i32
      %dma_wait3A_186 = tpu.memref_slice %dma_wait3A_184[%add3A_174, %dma_wait3A_185] : memref<79x128xi32, #tpu.memory_space<hbm>> -> memref<1x128xi32, #tpu.memory_space<hbm>>
      tpu.wait_dma2 semaphore(%arg15 : memref<!tpu.dma_semaphore, #tpu.memory_space<semaphore_mem>>) src(%dma_wait3A_186 : memref<1x128xi32, #tpu.memory_space<hbm>>) dst(%arg9 : memref<1x128xi32, #tpu.memory_space<vmem>>)
      %dma_wait3A_187 = arith.constant 0 : i32
      %dma_wait3A_188 = arith.constant 0 : i32
      %dma_wait3A_189 = tpu.memref_slice %arg5[%add3A, %dma_wait3A_187, %dma_wait3A_188] : memref<32x79x128xi32, #tpu.memory_space<hbm>> -> memref<1x79x128xi32, #tpu.memory_space<hbm>>
      %dma_wait3A_190 = tpu.memref_squeeze %dma_wait3A_189 : memref<1x79x128xi32, #tpu.memory_space<hbm>> -> memref<79x128xi32, #tpu.memory_space<hbm>>
      %dma_wait3A_191 = arith.constant 0 : i32
      %dma_wait3A_192 = tpu.memref_slice %dma_wait3A_190[%add3A_174, %dma_wait3A_191] : memref<79x128xi32, #tpu.memory_space<hbm>> -> memref<1x128xi32, #tpu.memory_space<hbm>>
      %dma_wait3A_193 = arith.constant 0 : i32
      %dma_wait3A_194 = arith.constant 0 : i32
      %dma_wait3A_195 = tpu.memref_slice %arg5[%add3A, %dma_wait3A_193, %dma_wait3A_194] : memref<32x79x128xi32, #tpu.memory_space<hbm>> -> memref<1x79x128xi32, #tpu.memory_space<hbm>>
      %dma_wait3A_196 = tpu.memref_squeeze %dma_wait3A_195 : memref<1x79x128xi32, #tpu.memory_space<hbm>> -> memref<79x128xi32, #tpu.memory_space<hbm>>
      %dma_wait3A_197 = arith.constant 0 : i32
      %dma_wait3A_198 = tpu.memref_slice %dma_wait3A_196[%add3A_174, %dma_wait3A_197] : memref<79x128xi32, #tpu.memory_space<hbm>> -> memref<1x128xi32, #tpu.memory_space<hbm>>
      tpu.wait_dma2 semaphore(%arg15 : memref<!tpu.dma_semaphore, #tpu.memory_space<semaphore_mem>>) src(%dma_wait3A_198 : memref<1x128xi32, #tpu.memory_space<hbm>>) dst(%arg10 : memref<1x128xi32, #tpu.memory_space<vmem>>)
      %dma_wait3A_199 = arith.constant 0 : i32
      %dma_wait3A_200 = tpu.memref_slice %arg8[%mul3A_87, %dma_wait3A_199] : memref<79x128xi32, #tpu.memory_space<vmem>> -> memref<1x128xi32, #tpu.memory_space<vmem>>
      %dma_wait3A_201 = tpu.memref_squeeze %dma_wait3A_200 : memref<1x128xi32, #tpu.memory_space<vmem>> -> memref<128xi32, #tpu.memory_space<vmem>>
      %dma_wait3A_202 = arith.constant 0 : i32
      %dma_wait3A_203 = arith.constant 0 : i32
      %dma_wait3A_204 = tpu.memref_slice %arg7[%dma_wait3A_202, %dma_wait3A_203] : memref<10240x128xf32, #tpu.memory_space<vmem_shared>> -> memref<10240x128xf32, #tpu.memory_space<vmem_shared>>
      tpu.wait_indirect_dma semaphore(%arg19 : memref<!tpu.dma_semaphore, #tpu.memory_space<semaphore_mem>>) src(%arg13 : memref<128x128xf32, #tpu.memory_space<vmem>>) dst(%dma_wait3A_204 : memref<10240x128xf32, #tpu.memory_space<vmem_shared>>)
      %dma_start3A_205 = arith.constant 0 : i32
      %dma_start3A_206 = arith.constant 0 : i32
      %dma_start3A_207 = tpu.memref_slice %arg9[%dma_start3A_205, %dma_start3A_206] : memref<1x128xi32, #tpu.memory_space<vmem>> -> memref<1x128xi32, #tpu.memory_space<vmem>>
      %dma_start3A_208 = tpu.memref_squeeze %dma_start3A_207 : memref<1x128xi32, #tpu.memory_space<vmem>> -> memref<128xi32, #tpu.memory_space<vmem>>
      %dma_start3A_209 = arith.constant 0 : i32
      %dma_start3A_210 = arith.constant 0 : i32
      %dma_start3A_211 = tpu.memref_slice %arg2[%arg0, %dma_start3A_209, %dma_start3A_210] : memref<2x10000x128xf32, #tpu.memory_space<hbm>> -> memref<1x10000x128xf32, #tpu.memory_space<hbm>>
      %dma_start3A_212 = tpu.memref_squeeze %dma_start3A_211 : memref<1x10000x128xf32, #tpu.memory_space<hbm>> -> memref<10000x128xf32, #tpu.memory_space<hbm>>
      %dma_start3A_213 = arith.constant 0 : i32
      %dma_start3A_214 = arith.constant 0 : i32
      %dma_start3A_215 = tpu.memref_slice %dma_start3A_212[%dma_start3A_213, %dma_start3A_214] : memref<10000x128xf32, #tpu.memory_space<hbm>> -> memref<10000x128xf32, #tpu.memory_space<hbm>>
      tpu.enqueue_indirect_dma source(%dma_start3A_215 : memref<10000x128xf32, #tpu.memory_space<hbm>>) target(%arg13 : memref<128x128xf32, #tpu.memory_space<vmem>>) offsets(%dma_start3A_208 : memref<128xi32, #tpu.memory_space<vmem>>) semaphore(%arg17 : memref<!tpu.dma_semaphore, #tpu.memory_space<semaphore_mem>>)
      %dma_wait3A_216 = arith.constant 0 : i32
      %dma_wait3A_217 = arith.constant 0 : i32
      %dma_wait3A_218 = tpu.memref_slice %arg11[%dma_wait3A_216, %dma_wait3A_217] : memref<1x128xi32, #tpu.memory_space<vmem>> -> memref<1x128xi32, #tpu.memory_space<vmem>>
      %dma_wait3A_219 = tpu.memref_squeeze %dma_wait3A_218 : memref<1x128xi32, #tpu.memory_space<vmem>> -> memref<128xi32, #tpu.memory_space<vmem>>
      %dma_wait3A_220 = arith.constant 0 : i32
      %dma_wait3A_221 = arith.constant 0 : i32
      %dma_wait3A_222 = tpu.memref_slice %arg2[%arg0, %dma_wait3A_220, %dma_wait3A_221] : memref<2x10000x128xf32, #tpu.memory_space<hbm>> -> memref<1x10000x128xf32, #tpu.memory_space<hbm>>
      %dma_wait3A_223 = tpu.memref_squeeze %dma_wait3A_222 : memref<1x10000x128xf32, #tpu.memory_space<hbm>> -> memref<10000x128xf32, #tpu.memory_space<hbm>>
      %dma_wait3A_224 = arith.constant 0 : i32
      %dma_wait3A_225 = arith.constant 0 : i32
      %dma_wait3A_226 = tpu.memref_slice %dma_wait3A_223[%dma_wait3A_224, %dma_wait3A_225] : memref<10000x128xf32, #tpu.memory_space<hbm>> -> memref<10000x128xf32, #tpu.memory_space<hbm>>
      tpu.wait_indirect_dma semaphore(%arg18 : memref<!tpu.dma_semaphore, #tpu.memory_space<semaphore_mem>>) src(%dma_wait3A_226 : memref<10000x128xf32, #tpu.memory_space<hbm>>) dst(%arg14 : memref<128x128xf32, #tpu.memory_space<vmem>>)
      %parallel_loop3A_227 = arith.constant 0 : i32
      %parallel_loop3A_228 = arith.constant 128 : i32
      %parallel_loop3A_229 = arith.constant 1 : i32
      scf.for %parallel_loop3A_244 = %parallel_loop3A_227 to %parallel_loop3A_228 step %parallel_loop3A_229  : i32 {
        %parallel_loop3A_245 = arith.constant 0 : i32
        %parallel_loop3A_246 = vector.broadcast %parallel_loop3A_245 : i32 to vector<16xi32>
        %parallel_loop3A_247 = vector.broadcast %parallel_loop3A_244 : i32 to vector<16xi32>
        %parallel_loop3A_248 = tpu.vector_load_idx %arg12[%parallel_loop3A_246, %parallel_loop3A_247] : memref<1x128xi32, #tpu.memory_space<vmem>>[vector<16xi32>, vector<16xi32>], vector<16xi32>,
        %parallel_loop3A_249 = vector.bitcast %parallel_loop3A_248 : vector<16xi32> to vector<16xf32>
        %parallel_loop3A_250 = arith.index_cast %parallel_loop3A_244 : i32 to index
        %parallel_loop3A_251 = arith.constant 0 : index
        %parallel_loop3A_252 = tpu.vector_load %arg14[%parallel_loop3A_250, %parallel_loop3A_251] {strides = array<i32>} : memref<128x128xf32, #tpu.memory_space<vmem>>, vector<16xf32>,
        %parallel_loop3A_253 = arith.mulf %parallel_loop3A_252, %parallel_loop3A_249 : vector<16xf32>
        %parallel_loop3A_254 = arith.index_cast %parallel_loop3A_244 : i32 to index
        %parallel_loop3A_255 = arith.constant 0 : index
        %parallel_loop3A_256 = tpu.vector_load %arg14[%parallel_loop3A_254, %parallel_loop3A_255] {strides = array<i32>} : memref<128x128xf32, #tpu.memory_space<vmem>>, vector<16xf32>,
        tpu.vector_store %arg14[%parallel_loop3A_254, %parallel_loop3A_255], %parallel_loop3A_253 {strides = array<i32>} : memref<128x128xf32, #tpu.memory_space<vmem>>, vector<16xf32>,
        %parallel_loop3A_257 = arith.index_cast %parallel_loop3A_244 : i32 to index
        %parallel_loop3A_258 = arith.constant 16 : index
        %parallel_loop3A_259 = tpu.vector_load %arg14[%parallel_loop3A_257, %parallel_loop3A_258] {strides = array<i32>} : memref<128x128xf32, #tpu.memory_space<vmem>>, vector<16xf32>,
        %parallel_loop3A_260 = arith.mulf %parallel_loop3A_259, %parallel_loop3A_249 : vector<16xf32>
        %parallel_loop3A_261 = arith.index_cast %parallel_loop3A_244 : i32 to index
        %parallel_loop3A_262 = arith.constant 16 : index
        %parallel_loop3A_263 = tpu.vector_load %arg14[%parallel_loop3A_261, %parallel_loop3A_262] {strides = array<i32>} : memref<128x128xf32, #tpu.memory_space<vmem>>, vector<16xf32>,
        tpu.vector_store %arg14[%parallel_loop3A_261, %parallel_loop3A_262], %parallel_loop3A_260 {strides = array<i32>} : memref<128x128xf32, #tpu.memory_space<vmem>>, vector<16xf32>,
        %parallel_loop3A_264 = arith.index_cast %parallel_loop3A_244 : i32 to index
        %parallel_loop3A_265 = arith.constant 32 : index
        %parallel_loop3A_266 = tpu.vector_load %arg14[%parallel_loop3A_264, %parallel_loop3A_265] {strides = array<i32>} : memref<128x128xf32, #tpu.memory_space<vmem>>, vector<16xf32>,
        %parallel_loop3A_267 = arith.mulf %parallel_loop3A_266, %parallel_loop3A_249 : vector<16xf32>
        %parallel_loop3A_268 = arith.index_cast %parallel_loop3A_244 : i32 to index
        %parallel_loop3A_269 = arith.constant 32 : index
        %parallel_loop3A_270 = tpu.vector_load %arg14[%parallel_loop3A_268, %parallel_loop3A_269] {strides = array<i32>} : memref<128x128xf32, #tpu.memory_space<vmem>>, vector<16xf32>,
        tpu.vector_store %arg14[%parallel_loop3A_268, %parallel_loop3A_269], %parallel_loop3A_267 {strides = array<i32>} : memref<128x128xf32, #tpu.memory_space<vmem>>, vector<16xf32>,
        %parallel_loop3A_271 = arith.index_cast %parallel_loop3A_244 : i32 to index
        %parallel_loop3A_272 = arith.constant 48 : index
        %parallel_loop3A_273 = tpu.vector_load %arg14[%parallel_loop3A_271, %parallel_loop3A_272] {strides = array<i32>} : memref<128x128xf32, #tpu.memory_space<vmem>>, vector<16xf32>,
        %parallel_loop3A_274 = arith.mulf %parallel_loop3A_273, %parallel_loop3A_249 : vector<16xf32>
        %parallel_loop3A_275 = arith.index_cast %parallel_loop3A_244 : i32 to index
        %parallel_loop3A_276 = arith.constant 48 : index
        %parallel_loop3A_277 = tpu.vector_load %arg14[%parallel_loop3A_275, %parallel_loop3A_276] {strides = array<i32>} : memref<128x128xf32, #tpu.memory_space<vmem>>, vector<16xf32>,
        tpu.vector_store %arg14[%parallel_loop3A_275, %parallel_loop3A_276], %parallel_loop3A_274 {strides = array<i32>} : memref<128x128xf32, #tpu.memory_space<vmem>>, vector<16xf32>,
        %parallel_loop3A_278 = arith.index_cast %parallel_loop3A_244 : i32 to index
        %parallel_loop3A_279 = arith.constant 64 : index
        %parallel_loop3A_280 = tpu.vector_load %arg14[%parallel_loop3A_278, %parallel_loop3A_279] {strides = array<i32>} : memref<128x128xf32, #tpu.memory_space<vmem>>, vector<16xf32>,
        %parallel_loop3A_281 = arith.mulf %parallel_loop3A_280, %parallel_loop3A_249 : vector<16xf32>
        %parallel_loop3A_282 = arith.index_cast %parallel_loop3A_244 : i32 to index
        %parallel_loop3A_283 = arith.constant 64 : index
        %parallel_loop3A_284 = tpu.vector_load %arg14[%parallel_loop3A_282, %parallel_loop3A_283] {strides = array<i32>} : memref<128x128xf32, #tpu.memory_space<vmem>>, vector<16xf32>,
        tpu.vector_store %arg14[%parallel_loop3A_282, %parallel_loop3A_283], %parallel_loop3A_281 {strides = array<i32>} : memref<128x128xf32, #tpu.memory_space<vmem>>, vector<16xf32>,
        %parallel_loop3A_285 = arith.index_cast %parallel_loop3A_244 : i32 to index
        %parallel_loop3A_286 = arith.constant 80 : index
        %parallel_loop3A_287 = tpu.vector_load %arg14[%parallel_loop3A_285, %parallel_loop3A_286] {strides = array<i32>} : memref<128x128xf32, #tpu.memory_space<vmem>>, vector<16xf32>,
        %parallel_loop3A_288 = arith.mulf %parallel_loop3A_287, %parallel_loop3A_249 : vector<16xf32>
        %parallel_loop3A_289 = arith.index_cast %parallel_loop3A_244 : i32 to index
        %parallel_loop3A_290 = arith.constant 80 : index
        %parallel_loop3A_291 = tpu.vector_load %arg14[%parallel_loop3A_289, %parallel_loop3A_290] {strides = array<i32>} : memref<128x128xf32, #tpu.memory_space<vmem>>, vector<16xf32>,
        tpu.vector_store %arg14[%parallel_loop3A_289, %parallel_loop3A_290], %parallel_loop3A_288 {strides = array<i32>} : memref<128x128xf32, #tpu.memory_space<vmem>>, vector<16xf32>,
        %parallel_loop3A_292 = arith.index_cast %parallel_loop3A_244 : i32 to index
        %parallel_loop3A_293 = arith.constant 96 : index
        %parallel_loop3A_294 = tpu.vector_load %arg14[%parallel_loop3A_292, %parallel_loop3A_293] {strides = array<i32>} : memref<128x128xf32, #tpu.memory_space<vmem>>, vector<16xf32>,
        %parallel_loop3A_295 = arith.mulf %parallel_loop3A_294, %parallel_loop3A_249 : vector<16xf32>
        %parallel_loop3A_296 = arith.index_cast %parallel_loop3A_244 : i32 to index
        %parallel_loop3A_297 = arith.constant 96 : index
        %parallel_loop3A_298 = tpu.vector_load %arg14[%parallel_loop3A_296, %parallel_loop3A_297] {strides = array<i32>} : memref<128x128xf32, #tpu.memory_space<vmem>>, vector<16xf32>,
        tpu.vector_store %arg14[%parallel_loop3A_296, %parallel_loop3A_297], %parallel_loop3A_295 {strides = array<i32>} : memref<128x128xf32, #tpu.memory_space<vmem>>, vector<16xf32>,
        %parallel_loop3A_299 = arith.index_cast %parallel_loop3A_244 : i32 to index
        %parallel_loop3A_300 = arith.constant 112 : index
        %parallel_loop3A_301 = tpu.vector_load %arg14[%parallel_loop3A_299, %parallel_loop3A_300] {strides = array<i32>} : memref<128x128xf32, #tpu.memory_space<vmem>>, vector<16xf32>,
        %parallel_loop3A_302 = arith.mulf %parallel_loop3A_301, %parallel_loop3A_249 : vector<16xf32>
        %parallel_loop3A_303 = arith.index_cast %parallel_loop3A_244 : i32 to index
        %parallel_loop3A_304 = arith.constant 112 : index
        %parallel_loop3A_305 = tpu.vector_load %arg14[%parallel_loop3A_303, %parallel_loop3A_304] {strides = array<i32>} : memref<128x128xf32, #tpu.memory_space<vmem>>, vector<16xf32>,
        tpu.vector_store %arg14[%parallel_loop3A_303, %parallel_loop3A_304], %parallel_loop3A_302 {strides = array<i32>} : memref<128x128xf32, #tpu.memory_space<vmem>>, vector<16xf32>,
      } {sc.loop_unroll_factor = 4 : i64, sc.parallel_access}
      %add3A_230 = arith.constant 1 : i32
      %add3A_231 = arith.addi %mul3A_87, %add3A_230 : i32
      %dma_start3A_232 = arith.constant 0 : i32
      %dma_start3A_233 = tpu.memref_slice %arg8[%add3A_231, %dma_start3A_232] : memref<79x128xi32, #tpu.memory_space<vmem>> -> memref<1x128xi32, #tpu.memory_space<vmem>>
      %dma_start3A_234 = tpu.memref_squeeze %dma_start3A_233 : memref<1x128xi32, #tpu.memory_space<vmem>> -> memref<128xi32, #tpu.memory_space<vmem>>
      %dma_start3A_235 = arith.constant 0 : i32
      %dma_start3A_236 = arith.constant 0 : i32
      %dma_start3A_237 = tpu.memref_slice %arg7[%dma_start3A_235, %dma_start3A_236] : memref<10240x128xf32, #tpu.memory_space<vmem_shared>> -> memref<10240x128xf32, #tpu.memory_space<vmem_shared>>
      tpu.enqueue_indirect_dma source(%arg14 : memref<128x128xf32, #tpu.memory_space<vmem>>) target(%dma_start3A_237 : memref<10240x128xf32, #tpu.memory_space<vmem_shared>>) offsets(%dma_start3A_234 : memref<128xi32, #tpu.memory_space<vmem>>) semaphore(%arg20 : memref<!tpu.dma_semaphore, #tpu.memory_space<semaphore_mem>>) {add = true}
      %add3A_238 = arith.constant 3 : i32
      %add3A_239 = arith.addi %mul3A_87, %add3A_238 : i32
      %lt3A = arith.constant 79 : i32
      %lt3A_240 = arith.cmpi slt, %add3A_239, %lt3A : i32
      %convert_element_type3A_241 = arith.extui %lt3A_240 : i1 to i32
      %cond3A_242 = arith.constant 0 : i32
      %cond3A_243 = arith.cmpi ne, %convert_element_type3A_241, %cond3A_242 : i32
      scf.if %cond3A_243 {
        %add3A_244 = arith.constant 3 : i32
        %add3A_245 = arith.addi %mul3A_87, %add3A_244 : i32
        %dma_start3A_246 = arith.constant 0 : i32
        %dma_start3A_247 = arith.constant 0 : i32
        %dma_start3A_248 = tpu.memref_slice %arg3[%add3A, %dma_start3A_246, %dma_start3A_247] : memref<32x79x128xi32, #tpu.memory_space<hbm>> -> memref<1x79x128xi32, #tpu.memory_space<hbm>>
        %dma_start3A_249 = tpu.memref_squeeze %dma_start3A_248 : memref<1x79x128xi32, #tpu.memory_space<hbm>> -> memref<79x128xi32, #tpu.memory_space<hbm>>
        %dma_start3A_250 = arith.constant 0 : i32
        %dma_start3A_251 = tpu.memref_slice %dma_start3A_249[%add3A_245, %dma_start3A_250] : memref<79x128xi32, #tpu.memory_space<hbm>> -> memref<1x128xi32, #tpu.memory_space<hbm>>
        %dma_start3A_252 = arith.constant 0 : i32
        %dma_start3A_253 = arith.constant 0 : i32
        %dma_start3A_254 = tpu.memref_slice %arg3[%add3A, %dma_start3A_252, %dma_start3A_253] : memref<32x79x128xi32, #tpu.memory_space<hbm>> -> memref<1x79x128xi32, #tpu.memory_space<hbm>>
        %dma_start3A_255 = tpu.memref_squeeze %dma_start3A_254 : memref<1x79x128xi32, #tpu.memory_space<hbm>> -> memref<79x128xi32, #tpu.memory_space<hbm>>
        %dma_start3A_256 = arith.constant 0 : i32
        %dma_start3A_257 = tpu.memref_slice %dma_start3A_255[%add3A_245, %dma_start3A_256] : memref<79x128xi32, #tpu.memory_space<hbm>> -> memref<1x128xi32, #tpu.memory_space<hbm>>
        tpu.enqueue_dma source(%dma_start3A_257 : memref<1x128xi32, #tpu.memory_space<hbm>>) target(%arg11 : memref<1x128xi32, #tpu.memory_space<vmem>>) target_semaphore(%arg16 : memref<!tpu.dma_semaphore, #tpu.memory_space<semaphore_mem>>)
        %dma_start3A_258 = arith.constant 0 : i32
        %dma_start3A_259 = arith.constant 0 : i32
        %dma_start3A_260 = tpu.memref_slice %arg5[%add3A, %dma_start3A_258, %dma_start3A_259] : memref<32x79x128xi32, #tpu.memory_space<hbm>> -> memref<1x79x128xi32, #tpu.memory_space<hbm>>
        %dma_start3A_261 = tpu.memref_squeeze %dma_start3A_260 : memref<1x79x128xi32, #tpu.memory_space<hbm>> -> memref<79x128xi32, #tpu.memory_space<hbm>>
        %dma_start3A_262 = arith.constant 0 : i32
        %dma_start3A_263 = tpu.memref_slice %dma_start3A_261[%add3A_245, %dma_start3A_262] : memref<79x128xi32, #tpu.memory_space<hbm>> -> memref<1x128xi32, #tpu.memory_space<hbm>>
        %dma_start3A_264 = arith.constant 0 : i32
        %dma_start3A_265 = arith.constant 0 : i32
        %dma_start3A_266 = tpu.memref_slice %arg5[%add3A, %dma_start3A_264, %dma_start3A_265] : memref<32x79x128xi32, #tpu.memory_space<hbm>> -> memref<1x79x128xi32, #tpu.memory_space<hbm>>
        %dma_start3A_267 = tpu.memref_squeeze %dma_start3A_266 : memref<1x79x128xi32, #tpu.memory_space<hbm>> -> memref<79x128xi32, #tpu.memory_space<hbm>>
        %dma_start3A_268 = arith.constant 0 : i32
        %dma_start3A_269 = tpu.memref_slice %dma_start3A_267[%add3A_245, %dma_start3A_268] : memref<79x128xi32, #tpu.memory_space<hbm>> -> memref<1x128xi32, #tpu.memory_space<hbm>>
        tpu.enqueue_dma source(%dma_start3A_269 : memref<1x128xi32, #tpu.memory_space<hbm>>) target(%arg12 : memref<1x128xi32, #tpu.memory_space<vmem>>) target_semaphore(%arg16 : memref<!tpu.dma_semaphore, #tpu.memory_space<semaphore_mem>>)
      } else {
      }
    }
    %scan3A_60 = arith.constant 39 : i32
    %dma_wait3A = arith.constant 77 : i32
    %dma_wait3A_61 = arith.constant 0 : i32
    %dma_wait3A_62 = tpu.memref_slice %arg8[%dma_wait3A, %dma_wait3A_61] : memref<79x128xi32, #tpu.memory_space<vmem>> -> memref<1x128xi32, #tpu.memory_space<vmem>>
    %dma_wait3A_63 = tpu.memref_squeeze %dma_wait3A_62 : memref<1x128xi32, #tpu.memory_space<vmem>> -> memref<128xi32, #tpu.memory_space<vmem>>
    %dma_wait3A_64 = arith.constant 0 : i32
    %dma_wait3A_65 = arith.constant 0 : i32
    %dma_wait3A_66 = tpu.memref_slice %arg7[%dma_wait3A_64, %dma_wait3A_65] : memref<10240x128xf32, #tpu.memory_space<vmem_shared>> -> memref<10240x128xf32, #tpu.memory_space<vmem_shared>>
    tpu.wait_indirect_dma semaphore(%arg20 : memref<!tpu.dma_semaphore, #tpu.memory_space<semaphore_mem>>) src(%arg14 : memref<128x128xf32, #tpu.memory_space<vmem>>) dst(%dma_wait3A_66 : memref<10240x128xf32, #tpu.memory_space<vmem_shared>>)
    %dma_wait3A_67 = arith.constant 0 : i32
    %dma_wait3A_68 = arith.constant 0 : i32
    %dma_wait3A_69 = tpu.memref_slice %arg9[%dma_wait3A_67, %dma_wait3A_68] : memref<1x128xi32, #tpu.memory_space<vmem>> -> memref<1x128xi32, #tpu.memory_space<vmem>>
    %dma_wait3A_70 = tpu.memref_squeeze %dma_wait3A_69 : memref<1x128xi32, #tpu.memory_space<vmem>> -> memref<128xi32, #tpu.memory_space<vmem>>
    %dma_wait3A_71 = arith.constant 0 : i32
    %dma_wait3A_72 = arith.constant 0 : i32
    %dma_wait3A_73 = tpu.memref_slice %arg2[%arg0, %dma_wait3A_71, %dma_wait3A_72] : memref<2x10000x128xf32, #tpu.memory_space<hbm>> -> memref<1x10000x128xf32, #tpu.memory_space<hbm>>
    %dma_wait3A_74 = tpu.memref_squeeze %dma_wait3A_73 : memref<1x10000x128xf32, #tpu.memory_space<hbm>> -> memref<10000x128xf32, #tpu.memory_space<hbm>>
    %dma_wait3A_75 = arith.constant 0 : i32
    %dma_wait3A_76 = arith.constant 0 : i32
    %dma_wait3A_77 = tpu.memref_slice %dma_wait3A_74[%dma_wait3A_75, %dma_wait3A_76] : memref<10000x128xf32, #tpu.memory_space<hbm>> -> memref<10000x128xf32, #tpu.memory_space<hbm>>
    tpu.wait_indirect_dma semaphore(%arg17 : memref<!tpu.dma_semaphore, #tpu.memory_space<semaphore_mem>>) src(%dma_wait3A_77 : memref<10000x128xf32, #tpu.memory_space<hbm>>) dst(%arg13 : memref<128x128xf32, #tpu.memory_space<vmem>>)
    %parallel_loop3A = arith.constant 0 : i32
    %parallel_loop3A_78 = arith.constant 128 : i32
    %parallel_loop3A_79 = arith.constant 1 : i32
    scf.for %parallel_loop3A_81 = %parallel_loop3A to %parallel_loop3A_78 step %parallel_loop3A_79  : i32 {
      %parallel_loop3A_82 = arith.constant 0 : i32
      %parallel_loop3A_83 = vector.broadcast %parallel_loop3A_82 : i32 to vector<16xi32>
      %parallel_loop3A_84 = vector.broadcast %parallel_loop3A_81 : i32 to vector<16xi32>
      %parallel_loop3A_85 = tpu.vector_load_idx %arg10[%parallel_loop3A_83, %parallel_loop3A_84] : memref<1x128xi32, #tpu.memory_space<vmem>>[vector<16xi32>, vector<16xi32>], vector<16xi32>,
      %parallel_loop3A_86 = vector.bitcast %parallel_loop3A_85 : vector<16xi32> to vector<16xf32>
      %parallel_loop3A_87 = arith.index_cast %parallel_loop3A_81 : i32 to index
      %parallel_loop3A_88 = arith.constant 0 : index
      %parallel_loop3A_89 = tpu.vector_load %arg13[%parallel_loop3A_87, %parallel_loop3A_88] {strides = array<i32>} : memref<128x128xf32, #tpu.memory_space<vmem>>, vector<16xf32>,
      %parallel_loop3A_90 = arith.mulf %parallel_loop3A_89, %parallel_loop3A_86 : vector<16xf32>
      %parallel_loop3A_91 = arith.index_cast %parallel_loop3A_81 : i32 to index
      %parallel_loop3A_92 = arith.constant 0 : index
      %parallel_loop3A_93 = tpu.vector_load %arg13[%parallel_loop3A_91, %parallel_loop3A_92] {strides = array<i32>} : memref<128x128xf32, #tpu.memory_space<vmem>>, vector<16xf32>,
      tpu.vector_store %arg13[%parallel_loop3A_91, %parallel_loop3A_92], %parallel_loop3A_90 {strides = array<i32>} : memref<128x128xf32, #tpu.memory_space<vmem>>, vector<16xf32>,
      %parallel_loop3A_94 = arith.index_cast %parallel_loop3A_81 : i32 to index
      %parallel_loop3A_95 = arith.constant 16 : index
      %parallel_loop3A_96 = tpu.vector_load %arg13[%parallel_loop3A_94, %parallel_loop3A_95] {strides = array<i32>} : memref<128x128xf32, #tpu.memory_space<vmem>>, vector<16xf32>,
      %parallel_loop3A_97 = arith.mulf %parallel_loop3A_96, %parallel_loop3A_86 : vector<16xf32>
      %parallel_loop3A_98 = arith.index_cast %parallel_loop3A_81 : i32 to index
      %parallel_loop3A_99 = arith.constant 16 : index
      %parallel_loop3A_100 = tpu.vector_load %arg13[%parallel_loop3A_98, %parallel_loop3A_99] {strides = array<i32>} : memref<128x128xf32, #tpu.memory_space<vmem>>, vector<16xf32>,
      tpu.vector_store %arg13[%parallel_loop3A_98, %parallel_loop3A_99], %parallel_loop3A_97 {strides = array<i32>} : memref<128x128xf32, #tpu.memory_space<vmem>>, vector<16xf32>,
      %parallel_loop3A_101 = arith.index_cast %parallel_loop3A_81 : i32 to index
      %parallel_loop3A_102 = arith.constant 32 : index
      %parallel_loop3A_103 = tpu.vector_load %arg13[%parallel_loop3A_101, %parallel_loop3A_102] {strides = array<i32>} : memref<128x128xf32, #tpu.memory_space<vmem>>, vector<16xf32>,
      %parallel_loop3A_104 = arith.mulf %parallel_loop3A_103, %parallel_loop3A_86 : vector<16xf32>
      %parallel_loop3A_105 = arith.index_cast %parallel_loop3A_81 : i32 to index
      %parallel_loop3A_106 = arith.constant 32 : index
      %parallel_loop3A_107 = tpu.vector_load %arg13[%parallel_loop3A_105, %parallel_loop3A_106] {strides = array<i32>} : memref<128x128xf32, #tpu.memory_space<vmem>>, vector<16xf32>,
      tpu.vector_store %arg13[%parallel_loop3A_105, %parallel_loop3A_106], %parallel_loop3A_104 {strides = array<i32>} : memref<128x128xf32, #tpu.memory_space<vmem>>, vector<16xf32>,
      %parallel_loop3A_108 = arith.index_cast %parallel_loop3A_81 : i32 to index
      %parallel_loop3A_109 = arith.constant 48 : index
      %parallel_loop3A_110 = tpu.vector_load %arg13[%parallel_loop3A_108, %parallel_loop3A_109] {strides = array<i32>} : memref<128x128xf32, #tpu.memory_space<vmem>>, vector<16xf32>,
      %parallel_loop3A_111 = arith.mulf %parallel_loop3A_110, %parallel_loop3A_86 : vector<16xf32>
      %parallel_loop3A_112 = arith.index_cast %parallel_loop3A_81 : i32 to index
      %parallel_loop3A_113 = arith.constant 48 : index
      %parallel_loop3A_114 = tpu.vector_load %arg13[%parallel_loop3A_112, %parallel_loop3A_113] {strides = array<i32>} : memref<128x128xf32, #tpu.memory_space<vmem>>, vector<16xf32>,
      tpu.vector_store %arg13[%parallel_loop3A_112, %parallel_loop3A_113], %parallel_loop3A_111 {strides = array<i32>} : memref<128x128xf32, #tpu.memory_space<vmem>>, vector<16xf32>,
      %parallel_loop3A_115 = arith.index_cast %parallel_loop3A_81 : i32 to index
      %parallel_loop3A_116 = arith.constant 64 : index
      %parallel_loop3A_117 = tpu.vector_load %arg13[%parallel_loop3A_115, %parallel_loop3A_116] {strides = array<i32>} : memref<128x128xf32, #tpu.memory_space<vmem>>, vector<16xf32>,
      %parallel_loop3A_118 = arith.mulf %parallel_loop3A_117, %parallel_loop3A_86 : vector<16xf32>
      %parallel_loop3A_119 = arith.index_cast %parallel_loop3A_81 : i32 to index
      %parallel_loop3A_120 = arith.constant 64 : index
      %parallel_loop3A_121 = tpu.vector_load %arg13[%parallel_loop3A_119, %parallel_loop3A_120] {strides = array<i32>} : memref<128x128xf32, #tpu.memory_space<vmem>>, vector<16xf32>,
      tpu.vector_store %arg13[%parallel_loop3A_119, %parallel_loop3A_120], %parallel_loop3A_118 {strides = array<i32>} : memref<128x128xf32, #tpu.memory_space<vmem>>, vector<16xf32>,
      %parallel_loop3A_122 = arith.index_cast %parallel_loop3A_81 : i32 to index
      %parallel_loop3A_123 = arith.constant 80 : index
      %parallel_loop3A_124 = tpu.vector_load %arg13[%parallel_loop3A_122, %parallel_loop3A_123] {strides = array<i32>} : memref<128x128xf32, #tpu.memory_space<vmem>>, vector<16xf32>,
      %parallel_loop3A_125 = arith.mulf %parallel_loop3A_124, %parallel_loop3A_86 : vector<16xf32>
      %parallel_loop3A_126 = arith.index_cast %parallel_loop3A_81 : i32 to index
      %parallel_loop3A_127 = arith.constant 80 : index
      %parallel_loop3A_128 = tpu.vector_load %arg13[%parallel_loop3A_126, %parallel_loop3A_127] {strides = array<i32>} : memref<128x128xf32, #tpu.memory_space<vmem>>, vector<16xf32>,
      tpu.vector_store %arg13[%parallel_loop3A_126, %parallel_loop3A_127], %parallel_loop3A_125 {strides = array<i32>} : memref<128x128xf32, #tpu.memory_space<vmem>>, vector<16xf32>,
      %parallel_loop3A_129 = arith.index_cast %parallel_loop3A_81 : i32 to index
      %parallel_loop3A_130 = arith.constant 96 : index
      %parallel_loop3A_131 = tpu.vector_load %arg13[%parallel_loop3A_129, %parallel_loop3A_130] {strides = array<i32>} : memref<128x128xf32, #tpu.memory_space<vmem>>, vector<16xf32>,
      %parallel_loop3A_132 = arith.mulf %parallel_loop3A_131, %parallel_loop3A_86 : vector<16xf32>
      %parallel_loop3A_133 = arith.index_cast %parallel_loop3A_81 : i32 to index
      %parallel_loop3A_134 = arith.constant 96 : index
      %parallel_loop3A_135 = tpu.vector_load %arg13[%parallel_loop3A_133, %parallel_loop3A_134] {strides = array<i32>} : memref<128x128xf32, #tpu.memory_space<vmem>>, vector<16xf32>,
      tpu.vector_store %arg13[%parallel_loop3A_133, %parallel_loop3A_134], %parallel_loop3A_132 {strides = array<i32>} : memref<128x128xf32, #tpu.memory_space<vmem>>, vector<16xf32>,
      %parallel_loop3A_136 = arith.index_cast %parallel_loop3A_81 : i32 to index
      %parallel_loop3A_137 = arith.constant 112 : index
      %parallel_loop3A_138 = tpu.vector_load %arg13[%parallel_loop3A_136, %parallel_loop3A_137] {strides = array<i32>} : memref<128x128xf32, #tpu.memory_space<vmem>>, vector<16xf32>,
      %parallel_loop3A_139 = arith.mulf %parallel_loop3A_138, %parallel_loop3A_86 : vector<16xf32>
      %parallel_loop3A_140 = arith.index_cast %parallel_loop3A_81 : i32 to index
      %parallel_loop3A_141 = arith.constant 112 : index
      %parallel_loop3A_142 = tpu.vector_load %arg13[%parallel_loop3A_140, %parallel_loop3A_141] {strides = array<i32>} : memref<128x128xf32, #tpu.memory_space<vmem>>, vector<16xf32>,
      tpu.vector_store %arg13[%parallel_loop3A_140, %parallel_loop3A_141], %parallel_loop3A_139 {strides = array<i32>} : memref<128x128xf32, #tpu.memory_space<vmem>>, vector<16xf32>,
    } {sc.loop_unroll_factor = 4 : i64, sc.parallel_access}
    %run_scoped3A = arith.constant 78 : i32
    "tpu.region"() ({
      %run_scoped3A_81 = tpu.sem_alloc : memref<!tpu.dma_semaphore, #tpu.memory_space<semaphore_mem>>
      %dma_start3A_82 = arith.constant 0 : i32
      %dma_start3A_83 = tpu.memref_slice %arg8[%run_scoped3A, %dma_start3A_82] : memref<79x128xi32, #tpu.memory_space<vmem>> -> memref<1x128xi32, #tpu.memory_space<vmem>>
      %dma_start3A_84 = tpu.memref_squeeze %dma_start3A_83 : memref<1x128xi32, #tpu.memory_space<vmem>> -> memref<128xi32, #tpu.memory_space<vmem>>
      %dma_start3A_85 = arith.constant 0 : i32
      %dma_start3A_86 = arith.constant 0 : i32
      %dma_start3A_87 = tpu.memref_slice %arg7[%dma_start3A_85, %dma_start3A_86] : memref<10240x128xf32, #tpu.memory_space<vmem_shared>> -> memref<10240x128xf32, #tpu.memory_space<vmem_shared>>
      tpu.enqueue_indirect_dma source(%arg13 : memref<128x128xf32, #tpu.memory_space<vmem>>) target(%dma_start3A_87 : memref<10240x128xf32, #tpu.memory_space<vmem_shared>>) offsets(%dma_start3A_84 : memref<128xi32, #tpu.memory_space<vmem>>) semaphore(%run_scoped3A_81 : memref<!tpu.dma_semaphore, #tpu.memory_space<semaphore_mem>>) {add = true}
      %dma_wait3A_88 = arith.constant 0 : i32
      %dma_wait3A_89 = tpu.memref_slice %arg8[%run_scoped3A, %dma_wait3A_88] : memref<79x128xi32, #tpu.memory_space<vmem>> -> memref<1x128xi32, #tpu.memory_space<vmem>>
      %dma_wait3A_90 = tpu.memref_squeeze %dma_wait3A_89 : memref<1x128xi32, #tpu.memory_space<vmem>> -> memref<128xi32, #tpu.memory_space<vmem>>
      %dma_wait3A_91 = arith.constant 0 : i32
      %dma_wait3A_92 = arith.constant 0 : i32
      %dma_wait3A_93 = tpu.memref_slice %arg7[%dma_wait3A_91, %dma_wait3A_92] : memref<10240x128xf32, #tpu.memory_space<vmem_shared>> -> memref<10240x128xf32, #tpu.memory_space<vmem_shared>>
      tpu.wait_indirect_dma semaphore(%run_scoped3A_81 : memref<!tpu.dma_semaphore, #tpu.memory_space<semaphore_mem>>) src(%arg13 : memref<128x128xf32, #tpu.memory_space<vmem>>) dst(%dma_wait3A_93 : memref<10240x128xf32, #tpu.memory_space<vmem_shared>>)
      tpu.yield
    }) : () -> ()
    %barrier3A_80 = arith.constant 0 : index
    tpu.barrier barrier_id(%barrier3A_80)
    "tpu.region"() ({
      %run_scoped3A_81 = tpu.sem_alloc : memref<!tpu.dma_semaphore, #tpu.memory_space<semaphore_mem>>
      %dma_start3A_82 = arith.constant 0 : i32
      %dma_start3A_83 = arith.constant 0 : i32
      %dma_start3A_84 = tpu.memref_slice %arg6[%arg0, %dma_start3A_82, %dma_start3A_83] : memref<2x10240x128xf32, #tpu.memory_space<hbm>> -> memref<1x10240x128xf32, #tpu.memory_space<hbm>>
      %dma_start3A_85 = tpu.memref_squeeze %dma_start3A_84 : memref<1x10240x128xf32, #tpu.memory_space<hbm>> -> memref<10240x128xf32, #tpu.memory_space<hbm>>
      %dma_start3A_86 = arith.constant 0 : i32
      %dma_start3A_87 = tpu.memref_slice %dma_start3A_85[%mul3A_7, %dma_start3A_86] : memref<10240x128xf32, #tpu.memory_space<hbm>> -> memref<640x128xf32, #tpu.memory_space<hbm>>
      %dma_start3A_88 = arith.constant 0 : i32
      %dma_start3A_89 = tpu.memref_slice %arg7[%mul3A_7, %dma_start3A_88] : memref<10240x128xf32, #tpu.memory_space<vmem_shared>> -> memref<640x128xf32, #tpu.memory_space<vmem_shared>>
      tpu.enqueue_dma source(%dma_start3A_89 : memref<640x128xf32, #tpu.memory_space<vmem_shared>>) target(%dma_start3A_87 : memref<640x128xf32, #tpu.memory_space<hbm>>) target_semaphore(%run_scoped3A_81 : memref<!tpu.dma_semaphore, #tpu.memory_space<semaphore_mem>>)
      %dma_wait3A_90 = arith.constant 0 : i32
      %dma_wait3A_91 = arith.constant 0 : i32
      %dma_wait3A_92 = tpu.memref_slice %arg6[%arg0, %dma_wait3A_90, %dma_wait3A_91] : memref<2x10240x128xf32, #tpu.memory_space<hbm>> -> memref<1x10240x128xf32, #tpu.memory_space<hbm>>
      %dma_wait3A_93 = tpu.memref_squeeze %dma_wait3A_92 : memref<1x10240x128xf32, #tpu.memory_space<hbm>> -> memref<10240x128xf32, #tpu.memory_space<hbm>>
      %dma_wait3A_94 = arith.constant 0 : i32
      %dma_wait3A_95 = tpu.memref_slice %dma_wait3A_93[%mul3A_7, %dma_wait3A_94] : memref<10240x128xf32, #tpu.memory_space<hbm>> -> memref<640x128xf32, #tpu.memory_space<hbm>>
      %dma_wait3A_96 = arith.constant 0 : i32
      %dma_wait3A_97 = tpu.memref_slice %arg7[%mul3A_7, %dma_wait3A_96] : memref<10240x128xf32, #tpu.memory_space<vmem_shared>> -> memref<640x128xf32, #tpu.memory_space<vmem_shared>>
      tpu.wait_dma2 semaphore(%run_scoped3A_81 : memref<!tpu.dma_semaphore, #tpu.memory_space<semaphore_mem>>) src(%dma_wait3A_97 : memref<640x128xf32, #tpu.memory_space<vmem_shared>>) dst(%dma_wait3A_95 : memref<640x128xf32, #tpu.memory_space<hbm>>)
      tpu.yield
    }) : () -> ()
    return
  }
}

module attributes {stable_mosaic.version = 14 : i64} {
  func.func @body(%arg0: memref<32x10240xf32, #tpu.memory_space<vmem>>, %arg1: memref<1x10240xf32, #tpu.memory_space<vmem>>) attributes {dimension_semantics = [], scalar_prefetch = 0 : i64, scratch_operands = 0 : i64, tpu.core_type = #tpu.core_type<tc>} {
    %get3A = arith.constant 0 : index
    %get3A_0 = arith.constant 0 : index
    %get3A_1 = vector.load %arg0[%get3A, %get3A_0] : memref<32x10240xf32, #tpu.memory_space<vmem>>, vector<32x10240xf32>
    %reduce_sum3A = arith.constant dense<0.000000e+00> : vector<10240xf32>
    %reduce_sum3A_2 = vector.multi_reduction <add>, %get3A_1, %reduce_sum3A [0] : vector<32x10240xf32> to vector<10240xf32>
    %broadcast_in_dim3A = vector.shape_cast %reduce_sum3A_2 : vector<10240xf32> to vector<1x10240xf32>
    %add3A = arith.constant 1.000000e+00 : f32
    %add3A_3 = vector.broadcast %add3A : f32 to vector<1x10240xf32>
    %add3A_4 = arith.addf %broadcast_in_dim3A, %add3A_3 : vector<1x10240xf32>
    %gt3A = arith.constant 0.000000e+00 : f32
    %gt3A_5 = vector.broadcast %gt3A : f32 to vector<1x10240xf32>
    %gt3A_6 = arith.cmpf ogt, %add3A_4, %gt3A_5 : vector<1x10240xf32>
    %rsqrt3A = math.rsqrt %add3A_4 : vector<1x10240xf32>
    %jit3A = arith.constant 0.000000e+00 : f32
    %broadcast_in_dim3A_7 = vector.broadcast %jit3A : f32 to vector<1x10240xf32>
    %select_n3A = arith.select %gt3A_6, %rsqrt3A, %broadcast_in_dim3A_7 : vector<1x10240xi1>, vector<1x10240xf32>
    %swap3A = arith.constant 0 : index
    %swap3A_8 = arith.constant 0 : index
    %swap3A_9 = vector.load %arg1[%swap3A, %swap3A_8] : memref<1x10240xf32, #tpu.memory_space<vmem>>, vector<1x10240xf32>
    tpu.vector_store %arg1[%swap3A, %swap3A_8], %select_n3A {strides = array<i32>} : memref<1x10240xf32, #tpu.memory_space<vmem>>, vector<1x10240xf32>,
    return
  }
}

module attributes {stable_mosaic.version = 14 : i64} {
  func.func @body(%arg0: i32, %arg1: memref<1000x128xf32, #tpu.memory_space<vmem>>, %arg2: memref<128x128xf32, #tpu.memory_space<vmem>>, %arg3: memref<1000x1xf32, #tpu.memory_space<vmem>>, %arg4: memref<1000x128xf32, #tpu.memory_space<vmem>>) attributes {dimension_semantics = [#tpu.dimension_semantics<arbitrary>], iteration_bounds = array<i64: 10>, scalar_prefetch = 0 : i64, scratch_operands = 0 : i64, tpu.core_type = #tpu.core_type<tc>, window_params = [{transform_indices = @transform_0, window_bounds = array<i64: 1000, 128>}, {pipeline_mode = #tpu.pipeline_mode<synchronous>, transform_indices = @transform_1, window_bounds = array<i64: 128, 128>}, {transform_indices = @transform_2, window_bounds = array<i64: 1000, 1>}, {transform_indices = @transform_3, window_bounds = array<i64: 1000, 128>}]} {
    %get3A = arith.constant 0 : index
    %get3A_0 = arith.constant 0 : index
    %get3A_1 = vector.load %arg1[%get3A, %get3A_0] : memref<1000x128xf32, #tpu.memory_space<vmem>>, vector<1000x128xf32>
    %get3A_2 = arith.constant 0 : index
    %get3A_3 = arith.constant 0 : index
    %get3A_4 = vector.load %arg2[%get3A_2, %get3A_3] : memref<128x128xf32, #tpu.memory_space<vmem>>, vector<128x128xf32>
    %dot_general3A = arith.constant dense<0.000000e+00> : vector<1000x128xf32>
    %dot_general3A_5 = tpu.matmul %get3A_1, %get3A_4, %dot_general3A {dimension_numbers = #tpu.dot_dimension_numbers<[1], [0], [0], [1], [0, 0, 1, 1], [], []>, precision = #tpu.contract_precision<fp32>, transpose_lhs_hint = false} : vector<1000x128xf32>, vector<128x128xf32>, vector<1000x128xf32> -> vector<1000x128xf32>
    %get3A_6 = arith.constant 0 : index
    %get3A_7 = arith.constant 0 : index
    %get3A_8 = vector.load %arg3[%get3A_6, %get3A_7] : memref<1000x1xf32, #tpu.memory_space<vmem>>, vector<1000x1xf32>
    %mul3A = vector.broadcast %get3A_8 : vector<1000x1xf32> to vector<1000x128xf32>
    %mul3A_9 = arith.mulf %dot_general3A_5, %mul3A : vector<1000x128xf32>
    %swap3A = arith.constant 0 : index
    %swap3A_10 = arith.constant 0 : index
    %swap3A_11 = vector.load %arg4[%swap3A, %swap3A_10] : memref<1000x128xf32, #tpu.memory_space<vmem>>, vector<1000x128xf32>
    tpu.vector_store %arg4[%swap3A, %swap3A_10], %mul3A_9 {strides = array<i32>} : memref<1000x128xf32, #tpu.memory_space<vmem>>, vector<1000x128xf32>,
    return
  }
  func.func @transform_0(%arg0: i32) -> (i32, i32) {
    %c0_i32 = arith.constant 0 : i32
    %c0_i32_0 = arith.constant 0 : i32
    return %arg0, %c0_i32 : i32, i32
  }
  func.func @transform_1(%arg0: i32) -> (i32, i32) {
    %c0_i32 = arith.constant 0 : i32
    %c0_i32_0 = arith.constant 0 : i32
    %c0_i32_1 = arith.constant 0 : i32
    return %c0_i32, %c0_i32_0 : i32, i32
  }
  func.func @transform_2(%arg0: i32) -> (i32, i32) {
    %c0_i32 = arith.constant 0 : i32
    %c0_i32_0 = arith.constant 0 : i32
    return %arg0, %c0_i32 : i32, i32
  }
  func.func @transform_3(%arg0: i32) -> (i32, i32) {
    %c0_i32 = arith.constant 0 : i32
    %c0_i32_0 = arith.constant 0 : i32
    return %arg0, %c0_i32 : i32, i32
  }
}

module attributes {stable_mosaic.version = 14 : i64} {
  func.func @body(%arg0: i32, %arg1: memref<1000x128xf32, #tpu.memory_space<vmem>>, %arg2: memref<1000x128xf32, #tpu.memory_space<vmem>>, %arg3: memref<1000x128xf32, #tpu.memory_space<vmem>>, %arg4: memref<1000x1xf32, #tpu.memory_space<vmem>>, %arg5: memref<1x128xf32, #tpu.memory_space<vmem>>, %arg6: memref<128x128xf32, #tpu.memory_space<vmem>>, %arg7: memref<1000x128xf32, #tpu.memory_space<vmem>>) attributes {dimension_semantics = [#tpu.dimension_semantics<arbitrary>], iteration_bounds = array<i64: 10>, scalar_prefetch = 0 : i64, scratch_operands = 0 : i64, tpu.core_type = #tpu.core_type<tc>, window_params = [{transform_indices = @transform_0, window_bounds = array<i64: 1000, 128>}, {transform_indices = @transform_1, window_bounds = array<i64: 1000, 128>}, {transform_indices = @transform_2, window_bounds = array<i64: 1000, 128>}, {transform_indices = @transform_3, window_bounds = array<i64: 1000, 1>}, {pipeline_mode = #tpu.pipeline_mode<synchronous>, transform_indices = @transform_4, window_bounds = array<i64: 1, 128>}, {pipeline_mode = #tpu.pipeline_mode<synchronous>, transform_indices = @transform_5, window_bounds = array<i64: 128, 128>}, {transform_indices = @transform_6, window_bounds = array<i64: 1000, 128>}]} {
    %get3A = arith.constant 0 : index
    %get3A_0 = arith.constant 0 : index
    %get3A_1 = vector.load %arg1[%get3A, %get3A_0] : memref<1000x128xf32, #tpu.memory_space<vmem>>, vector<1000x128xf32>
    %get3A_2 = arith.constant 0 : index
    %get3A_3 = arith.constant 0 : index
    %get3A_4 = vector.load %arg2[%get3A_2, %get3A_3] : memref<1000x128xf32, #tpu.memory_space<vmem>>, vector<1000x128xf32>
    %add3A = arith.addf %get3A_1, %get3A_4 : vector<1000x128xf32>
    %get3A_5 = arith.constant 0 : index
    %get3A_6 = arith.constant 0 : index
    %get3A_7 = vector.load %arg3[%get3A_5, %get3A_6] : memref<1000x128xf32, #tpu.memory_space<vmem>>, vector<1000x128xf32>
    %add3A_8 = arith.addf %add3A, %get3A_7 : vector<1000x128xf32>
    %get3A_9 = arith.constant 0 : index
    %get3A_10 = arith.constant 0 : index
    %get3A_11 = vector.load %arg4[%get3A_9, %get3A_10] : memref<1000x1xf32, #tpu.memory_space<vmem>>, vector<1000x1xf32>
    %mul3A = vector.broadcast %get3A_11 : vector<1000x1xf32> to vector<1000x128xf32>
    %mul3A_12 = arith.mulf %add3A_8, %mul3A : vector<1000x128xf32>
    %get3A_13 = arith.constant 0 : index
    %get3A_14 = arith.constant 0 : index
    %get3A_15 = vector.load %arg5[%get3A_13, %get3A_14] : memref<1x128xf32, #tpu.memory_space<vmem>>, vector<1x128xf32>
    %add3A_16 = vector.broadcast %get3A_15 : vector<1x128xf32> to vector<1000x128xf32>
    %add3A_17 = arith.addf %mul3A_12, %add3A_16 : vector<1000x128xf32>
    %max3A = arith.constant 0.000000e+00 : f32
    %max3A_18 = vector.broadcast %max3A : f32 to vector<1000x128xf32>
    %max3A_19 = arith.maximumf %add3A_17, %max3A_18 : vector<1000x128xf32>
    %get3A_20 = arith.constant 0 : index
    %get3A_21 = arith.constant 0 : index
    %get3A_22 = vector.load %arg6[%get3A_20, %get3A_21] : memref<128x128xf32, #tpu.memory_space<vmem>>, vector<128x128xf32>
    %dot_general3A = arith.constant dense<0.000000e+00> : vector<1000x128xf32>
    %dot_general3A_23 = tpu.matmul %max3A_19, %get3A_22, %dot_general3A {dimension_numbers = #tpu.dot_dimension_numbers<[1], [0], [0], [1], [0, 0, 1, 1], [], []>, precision = #tpu.contract_precision<fp32>, transpose_lhs_hint = false} : vector<1000x128xf32>, vector<128x128xf32>, vector<1000x128xf32> -> vector<1000x128xf32>
    %get3A_24 = arith.constant 0 : index
    %get3A_25 = arith.constant 0 : index
    %get3A_26 = vector.load %arg4[%get3A_24, %get3A_25] : memref<1000x1xf32, #tpu.memory_space<vmem>>, vector<1000x1xf32>
    %mul3A_27 = vector.broadcast %get3A_26 : vector<1000x1xf32> to vector<1000x128xf32>
    %mul3A_28 = arith.mulf %dot_general3A_23, %mul3A_27 : vector<1000x128xf32>
    %swap3A = arith.constant 0 : index
    %swap3A_29 = arith.constant 0 : index
    %swap3A_30 = vector.load %arg7[%swap3A, %swap3A_29] : memref<1000x128xf32, #tpu.memory_space<vmem>>, vector<1000x128xf32>
    tpu.vector_store %arg7[%swap3A, %swap3A_29], %mul3A_28 {strides = array<i32>} : memref<1000x128xf32, #tpu.memory_space<vmem>>, vector<1000x128xf32>,
    return
  }
  func.func @transform_0(%arg0: i32) -> (i32, i32) {
    %c0_i32 = arith.constant 0 : i32
    %c0_i32_0 = arith.constant 0 : i32
    return %arg0, %c0_i32 : i32, i32
  }
  func.func @transform_1(%arg0: i32) -> (i32, i32) {
    %c0_i32 = arith.constant 0 : i32
    %c0_i32_0 = arith.constant 0 : i32
    return %arg0, %c0_i32 : i32, i32
  }
  func.func @transform_2(%arg0: i32) -> (i32, i32) {
    %c0_i32 = arith.constant 0 : i32
    %c0_i32_0 = arith.constant 0 : i32
    return %arg0, %c0_i32 : i32, i32
  }
  func.func @transform_3(%arg0: i32) -> (i32, i32) {
    %c0_i32 = arith.constant 0 : i32
    %c0_i32_0 = arith.constant 0 : i32
    return %arg0, %c0_i32 : i32, i32
  }
  func.func @transform_4(%arg0: i32) -> (i32, i32) {
    %c0_i32 = arith.constant 0 : i32
    %c0_i32_0 = arith.constant 0 : i32
    %c0_i32_1 = arith.constant 0 : i32
    return %c0_i32, %c0_i32_0 : i32, i32
  }
  func.func @transform_5(%arg0: i32) -> (i32, i32) {
    %c0_i32 = arith.constant 0 : i32
    %c0_i32_0 = arith.constant 0 : i32
    %c0_i32_1 = arith.constant 0 : i32
    return %c0_i32, %c0_i32_0 : i32, i32
  }
  func.func @transform_6(%arg0: i32) -> (i32, i32) {
    %c0_i32 = arith.constant 0 : i32
    %c0_i32_0 = arith.constant 0 : i32
    return %arg0, %c0_i32 : i32, i32
  }
}

module attributes {stable_mosaic.version = 14 : i64} {
  func.func @body(%arg0: i32, %arg1: memref<1000x128xf32, #tpu.memory_space<vmem>>, %arg2: memref<1000x128xf32, #tpu.memory_space<vmem>>, %arg3: memref<1000x128xf32, #tpu.memory_space<vmem>>, %arg4: memref<1000x1xf32, #tpu.memory_space<vmem>>, %arg5: memref<1x128xf32, #tpu.memory_space<vmem>>, %arg6: memref<1000x128xf32, #tpu.memory_space<vmem>>) attributes {dimension_semantics = [#tpu.dimension_semantics<arbitrary>], iteration_bounds = array<i64: 10>, scalar_prefetch = 0 : i64, scratch_operands = 0 : i64, tpu.core_type = #tpu.core_type<tc>, window_params = [{transform_indices = @transform_0, window_bounds = array<i64: 1000, 128>}, {transform_indices = @transform_1, window_bounds = array<i64: 1000, 128>}, {transform_indices = @transform_2, window_bounds = array<i64: 1000, 128>}, {transform_indices = @transform_3, window_bounds = array<i64: 1000, 1>}, {pipeline_mode = #tpu.pipeline_mode<synchronous>, transform_indices = @transform_4, window_bounds = array<i64: 1, 128>}, {transform_indices = @transform_5, window_bounds = array<i64: 1000, 128>}]} {
    %get3A = arith.constant 0 : index
    %get3A_0 = arith.constant 0 : index
    %get3A_1 = vector.load %arg1[%get3A, %get3A_0] : memref<1000x128xf32, #tpu.memory_space<vmem>>, vector<1000x128xf32>
    %get3A_2 = arith.constant 0 : index
    %get3A_3 = arith.constant 0 : index
    %get3A_4 = vector.load %arg2[%get3A_2, %get3A_3] : memref<1000x128xf32, #tpu.memory_space<vmem>>, vector<1000x128xf32>
    %add3A = arith.addf %get3A_1, %get3A_4 : vector<1000x128xf32>
    %get3A_5 = arith.constant 0 : index
    %get3A_6 = arith.constant 0 : index
    %get3A_7 = vector.load %arg3[%get3A_5, %get3A_6] : memref<1000x128xf32, #tpu.memory_space<vmem>>, vector<1000x128xf32>
    %add3A_8 = arith.addf %add3A, %get3A_7 : vector<1000x128xf32>
    %get3A_9 = arith.constant 0 : index
    %get3A_10 = arith.constant 0 : index
    %get3A_11 = vector.load %arg4[%get3A_9, %get3A_10] : memref<1000x1xf32, #tpu.memory_space<vmem>>, vector<1000x1xf32>
    %mul3A = vector.broadcast %get3A_11 : vector<1000x1xf32> to vector<1000x128xf32>
    %mul3A_12 = arith.mulf %add3A_8, %mul3A : vector<1000x128xf32>
    %get3A_13 = arith.constant 0 : index
    %get3A_14 = arith.constant 0 : index
    %get3A_15 = vector.load %arg5[%get3A_13, %get3A_14] : memref<1x128xf32, #tpu.memory_space<vmem>>, vector<1x128xf32>
    %add3A_16 = vector.broadcast %get3A_15 : vector<1x128xf32> to vector<1000x128xf32>
    %add3A_17 = arith.addf %mul3A_12, %add3A_16 : vector<1000x128xf32>
    %logistic3A = arith.negf %add3A_17 : vector<1000x128xf32>
    %logistic3A_18 = math.exp %logistic3A : vector<1000x128xf32>
    %logistic3A_19 = arith.constant 1.000000e+00 : f32
    %logistic3A_20 = vector.broadcast %logistic3A_19 : f32 to vector<1000x128xf32>
    %logistic3A_21 = arith.addf %logistic3A_20, %logistic3A_18 : vector<1000x128xf32>
    %logistic3A_22 = arith.divf %logistic3A_20, %logistic3A_21 : vector<1000x128xf32>
    %swap3A = arith.constant 0 : index
    %swap3A_23 = arith.constant 0 : index
    %swap3A_24 = vector.load %arg6[%swap3A, %swap3A_23] : memref<1000x128xf32, #tpu.memory_space<vmem>>, vector<1000x128xf32>
    tpu.vector_store %arg6[%swap3A, %swap3A_23], %logistic3A_22 {strides = array<i32>} : memref<1000x128xf32, #tpu.memory_space<vmem>>, vector<1000x128xf32>,
    return
  }
  func.func @transform_0(%arg0: i32) -> (i32, i32) {
    %c0_i32 = arith.constant 0 : i32
    %c0_i32_0 = arith.constant 0 : i32
    return %arg0, %c0_i32 : i32, i32
  }
  func.func @transform_1(%arg0: i32) -> (i32, i32) {
    %c0_i32 = arith.constant 0 : i32
    %c0_i32_0 = arith.constant 0 : i32
    return %arg0, %c0_i32 : i32, i32
  }
  func.func @transform_2(%arg0: i32) -> (i32, i32) {
    %c0_i32 = arith.constant 0 : i32
    %c0_i32_0 = arith.constant 0 : i32
    return %arg0, %c0_i32 : i32, i32
  }
  func.func @transform_3(%arg0: i32) -> (i32, i32) {
    %c0_i32 = arith.constant 0 : i32
    %c0_i32_0 = arith.constant 0 : i32
    return %arg0, %c0_i32 : i32, i32
  }
  func.func @transform_4(%arg0: i32) -> (i32, i32) {
    %c0_i32 = arith.constant 0 : i32
    %c0_i32_0 = arith.constant 0 : i32
    %c0_i32_1 = arith.constant 0 : i32
    return %c0_i32, %c0_i32_0 : i32, i32
  }
  func.func @transform_5(%arg0: i32) -> (i32, i32) {
    %c0_i32 = arith.constant 0 : i32
    %c0_i32_0 = arith.constant 0 : i32
    return %arg0, %c0_i32 : i32, i32
  }
}

</mosaic_0001>

<sc_bundles>
// kernel: kernel.11.cloned.1.call-start
scs
__scs_entry_jumppad:
0x0: {  	(pc) =	sbr.rel $0x88, $3  }
0x1: {  	(tag) =	ssettag $0x0;
	lr =	simm.s32 $0x1  }
0x2: {  	[smem:$0x3F98] =	sst lr;
	_ =	strace $0xD0000000  }
0x3: {  	_ = 	snop  }
0x4: {  	_ = 	snop  }
0x5: {  	_ = 	snop  }
0x6: {  	_ = 	snop  }
0x7: {  	_ = 	snop  }
__scs_overlays_trampoline_lowered:
0x8: {  	[smem:$0x3FA7] =	sst s0  }
0x9: {  	[smem:$0x3FA8] =	sst s1  }
0xa: {  	[smem:$0x3FA9] =	sst s2  }
0xb: {  	[smem:$0x3FAA] =	sst s3  }
0xc: {  	[smem:$0x3FAB] =	sst s4  }
0xd: {  	[smem:$0x3FAC] =	sst s5  }
0xe: {  	[smem:$0x3FAD] =	sst s6  }
0xf: {  	[smem:$0x3FAE] =	sst s7  }
0x10: {  	[smem:$0x3FAF] =	sst s8  }
0x11: {  	[smem:$0x3FB0] =	sst s9;
	s0 =	simm.s32 @!p0 $0x0  }
0x12: {  	s1 =	sld [smem:$0x3F96];
	s0 =	simm.s32 @p0 $0x1  }
0x13: {  	[smem:$0x3FB1] =	sst s0;
	s0 =	simm.s32 @!p1 $0x0  }
0x14: {  	s2 =	sld [smem:$0x3F95];
	s0 =	simm.s32 @p1 $0x1  }
0x15: {  	[smem:$0x3FB2] =	sst s0;
	s0 =	simm.s32 @!p2 $0x0  }
0x16: {  	s3 =	sld [smem:$0x3FDB];
	s0 =	simm.s32 @p2 $0x1  }
0x17: {  	s4 =	simm.s32 $0x1BF5;
	[smem:$0x3FB4] =	sst s0  }
0x18: {  	s0 =	sld [smem:$0x3F97];
	_ =	swait.ge [sflag:s4], $0x0  }
0x19: {  	s7 =	sld [smem:$0x3F98]  }
0x1a: {  	s8 =	sadd.s32 $0xFFFFE003, lr  }
0x1b: {  	s9 =	sadd.s32 $0xFFFFFEF7, lr;
	s5 =	simm.s32 $0xFFFFFFFF;
	p2 =	slt.u32 s8, $0xFFFFF086  }
0x1c: {  	p1 =	slt.u32 s9, $0xF7A;
	s5 =	simm.s32 @!p2 $0x0  }
0x1d: {  	s5 =	simm.s32 @p1 $0x1;
	p0 =	seq.s32 s7, s2  }
0x1e: {  	s7 =	smul.u32 @!p0 $0xF7A, s2;
	p2 =	seq.s32 @!p0 s5, $0x0  }
0x1f: {  	s9 =	smul.u32 $0xF7A, s1;
	s8 =	simm.s32 @!p0 $0x1BF5;
	p2 =	por !p2, p0  }
0x20: {  	[sflag:s8] =	ssyncset.s32 @!p0 $0xFFFFF086;
	s6 =	sadd.s32 @!p0 s3, s7;
	s7 =	simm.s32 @!p0 $0x108  }
0x21: {  	s3 =	sadd.s32 s3, s9;
	s6 =	sadd.s32 @!p0 $0x88, s6;
	s7 =	simm.s32 @p2 $0x1082  }
0x22: {  	[simem:s7], [sflag:s8] =	dma.local @!p0 [hbm:s6], $0xF7A  }
0x23: {  	s9 =	sor.u32 $0xD0000000, s2;
	s6 =	simm.s32 $0x108;
	_ =	swait.ge @!p0 [sflag:s8], $0x0  }
0x24: {  	s3 =	sadd.s32 $0x88, s3;
	s6 =	simm.s32 @!p1 $0x1082;
	[sflag:s4] =	ssyncset.s32 $0xFFFFF086  }
0x25: {  	[simem:s6], [sflag:s4] =	dma.local [hbm:s3], $0xF7A  }
0x26: {  	[smem:$0x3F98] =	sst s1;
	(tag) =	ssettag s2;
	_ =	strace s9  }
0x27: {  	s1 =	sld [smem:$0x3FA8]  }
0x28: {  	s2 =	sld [smem:$0x3FA9]  }
0x29: {  	s4 =	sld [smem:$0x3FAB]  }
0x2a: {  	p0 =	seq.s32 s5, $0x0;
	s5 =	sld [smem:$0x3FAC]  }
0x2b: {  	s6 =	sld [smem:$0x3FAD]  }
0x2c: {  	s7 =	sld [smem:$0x3FAE]  }
0x2d: {  	s3 =	simm.s32 $0x108;
	s8 =	sld [smem:$0x3FAF]  }
0x2e: {  	s3 =	simm.s32 @!p0 $0x1082;
	s9 =	sld [smem:$0x3FB0]  }
0x2f: {  	lr =	sadd.s32 s0, s3;
	s0 =	sld [smem:$0x3FA7]  }
0x30: {  	s3 =	sld [smem:$0x3FAA]  }
0x31: {  	[smem:$0x3FB3] =	sst s10  }
0x32: {  	s10 =	sld [smem:$0x3FB1];
	_ =	sdelay $0x3  }
0x33: {  	p0 =	seq.s32 s10, $0x1;
	s10 =	sld [smem:$0x3FB3];
	_ =	sdelay $0x3  }
0x34: {  	[smem:$0x3FB3] =	sst s10  }
0x35: {  	s10 =	sld [smem:$0x3FB2];
	_ =	sdelay $0x3  }
0x36: {  	p1 =	seq.s32 s10, $0x1;
	s10 =	sld [smem:$0x3FB3];
	_ =	sdelay $0x3  }
0x37: {  	[smem:$0x3FB3] =	sst s10  }
0x38: {  	s10 =	sld [smem:$0x3FB4]  }
0x39: {  	_ = 	snop;
	(pc) =	sbr.ind lr, $3  }
0x3a: {  	_ = 	snop  }
0x3b: {  	_ = 	snop  }
0x3c: {  	p2 =	seq.s32 s10, $0x1;
	s10 =	sld [smem:$0x3FB3]  }
0x3d: {  	_ =	shalt  }
0x3e: {  	_ =	shalt  }
0x3f: {  	_ =	shalt  }
0x40: {  	_ =	shalt  }
0x41: {  	_ =	shalt  }
0x42: {  	_ =	shalt  }
0x43: {  	_ =	shalt  }
0x44: {  	_ =	shalt  }
0x45: {  	_ =	shalt  }
0x46: {  	_ =	shalt  }
0x47: {  	_ =	shalt  }
0x48: {  	_ =	shalt  }
0x49: {  	_ =	shalt  }
0x4a: {  	_ =	shalt  }
0x4b: {  	_ =	shalt  }
0x4c: {  	_ =	shalt  }
0x4d: {  	_ =	shalt  }
0x4e: {  	_ =	shalt  }
0x4f: {  	_ =	shalt  }
0x50: {  	_ =	shalt  }
0x51: {  	_ =	shalt  }
0x52: {  	_ =	shalt  }
0x53: {  	_ =	shalt  }
0x54: {  	_ =	shalt  }
0x55: {  	_ =	shalt  }
0x56: {  	_ =	shalt  }
0x57: {  	_ =	shalt  }
0x58: {  	_ =	shalt  }
0x59: {  	_ =	shalt  }
0x5a: {  	_ =	shalt  }
0x5b: {  	_ =	shalt  }
0x5c: {  	_ =	shalt  }
0x5d: {  	_ =	shalt  }
0x5e: {  	_ =	shalt  }
0x5f: {  	_ =	shalt  }
0x60: {  	_ =	shalt  }
0x61: {  	_ =	shalt  }
0x62: {  	_ =	shalt  }
0x63: {  	_ =	shalt  }
0x64: {  	_ =	shalt  }
0x65: {  	_ =	shalt  }
0x66: {  	_ =	shalt  }
0x67: {  	_ =	shalt  }
0x68: {  	_ =	shalt  }
0x69: {  	_ =	shalt  }
0x6a: {  	_ =	shalt  }
0x6b: {  	_ =	shalt  }
0x6c: {  	_ =	shalt  }
0x6d: {  	_ =	shalt  }
0x6e: {  	_ =	shalt  }
0x6f: {  	_ =	shalt  }
0x70: {  	_ =	shalt  }
0x71: {  	_ =	shalt  }
0x72: {  	_ =	shalt  }
0x73: {  	_ =	shalt  }
0x74: {  	_ =	shalt  }
0x75: {  	_ =	shalt  }
0x76: {  	_ =	shalt  }
0x77: {  	_ =	shalt  }
0x78: {  	_ =	shalt  }
0x79: {  	_ =	shalt  }
0x7a: {  	_ =	shalt  }
0x7b: {  	_ =	shalt  }
0x7c: {  	_ =	shalt  }
0x7d: {  	_ =	shalt  }
0x7e: {  	_ =	shalt  }
0x7f: {  	_ =	shalt  }
0x80: {  	_ =	shalt  }
0x81: {  	_ =	shalt  }
0x82: {  	_ =	shalt  }
0x83: {  	_ =	shalt  }
0x84: {  	_ =	shalt  }
0x85: {  	_ =	shalt  }
0x86: {  	_ =	shalt  }
0x87: {  	_ =	shalt  }
.Lfunc_end0:
.L_simem_size_0:
called_computation_lowered:
.L_overlay_start_0:
0x88: {  	s2 =	sld [smem:$0x3FD9]  }
0x89: {  	s3 =	sld [smem:$0x3FFE];
	_ =	sdelay $0x1  }
0x8a: {  	s1 =	srdreg.scid  }
0x8b: {  	s0 =	sand.u32 $0x1, s1  }
0x8c: {  	s17 =	sshll.u32 s0, $0xA;
	s2 =	sadd.s32 s3, s2  }
0x8d: {  	s2 =	sadd.s32 s2, s17  }
0x8e: {  	[smem:$0x3FBF] =	sst s2  }
0x8f: {  	_ = 	snop  }
0x90: {  	s2 =	sld [smem:$0x3FD0];
	(tm) =	ssettm $0x1  }
0x91: {  	s18 =	sld [smem:$0x3FFB];
	_ =	sdelay $0x3  }
0x92: {  	_ =	strace s18  }
0x93: {  	s3 =	sld [smem:$0x3FFC];
	_ =	sdelay $0x3  }
0x94: {  	_ =	strace s3  }
0x95: {  	s3 =	sld [smem:$0x3FFD];
	_ =	sdelay $0x3  }
0x96: {  	_ =	strace s3  }
0x97: {  	_ =	strace $0x8FFFFFFF  }
0x98: {  	s19 =	sld [smem:$0x3FDB];
	_ =	sdelay $0x1  }
0x99: {  	s4 =	simm.s32 $_scs_section_size  }
0x9a: {  	s5 =	simm.s32 $_size__tile_overlayer_lowered;
	s6 =	simm.s32 $_tile_overlayer_lowered  }
0x9b: {  	s22 =	simm.s32 $0x1BFF;
	s21 =	sshll.u32 s6, $0x1;
	s3 =	sadd.s32 s4, s19  }
0x9c: {  	s7 =	simm.s32 $0x0;
	s20 =	sshll.u32 s5, $0x1;
	s5 =	sadd.s32 s21, s3  }
0x9d: {  	[timem:s7], [sflag:s22] =	dma.local [hbm:s5], s20  }
0x9e: {  	_ =	swait.ge [sflag:s22], s20  }
0x9f: {  	s4 =	ssub.s32 $0x0, s20;
	[sflag:s22] =	ssyncset.done $0x0  }
0xa0: {  	[sflag:s22] =	ssyncadd.s32 s4;
	_ =	sdelay $0x1  }
0xa1: {  	s23 =	simm.s32 $0x1B8B  }
0xa2: {  	_ =	swait.ge [sflag:s23], $0x1  }
0xa3: {  	[sflag:s23] =	ssyncset.done $0x0  }
0xa4: {  	s25 =	simm.s32 $0x1B8E;
	s24 =	sld [smem:$0x3FFE];
	[sflag:s23] =	ssyncadd.s32 $0xFFFFFFFF  }
0xa5: {  	s26 =	simm.s32 $execute0_lowered;
	[smem:$0x3FD2] =	sst s25  }
0xa6: {  	s5 =	sshll.u32 s26, $0x1;
	_ =	strace $0x80000046;
	[dreg:$0x1] =	wrdreg $0xFFFFFFFF  }
0xa7: {  	s28 =	simm.s32 $_size_execute0_lowered;
	s3 =	sadd.s32 s3, s5;
	[dreg:$0x0] =	wrdreg $0x0  }
0xa8: {  	s5 =	sshll.u32 s28, $0x1;
	[dreg:$0x2] =	wrdreg s3  }
0xa9: {  	[dreg:$0x3] =	wrdreg s5  }
0xaa: {  	[dreg:$0x4] =	wrdreg $0xC0  }
0xab: {  	_ =	task [dreg:s7], $0x5FFFF  }
0xac: {  	[dreg:$0x1] =	wrdreg $0xFFFFFFFF  }
0xad: {  	[dreg:$0x0] =	wrdreg $0x60  }
0xae: {  	[dreg:$0x2] =	wrdreg s24  }
0xaf: {  	[dreg:$0x3] =	wrdreg s2  }
0xb0: {  	[dreg:$0x4] =	wrdreg $0x9  }
0xb1: {  	_ =	task.clear_ibuf [dreg:s7], $0x5FFFF;
	_ =	strace $0x90000046  }
0xb2: {  	s29 =	simm.s32 $0x9;
	_ =	strace $0x80000048  }
0xb3: {  	_ =	swait.ge [sflag:s29], $0x1  }
0xb4: {  	[sflag:s29] =	ssyncadd.s32 $0xFFFFFFFF  }
0xb5: {  	_ =	strace $0x90000048  }
0xb6: {  	_ =	sfence  }
0xb7: {  	s30 =	sld [smem:$0x0];
	_ =	sdelay $0x2  }
0xb8: {  	s31 =	sshll.u32 s1, $0xD;
	s1 =	sshrl.u32 s1, $0x2  }
0xb9: {  	s3 =	sand.u32 $0x4000, s31;
	s1 =	sadd.s32 s1, s30  }
0xba: {  	s0 =	sor.u32 s3, s0;
	s1 =	sshll.u32 s1, $0x11  }
0xbb: {  	s0 =	sor.u32 s1, s0  }
0xbc: {  	s0 =	sadd.s32 $0x8F2B, s0  }
0xbd: {  	[sflag:s0] =	ssyncadd.remote.s32 $0x1  }
0xbe: {  	_ =	sfence.sel $0xFFFF  }
0xbf: {  	[dreg:$0x0] =	wrdreg $0xFFFFFFFF;
	(pc) =	sbr.abs _section_cstart, $3  }
0xc0: {  	[dreg:$0x1] =	wrdreg $0xFFFFFFFF  }
0xc1: {  	_ =	task.clear_ibuf [dreg:s7], $0x2FFFF;
	_ =	strace $0x9FFFFFFF  }
0xc2: {  	(tm) =	ssettm $0x7FFFFFFF  }
0xc3: {  	_ =	shalt  }
tec
execute0_lowered:
.L_overlay_start_1:
0x0: {  	(tag) =	ssettag $0x1  }
0x1: {  	s1 =	srdreg.scid;
	s0 =	stileid.u32  }
0x2: {  	s3 =	rddreg [dreg:$0x0];
	s4 =	sand.u32 $0x1, s1;
	s30 =	sshll.u32 s0, $0x1  }
0x3: {  	s5 =	rddreg [dreg:$0x1];
	s2 =	simm.s32 $0x0;
	s6 =	sor.u32 s4, s30  }
0x4: {  	s10 =	simm.s32 $0x0;
	s4 =	ssub.s32 $0x2, s4;
	s7 =	smul.u32 $0x500, s6  }
0x5: {  	[smem:$0x7FF] =	sst s2;
	s6 =	smul.u32 $0x2800, s6;
	s31 =	sshrl.u32 s4, $0x1  }
0x6: {  	s1 =	rddreg [dreg:$0x2];
	_ =	strace $0x80000047;
	s9 =	ssub.s32 s4, s31  }
0x7: {  	s8 =	sadd.s32 s7, s3;
	s6 =	sadd.s32 s6, s3;
	s4 =	sadd.s32 s5, s7  }
0x8: {  	s7 =	simm.s32 $0x14000;
	s3 =	sadd.s32 $0x3000, s8;
	s5 =	sadd.s32 $0xD000, s6  }
0x9: {  	v0 =	vimm.f32 $0.0e+00;
	s6 =	smax.u32 s9, $0x1;
	s8 =	simm.s32 $0x1;
	s9 =	simm.s32 $0x16800  }
.LBB2_1:
0xa: {  	[tilespmem:s7], [sflag:$0x1] =	stream.linear.gather [hbm4b:s3+s2], $0x2780, $0x38;
	[tilespmem:$0x19000] =	vst v63  }
0xb: {  	_ =	swait.ge [sflag:s8], $0x2780  }
0xc: {  	[sflag:s8] =	ssyncset.done $0x0  }
0xd: {  	[sflag:s8] =	ssyncadd.s32 $0xFFFFD880  }
0xe: {  	[tilespmem:s9], [sflag:$0x1] =	stream.linear.gather [hbm4b:s4+s2], $0x2780, $0x38;
	[tilespmem:$0x19000] =	vst v63  }
0xf: {  	_ =	swait.ge [sflag:s8], $0x2780  }
0x10: {  	[sflag:s8] =	ssyncset.done $0x0  }
0x11: {  	s11 =	simm.s32 $0x0;
	[sflag:s8] =	ssyncadd.s32 $0xFFFFD880  }
.LBB2_2:
0x12: {  	p0 =	sne.s32 s11, $0x4FE00  }
.Ltmp0:
0x13: {  	_ = 	snop;
	(pc) =	sbr.rel @p0 .LBB2_2-.Ltmp0, $3  }
0x14: {  	_ =	sdelay $0x1  }
0x15: {  	s12 =	sshra.s32 s11, $0x2  }
0x16: {  	s11 =	sadd.s32 $0x200, s11;
	[tilespmem:s12+$0x0] =	vst v0  }
0x17: {  	s11 =	simm.s32 $0x0  }
.LBB2_4:
0x18: {  	s12 =	sshra.s32 s11, $0x2  }
0x19: {  	v1 =	vld [tilespmem:s12+$0x14000];
	_ =	sdelay $0x4  }
0x1a: {  	v2 =	vshll.u32 v1, $0x3  }
0x1b: {  	v1 =	vand.u32 $0xF, v1;
	v2 =	vand.u32 $0xFFFFFF80, v2  }
0x1c: {  	v3 =	vld [tilespmem:s12+$0x16800];
	v1 =	vor.u32 v1, v2;
	_ =	sdelay $0x4  }
0x1d: {  	[tilespmem:v1+s2+$0x0] =	vst.idx.add.f32.msk $0xffff, v3  }
0x1e: {  	v1 =	vld [tilespmem:s12+$0x14010];
	_ =	sdelay $0x4  }
0x1f: {  	v2 =	vshll.u32 v1, $0x3  }
0x20: {  	v1 =	vand.u32 $0xF, v1;
	v2 =	vand.u32 $0xFFFFFF80, v2  }
0x21: {  	v3 =	vld [tilespmem:s12+$0x16810];
	v1 =	vor.u32 v1, v2;
	_ =	sdelay $0x4  }
0x22: {  	[tilespmem:v1+s2+$0x0] =	vst.idx.add.f32.msk $0xffff, v3  }
0x23: {  	v1 =	vld [tilespmem:s12+$0x14020];
	_ =	sdelay $0x4  }
0x24: {  	v2 =	vshll.u32 v1, $0x3  }
0x25: {  	v1 =	vand.u32 $0xF, v1;
	v2 =	vand.u32 $0xFFFFFF80, v2  }
0x26: {  	v3 =	vld [tilespmem:s12+$0x16820];
	v1 =	vor.u32 v1, v2;
	_ =	sdelay $0x4  }
0x27: {  	[tilespmem:v1+s2+$0x0] =	vst.idx.add.f32.msk $0xffff, v3  }
0x28: {  	v1 =	vld [tilespmem:s12+$0x14030];
	_ =	sdelay $0x4  }
0x29: {  	v2 =	vshll.u32 v1, $0x3  }
0x2a: {  	v1 =	vand.u32 $0xF, v1;
	v2 =	vand.u32 $0xFFFFFF80, v2  }
0x2b: {  	v3 =	vld [tilespmem:s12+$0x16830];
	v1 =	vor.u32 v1, v2;
	_ =	sdelay $0x4  }
0x2c: {  	[tilespmem:v1+s2+$0x0] =	vst.idx.add.f32.msk $0xffff, v3  }
0x2d: {  	v1 =	vld [tilespmem:s12+$0x14040];
	_ =	sdelay $0x4  }
0x2e: {  	v2 =	vshll.u32 v1, $0x3  }
0x2f: {  	v1 =	vand.u32 $0xF, v1;
	v2 =	vand.u32 $0xFFFFFF80, v2  }
0x30: {  	v3 =	vld [tilespmem:s12+$0x16840];
	v1 =	vor.u32 v1, v2;
	_ =	sdelay $0x4  }
0x31: {  	[tilespmem:v1+s2+$0x0] =	vst.idx.add.f32.msk $0xffff, v3  }
0x32: {  	v1 =	vld [tilespmem:s12+$0x14050];
	_ =	sdelay $0x4  }
0x33: {  	v2 =	vshll.u32 v1, $0x3  }
0x34: {  	v1 =	vand.u32 $0xF, v1;
	v2 =	vand.u32 $0xFFFFFF80, v2  }
0x35: {  	v3 =	vld [tilespmem:s12+$0x16850];
	v1 =	vor.u32 v1, v2;
	_ =	sdelay $0x4  }
0x36: {  	[tilespmem:v1+s2+$0x0] =	vst.idx.add.f32.msk $0xffff, v3  }
0x37: {  	v1 =	vld [tilespmem:s12+$0x14060];
	_ =	sdelay $0x4  }
0x38: {  	v2 =	vshll.u32 v1, $0x3  }
0x39: {  	v1 =	vand.u32 $0xF, v1;
	v2 =	vand.u32 $0xFFFFFF80, v2  }
0x3a: {  	v3 =	vld [tilespmem:s12+$0x16860];
	v1 =	vor.u32 v1, v2;
	_ =	sdelay $0x4  }
0x3b: {  	[tilespmem:v1+s2+$0x0] =	vst.idx.add.f32.msk $0xffff, v3  }
0x3c: {  	v1 =	vld [tilespmem:s12+$0x14070];
	_ =	sdelay $0x4  }
0x3d: {  	v2 =	vshll.u32 v1, $0x3  }
0x3e: {  	v1 =	vand.u32 $0xF, v1;
	v2 =	vand.u32 $0xFFFFFF80, v2  }
0x3f: {  	p0 =	sne.s32 s11, $0x9C00;
	v3 =	vld [tilespmem:s12+$0x16870];
	v1 =	vor.u32 v1, v2  }
.Ltmp1:
0x40: {  	_ = 	snop;
	(pc) =	sbr.rel @p0 .LBB2_4-.Ltmp1, $2  }
0x41: {  	_ =	sdelay $0x2  }
0x42: {  	s11 =	sadd.s32 $0x200, s11;
	[tilespmem:v1+s2+$0x0] =	vst.idx.add.f32.msk $0xffff, v3  }
0x43: {  	s10 =	sadd.s32 $0x1, s10  }
0x44: {  	p0 =	sne.s32 s10, s6  }
.Ltmp2:
0x45: {  	_ = 	snop;
	(pc) =	sbr.rel @p0 .LBB2_1-.Ltmp2, $4  }
0x46: {  	[hbm4b:s5+s2] =	stream.linear.scatter [tilespmem:s2], [sflag:$0x1], $0x14000, $0x38;
	[tilespmem:$0x19000] =	vst v63  }
0x47: {  	_ =	swait.ge [sflag:s8], $0x14000  }
0x48: {  	[sflag:s8] =	ssyncset.done $0x0  }
0x49: {  	[sflag:s8] =	ssyncadd.s32 $0xFFFEC000  }
0x4a: {  	_ =	sfence.sel $0x180000  }
0x4b: {  	[bflag:$0x0] =	sbarrier.arrive $0xFFFF  }
0x4c: {  	p0 =	sne.s32 s0, $0x0;
	_ =	strace $0x90000047  }
0x4d: {  	s0 =	sadd.s32 @!p0 $0x100000, s1;
	[bflag:$0x2] =	sbarrier.arrive $0xFFFF  }
0x4e: {  	[sflag:s0] =	ssyncadd.tile.s32 @!p0 $0x1;
	_ =	shalt  }
.Lfunc_end2:
_tile_overlayer_lowered:
.L_overlay_start_2:
0x4f: {  	(tag) =	ssettag $0x2  }
0x50: {  	s0 =	rddreg [dreg:$0x0];
	s2 =	stileid.u32  }
0x51: {  	s1 =	rddreg [dreg:$0x1];
	p0 =	sne.s32 s2, $0x0  }
0x52: {  	s3 =	rddreg [dreg:$0x2];
	[bflag:$0x3] =	sbarrier.arrive $0xFFFF;
	s2 =	simm.s32 @!p0 $0x1C01  }
0x53: {  	[timem:s3], [sflag:s2] =	dma.local @!p0 [hbm:s0], s1  }
0x54: {  	s0 =	simm.s32 @!p0 $0x1  }
0x55: {  	_ =	swait.ge @!p0 [sflag:s0], s1  }
0x56: {  	s1 =	ssub.s32 @!p0 $0x0, s1;
	[sflag:s0] =	ssyncset.done @!p0 $0x0  }
0x57: {  	[sflag:s0] =	ssyncadd.s32 @!p0 s1  }
0x58: {  	[bflag:$0x3] =	sbarrier.arrive $0xFFFF  }
0x59: {  	_ =	shalt  }

// kernel: kernel.14.cloned.1.call-start
scs
__scs_entry_jumppad:
0x0: {  	(pc) =	sbr.rel $0x88, $3  }
0x1: {  	(tag) =	ssettag $0x0;
	lr =	simm.s32 $0x1  }
0x2: {  	[smem:$0x3F98] =	sst lr;
	_ =	strace $0xD0000000  }
0x3: {  	_ = 	snop  }
0x4: {  	_ = 	snop  }
0x5: {  	_ = 	snop  }
0x6: {  	_ = 	snop  }
0x7: {  	_ = 	snop  }
__scs_overlays_trampoline_lowered:
0x8: {  	[smem:$0x3FA7] =	sst s0  }
0x9: {  	[smem:$0x3FA8] =	sst s1  }
0xa: {  	[smem:$0x3FA9] =	sst s2  }
0xb: {  	[smem:$0x3FAA] =	sst s3  }
0xc: {  	[smem:$0x3FAB] =	sst s4  }
0xd: {  	[smem:$0x3FAC] =	sst s5  }
0xe: {  	[smem:$0x3FAD] =	sst s6  }
0xf: {  	[smem:$0x3FAE] =	sst s7  }
0x10: {  	[smem:$0x3FAF] =	sst s8  }
0x11: {  	[smem:$0x3FB0] =	sst s9;
	s0 =	simm.s32 @!p0 $0x0  }
0x12: {  	s1 =	sld [smem:$0x3F96];
	s0 =	simm.s32 @p0 $0x1  }
0x13: {  	[smem:$0x3FB1] =	sst s0;
	s0 =	simm.s32 @!p1 $0x0  }
0x14: {  	s2 =	sld [smem:$0x3F95];
	s0 =	simm.s32 @p1 $0x1  }
0x15: {  	[smem:$0x3FB2] =	sst s0;
	s0 =	simm.s32 @!p2 $0x0  }
0x16: {  	s3 =	sld [smem:$0x3FDB];
	s0 =	simm.s32 @p2 $0x1  }
0x17: {  	s4 =	simm.s32 $0x1BF5;
	[smem:$0x3FB4] =	sst s0  }
0x18: {  	s0 =	sld [smem:$0x3F97];
	_ =	swait.ge [sflag:s4], $0x0  }
0x19: {  	s7 =	sld [smem:$0x3F98]  }
0x1a: {  	s8 =	sadd.s32 $0xFFFFE003, lr  }
0x1b: {  	s9 =	sadd.s32 $0xFFFFFEF7, lr;
	s5 =	simm.s32 $0xFFFFFFFF;
	p2 =	slt.u32 s8, $0xFFFFF086  }
0x1c: {  	p1 =	slt.u32 s9, $0xF7A;
	s5 =	simm.s32 @!p2 $0x0  }
0x1d: {  	s5 =	simm.s32 @p1 $0x1;
	p0 =	seq.s32 s7, s2  }
0x1e: {  	s7 =	smul.u32 @!p0 $0xF7A, s2;
	p2 =	seq.s32 @!p0 s5, $0x0  }
0x1f: {  	s9 =	smul.u32 $0xF7A, s1;
	s8 =	simm.s32 @!p0 $0x1BF5;
	p2 =	por !p2, p0  }
0x20: {  	[sflag:s8] =	ssyncset.s32 @!p0 $0xFFFFF086;
	s6 =	sadd.s32 @!p0 s3, s7;
	s7 =	simm.s32 @!p0 $0x108  }
0x21: {  	s3 =	sadd.s32 s3, s9;
	s6 =	sadd.s32 @!p0 $0x88, s6;
	s7 =	simm.s32 @p2 $0x1082  }
0x22: {  	[simem:s7], [sflag:s8] =	dma.local @!p0 [hbm:s6], $0xF7A  }
0x23: {  	s9 =	sor.u32 $0xD0000000, s2;
	s6 =	simm.s32 $0x108;
	_ =	swait.ge @!p0 [sflag:s8], $0x0  }
0x24: {  	s3 =	sadd.s32 $0x88, s3;
	s6 =	simm.s32 @!p1 $0x1082;
	[sflag:s4] =	ssyncset.s32 $0xFFFFF086  }
0x25: {  	[simem:s6], [sflag:s4] =	dma.local [hbm:s3], $0xF7A  }
0x26: {  	[smem:$0x3F98] =	sst s1;
	(tag) =	ssettag s2;
	_ =	strace s9  }
0x27: {  	s1 =	sld [smem:$0x3FA8]  }
0x28: {  	s2 =	sld [smem:$0x3FA9]  }
0x29: {  	s4 =	sld [smem:$0x3FAB]  }
0x2a: {  	p0 =	seq.s32 s5, $0x0;
	s5 =	sld [smem:$0x3FAC]  }
0x2b: {  	s6 =	sld [smem:$0x3FAD]  }
0x2c: {  	s7 =	sld [smem:$0x3FAE]  }
0x2d: {  	s3 =	simm.s32 $0x108;
	s8 =	sld [smem:$0x3FAF]  }
0x2e: {  	s3 =	simm.s32 @!p0 $0x1082;
	s9 =	sld [smem:$0x3FB0]  }
0x2f: {  	lr =	sadd.s32 s0, s3;
	s0 =	sld [smem:$0x3FA7]  }
0x30: {  	s3 =	sld [smem:$0x3FAA]  }
0x31: {  	[smem:$0x3FB3] =	sst s10  }
0x32: {  	s10 =	sld [smem:$0x3FB1];
	_ =	sdelay $0x3  }
0x33: {  	p0 =	seq.s32 s10, $0x1;
	s10 =	sld [smem:$0x3FB3];
	_ =	sdelay $0x3  }
0x34: {  	[smem:$0x3FB3] =	sst s10  }
0x35: {  	s10 =	sld [smem:$0x3FB2];
	_ =	sdelay $0x3  }
0x36: {  	p1 =	seq.s32 s10, $0x1;
	s10 =	sld [smem:$0x3FB3];
	_ =	sdelay $0x3  }
0x37: {  	[smem:$0x3FB3] =	sst s10  }
0x38: {  	s10 =	sld [smem:$0x3FB4]  }
0x39: {  	_ = 	snop;
	(pc) =	sbr.ind lr, $3  }
0x3a: {  	_ = 	snop  }
0x3b: {  	_ = 	snop  }
0x3c: {  	p2 =	seq.s32 s10, $0x1;
	s10 =	sld [smem:$0x3FB3]  }
0x3d: {  	_ =	shalt  }
0x3e: {  	_ =	shalt  }
0x3f: {  	_ =	shalt  }
0x40: {  	_ =	shalt  }
0x41: {  	_ =	shalt  }
0x42: {  	_ =	shalt  }
0x43: {  	_ =	shalt  }
0x44: {  	_ =	shalt  }
0x45: {  	_ =	shalt  }
0x46: {  	_ =	shalt  }
0x47: {  	_ =	shalt  }
0x48: {  	_ =	shalt  }
0x49: {  	_ =	shalt  }
0x4a: {  	_ =	shalt  }
0x4b: {  	_ =	shalt  }
0x4c: {  	_ =	shalt  }
0x4d: {  	_ =	shalt  }
0x4e: {  	_ =	shalt  }
0x4f: {  	_ =	shalt  }
0x50: {  	_ =	shalt  }
0x51: {  	_ =	shalt  }
0x52: {  	_ =	shalt  }
0x53: {  	_ =	shalt  }
0x54: {  	_ =	shalt  }
0x55: {  	_ =	shalt  }
0x56: {  	_ =	shalt  }
0x57: {  	_ =	shalt  }
0x58: {  	_ =	shalt  }
0x59: {  	_ =	shalt  }
0x5a: {  	_ =	shalt  }
0x5b: {  	_ =	shalt  }
0x5c: {  	_ =	shalt  }
0x5d: {  	_ =	shalt  }
0x5e: {  	_ =	shalt  }
0x5f: {  	_ =	shalt  }
0x60: {  	_ =	shalt  }
0x61: {  	_ =	shalt  }
0x62: {  	_ =	shalt  }
0x63: {  	_ =	shalt  }
0x64: {  	_ =	shalt  }
0x65: {  	_ =	shalt  }
0x66: {  	_ =	shalt  }
0x67: {  	_ =	shalt  }
0x68: {  	_ =	shalt  }
0x69: {  	_ =	shalt  }
0x6a: {  	_ =	shalt  }
0x6b: {  	_ =	shalt  }
0x6c: {  	_ =	shalt  }
0x6d: {  	_ =	shalt  }
0x6e: {  	_ =	shalt  }
0x6f: {  	_ =	shalt  }
0x70: {  	_ =	shalt  }
0x71: {  	_ =	shalt  }
0x72: {  	_ =	shalt  }
0x73: {  	_ =	shalt  }
0x74: {  	_ =	shalt  }
0x75: {  	_ =	shalt  }
0x76: {  	_ =	shalt  }
0x77: {  	_ =	shalt  }
0x78: {  	_ =	shalt  }
0x79: {  	_ =	shalt  }
0x7a: {  	_ =	shalt  }
0x7b: {  	_ =	shalt  }
0x7c: {  	_ =	shalt  }
0x7d: {  	_ =	shalt  }
0x7e: {  	_ =	shalt  }
0x7f: {  	_ =	shalt  }
0x80: {  	_ =	shalt  }
0x81: {  	_ =	shalt  }
0x82: {  	_ =	shalt  }
0x83: {  	_ =	shalt  }
0x84: {  	_ =	shalt  }
0x85: {  	_ =	shalt  }
0x86: {  	_ =	shalt  }
0x87: {  	_ =	shalt  }
.Lfunc_end0:
.L_simem_size_0:
called_computation.1_lowered:
.L_overlay_start_0:
0x88: {  	s2 =	sld [smem:$0x3FD9]  }
0x89: {  	s3 =	sld [smem:$0x3FFE];
	_ =	sdelay $0x1  }
0x8a: {  	s1 =	srdreg.scid  }
0x8b: {  	s0 =	sand.u32 $0x1, s1  }
0x8c: {  	s16 =	sshll.u32 s0, $0xA;
	s2 =	sadd.s32 s3, s2  }
0x8d: {  	s2 =	sadd.s32 s2, s16  }
0x8e: {  	[smem:$0x3FBF] =	sst s2  }
0x8f: {  	_ = 	snop  }
0x90: {  	(tm) =	ssettm $0x1  }
0x91: {  	s17 =	sld [smem:$0x3FFB];
	_ =	sdelay $0x3  }
0x92: {  	_ =	strace s17  }
0x93: {  	s2 =	sld [smem:$0x3FFC];
	_ =	sdelay $0x3  }
0x94: {  	_ =	strace s2  }
0x95: {  	s2 =	sld [smem:$0x3FFD];
	_ =	sdelay $0x3  }
0x96: {  	_ =	strace s2  }
0x97: {  	_ =	strace $0x8FFFFFFF  }
0x98: {  	s18 =	sld [smem:$0x3FDB];
	_ =	sdelay $0x1  }
0x99: {  	s19 =	simm.s32 $_scs_section_size  }
0x9a: {  	s4 =	simm.s32 $_size__tile_overlayer_lowered;
	s5 =	simm.s32 $_tile_overlayer_lowered  }
0x9b: {  	s22 =	simm.s32 $0x1BFF;
	s21 =	sshll.u32 s5, $0x1;
	s2 =	sadd.s32 s19, s18  }
0x9c: {  	s6 =	simm.s32 $0x0;
	s20 =	sshll.u32 s4, $0x1;
	s4 =	sadd.s32 s21, s2  }
0x9d: {  	[timem:s6], [sflag:s22] =	dma.local [hbm:s4], s20  }
0x9e: {  	_ =	swait.ge [sflag:s22], s20  }
0x9f: {  	s3 =	ssub.s32 $0x0, s20;
	[sflag:s22] =	ssyncset.done $0x0  }
0xa0: {  	[sflag:s22] =	ssyncadd.s32 s3;
	_ =	sdelay $0x1  }
0xa1: {  	s23 =	simm.s32 $0x1B8B  }
0xa2: {  	_ =	swait.ge [sflag:s23], $0x1  }
0xa3: {  	[sflag:s23] =	ssyncset.done $0x0  }
0xa4: {  	s25 =	simm.s32 $0x1B8E;
	s24 =	sld [smem:$0x3FFE];
	[sflag:s23] =	ssyncadd.s32 $0xFFFFFFFF  }
0xa5: {  	s26 =	simm.s32 $execute0_lowered;
	[smem:$0x3FD2] =	sst s25  }
0xa6: {  	s4 =	sshll.u32 s26, $0x1;
	_ =	strace $0x80000049;
	[dreg:$0x1] =	wrdreg $0xFFFFFFFF  }
0xa7: {  	s28 =	simm.s32 $_size_execute0_lowered;
	s2 =	sadd.s32 s2, s4;
	[dreg:$0x0] =	wrdreg $0x0  }
0xa8: {  	s4 =	sshll.u32 s28, $0x1;
	[dreg:$0x2] =	wrdreg s2  }
0xa9: {  	[dreg:$0x3] =	wrdreg s4  }
0xaa: {  	[dreg:$0x4] =	wrdreg $0xC0  }
0xab: {  	_ =	task [dreg:s6], $0x5FFFF  }
0xac: {  	[dreg:$0x1] =	wrdreg $0xFFFFFFFF  }
0xad: {  	[dreg:$0x0] =	wrdreg $0x60  }
0xae: {  	[dreg:$0x2] =	wrdreg s24  }
0xaf: {  	[dreg:$0x3] =	wrdreg $0x0  }
0xb0: {  	[dreg:$0x4] =	wrdreg $0x9  }
0xb1: {  	_ =	task.clear_ibuf [dreg:s6], $0x5FFFF;
	_ =	strace $0x90000049  }
0xb2: {  	s29 =	simm.s32 $0x9;
	_ =	strace $0x8000004B  }
0xb3: {  	_ =	swait.ge [sflag:s29], $0x1  }
0xb4: {  	[sflag:s29] =	ssyncadd.s32 $0xFFFFFFFF  }
0xb5: {  	_ =	strace $0x9000004B  }
0xb6: {  	_ =	sfence  }
0xb7: {  	s30 =	sld [smem:$0x0];
	_ =	sdelay $0x2  }
0xb8: {  	s31 =	sshll.u32 s1, $0xD;
	s1 =	sshrl.u32 s1, $0x2  }
0xb9: {  	s3 =	sand.u32 $0x4000, s31;
	s1 =	sadd.s32 s1, s30  }
0xba: {  	s0 =	sor.u32 s3, s0;
	s1 =	sshll.u32 s1, $0x11  }
0xbb: {  	s0 =	sor.u32 s1, s0  }
0xbc: {  	s0 =	sadd.s32 $0x8F2B, s0  }
0xbd: {  	[sflag:s0] =	ssyncadd.remote.s32 $0x1  }
0xbe: {  	_ =	sfence.sel $0xFFFF  }
0xbf: {  	[dreg:$0x0] =	wrdreg $0xFFFFFFFF;
	(pc) =	sbr.abs _section_cstart, $3  }
0xc0: {  	[dreg:$0x1] =	wrdreg $0xFFFFFFFF  }
0xc1: {  	_ =	task.clear_ibuf [dreg:s6], $0x2FFFF;
	_ =	strace $0x9FFFFFFF  }
0xc2: {  	(tm) =	ssettm $0x7FFFFFFF  }
0xc3: {  	_ =	shalt  }
tec
execute0_lowered:
.L_overlay_start_1:
0x0: {  	(tag) =	ssettag $0x1  }
0x1: {  	s0 =	rddreg [dreg:$0x0]  }
0x2: {  	s2 =	rddreg [dreg:$0x1];
	s1 =	srdreg.scid  }
0x3: {  	s9 =	stileid.u32;
	s3 =	simm.s32 $0x0;
	s15 =	simm.s32 $0x7  }
0x4: {  	s16 =	simm.s32 $0x16A00;
	s17 =	simm.s32 $0x16800;
	s18 =	simm.s32 $0x16880  }
0x5: {  	s28 =	simm.s32 $0x1;
	s29 =	simm.s32 $0x5;
	s30 =	simm.s32 $0x4  }
0x6: {  	s31 =	simm.s32 $0x6;
	s14 =	simm.s32 $0x0;
	s6 =	smul.u32 $0x50000, s9  }
0x7: {  	s1 =	sand.u32 $0x1, s1;
	s4 =	sshll.u32 s9, $0x1;
	s25 =	smul.u32 $0x2800, s9  }
0x8: {  	[smem:$0x7FF] =	sst s3;
	s5 =	smul.u32 $0x27100, s1;
	s4 =	sor.u32 s1, s4  }
0x9: {  	_ =	strace $0x8000004A;
	s7 =	smul.u32 $0x28000, s1;
	s1 =	ssub.s32 $0x2, s1  }
0xa: {  	s4 =	smul.u32 $0x500, s4;
	s19 =	sshrl.u32 s1, $0x1;
	s6 =	sshrl.u32 s6, $0x2  }
0xb: {  	s5 =	sadd.s32 s5, s0;
	s1 =	ssub.s32 s1, s19;
	s19 =	simm.s32 $0x80  }
0xc: {  	s8 =	sadd.s32 s4, s0;
	s0 =	sadd.s32 s7, s0;
	s1 =	smax.u32 s1, $0x1  }
0xd: {  	s4 =	sadd.s32 s6, s2;
	s20 =	sadd.s32 $0x3000, s8;
	[dreg:$0x8] =	wrdreg s1  }
0xe: {  	s12 =	sadd.s32 $0xD000, s5;
	s21 =	sadd.s32 $0x4000, s4;
	[dreg:$0x3] =	wrdreg s20  }
0xf: {  	s22 =	sadd.s32 $0x8000, s4;
	s23 =	sadd.s32 $0xC000, s4;
	[dreg:$0x4] =	wrdreg s21  }
0x10: {  	s24 =	sadd.s32 $0x10000, s4;
	s10 =	sadd.s32 $0x67000, s8;
	[dreg:$0x5] =	wrdreg s22  }
0x11: {  	s11 =	sadd.s32 $0x5D000, s8;
	s0 =	sadd.s32 $0x71000, s0;
	[dreg:$0x6] =	wrdreg s23  }
0x12: {  	[dreg:$0x7] =	wrdreg s24;
	s26 =	sadd.s32 $0x10, s10;
	s21 =	simm.s32 $0x16900  }
0x13: {  	s22 =	simm.s32 $0x16980;
	s23 =	simm.s32 $0x2;
	s24 =	sadd.s32 s25, s0  }
0x14: {  	v0 =	vimm.f32 $0.0e+00;
	s25 =	simm.s32 $0x1AA00;
	[dreg:$0x9] =	wrdreg s26;
	s26 =	simm.s32 $0x3  }
.LBB2_1:
0x15: {  	s0 =	rddreg [dreg:$0x3];
	s1 =	simm.s32 $0x14000  }
0x16: {  	[tilespmem:s1], [sflag:$0x7] =	stream.linear.gather [hbm4b:s0+s3], $0x2780, $0x38;
	[tilespmem:$0x1EA00] =	vst v63  }
0x17: {  	_ =	swait.ge [sflag:s15], $0x2780  }
0x18: {  	[sflag:s15] =	ssyncset.done $0x0  }
0x19: {  	s0 =	simm.s32 $0x0;
	s1 =	simm.s32 $0x200;
	[sflag:s15] =	ssyncadd.s32 $0xFFFFD880  }
.LBB2_2:
0x1a: {  	p0 =	sne.s32 s1, $0xFE00;
	[tilespmem:s0+$0x16A70] =	vst v0  }
0x1b: {  	[tilespmem:s0+$0x16A00] =	vst v0  }
0x1c: {  	[tilespmem:s0+$0x16A10] =	vst v0  }
.Ltmp0:
0x1d: {  	[tilespmem:s0+$0x16A20] =	vst v0;
	(pc) =	sbr.rel @p0 .LBB2_2-.Ltmp0, $4  }
0x1e: {  	[tilespmem:s0+$0x16A30] =	vst v0  }
0x1f: {  	[tilespmem:s0+$0x16A40] =	vst v0  }
0x20: {  	[tilespmem:s0+$0x16A50] =	vst v0  }
0x21: {  	[tilespmem:s0+$0x16A60] =	vst v0;
	s0 =	sshra.s32 s1, $0x2;
	s1 =	sadd.s32 $0x200, s1  }
0x22: {  	[tilespmem:s0+$0x16A70] =	vst v0  }
0x23: {  	[tilespmem:s0+$0x16A00] =	vst v0  }
0x24: {  	[tilespmem:s0+$0x16A10] =	vst v0  }
0x25: {  	[tilespmem:s0+$0x16A20] =	vst v0  }
0x26: {  	[tilespmem:s0+$0x16A30] =	vst v0  }
0x27: {  	[tilespmem:s0+$0x16A40] =	vst v0  }
0x28: {  	[tilespmem:s0+$0x16A50] =	vst v0  }
0x29: {  	[tilespmem:s0+$0x16A60] =	vst v0  }
0x2a: {  	[spmem:s4] =	stream.linear.scatter [tilespmem:s16], [sflag:$0x7], $0x4000, $0x38;
	[tilespmem:$0x1EA00] =	vst v63  }
0x2b: {  	_ =	swait.ge [sflag:s15], $0x4000  }
0x2c: {  	[sflag:s15] =	ssyncset.done $0x0  }
0x2d: {  	s7 =	rddreg [dreg:$0x4];
	[sflag:s15] =	ssyncadd.s32 $0xFFFFC000  }
0x2e: {  	[spmem:s7] =	stream.linear.scatter [tilespmem:s16], [sflag:$0x7], $0x4000, $0x38;
	[tilespmem:$0x1EA00] =	vst v63  }
0x2f: {  	_ =	swait.ge [sflag:s15], $0x4000  }
0x30: {  	[sflag:s15] =	ssyncset.done $0x0  }
0x31: {  	s8 =	rddreg [dreg:$0x5];
	[sflag:s15] =	ssyncadd.s32 $0xFFFFC000  }
0x32: {  	[spmem:s8] =	stream.linear.scatter [tilespmem:s16], [sflag:$0x7], $0x4000, $0x38;
	[tilespmem:$0x1EA00] =	vst v63  }
0x33: {  	_ =	swait.ge [sflag:s15], $0x4000  }
0x34: {  	[sflag:s15] =	ssyncset.done $0x0  }
0x35: {  	s9 =	rddreg [dreg:$0x6];
	[sflag:s15] =	ssyncadd.s32 $0xFFFFC000  }
0x36: {  	[spmem:s9] =	stream.linear.scatter [tilespmem:s16], [sflag:$0x7], $0x4000, $0x38;
	[tilespmem:$0x1EA00] =	vst v63  }
0x37: {  	_ =	swait.ge [sflag:s15], $0x4000  }
0x38: {  	[sflag:s15] =	ssyncset.done $0x0  }
0x39: {  	s13 =	rddreg [dreg:$0x7];
	[sflag:s15] =	ssyncadd.s32 $0xFFFFC000  }
0x3a: {  	[spmem:s13] =	stream.linear.scatter [tilespmem:s16], [sflag:$0x7], $0x4000, $0x38;
	[tilespmem:$0x1EA00] =	vst v63  }
0x3b: {  	_ =	swait.ge [sflag:s15], $0x4000  }
0x3c: {  	[sflag:s15] =	ssyncset.done $0x0  }
0x3d: {  	[sflag:s15] =	ssyncadd.s32 $0xFFFFC000  }
0x3e: {  	s0 =	simm.s32 $0x0;
	[bflag:$0x0] =	sbarrier.arrive $0xFFFF  }
0x3f: {  	[tilespmem:s17], [sflag:$0x7] =	stream.linear.gather [hbm4b:s10+s0], $0x80, $0x38;
	[tilespmem:$0x1EA00] =	vst v63  }
0x40: {  	_ =	swait.ge [sflag:s15], $0x80  }
0x41: {  	[sflag:s15] =	ssyncset.done $0x0  }
0x42: {  	[sflag:s15] =	ssyncadd.s32 $0xFFFFFF80  }
0x43: {  	[tilespmem:s18], [sflag:$0x7] =	stream.linear.gather [hbm4b:s11+s0], $0x80, $0x38;
	[tilespmem:$0x1EA00] =	vst v63  }
0x44: {  	_ =	swait.ge [sflag:s15], $0x80  }
0x45: {  	[sflag:s15] =	ssyncset.done $0x0  }
0x46: {  	[sflag:s15] =	ssyncadd.s32 $0xFFFFFF80  }
0x47: {  	[tilespmem:s16], [sflag:$0x3] =	stream.indirect.gather [hbm4b:s12+s19], $0x80, s17, s19, $0xb8;
	[tilespmem:$0x1EA00] =	vst v63  }
0x48: {  	s1 =	rddreg [dreg:$0x9]  }
0x49: {  	[tilespmem:s21], [sflag:$0x2] =	stream.linear.gather [hbm4b:s1+s0], $0x80, $0x38;
	[tilespmem:$0x1EA00] =	vst v63  }
0x4a: {  	s20 =	sadd.s32 $0x10, s11;
	s1 =	simm.s32 $0x0  }
0x4b: {  	[tilespmem:s22], [sflag:$0x2] =	stream.linear.gather [hbm4b:s20+s0], $0x80, $0x38;
	[tilespmem:$0x1EA00] =	vst v63  }
.LBB2_4:
0x4c: {  	_ =	swait.ge [sflag:s23], $0x80  }
0x4d: {  	[sflag:s23] =	ssyncset.done $0x0  }
0x4e: {  	[sflag:s23] =	ssyncadd.s32 $0xFFFFFF80  }
0x4f: {  	_ =	swait.ge [sflag:s23], $0x80  }
0x50: {  	p0 =	seq.s32 s1, $0x0;
	[sflag:s23] =	ssyncset.done $0x0  }
0x51: {  	v1 =	vmov s0;
	s6 =	simm.s32 $0x2;
	s5 =	simm.s32 @!p0 $0x6;
	[sflag:s23] =	ssyncadd.s32 $0xFFFFFF80  }
0x52: {  	v1 =	vand.u32 $0xFFFFFFFC, v1;
	v2 =	vmov s6;
	_ =	swait.ge @!p0 [sflag:s5], $0x4000  }
0x53: {  	v1 =	vbroadcast v1, $0x0;
	v2 =	vand.u32 $0xFFFFFFFE, v2;
	[sflag:s5] =	ssyncset.done @!p0 $0x0  }
0x54: {  	v2 =	vbroadcast v2, $0x0;
	[sflag:s5] =	ssyncadd.s32 @!p0 $0xFFFFC000  }
0x55: {  	[tilespmem:s25], [sflag:$0x4] =	stream.indirect.gather [hbm4b:s12+s19], $0x80, s21, s19, $0xb8;
	[tilespmem:$0x1EA00] =	vst v63  }
0x56: {  	_ =	swait.ge [sflag:s26], $0x4000  }
0x57: {  	[sflag:s26] =	ssyncset.done $0x0  }
0x58: {  	[sflag:s26] =	ssyncadd.s32 $0xFFFFC000  }
0x59: {  	v1 =	vld.idx.msk [tilespmem:v1+s18+$0x0], $0xffff  }
0x5a: {  	s9 =	simm.s32 $0x1;
	s6 =	simm.s32 $0x16B00;
	v2 =	vld.idx.msk [tilespmem:v2+s18+$0x0], $0xffff  }
0x5b: {  	v3 =	vmov s9;
	v4 =	vld [tilespmem:s6+$0x70]  }
0x5c: {  	v3 =	vand.u32 $0xFFFFFFFD, v3;
	v5 =	vld [tilespmem:s6+$0xFFFFFF00]  }
0x5d: {  	v3 =	vbroadcast v3, $0x0;
	v6 =	vld [tilespmem:s6+$0xFFFFFF10]  }
0x5e: {  	v7 =	vld [tilespmem:s6+$0xFFFFFF20]  }
0x5f: {  	v8 =	vld [tilespmem:s6+$0xFFFFFF30]  }
0x60: {  	v9 =	vld [tilespmem:s6+$0xFFFFFF40]  }
0x61: {  	v10 =	vld [tilespmem:s6+$0xFFFFFF50]  }
0x62: {  	v11 =	vld [tilespmem:s6+$0xFFFFFF60];
	v5 =	vmul.f32 v1, v5  }
0x63: {  	v3 =	vld.idx.msk [tilespmem:v3+s18+$0x0], $0xffff;
	v4 =	vmul.f32 v2, v4  }
0x64: {  	v13 =	vld [tilespmem:s6+$0x40];
	[tilespmem:s6+$0xFFFFFF00] =	vst v5;
	v5 =	vmul.f32 v1, v6  }
0x65: {  	v6 =	vld [tilespmem:s6+$0xFFFFFF70];
	[tilespmem:s6+$0x70] =	vst v4;
	v4 =	vmul.f32 v1, v7  }
0x66: {  	v7 =	vld [tilespmem:s6+$0xFFFFFF80];
	[tilespmem:s6+$0xFFFFFF10] =	vst v5;
	v5 =	vmul.f32 v1, v8  }
0x67: {  	v8 =	vld [tilespmem:s6+$0xFFFFFF90];
	[tilespmem:s6+$0xFFFFFF20] =	vst v4;
	v4 =	vmul.f32 v1, v9  }
0x68: {  	v9 =	vld [tilespmem:s6+$0xFFFFFFA0];
	[tilespmem:s6+$0xFFFFFF30] =	vst v5;
	v5 =	vmul.f32 v1, v10  }
0x69: {  	v10 =	vld [tilespmem:s6+$0xFFFFFFB0];
	[tilespmem:s6+$0xFFFFFF40] =	vst v4;
	v4 =	vmul.f32 v1, v11  }
0x6a: {  	v11 =	vld [tilespmem:s6+$0xFFFFFFC0];
	v6 =	vmul.f32 v1, v6;
	[tilespmem:s6+$0xFFFFFF50] =	vst v5  }
0x6b: {  	v5 =	vmul.f32 v3, v7;
	v7 =	vld [tilespmem:s6+$0xFFFFFFD0];
	[tilespmem:s6+$0xFFFFFF60] =	vst v4  }
0x6c: {  	s13 =	simm.s32 $0x3;
	v4 =	vld [tilespmem:s6+$0xFFFFFFE0];
	v8 =	vmul.f32 v3, v8;
	[tilespmem:s6+$0xFFFFFF70] =	vst v6  }
0x6d: {  	v12 =	vmov s13;
	v6 =	vld [tilespmem:s6+$0xFFFFFFF0];
	[tilespmem:s6+$0xFFFFFF80] =	vst v5;
	v5 =	vmul.f32 v3, v9  }
0x6e: {  	v9 =	vld [tilespmem:s6+$0x0];
	[tilespmem:s6+$0xFFFFFF90] =	vst v8;
	v8 =	vmul.f32 v3, v10  }
0x6f: {  	v10 =	vld [tilespmem:s6+$0x10];
	[tilespmem:s6+$0xFFFFFFA0] =	vst v5;
	v5 =	vmul.f32 v3, v11  }
0x70: {  	[tilespmem:s6+$0xFFFFFFB0] =	vst v8;
	v7 =	vmul.f32 v3, v7;
	v8 =	vld [tilespmem:s6+$0x20]  }
0x71: {  	v11 =	vld [tilespmem:s6+$0x30];
	v4 =	vmul.f32 v3, v4;
	[tilespmem:s6+$0xFFFFFFC0] =	vst v5  }
0x72: {  	v1 =	vld.idx.msk [tilespmem:v12+s18+$0x0], $0xffff;
	v3 =	vmul.f32 v3, v6;
	[tilespmem:s6+$0xFFFFFFD0] =	vst v7  }
0x73: {  	[tilespmem:s6+$0xFFFFFFE0] =	vst v4;
	v5 =	vmul.f32 v2, v9;
	v4 =	vld [tilespmem:s6+$0x50]  }
0x74: {  	s20 =	simm.s32 $0x4;
	[tilespmem:s6+$0xFFFFFFF0] =	vst v3;
	v6 =	vmul.f32 v2, v10;
	v3 =	vld [tilespmem:s6+$0x60]  }
0x75: {  	s7 =	simm.s32 $0x7;
	v7 =	vmov s20;
	[tilespmem:s6+$0x0] =	vst v5;
	v9 =	vmul.f32 v2, v8;
	v8 =	vld [tilespmem:s6+$0x80]  }
0x76: {  	s8 =	simm.s32 $0x5;
	s9 =	simm.s32 $0x6;
	v12 =	vand.u32 $0xFFFFFFFC, v7;
	v7 =	vld [tilespmem:s6+$0x90];
	v5 =	vmov s7;
	v10 =	vmul.f32 v2, v11;
	[tilespmem:s6+$0x10] =	vst v6  }
0x77: {  	s5 =	sshll.u32 s1, $0x5;
	v11 =	vmul.f32 v2, v13;
	s7 =	simm.s32 $0x16B00;
	v6 =	vbroadcast v12, $0x0;
	v12 =	vmov s8;
	s8 =	simm.s32 $0x8;
	[tilespmem:s6+$0x20] =	vst v9;
	v9 =	vld [tilespmem:s6+$0xA0]  }
.LBB2_5:
0x78: {  	p0 =	slt.u32 s8, $0x7C;
	v12 =	vand.u32 $0xFFFFFFFD, v12;
	v13 =	vmov s9;
	[tilespmem:s6+$0x30] =	vst v10;
	v4 =	vmul.f32 v2, v4;
	v10 =	vld [tilespmem:s6+$0xB0]  }
0x79: {  	v12 =	vbroadcast v12, $0x0;
	v13 =	vand.u32 $0xFFFFFFFE, v13;
	[tilespmem:s6+$0x40] =	vst v11;
	v2 =	vmul.f32 v2, v3;
	v3 =	vld [tilespmem:s6+$0xC0]  }
0x7a: {  	v11 =	vbroadcast v13, $0x0;
	[tilespmem:s6+$0x50] =	vst v4;
	v4 =	vmul.f32 v1, v8;
	v8 =	vld [tilespmem:s6+$0xD0]  }
0x7b: {  	[tilespmem:s6+$0x60] =	vst v2;
	v2 =	vmul.f32 v1, v7;
	v7 =	vld [tilespmem:s6+$0xE0]  }
0x7c: {  	[tilespmem:s6+$0x80] =	vst v4;
	v4 =	vmul.f32 v1, v9;
	v9 =	vld [tilespmem:s6+$0xF0]  }
0x7d: {  	v5 =	vld.idx.msk [tilespmem:v5+s18+$0x0], $0xffff;
	[tilespmem:s6+$0x90] =	vst v2;
	v2 =	vmul.f32 v1, v10  }
0x7e: {  	v6 =	vld.idx.msk [tilespmem:v6+s18+$0x0], $0xffff;
	[tilespmem:s6+$0xA0] =	vst v4;
	v3 =	vmul.f32 v1, v3  }
0x7f: {  	v4 =	vld.idx.msk [tilespmem:v12+s18+$0x0], $0xffff;
	[tilespmem:s6+$0xB0] =	vst v2;
	v8 =	vmul.f32 v1, v8  }
0x80: {  	s6 =	sadd.s32 $0x200, s6;
	v2 =	vld.idx.msk [tilespmem:v11+s18+$0x0], $0xffff;
	[tilespmem:s7+$0xC0] =	vst v3;
	v3 =	vmul.f32 v1, v7  }
0x81: {  	v7 =	vld [tilespmem:s6+$0x70];
	[tilespmem:s7+$0xD0] =	vst v8;
	v9 =	vmul.f32 v1, v9  }
0x82: {  	v8 =	vld [tilespmem:s6+$0xFFFFFF00];
	[tilespmem:s7+$0xE0] =	vst v3  }
0x83: {  	v1 =	vmov v5;
	v3 =	vld [tilespmem:s6+$0xFFFFFF10];
	[tilespmem:s7+$0xF0] =	vst v9;
	s7 =	smov.u32 s6  }
0x84: {  	v5 =	vld [tilespmem:s6+$0xFFFFFF20]  }
0x85: {  	v9 =	vld [tilespmem:s6+$0xFFFFFF30]  }
0x86: {  	v10 =	vld [tilespmem:s6+$0xFFFFFF40];
	v7 =	vmul.f32 v2, v7  }
0x87: {  	v8 =	vmul.f32 v6, v8;
	v11 =	vld [tilespmem:s6+$0xFFFFFF50]  }
0x88: {  	v3 =	vmul.f32 v6, v3;
	v12 =	vld [tilespmem:s6+$0xFFFFFF60];
	[tilespmem:s6+$0x70] =	vst v7  }
0x89: {  	[tilespmem:s6+$0xFFFFFF00] =	vst v8;
	v5 =	vmul.f32 v6, v5;
	v7 =	vld [tilespmem:s6+$0xFFFFFF70]  }
0x8a: {  	[tilespmem:s6+$0xFFFFFF10] =	vst v3;
	v3 =	vmul.f32 v6, v9;
	v8 =	vld [tilespmem:s6+$0xFFFFFF80]  }
0x8b: {  	[tilespmem:s6+$0xFFFFFF20] =	vst v5;
	v5 =	vmul.f32 v6, v10;
	v9 =	vld [tilespmem:s6+$0xFFFFFF90]  }
0x8c: {  	[tilespmem:s6+$0xFFFFFF30] =	vst v3;
	v3 =	vmul.f32 v6, v11;
	v10 =	vld [tilespmem:s6+$0xFFFFFFA0]  }
0x8d: {  	[tilespmem:s6+$0xFFFFFF40] =	vst v5;
	v5 =	vmul.f32 v6, v12;
	v11 =	vld [tilespmem:s6+$0xFFFFFFB0]  }
0x8e: {  	[tilespmem:s6+$0xFFFFFF50] =	vst v3;
	v3 =	vmul.f32 v6, v7;
	v6 =	vld [tilespmem:s6+$0xFFFFFFC0]  }
0x8f: {  	[tilespmem:s6+$0xFFFFFF60] =	vst v5;
	v5 =	vmul.f32 v4, v8;
	v7 =	vld [tilespmem:s6+$0xFFFFFFD0]  }
0x90: {  	[tilespmem:s6+$0xFFFFFF70] =	vst v3;
	v3 =	vmul.f32 v4, v9;
	v8 =	vld [tilespmem:s6+$0xFFFFFFE0]  }
0x91: {  	[tilespmem:s6+$0xFFFFFF80] =	vst v5;
	v5 =	vmul.f32 v4, v10;
	v9 =	vld [tilespmem:s6+$0xFFFFFFF0]  }
0x92: {  	[tilespmem:s6+$0xFFFFFF90] =	vst v3;
	v3 =	vmul.f32 v4, v11;
	v10 =	vld [tilespmem:s6+$0x0]  }
0x93: {  	[tilespmem:s6+$0xFFFFFFA0] =	vst v5;
	v5 =	vmul.f32 v4, v6;
	v6 =	vld [tilespmem:s6+$0x10]  }
0x94: {  	[tilespmem:s6+$0xFFFFFFB0] =	vst v3;
	v3 =	vmul.f32 v4, v7;
	v7 =	vld [tilespmem:s6+$0x20]  }
0x95: {  	[tilespmem:s6+$0xFFFFFFC0] =	vst v5;
	v5 =	vmul.f32 v4, v8;
	v11 =	vld [tilespmem:s6+$0x30]  }
0x96: {  	[tilespmem:s6+$0xFFFFFFD0] =	vst v3;
	v3 =	vmul.f32 v4, v9;
	v9 =	vld [tilespmem:s6+$0x40]  }
.Ltmp1:
0x97: {  	[tilespmem:s6+$0xFFFFFFE0] =	vst v5;
	v5 =	vmul.f32 v2, v10;
	v4 =	vld [tilespmem:s6+$0x50];
	(pc) =	sbr.rel @p0 .LBB2_5-.Ltmp1, $4  }
0x98: {  	[tilespmem:s6+$0xFFFFFFF0] =	vst v3;
	v6 =	vmul.f32 v2, v6;
	v3 =	vld [tilespmem:s6+$0x60]  }
0x99: {  	s9 =	sadd.s32 $0x3, s8;
	v10 =	vmov s8;
	[tilespmem:s6+$0x0] =	vst v5;
	v13 =	vmul.f32 v2, v7;
	v8 =	vld [tilespmem:s6+$0x80]  }
0x9a: {  	s13 =	sadd.s32 $0x1, s8;
	v12 =	vand.u32 $0xFFFFFFFC, v10;
	v5 =	vmov s9;
	[tilespmem:s6+$0x10] =	vst v6;
	v10 =	vmul.f32 v2, v11;
	v7 =	vld [tilespmem:s6+$0x90]  }
0x9b: {  	s9 =	sadd.s32 $0x2, s8;
	s8 =	sadd.s32 $0x4, s8;
	v6 =	vbroadcast v12, $0x0;
	v12 =	vmov s13;
	[tilespmem:s6+$0x20] =	vst v13;
	v11 =	vmul.f32 v2, v9;
	v9 =	vld [tilespmem:s6+$0xA0]  }
0x9c: {  	v13 =	vld [tilespmem:s6+$0xB0]  }
0x9d: {  	v15 =	vld [tilespmem:s6+$0xC0]  }
0x9e: {  	v14 =	vmov s9;
	v16 =	vld [tilespmem:s6+$0xD0]  }
0x9f: {  	v17 =	vld [tilespmem:s6+$0xE0];
	[tilespmem:s6+$0x30] =	vst v10;
	v4 =	vmul.f32 v2, v4;
	v14 =	vand.u32 $0xFFFFFFFE, v14  }
0xa0: {  	v12 =	vand.u32 $0xFFFFFFFD, v12;
	v5 =	vld.idx.msk [tilespmem:v5+s18+$0x0], $0xffff;
	[tilespmem:s6+$0x40] =	vst v11;
	v2 =	vmul.f32 v2, v3;
	v14 =	vbroadcast v14, $0x0  }
0xa1: {  	s8 =	sadd.s32 $0x200, s6;
	v12 =	vbroadcast v12, $0x0;
	v3 =	vld.idx.msk [tilespmem:v6+s18+$0x0], $0xffff;
	v8 =	vmul.f32 v1, v8;
	[tilespmem:s6+$0x50] =	vst v4  }
0xa2: {  	v10 =	vld [tilespmem:s8+$0xFFFFFF00];
	v4 =	vmul.f32 v1, v7;
	[tilespmem:s6+$0x60] =	vst v2  }
0xa3: {  	[tilespmem:s6+$0x80] =	vst v8;
	v8 =	vld [tilespmem:s6+$0xF0];
	v2 =	vmul.f32 v1, v9  }
0xa4: {  	v11 =	vld [tilespmem:s8+$0xFFFFFF10];
	[tilespmem:s6+$0x90] =	vst v4;
	v4 =	vmul.f32 v1, v13  }
0xa5: {  	v9 =	vld [tilespmem:s8+$0x70];
	[tilespmem:s6+$0xA0] =	vst v2;
	v2 =	vmul.f32 v1, v15  }
0xa6: {  	[tilespmem:s6+$0xB0] =	vst v4;
	v4 =	vmul.f32 v1, v16;
	v7 =	vld.idx.msk [tilespmem:v14+s18+$0x0], $0xffff  }
0xa7: {  	v6 =	vld.idx.msk [tilespmem:v12+s18+$0x0], $0xffff;
	[tilespmem:s7+$0xC0] =	vst v2;
	v2 =	vmul.f32 v1, v17  }
0xa8: {  	v12 =	vld [tilespmem:s8+$0xFFFFFF20];
	[tilespmem:s7+$0xD0] =	vst v4;
	v1 =	vmul.f32 v1, v8  }
0xa9: {  	v4 =	vld [tilespmem:s8+$0xFFFFFF30];
	[tilespmem:s7+$0xE0] =	vst v2  }
0xaa: {  	v2 =	vld [tilespmem:s8+$0xFFFFFF40];
	[tilespmem:s7+$0xF0] =	vst v1;
	v1 =	vmul.f32 v3, v10  }
0xab: {  	v8 =	vmul.f32 v7, v9;
	v9 =	vld [tilespmem:s8+$0xFFFFFF50]  }
0xac: {  	v10 =	vmul.f32 v3, v11;
	v11 =	vld [tilespmem:s8+$0xFFFFFF60];
	[tilespmem:s8+$0xFFFFFF00] =	vst v1  }
0xad: {  	v1 =	vmul.f32 v3, v12;
	[tilespmem:s8+$0x70] =	vst v8;
	v8 =	vld [tilespmem:s8+$0xFFFFFF70]  }
0xae: {  	[tilespmem:s8+$0xFFFFFF10] =	vst v10;
	v10 =	vld [tilespmem:s8+$0xFFFFFF80];
	v4 =	vmul.f32 v3, v4  }
0xaf: {  	[tilespmem:s8+$0xFFFFFF20] =	vst v1;
	v1 =	vmul.f32 v3, v2;
	v2 =	vld [tilespmem:s8+$0xFFFFFF90]  }
0xb0: {  	[tilespmem:s8+$0xFFFFFF30] =	vst v4;
	v4 =	vmul.f32 v3, v9;
	v9 =	vld [tilespmem:s8+$0xFFFFFFA0]  }
0xb1: {  	[tilespmem:s8+$0xFFFFFF40] =	vst v1;
	v1 =	vmul.f32 v3, v11;
	v11 =	vld [tilespmem:s8+$0xFFFFFFB0]  }
0xb2: {  	[tilespmem:s8+$0xFFFFFF50] =	vst v4;
	v3 =	vmul.f32 v3, v8;
	v4 =	vld [tilespmem:s8+$0xFFFFFFC0]  }
0xb3: {  	[tilespmem:s8+$0xFFFFFF60] =	vst v1;
	v1 =	vmul.f32 v6, v10;
	v8 =	vld [tilespmem:s8+$0xFFFFFFD0]  }
0xb4: {  	v2 =	vmul.f32 v6, v2;
	[tilespmem:s8+$0xFFFFFF70] =	vst v3;
	v3 =	vld [tilespmem:s8+$0xFFFFFFE0]  }
0xb5: {  	[tilespmem:s8+$0xFFFFFF80] =	vst v1;
	v1 =	vmul.f32 v6, v9;
	v9 =	vld [tilespmem:s8+$0xFFFFFFF0]  }
0xb6: {  	v10 =	vld [tilespmem:s8+$0x0];
	[tilespmem:s8+$0xFFFFFF90] =	vst v2;
	v2 =	vmul.f32 v6, v11  }
0xb7: {  	[tilespmem:s8+$0xFFFFFFA0] =	vst v1;
	v1 =	vmul.f32 v6, v4;
	v4 =	vld [tilespmem:s8+$0x10]  }
0xb8: {  	[tilespmem:s8+$0xFFFFFFB0] =	vst v2;
	v2 =	vmul.f32 v6, v8;
	v8 =	vld [tilespmem:s8+$0x20]  }
0xb9: {  	[tilespmem:s8+$0xFFFFFFC0] =	vst v1;
	v1 =	vmul.f32 v6, v3;
	v3 =	vld [tilespmem:s8+$0x30]  }
0xba: {  	[tilespmem:s8+$0xFFFFFFD0] =	vst v2;
	v2 =	vmul.f32 v6, v9;
	v6 =	vld [tilespmem:s8+$0x40]  }
0xbb: {  	v9 =	vld [tilespmem:s8+$0x50];
	[tilespmem:s8+$0xFFFFFFE0] =	vst v1;
	v1 =	vmul.f32 v7, v10  }
0xbc: {  	[tilespmem:s8+$0xFFFFFFF0] =	vst v2;
	v2 =	vmul.f32 v7, v4;
	v4 =	vld [tilespmem:s8+$0x60]  }
0xbd: {  	[tilespmem:s8+$0x0] =	vst v1;
	v1 =	vmul.f32 v7, v8;
	v8 =	vld [tilespmem:s8+$0x80]  }
0xbe: {  	[tilespmem:s8+$0x10] =	vst v2;
	v2 =	vmul.f32 v7, v3;
	v3 =	vld [tilespmem:s8+$0x90]  }
0xbf: {  	[tilespmem:s8+$0x20] =	vst v1;
	v1 =	vmul.f32 v7, v6;
	v6 =	vld [tilespmem:s8+$0xA0]  }
0xc0: {  	[tilespmem:s8+$0x30] =	vst v2;
	v2 =	vmul.f32 v7, v9;
	v9 =	vld [tilespmem:s8+$0xB0]  }
0xc1: {  	[tilespmem:s8+$0x40] =	vst v1;
	v1 =	vmul.f32 v7, v4;
	v4 =	vld [tilespmem:s8+$0xC0]  }
0xc2: {  	v7 =	vld [tilespmem:s8+$0xD0];
	[tilespmem:s8+$0x50] =	vst v2;
	v2 =	vmul.f32 v5, v8  }
0xc3: {  	[tilespmem:s8+$0x60] =	vst v1;
	v1 =	vmul.f32 v5, v3;
	v3 =	vld [tilespmem:s8+$0xE0]  }
0xc4: {  	[tilespmem:s8+$0x80] =	vst v2;
	v2 =	vmul.f32 v5, v6;
	v6 =	vld [tilespmem:s8+$0xF0]  }
0xc5: {  	[tilespmem:s8+$0x90] =	vst v1;
	v1 =	vmul.f32 v5, v9  }
0xc6: {  	[tilespmem:s8+$0xA0] =	vst v2;
	v2 =	vmul.f32 v5, v4  }
0xc7: {  	[tilespmem:s8+$0xB0] =	vst v1;
	v1 =	vmul.f32 v5, v7  }
0xc8: {  	[tilespmem:s8+$0xC0] =	vst v2;
	v2 =	vmul.f32 v5, v3  }
0xc9: {  	s7 =	sshll.u32 s1, $0x8;
	[tilespmem:s8+$0xD0] =	vst v1;
	v1 =	vmul.f32 v5, v6  }
0xca: {  	s6 =	sand.u32 $0x3FFFFF00, s7;
	[tilespmem:s8+$0xE0] =	vst v2  }
0xcb: {  	s9 =	sadd.s32 $0x20, s5;
	[tilespmem:s8+$0xF0] =	vst v1;
	s8 =	sadd.s32 $0x14000, s6  }
0xcc: {  	[spmem:s2] =	stream.indirect.scatter.add.f32 [tilespmem:s16], [sflag:$0x5], $0x80, s8, s19, $0xb8;
	[tilespmem:$0x1EA00] =	vst v63  }
0xcd: {  	s20 =	simm.s32 $0x0;
	s13 =	sadd.s32 s10, s9  }
0xce: {  	[tilespmem:s17], [sflag:$0x1] =	stream.linear.gather [hbm4b:s13+s20], $0x80, $0x38;
	[tilespmem:$0x1EA00] =	vst v63  }
0xcf: {  	s7 =	sadd.s32 s11, s9  }
0xd0: {  	[tilespmem:s18], [sflag:$0x1] =	stream.linear.gather [hbm4b:s7+s20], $0x80, $0x38;
	[tilespmem:$0x1EA00] =	vst v63  }
0xd1: {  	_ =	swait.ge [sflag:s28], $0x80  }
0xd2: {  	[sflag:s28] =	ssyncset.done $0x0  }
0xd3: {  	[sflag:s28] =	ssyncadd.s32 $0xFFFFFF80  }
0xd4: {  	_ =	swait.ge [sflag:s28], $0x80  }
0xd5: {  	[sflag:s28] =	ssyncset.done $0x0  }
0xd6: {  	s9 =	simm.s32 $0x2;
	v1 =	vmov s20;
	[sflag:s28] =	ssyncadd.s32 $0xFFFFFF80  }
0xd7: {  	v2 =	vmov s9;
	v1 =	vand.u32 $0xFFFFFFFC, v1;
	_ =	swait.ge [sflag:s29], $0x4000  }
0xd8: {  	v2 =	vand.u32 $0xFFFFFFFE, v2;
	v1 =	vbroadcast v1, $0x0;
	[sflag:s29] =	ssyncset.done $0x0  }
0xd9: {  	v2 =	vbroadcast v2, $0x0;
	[sflag:s29] =	ssyncadd.s32 $0xFFFFC000  }
0xda: {  	[tilespmem:s16], [sflag:$0x3] =	stream.indirect.gather [hbm4b:s12+s19], $0x80, s17, s19, $0xb8;
	[tilespmem:$0x1EA00] =	vst v63  }
0xdb: {  	_ =	swait.ge [sflag:s30], $0x4000  }
0xdc: {  	[sflag:s30] =	ssyncset.done $0x0  }
0xdd: {  	[sflag:s30] =	ssyncadd.s32 $0xFFFFC000  }
0xde: {  	v1 =	vld.idx.msk [tilespmem:v1+s22+$0x0], $0xffff  }
0xdf: {  	s13 =	simm.s32 $0x1;
	s7 =	simm.s32 $0x1AB00;
	v2 =	vld.idx.msk [tilespmem:v2+s22+$0x0], $0xffff  }
0xe0: {  	v3 =	vmov s13;
	v4 =	vld [tilespmem:s7+$0x70]  }
0xe1: {  	v3 =	vand.u32 $0xFFFFFFFD, v3;
	v5 =	vld [tilespmem:s7+$0xFFFFFF00]  }
0xe2: {  	v3 =	vbroadcast v3, $0x0;
	v6 =	vld [tilespmem:s7+$0xFFFFFF10]  }
0xe3: {  	v7 =	vld [tilespmem:s7+$0xFFFFFF20]  }
0xe4: {  	v8 =	vld [tilespmem:s7+$0xFFFFFF30]  }
0xe5: {  	v9 =	vld [tilespmem:s7+$0xFFFFFF40]  }
0xe6: {  	v10 =	vld [tilespmem:s7+$0xFFFFFF50]  }
0xe7: {  	v11 =	vld [tilespmem:s7+$0xFFFFFF60];
	v5 =	vmul.f32 v1, v5  }
0xe8: {  	v3 =	vld.idx.msk [tilespmem:v3+s22+$0x0], $0xffff;
	v4 =	vmul.f32 v2, v4  }
0xe9: {  	v13 =	vld [tilespmem:s7+$0x40];
	[tilespmem:s7+$0xFFFFFF00] =	vst v5;
	v5 =	vmul.f32 v1, v6  }
0xea: {  	v6 =	vld [tilespmem:s7+$0xFFFFFF70];
	[tilespmem:s7+$0x70] =	vst v4;
	v4 =	vmul.f32 v1, v7  }
0xeb: {  	v7 =	vld [tilespmem:s7+$0xFFFFFF80];
	[tilespmem:s7+$0xFFFFFF10] =	vst v5;
	v5 =	vmul.f32 v1, v8  }
0xec: {  	v8 =	vld [tilespmem:s7+$0xFFFFFF90];
	[tilespmem:s7+$0xFFFFFF20] =	vst v4;
	v4 =	vmul.f32 v1, v9  }
0xed: {  	v9 =	vld [tilespmem:s7+$0xFFFFFFA0];
	[tilespmem:s7+$0xFFFFFF30] =	vst v5;
	v5 =	vmul.f32 v1, v10  }
0xee: {  	v10 =	vld [tilespmem:s7+$0xFFFFFFB0];
	[tilespmem:s7+$0xFFFFFF40] =	vst v4;
	v4 =	vmul.f32 v1, v11  }
0xef: {  	v11 =	vld [tilespmem:s7+$0xFFFFFFC0];
	v6 =	vmul.f32 v1, v6;
	[tilespmem:s7+$0xFFFFFF50] =	vst v5  }
0xf0: {  	v5 =	vmul.f32 v3, v7;
	v7 =	vld [tilespmem:s7+$0xFFFFFFD0];
	[tilespmem:s7+$0xFFFFFF60] =	vst v4  }
0xf1: {  	s20 =	simm.s32 $0x3;
	v4 =	vld [tilespmem:s7+$0xFFFFFFE0];
	v8 =	vmul.f32 v3, v8;
	[tilespmem:s7+$0xFFFFFF70] =	vst v6  }
0xf2: {  	v12 =	vmov s20;
	v6 =	vld [tilespmem:s7+$0xFFFFFFF0];
	[tilespmem:s7+$0xFFFFFF80] =	vst v5;
	v5 =	vmul.f32 v3, v9  }
0xf3: {  	v9 =	vld [tilespmem:s7+$0x0];
	[tilespmem:s7+$0xFFFFFF90] =	vst v8;
	v8 =	vmul.f32 v3, v10  }
0xf4: {  	v10 =	vld [tilespmem:s7+$0x10];
	[tilespmem:s7+$0xFFFFFFA0] =	vst v5;
	v5 =	vmul.f32 v3, v11  }
0xf5: {  	[tilespmem:s7+$0xFFFFFFB0] =	vst v8;
	v7 =	vmul.f32 v3, v7;
	v8 =	vld [tilespmem:s7+$0x20]  }
0xf6: {  	v11 =	vld [tilespmem:s7+$0x30];
	v4 =	vmul.f32 v3, v4;
	[tilespmem:s7+$0xFFFFFFC0] =	vst v5  }
0xf7: {  	v1 =	vld.idx.msk [tilespmem:v12+s22+$0x0], $0xffff;
	v3 =	vmul.f32 v3, v6;
	[tilespmem:s7+$0xFFFFFFD0] =	vst v7  }
0xf8: {  	[tilespmem:s7+$0xFFFFFFE0] =	vst v4;
	v5 =	vmul.f32 v2, v9;
	v4 =	vld [tilespmem:s7+$0x50]  }
0xf9: {  	s9 =	simm.s32 $0x4;
	[tilespmem:s7+$0xFFFFFFF0] =	vst v3;
	v6 =	vmul.f32 v2, v10;
	v3 =	vld [tilespmem:s7+$0x60]  }
0xfa: {  	s13 =	simm.s32 $0x7;
	v7 =	vmov s9;
	[tilespmem:s7+$0x0] =	vst v5;
	v9 =	vmul.f32 v2, v8;
	v8 =	vld [tilespmem:s7+$0x80]  }
0xfb: {  	s20 =	simm.s32 $0x5;
	v12 =	vand.u32 $0xFFFFFFFC, v7;
	v7 =	vld [tilespmem:s7+$0x90];
	v5 =	vmov s13;
	v10 =	vmul.f32 v2, v11;
	[tilespmem:s7+$0x10] =	vst v6  }
0xfc: {  	s8 =	simm.s32 $0x1AB00;
	s9 =	simm.s32 $0x8;
	s13 =	simm.s32 $0x6;
	v11 =	vmul.f32 v2, v13;
	v6 =	vbroadcast v12, $0x0;
	v12 =	vmov s20;
	[tilespmem:s7+$0x20] =	vst v9;
	v9 =	vld [tilespmem:s7+$0xA0]  }
.LBB2_7:
0xfd: {  	p0 =	slt.u32 s9, $0x7C;
	v12 =	vand.u32 $0xFFFFFFFD, v12;
	v13 =	vmov s13;
	[tilespmem:s7+$0x30] =	vst v10;
	v4 =	vmul.f32 v2, v4;
	v10 =	vld [tilespmem:s7+$0xB0]  }
0xfe: {  	v12 =	vbroadcast v12, $0x0;
	v13 =	vand.u32 $0xFFFFFFFE, v13;
	[tilespmem:s7+$0x40] =	vst v11;
	v2 =	vmul.f32 v2, v3;
	v3 =	vld [tilespmem:s7+$0xC0]  }
0xff: {  	v11 =	vbroadcast v13, $0x0;
	[tilespmem:s7+$0x50] =	vst v4;
	v4 =	vmul.f32 v1, v8;
	v8 =	vld [tilespmem:s7+$0xD0]  }
0x100: {  	[tilespmem:s7+$0x60] =	vst v2;
	v2 =	vmul.f32 v1, v7;
	v7 =	vld [tilespmem:s7+$0xE0]  }
0x101: {  	[tilespmem:s7+$0x80] =	vst v4;
	v4 =	vmul.f32 v1, v9;
	v9 =	vld [tilespmem:s7+$0xF0]  }
0x102: {  	v5 =	vld.idx.msk [tilespmem:v5+s22+$0x0], $0xffff;
	[tilespmem:s7+$0x90] =	vst v2;
	v2 =	vmul.f32 v1, v10  }
0x103: {  	v6 =	vld.idx.msk [tilespmem:v6+s22+$0x0], $0xffff;
	[tilespmem:s7+$0xA0] =	vst v4;
	v3 =	vmul.f32 v1, v3  }
0x104: {  	v4 =	vld.idx.msk [tilespmem:v12+s22+$0x0], $0xffff;
	[tilespmem:s7+$0xB0] =	vst v2;
	v8 =	vmul.f32 v1, v8  }
0x105: {  	s7 =	sadd.s32 $0x200, s7;
	v2 =	vld.idx.msk [tilespmem:v11+s22+$0x0], $0xffff;
	[tilespmem:s8+$0xC0] =	vst v3;
	v3 =	vmul.f32 v1, v7  }
0x106: {  	v7 =	vld [tilespmem:s7+$0x70];
	[tilespmem:s8+$0xD0] =	vst v8;
	v9 =	vmul.f32 v1, v9  }
0x107: {  	v8 =	vld [tilespmem:s7+$0xFFFFFF00];
	[tilespmem:s8+$0xE0] =	vst v3  }
0x108: {  	v1 =	vmov v5;
	v3 =	vld [tilespmem:s7+$0xFFFFFF10];
	[tilespmem:s8+$0xF0] =	vst v9;
	s8 =	smov.u32 s7  }
0x109: {  	v5 =	vld [tilespmem:s7+$0xFFFFFF20]  }
0x10a: {  	v9 =	vld [tilespmem:s7+$0xFFFFFF30]  }
0x10b: {  	v10 =	vld [tilespmem:s7+$0xFFFFFF40];
	v7 =	vmul.f32 v2, v7  }
0x10c: {  	v8 =	vmul.f32 v6, v8;
	v11 =	vld [tilespmem:s7+$0xFFFFFF50]  }
0x10d: {  	v3 =	vmul.f32 v6, v3;
	v12 =	vld [tilespmem:s7+$0xFFFFFF60];
	[tilespmem:s7+$0x70] =	vst v7  }
0x10e: {  	[tilespmem:s7+$0xFFFFFF00] =	vst v8;
	v5 =	vmul.f32 v6, v5;
	v7 =	vld [tilespmem:s7+$0xFFFFFF70]  }
0x10f: {  	[tilespmem:s7+$0xFFFFFF10] =	vst v3;
	v3 =	vmul.f32 v6, v9;
	v8 =	vld [tilespmem:s7+$0xFFFFFF80]  }
0x110: {  	[tilespmem:s7+$0xFFFFFF20] =	vst v5;
	v5 =	vmul.f32 v6, v10;
	v9 =	vld [tilespmem:s7+$0xFFFFFF90]  }
0x111: {  	[tilespmem:s7+$0xFFFFFF30] =	vst v3;
	v3 =	vmul.f32 v6, v11;
	v10 =	vld [tilespmem:s7+$0xFFFFFFA0]  }
0x112: {  	[tilespmem:s7+$0xFFFFFF40] =	vst v5;
	v5 =	vmul.f32 v6, v12;
	v11 =	vld [tilespmem:s7+$0xFFFFFFB0]  }
0x113: {  	[tilespmem:s7+$0xFFFFFF50] =	vst v3;
	v3 =	vmul.f32 v6, v7;
	v6 =	vld [tilespmem:s7+$0xFFFFFFC0]  }
0x114: {  	[tilespmem:s7+$0xFFFFFF60] =	vst v5;
	v5 =	vmul.f32 v4, v8;
	v7 =	vld [tilespmem:s7+$0xFFFFFFD0]  }
0x115: {  	[tilespmem:s7+$0xFFFFFF70] =	vst v3;
	v3 =	vmul.f32 v4, v9;
	v8 =	vld [tilespmem:s7+$0xFFFFFFE0]  }
0x116: {  	[tilespmem:s7+$0xFFFFFF80] =	vst v5;
	v5 =	vmul.f32 v4, v10;
	v9 =	vld [tilespmem:s7+$0xFFFFFFF0]  }
0x117: {  	[tilespmem:s7+$0xFFFFFF90] =	vst v3;
	v3 =	vmul.f32 v4, v11;
	v10 =	vld [tilespmem:s7+$0x0]  }
0x118: {  	[tilespmem:s7+$0xFFFFFFA0] =	vst v5;
	v5 =	vmul.f32 v4, v6;
	v6 =	vld [tilespmem:s7+$0x10]  }
0x119: {  	[tilespmem:s7+$0xFFFFFFB0] =	vst v3;
	v3 =	vmul.f32 v4, v7;
	v7 =	vld [tilespmem:s7+$0x20]  }
0x11a: {  	[tilespmem:s7+$0xFFFFFFC0] =	vst v5;
	v5 =	vmul.f32 v4, v8;
	v11 =	vld [tilespmem:s7+$0x30]  }
0x11b: {  	[tilespmem:s7+$0xFFFFFFD0] =	vst v3;
	v3 =	vmul.f32 v4, v9;
	v9 =	vld [tilespmem:s7+$0x40]  }
.Ltmp2:
0x11c: {  	[tilespmem:s7+$0xFFFFFFE0] =	vst v5;
	v5 =	vmul.f32 v2, v10;
	v4 =	vld [tilespmem:s7+$0x50];
	(pc) =	sbr.rel @p0 .LBB2_7-.Ltmp2, $4  }
0x11d: {  	[tilespmem:s7+$0xFFFFFFF0] =	vst v3;
	v6 =	vmul.f32 v2, v6;
	v3 =	vld [tilespmem:s7+$0x60]  }
0x11e: {  	s13 =	sadd.s32 $0x3, s9;
	v10 =	vmov s9;
	[tilespmem:s7+$0x0] =	vst v5;
	v13 =	vmul.f32 v2, v7;
	v8 =	vld [tilespmem:s7+$0x80]  }
0x11f: {  	s20 =	sadd.s32 $0x1, s9;
	v12 =	vand.u32 $0xFFFFFFFC, v10;
	v5 =	vmov s13;
	[tilespmem:s7+$0x10] =	vst v6;
	v10 =	vmul.f32 v2, v11;
	v7 =	vld [tilespmem:s7+$0x90]  }
0x120: {  	s13 =	sadd.s32 $0x2, s9;
	s9 =	sadd.s32 $0x4, s9;
	v6 =	vbroadcast v12, $0x0;
	v12 =	vmov s20;
	[tilespmem:s7+$0x20] =	vst v13;
	v11 =	vmul.f32 v2, v9;
	v9 =	vld [tilespmem:s7+$0xA0]  }
0x121: {  	v13 =	vld [tilespmem:s7+$0xB0]  }
0x122: {  	v15 =	vld [tilespmem:s7+$0xC0]  }
0x123: {  	v16 =	vld [tilespmem:s7+$0xD0]  }
0x124: {  	v17 =	vld [tilespmem:s7+$0xE0]  }
0x125: {  	v29 =	vld [tilespmem:s7+$0xF0];
	[tilespmem:s7+$0x30] =	vst v10;
	v4 =	vmul.f32 v2, v4  }
0x126: {  	v5 =	vld.idx.msk [tilespmem:v5+s22+$0x0], $0xffff;
	[tilespmem:s7+$0x40] =	vst v11;
	v2 =	vmul.f32 v2, v3  }
0x127: {  	s9 =	sadd.s32 $0x200, s7;
	v3 =	vld.idx.msk [tilespmem:v6+s22+$0x0], $0xffff;
	v8 =	vmul.f32 v1, v8;
	[tilespmem:s7+$0x50] =	vst v4  }
0x128: {  	v14 =	vmov s13;
	v34 =	vld [tilespmem:s9+$0x70];
	v30 =	vmul.f32 v1, v7;
	[tilespmem:s7+$0x60] =	vst v2  }
0x129: {  	v14 =	vand.u32 $0xFFFFFFFE, v14;
	v35 =	vld [tilespmem:s9+$0xFFFFFF00];
	[tilespmem:s7+$0x80] =	vst v8;
	v2 =	vmul.f32 v1, v9  }
0x12a: {  	v37 =	vld [tilespmem:s9+$0xFFFFFF10];
	v14 =	vbroadcast v14, $0x0;
	[tilespmem:s7+$0x90] =	vst v30;
	v33 =	vmul.f32 v1, v13  }
0x12b: {  	v38 =	vld [tilespmem:s9+$0xFFFFFF20];
	[tilespmem:s7+$0xA0] =	vst v2;
	v2 =	vmul.f32 v1, v15  }
0x12c: {  	v12 =	vand.u32 $0xFFFFFFFD, v12;
	v39 =	vld [tilespmem:s9+$0xFFFFFF30];
	v36 =	vmul.f32 v1, v16;
	[tilespmem:s7+$0xB0] =	vst v33  }
0x12d: {  	v12 =	vbroadcast v12, $0x0;
	v41 =	vld [tilespmem:s9+$0xFFFFFF50];
	[tilespmem:s8+$0xC0] =	vst v2;
	v2 =	vmul.f32 v1, v17  }
0x12e: {  	v43 =	vld [tilespmem:s9+$0xFFFFFF60];
	[tilespmem:s8+$0xD0] =	vst v36;
	v1 =	vmul.f32 v1, v29  }
0x12f: {  	v42 =	vmul.f32 v3, v37;
	[tilespmem:s8+$0xE0] =	vst v2;
	v2 =	vld [tilespmem:s9+$0xFFFFFF40]  }
0x130: {  	v32 =	vld.idx.msk [tilespmem:v14+s22+$0x0], $0xffff;
	[tilespmem:s8+$0xF0] =	vst v1;
	v1 =	vmul.f32 v3, v35  }
0x131: {  	v44 =	vld [tilespmem:s9+$0xFFFFFF70];
	v4 =	vmul.f32 v3, v39;
	[tilespmem:s9+$0xFFFFFF10] =	vst v42  }
0x132: {  	v45 =	vld [tilespmem:s9+$0xFFFFFF80];
	[tilespmem:s9+$0xFFFFFF00] =	vst v1;
	v1 =	vmul.f32 v3, v38  }
0x133: {  	v46 =	vmul.f32 v3, v41;
	v31 =	vld.idx.msk [tilespmem:v12+s22+$0x0], $0xffff;
	[tilespmem:s9+$0xFFFFFF30] =	vst v4  }
0x134: {  	[tilespmem:s9+$0xFFFFFF20] =	vst v1;
	v1 =	vmul.f32 v3, v2;
	v2 =	vld [tilespmem:s9+$0xFFFFFF90]  }
0x135: {  	v47 =	vld [tilespmem:s9+$0xFFFFFFA0];
	[tilespmem:s9+$0xFFFFFF50] =	vst v46;
	v40 =	vmul.f32 v32, v34  }
0x136: {  	v48 =	vld [tilespmem:s9+$0xFFFFFFB0];
	[tilespmem:s9+$0xFFFFFF40] =	vst v1;
	v1 =	vmul.f32 v3, v43  }
0x137: {  	v49 =	vld [tilespmem:s9+$0xFFFFFFC0];
	[tilespmem:s9+$0x70] =	vst v40;
	v3 =	vmul.f32 v3, v44  }
0x138: {  	v50 =	vld [tilespmem:s9+$0xFFFFFFD0];
	[tilespmem:s9+$0xFFFFFF60] =	vst v1;
	v1 =	vmul.f32 v31, v45  }
0x139: {  	[tilespmem:s9+$0xFFFFFF70] =	vst v3;
	v3 =	vld [tilespmem:s9+$0xFFFFFFE0];
	v2 =	vmul.f32 v31, v2  }
0x13a: {  	v51 =	vld [tilespmem:s9+$0xFFFFFFF0];
	[tilespmem:s9+$0xFFFFFF80] =	vst v1;
	v1 =	vmul.f32 v31, v47  }
0x13b: {  	v52 =	vld [tilespmem:s9+$0x0];
	[tilespmem:s9+$0xFFFFFF90] =	vst v2;
	v2 =	vmul.f32 v31, v48  }
0x13c: {  	v53 =	vld [tilespmem:s9+$0x10];
	[tilespmem:s9+$0xFFFFFFA0] =	vst v1;
	v1 =	vmul.f32 v31, v49  }
0x13d: {  	v54 =	vld [tilespmem:s9+$0x20];
	[tilespmem:s9+$0xFFFFFFB0] =	vst v2;
	v2 =	vmul.f32 v31, v50  }
0x13e: {  	[tilespmem:s9+$0xFFFFFFC0] =	vst v1;
	v1 =	vmul.f32 v31, v3;
	v3 =	vld [tilespmem:s9+$0x30]  }
0x13f: {  	v55 =	vld [tilespmem:s9+$0x40];
	[tilespmem:s9+$0xFFFFFFD0] =	vst v2;
	v2 =	vmul.f32 v31, v51  }
0x140: {  	v56 =	vld [tilespmem:s9+$0x50];
	[tilespmem:s9+$0xFFFFFFE0] =	vst v1;
	v1 =	vmul.f32 v32, v52  }
0x141: {  	v57 =	vld [tilespmem:s9+$0x60];
	[tilespmem:s9+$0xFFFFFFF0] =	vst v2;
	v2 =	vmul.f32 v32, v53  }
0x142: {  	v58 =	vld [tilespmem:s9+$0x80];
	[tilespmem:s9+$0x0] =	vst v1;
	v1 =	vmul.f32 v32, v54  }
0x143: {  	[tilespmem:s9+$0x10] =	vst v2;
	v2 =	vmul.f32 v32, v3;
	v3 =	vld [tilespmem:s9+$0x90]  }
0x144: {  	v59 =	vld [tilespmem:s9+$0xA0];
	[tilespmem:s9+$0x20] =	vst v1;
	v1 =	vmul.f32 v32, v55  }
0x145: {  	v60 =	vld [tilespmem:s9+$0xB0];
	[tilespmem:s9+$0x30] =	vst v2;
	v2 =	vmul.f32 v32, v56  }
0x146: {  	v61 =	vld [tilespmem:s9+$0xC0];
	[tilespmem:s9+$0x40] =	vst v1;
	v1 =	vmul.f32 v32, v57  }
0x147: {  	v62 =	vld [tilespmem:s9+$0xD0];
	[tilespmem:s9+$0x50] =	vst v2;
	v2 =	vmul.f32 v5, v58  }
0x148: {  	[tilespmem:s9+$0x60] =	vst v1;
	v1 =	vmul.f32 v5, v3;
	v3 =	vld [tilespmem:s9+$0xE0]  }
0x149: {  	v63 =	vld [tilespmem:s9+$0xF0];
	[tilespmem:s9+$0x80] =	vst v2;
	v2 =	vmul.f32 v5, v59  }
0x14a: {  	[tilespmem:s9+$0x90] =	vst v1;
	v1 =	vmul.f32 v5, v60  }
0x14b: {  	[tilespmem:s9+$0xA0] =	vst v2;
	v2 =	vmul.f32 v5, v61  }
0x14c: {  	p0 =	seq.s32 s1, $0x26;
	[tilespmem:s9+$0xB0] =	vst v1;
	v1 =	vmul.f32 v5, v62  }
.Ltmp3:
0x14d: {  	[tilespmem:s9+$0xC0] =	vst v2;
	v2 =	vmul.f32 v5, v3;
	(pc) =	sbr.rel @p0 .LBB2_10-.Ltmp3, $4  }
0x14e: {  	[tilespmem:s9+$0xD0] =	vst v1;
	v1 =	vmul.f32 v5, v63  }
0x14f: {  	[tilespmem:s9+$0xE0] =	vst v2  }
0x150: {  	s6 =	sadd.s32 $0x14080, s6;
	[tilespmem:s9+$0xF0] =	vst v1  }
0x151: {  	[spmem:s2] =	stream.indirect.scatter.add.f32 [tilespmem:s25], [sflag:$0x6], $0x80, s6, s19, $0xb8;
	[tilespmem:$0x1EA00] =	vst v63  }
.Ltmp4:
0x152: {  	s5 =	sadd.s32 $0x30, s5;
	(pc) =	sbr.rel .LBB2_4-.Ltmp4, $4  }
0x153: {  	s6 =	sadd.s32 s10, s5  }
0x154: {  	[tilespmem:s21], [sflag:$0x2] =	stream.linear.gather [hbm4b:s6+s3], $0x80, $0x38;
	[tilespmem:$0x1EA00] =	vst v63  }
0x155: {  	s1 =	sadd.s32 $0x1, s1;
	s5 =	sadd.s32 s11, s5  }
0x156: {  	[tilespmem:s22], [sflag:$0x2] =	stream.linear.gather [hbm4b:s5+s3], $0x80, $0x38;
	[tilespmem:$0x1EA00] =	vst v63  }
.LBB2_10:
0x157: {  	_ =	swait.ge [sflag:s31], $0x4000  }
0x158: {  	s0 =	simm.s32 $0x0;
	[sflag:s31] =	ssyncset.done $0x0  }
0x159: {  	s8 =	simm.s32 $0x2;
	v1 =	vmov s0;
	[sflag:s31] =	ssyncadd.s32 $0xFFFFC000  }
0x15a: {  	v2 =	vmov s8;
	v1 =	vand.u32 $0xFFFFFFFC, v1;
	_ =	swait.ge [sflag:s26], $0x4000  }
0x15b: {  	v2 =	vand.u32 $0xFFFFFFFE, v2;
	v1 =	vbroadcast v1, $0x0;
	[sflag:s26] =	ssyncset.done $0x0  }
0x15c: {  	s0 =	simm.s32 $0x16B00;
	v2 =	vbroadcast v2, $0x0;
	[sflag:s26] =	ssyncadd.s32 $0xFFFFC000  }
0x15d: {  	v4 =	vld [tilespmem:s0+$0x70]  }
0x15e: {  	v5 =	vld [tilespmem:s0+$0xFFFFFF00]  }
0x15f: {  	s1 =	simm.s32 $0x1;
	v6 =	vld [tilespmem:s0+$0xFFFFFF10]  }
0x160: {  	v3 =	vmov s1;
	v7 =	vld [tilespmem:s0+$0xFFFFFF20]  }
0x161: {  	v3 =	vand.u32 $0xFFFFFFFD, v3;
	v1 =	vld.idx.msk [tilespmem:v1+s18+$0x0], $0xffff  }
0x162: {  	v3 =	vbroadcast v3, $0x0;
	v2 =	vld.idx.msk [tilespmem:v2+s18+$0x0], $0xffff  }
0x163: {  	v8 =	vld [tilespmem:s0+$0xFFFFFF30]  }
0x164: {  	v9 =	vld [tilespmem:s0+$0xFFFFFF40]  }
0x165: {  	v10 =	vld [tilespmem:s0+$0xFFFFFF50]  }
0x166: {  	v11 =	vld [tilespmem:s0+$0xFFFFFF60];
	v5 =	vmul.f32 v1, v5  }
0x167: {  	v13 =	vld [tilespmem:s0+$0x40];
	v4 =	vmul.f32 v2, v4  }
0x168: {  	v3 =	vld.idx.msk [tilespmem:v3+s18+$0x0], $0xffff;
	[tilespmem:s0+$0xFFFFFF00] =	vst v5;
	v5 =	vmul.f32 v1, v6  }
0x169: {  	v6 =	vld [tilespmem:s0+$0xFFFFFF70];
	[tilespmem:s0+$0x70] =	vst v4;
	v4 =	vmul.f32 v1, v7  }
0x16a: {  	v7 =	vld [tilespmem:s0+$0xFFFFFF80];
	[tilespmem:s0+$0xFFFFFF10] =	vst v5;
	v5 =	vmul.f32 v1, v8  }
0x16b: {  	v8 =	vld [tilespmem:s0+$0xFFFFFF90];
	[tilespmem:s0+$0xFFFFFF20] =	vst v4;
	v4 =	vmul.f32 v1, v9  }
0x16c: {  	v9 =	vld [tilespmem:s0+$0xFFFFFFA0];
	[tilespmem:s0+$0xFFFFFF30] =	vst v5;
	v5 =	vmul.f32 v1, v10  }
0x16d: {  	v10 =	vld [tilespmem:s0+$0xFFFFFFB0];
	[tilespmem:s0+$0xFFFFFF40] =	vst v4;
	v4 =	vmul.f32 v1, v11  }
0x16e: {  	v11 =	vld [tilespmem:s0+$0xFFFFFFC0];
	v6 =	vmul.f32 v1, v6;
	[tilespmem:s0+$0xFFFFFF50] =	vst v5  }
0x16f: {  	v5 =	vmul.f32 v3, v7;
	v7 =	vld [tilespmem:s0+$0xFFFFFFD0];
	[tilespmem:s0+$0xFFFFFF60] =	vst v4  }
0x170: {  	s9 =	simm.s32 $0x3;
	v4 =	vld [tilespmem:s0+$0xFFFFFFE0];
	v8 =	vmul.f32 v3, v8;
	[tilespmem:s0+$0xFFFFFF70] =	vst v6  }
0x171: {  	v12 =	vmov s9;
	v6 =	vld [tilespmem:s0+$0xFFFFFFF0];
	[tilespmem:s0+$0xFFFFFF80] =	vst v5;
	v5 =	vmul.f32 v3, v9  }
0x172: {  	v9 =	vld [tilespmem:s0+$0x0];
	[tilespmem:s0+$0xFFFFFF90] =	vst v8;
	v8 =	vmul.f32 v3, v10  }
0x173: {  	v10 =	vld [tilespmem:s0+$0x10];
	[tilespmem:s0+$0xFFFFFFA0] =	vst v5;
	v5 =	vmul.f32 v3, v11  }
0x174: {  	[tilespmem:s0+$0xFFFFFFB0] =	vst v8;
	v7 =	vmul.f32 v3, v7;
	v8 =	vld [tilespmem:s0+$0x20]  }
0x175: {  	v11 =	vld [tilespmem:s0+$0x30];
	v4 =	vmul.f32 v3, v4;
	[tilespmem:s0+$0xFFFFFFC0] =	vst v5  }
0x176: {  	v1 =	vld.idx.msk [tilespmem:v12+s18+$0x0], $0xffff;
	v3 =	vmul.f32 v3, v6;
	[tilespmem:s0+$0xFFFFFFD0] =	vst v7  }
0x177: {  	[tilespmem:s0+$0xFFFFFFE0] =	vst v4;
	v5 =	vmul.f32 v2, v9;
	v4 =	vld [tilespmem:s0+$0x50]  }
0x178: {  	s13 =	simm.s32 $0x4;
	[tilespmem:s0+$0xFFFFFFF0] =	vst v3;
	v6 =	vmul.f32 v2, v10;
	v3 =	vld [tilespmem:s0+$0x60]  }
0x179: {  	s20 =	simm.s32 $0x7;
	v7 =	vmov s13;
	[tilespmem:s0+$0x0] =	vst v5;
	v9 =	vmul.f32 v2, v8;
	v8 =	vld [tilespmem:s0+$0x80]  }
0x17a: {  	s5 =	simm.s32 $0x5;
	v12 =	vand.u32 $0xFFFFFFFC, v7;
	v7 =	vld [tilespmem:s0+$0x90];
	v5 =	vmov s20;
	v10 =	vmul.f32 v2, v11;
	[tilespmem:s0+$0x10] =	vst v6  }
0x17b: {  	s6 =	simm.s32 $0x6;
	s1 =	simm.s32 $0x16B00;
	v11 =	vmul.f32 v2, v13;
	v6 =	vbroadcast v12, $0x0;
	v12 =	vmov s5;
	s5 =	simm.s32 $0x8;
	[tilespmem:s0+$0x20] =	vst v9;
	v9 =	vld [tilespmem:s0+$0xA0]  }
.LBB2_11:
0x17c: {  	p0 =	slt.u32 s5, $0x7C;
	v12 =	vand.u32 $0xFFFFFFFD, v12;
	v13 =	vmov s6;
	[tilespmem:s0+$0x30] =	vst v10;
	v4 =	vmul.f32 v2, v4;
	v10 =	vld [tilespmem:s0+$0xB0]  }
0x17d: {  	v12 =	vbroadcast v12, $0x0;
	v13 =	vand.u32 $0xFFFFFFFE, v13;
	[tilespmem:s0+$0x40] =	vst v11;
	v2 =	vmul.f32 v2, v3;
	v3 =	vld [tilespmem:s0+$0xC0]  }
0x17e: {  	v11 =	vbroadcast v13, $0x0;
	[tilespmem:s0+$0x50] =	vst v4;
	v4 =	vmul.f32 v1, v8;
	v8 =	vld [tilespmem:s0+$0xD0]  }
0x17f: {  	[tilespmem:s0+$0x60] =	vst v2;
	v2 =	vmul.f32 v1, v7;
	v7 =	vld [tilespmem:s0+$0xE0]  }
0x180: {  	[tilespmem:s0+$0x80] =	vst v4;
	v4 =	vmul.f32 v1, v9;
	v9 =	vld [tilespmem:s0+$0xF0]  }
0x181: {  	v5 =	vld.idx.msk [tilespmem:v5+s18+$0x0], $0xffff;
	[tilespmem:s0+$0x90] =	vst v2;
	v2 =	vmul.f32 v1, v10  }
0x182: {  	v6 =	vld.idx.msk [tilespmem:v6+s18+$0x0], $0xffff;
	[tilespmem:s0+$0xA0] =	vst v4;
	v3 =	vmul.f32 v1, v3  }
0x183: {  	v4 =	vld.idx.msk [tilespmem:v12+s18+$0x0], $0xffff;
	[tilespmem:s0+$0xB0] =	vst v2;
	v8 =	vmul.f32 v1, v8  }
0x184: {  	s0 =	sadd.s32 $0x200, s0;
	v2 =	vld.idx.msk [tilespmem:v11+s18+$0x0], $0xffff;
	[tilespmem:s1+$0xC0] =	vst v3;
	v3 =	vmul.f32 v1, v7  }
0x185: {  	v7 =	vld [tilespmem:s0+$0x70];
	[tilespmem:s1+$0xD0] =	vst v8;
	v9 =	vmul.f32 v1, v9  }
0x186: {  	v8 =	vld [tilespmem:s0+$0xFFFFFF00];
	[tilespmem:s1+$0xE0] =	vst v3  }
0x187: {  	v1 =	vmov v5;
	v3 =	vld [tilespmem:s0+$0xFFFFFF10];
	[tilespmem:s1+$0xF0] =	vst v9;
	s1 =	smov.u32 s0  }
0x188: {  	v5 =	vld [tilespmem:s0+$0xFFFFFF20]  }
0x189: {  	v9 =	vld [tilespmem:s0+$0xFFFFFF30]  }
0x18a: {  	v10 =	vld [tilespmem:s0+$0xFFFFFF40];
	v7 =	vmul.f32 v2, v7  }
0x18b: {  	v8 =	vmul.f32 v6, v8;
	v11 =	vld [tilespmem:s0+$0xFFFFFF50]  }
0x18c: {  	v3 =	vmul.f32 v6, v3;
	v12 =	vld [tilespmem:s0+$0xFFFFFF60];
	[tilespmem:s0+$0x70] =	vst v7  }
0x18d: {  	[tilespmem:s0+$0xFFFFFF00] =	vst v8;
	v5 =	vmul.f32 v6, v5;
	v7 =	vld [tilespmem:s0+$0xFFFFFF70]  }
0x18e: {  	[tilespmem:s0+$0xFFFFFF10] =	vst v3;
	v3 =	vmul.f32 v6, v9;
	v8 =	vld [tilespmem:s0+$0xFFFFFF80]  }
0x18f: {  	[tilespmem:s0+$0xFFFFFF20] =	vst v5;
	v5 =	vmul.f32 v6, v10;
	v9 =	vld [tilespmem:s0+$0xFFFFFF90]  }
0x190: {  	[tilespmem:s0+$0xFFFFFF30] =	vst v3;
	v3 =	vmul.f32 v6, v11;
	v10 =	vld [tilespmem:s0+$0xFFFFFFA0]  }
0x191: {  	[tilespmem:s0+$0xFFFFFF40] =	vst v5;
	v5 =	vmul.f32 v6, v12;
	v11 =	vld [tilespmem:s0+$0xFFFFFFB0]  }
0x192: {  	[tilespmem:s0+$0xFFFFFF50] =	vst v3;
	v3 =	vmul.f32 v6, v7;
	v6 =	vld [tilespmem:s0+$0xFFFFFFC0]  }
0x193: {  	[tilespmem:s0+$0xFFFFFF60] =	vst v5;
	v5 =	vmul.f32 v4, v8;
	v7 =	vld [tilespmem:s0+$0xFFFFFFD0]  }
0x194: {  	[tilespmem:s0+$0xFFFFFF70] =	vst v3;
	v3 =	vmul.f32 v4, v9;
	v8 =	vld [tilespmem:s0+$0xFFFFFFE0]  }
0x195: {  	[tilespmem:s0+$0xFFFFFF80] =	vst v5;
	v5 =	vmul.f32 v4, v10;
	v9 =	vld [tilespmem:s0+$0xFFFFFFF0]  }
0x196: {  	[tilespmem:s0+$0xFFFFFF90] =	vst v3;
	v3 =	vmul.f32 v4, v11;
	v10 =	vld [tilespmem:s0+$0x0]  }
0x197: {  	[tilespmem:s0+$0xFFFFFFA0] =	vst v5;
	v5 =	vmul.f32 v4, v6;
	v6 =	vld [tilespmem:s0+$0x10]  }
0x198: {  	[tilespmem:s0+$0xFFFFFFB0] =	vst v3;
	v3 =	vmul.f32 v4, v7;
	v7 =	vld [tilespmem:s0+$0x20]  }
0x199: {  	[tilespmem:s0+$0xFFFFFFC0] =	vst v5;
	v5 =	vmul.f32 v4, v8;
	v11 =	vld [tilespmem:s0+$0x30]  }
0x19a: {  	[tilespmem:s0+$0xFFFFFFD0] =	vst v3;
	v3 =	vmul.f32 v4, v9;
	v9 =	vld [tilespmem:s0+$0x40]  }
.Ltmp5:
0x19b: {  	[tilespmem:s0+$0xFFFFFFE0] =	vst v5;
	v5 =	vmul.f32 v2, v10;
	v4 =	vld [tilespmem:s0+$0x50];
	(pc) =	sbr.rel @p0 .LBB2_11-.Ltmp5, $4  }
0x19c: {  	[tilespmem:s0+$0xFFFFFFF0] =	vst v3;
	v6 =	vmul.f32 v2, v6;
	v3 =	vld [tilespmem:s0+$0x60]  }
0x19d: {  	s6 =	sadd.s32 $0x3, s5;
	v10 =	vmov s5;
	[tilespmem:s0+$0x0] =	vst v5;
	v13 =	vmul.f32 v2, v7;
	v8 =	vld [tilespmem:s0+$0x80]  }
0x19e: {  	s7 =	sadd.s32 $0x1, s5;
	v12 =	vand.u32 $0xFFFFFFFC, v10;
	v5 =	vmov s6;
	[tilespmem:s0+$0x10] =	vst v6;
	v10 =	vmul.f32 v2, v11;
	v7 =	vld [tilespmem:s0+$0x90]  }
0x19f: {  	s6 =	sadd.s32 $0x2, s5;
	s5 =	sadd.s32 $0x4, s5;
	v6 =	vbroadcast v12, $0x0;
	v12 =	vmov s7;
	[tilespmem:s0+$0x20] =	vst v13;
	v11 =	vmul.f32 v2, v9;
	v9 =	vld [tilespmem:s0+$0xA0]  }
0x1a0: {  	v13 =	vld [tilespmem:s0+$0xB0]  }
0x1a1: {  	v15 =	vld [tilespmem:s0+$0xC0]  }
0x1a2: {  	v16 =	vld [tilespmem:s0+$0xD0]  }
0x1a3: {  	v17 =	vld [tilespmem:s0+$0xE0]  }
0x1a4: {  	v29 =	vld [tilespmem:s0+$0xF0];
	[tilespmem:s0+$0x30] =	vst v10;
	v4 =	vmul.f32 v2, v4  }
0x1a5: {  	v5 =	vld.idx.msk [tilespmem:v5+s18+$0x0], $0xffff;
	[tilespmem:s0+$0x40] =	vst v11;
	v2 =	vmul.f32 v2, v3  }
0x1a6: {  	s5 =	sadd.s32 $0x200, s0;
	v3 =	vld.idx.msk [tilespmem:v6+s18+$0x0], $0xffff;
	v8 =	vmul.f32 v1, v8;
	[tilespmem:s0+$0x50] =	vst v4  }
0x1a7: {  	v14 =	vmov s6;
	v34 =	vld [tilespmem:s5+$0x70];
	v30 =	vmul.f32 v1, v7;
	[tilespmem:s0+$0x60] =	vst v2  }
0x1a8: {  	v14 =	vand.u32 $0xFFFFFFFE, v14;
	v35 =	vld [tilespmem:s5+$0xFFFFFF00];
	[tilespmem:s0+$0x80] =	vst v8;
	v2 =	vmul.f32 v1, v9  }
0x1a9: {  	v37 =	vld [tilespmem:s5+$0xFFFFFF10];
	v14 =	vbroadcast v14, $0x0;
	[tilespmem:s0+$0x90] =	vst v30;
	v33 =	vmul.f32 v1, v13  }
0x1aa: {  	v38 =	vld [tilespmem:s5+$0xFFFFFF20];
	[tilespmem:s0+$0xA0] =	vst v2;
	v2 =	vmul.f32 v1, v15  }
0x1ab: {  	v12 =	vand.u32 $0xFFFFFFFD, v12;
	v39 =	vld [tilespmem:s5+$0xFFFFFF30];
	v36 =	vmul.f32 v1, v16;
	[tilespmem:s0+$0xB0] =	vst v33  }
0x1ac: {  	v12 =	vbroadcast v12, $0x0;
	v41 =	vld [tilespmem:s5+$0xFFFFFF50];
	[tilespmem:s1+$0xC0] =	vst v2;
	v2 =	vmul.f32 v1, v17  }
0x1ad: {  	v43 =	vld [tilespmem:s5+$0xFFFFFF60];
	[tilespmem:s1+$0xD0] =	vst v36;
	v1 =	vmul.f32 v1, v29  }
0x1ae: {  	v42 =	vmul.f32 v3, v37;
	[tilespmem:s1+$0xE0] =	vst v2;
	v2 =	vld [tilespmem:s5+$0xFFFFFF40]  }
0x1af: {  	v32 =	vld.idx.msk [tilespmem:v14+s18+$0x0], $0xffff;
	[tilespmem:s1+$0xF0] =	vst v1;
	v1 =	vmul.f32 v3, v35  }
0x1b0: {  	v44 =	vld [tilespmem:s5+$0xFFFFFF70];
	v4 =	vmul.f32 v3, v39;
	[tilespmem:s5+$0xFFFFFF10] =	vst v42  }
0x1b1: {  	v45 =	vld [tilespmem:s5+$0xFFFFFF80];
	[tilespmem:s5+$0xFFFFFF00] =	vst v1;
	v1 =	vmul.f32 v3, v38  }
0x1b2: {  	v46 =	vmul.f32 v3, v41;
	v31 =	vld.idx.msk [tilespmem:v12+s18+$0x0], $0xffff;
	[tilespmem:s5+$0xFFFFFF30] =	vst v4  }
0x1b3: {  	[tilespmem:s5+$0xFFFFFF20] =	vst v1;
	v1 =	vmul.f32 v3, v2;
	v2 =	vld [tilespmem:s5+$0xFFFFFF90]  }
0x1b4: {  	v47 =	vld [tilespmem:s5+$0xFFFFFFA0];
	[tilespmem:s5+$0xFFFFFF50] =	vst v46;
	v40 =	vmul.f32 v32, v34  }
0x1b5: {  	v48 =	vld [tilespmem:s5+$0xFFFFFFB0];
	[tilespmem:s5+$0xFFFFFF40] =	vst v1;
	v1 =	vmul.f32 v3, v43  }
0x1b6: {  	v49 =	vld [tilespmem:s5+$0xFFFFFFC0];
	[tilespmem:s5+$0x70] =	vst v40;
	v3 =	vmul.f32 v3, v44  }
0x1b7: {  	v50 =	vld [tilespmem:s5+$0xFFFFFFD0];
	[tilespmem:s5+$0xFFFFFF60] =	vst v1;
	v1 =	vmul.f32 v31, v45  }
0x1b8: {  	[tilespmem:s5+$0xFFFFFF70] =	vst v3;
	v3 =	vld [tilespmem:s5+$0xFFFFFFE0];
	v2 =	vmul.f32 v31, v2  }
0x1b9: {  	v51 =	vld [tilespmem:s5+$0xFFFFFFF0];
	[tilespmem:s5+$0xFFFFFF80] =	vst v1;
	v1 =	vmul.f32 v31, v47  }
0x1ba: {  	v52 =	vld [tilespmem:s5+$0x0];
	[tilespmem:s5+$0xFFFFFF90] =	vst v2;
	v2 =	vmul.f32 v31, v48  }
0x1bb: {  	v53 =	vld [tilespmem:s5+$0x10];
	[tilespmem:s5+$0xFFFFFFA0] =	vst v1;
	v1 =	vmul.f32 v31, v49  }
0x1bc: {  	v54 =	vld [tilespmem:s5+$0x20];
	[tilespmem:s5+$0xFFFFFFB0] =	vst v2;
	v2 =	vmul.f32 v31, v50  }
0x1bd: {  	[tilespmem:s5+$0xFFFFFFC0] =	vst v1;
	v1 =	vmul.f32 v31, v3;
	v3 =	vld [tilespmem:s5+$0x30]  }
0x1be: {  	v55 =	vld [tilespmem:s5+$0x40];
	[tilespmem:s5+$0xFFFFFFD0] =	vst v2;
	v2 =	vmul.f32 v31, v51  }
0x1bf: {  	v56 =	vld [tilespmem:s5+$0x50];
	[tilespmem:s5+$0xFFFFFFE0] =	vst v1;
	v1 =	vmul.f32 v32, v52  }
0x1c0: {  	v57 =	vld [tilespmem:s5+$0x60];
	[tilespmem:s5+$0xFFFFFFF0] =	vst v2;
	v2 =	vmul.f32 v32, v53  }
0x1c1: {  	v58 =	vld [tilespmem:s5+$0x80];
	[tilespmem:s5+$0x0] =	vst v1;
	v1 =	vmul.f32 v32, v54  }
0x1c2: {  	[tilespmem:s5+$0x10] =	vst v2;
	v2 =	vmul.f32 v32, v3;
	v3 =	vld [tilespmem:s5+$0x90]  }
0x1c3: {  	v59 =	vld [tilespmem:s5+$0xA0];
	[tilespmem:s5+$0x20] =	vst v1;
	v1 =	vmul.f32 v32, v55  }
0x1c4: {  	v60 =	vld [tilespmem:s5+$0xB0];
	[tilespmem:s5+$0x30] =	vst v2;
	v2 =	vmul.f32 v32, v56  }
0x1c5: {  	v61 =	vld [tilespmem:s5+$0xC0];
	[tilespmem:s5+$0x40] =	vst v1;
	v1 =	vmul.f32 v32, v57  }
0x1c6: {  	v62 =	vld [tilespmem:s5+$0xD0];
	[tilespmem:s5+$0x50] =	vst v2;
	v2 =	vmul.f32 v5, v58  }
0x1c7: {  	[tilespmem:s5+$0x60] =	vst v1;
	v1 =	vmul.f32 v5, v3;
	v3 =	vld [tilespmem:s5+$0xE0]  }
0x1c8: {  	v63 =	vld [tilespmem:s5+$0xF0];
	[tilespmem:s5+$0x80] =	vst v2;
	v2 =	vmul.f32 v5, v59  }
0x1c9: {  	[tilespmem:s5+$0x90] =	vst v1;
	v1 =	vmul.f32 v5, v60  }
0x1ca: {  	[tilespmem:s5+$0xA0] =	vst v2;
	v2 =	vmul.f32 v5, v61  }
0x1cb: {  	[tilespmem:s5+$0xB0] =	vst v1;
	v1 =	vmul.f32 v5, v62  }
0x1cc: {  	[tilespmem:s5+$0xC0] =	vst v2;
	v2 =	vmul.f32 v5, v3  }
0x1cd: {  	[tilespmem:s5+$0xD0] =	vst v1;
	v1 =	vmul.f32 v5, v63  }
0x1ce: {  	[tilespmem:s5+$0xE0] =	vst v2  }
0x1cf: {  	s8 =	simm.s32 $0x16700;
	[tilespmem:s5+$0xF0] =	vst v1  }
0x1d0: {  	[spmem:s2] =	stream.indirect.scatter.add.f32 [tilespmem:s16], [sflag:$0x7], $0x80, s8, s19, $0xb8;
	[tilespmem:$0x1EA00] =	vst v63  }
0x1d1: {  	_ =	swait.ge [sflag:s15], $0x4000  }
0x1d2: {  	s9 =	stileid.u32;
	[sflag:s15] =	ssyncset.done $0x0  }
0x1d3: {  	s0 =	sshll.u32 s9, $0x6;
	[sflag:s15] =	ssyncadd.s32 $0xFFFFC000  }
0x1d4: {  	s13 =	sshrl.u32 s4, $0x3;
	s0 =	sor.u32 $0x1C07, s0;
	[bflag:$0x0] =	sbarrier.arrive $0xFFFF  }
0x1d5: {  	[hbm:s24], [sflag:s0] =	dma.local [spmem:s13], $0x2800  }
0x1d6: {  	_ =	swait.ge [sflag:s15], $0x2800  }
0x1d7: {  	s14 =	sadd.s32 $0x1, s14;
	s20 =	rddreg [dreg:$0x8]  }
0x1d8: {  	p0 =	sne.s32 s14, s20  }
.Ltmp6:
0x1d9: {  	_ = 	snop;
	(pc) =	sbr.rel @p0 .LBB2_1-.Ltmp6, $3  }
0x1da: {  	_ =	sdelay $0x1  }
0x1db: {  	[sflag:s15] =	ssyncset.done $0x0  }
0x1dc: {  	[sflag:s15] =	ssyncadd.s32 $0xFFFFD800  }
0x1dd: {  	_ =	sfence.sel $0x180000  }
0x1de: {  	[bflag:$0x0] =	sbarrier.arrive $0xFFFF  }
0x1df: {  	_ =	strace $0x9000004A  }
0x1e0: {  	s0 =	stileid.u32;
	[bflag:$0x2] =	sbarrier.arrive $0xFFFF  }
0x1e1: {  	p0 =	sne.s32 s0, $0x0;
	s0 =	rddreg [dreg:$0x2]  }
0x1e2: {  	s0 =	sadd.s32 @!p0 $0x100000, s0  }
0x1e3: {  	[sflag:s0] =	ssyncadd.tile.s32 @!p0 $0x1;
	_ =	shalt  }
.Lfunc_end2:
_tile_overlayer_lowered:
.L_overlay_start_2:
0x1e4: {  	(tag) =	ssettag $0x2  }
0x1e5: {  	s0 =	rddreg [dreg:$0x0];
	s2 =	stileid.u32  }
0x1e6: {  	s1 =	rddreg [dreg:$0x1];
	p0 =	sne.s32 s2, $0x0  }
0x1e7: {  	s3 =	rddreg [dreg:$0x2];
	[bflag:$0x3] =	sbarrier.arrive $0xFFFF;
	s2 =	simm.s32 @!p0 $0x1C07  }
0x1e8: {  	[timem:s3], [sflag:s2] =	dma.local @!p0 [hbm:s0], s1  }
0x1e9: {  	s0 =	simm.s32 @!p0 $0x7  }
0x1ea: {  	_ =	swait.ge @!p0 [sflag:s0], s1  }
0x1eb: {  	s1 =	ssub.s32 @!p0 $0x0, s1;
	[sflag:s0] =	ssyncset.done @!p0 $0x0  }
0x1ec: {  	[sflag:s0] =	ssyncadd.s32 @!p0 s1  }
0x1ed: {  	[bflag:$0x3] =	sbarrier.arrive $0xFFFF  }
0x1ee: {  	_ =	shalt  }

// kernel: kernel.17.cloned.1.call-start
scs
__scs_entry_jumppad:
0x0: {  	(pc) =	sbr.rel $0x88, $3  }
0x1: {  	(tag) =	ssettag $0x0;
	lr =	simm.s32 $0x1  }
0x2: {  	[smem:$0x3F98] =	sst lr;
	_ =	strace $0xD0000000  }
0x3: {  	_ = 	snop  }
0x4: {  	_ = 	snop  }
0x5: {  	_ = 	snop  }
0x6: {  	_ = 	snop  }
0x7: {  	_ = 	snop  }
__scs_overlays_trampoline_lowered:
0x8: {  	[smem:$0x3FA7] =	sst s0  }
0x9: {  	[smem:$0x3FA8] =	sst s1  }
0xa: {  	[smem:$0x3FA9] =	sst s2  }
0xb: {  	[smem:$0x3FAA] =	sst s3  }
0xc: {  	[smem:$0x3FAB] =	sst s4  }
0xd: {  	[smem:$0x3FAC] =	sst s5  }
0xe: {  	[smem:$0x3FAD] =	sst s6  }
0xf: {  	[smem:$0x3FAE] =	sst s7  }
0x10: {  	[smem:$0x3FAF] =	sst s8  }
0x11: {  	[smem:$0x3FB0] =	sst s9;
	s0 =	simm.s32 @!p0 $0x0  }
0x12: {  	s1 =	sld [smem:$0x3F96];
	s0 =	simm.s32 @p0 $0x1  }
0x13: {  	[smem:$0x3FB1] =	sst s0;
	s0 =	simm.s32 @!p1 $0x0  }
0x14: {  	s2 =	sld [smem:$0x3F95];
	s0 =	simm.s32 @p1 $0x1  }
0x15: {  	[smem:$0x3FB2] =	sst s0;
	s0 =	simm.s32 @!p2 $0x0  }
0x16: {  	s3 =	sld [smem:$0x3FDB];
	s0 =	simm.s32 @p2 $0x1  }
0x17: {  	s4 =	simm.s32 $0x1BF5;
	[smem:$0x3FB4] =	sst s0  }
0x18: {  	s0 =	sld [smem:$0x3F97];
	_ =	swait.ge [sflag:s4], $0x0  }
0x19: {  	s7 =	sld [smem:$0x3F98]  }
0x1a: {  	s8 =	sadd.s32 $0xFFFFE003, lr  }
0x1b: {  	s9 =	sadd.s32 $0xFFFFFEF7, lr;
	s5 =	simm.s32 $0xFFFFFFFF;
	p2 =	slt.u32 s8, $0xFFFFF086  }
0x1c: {  	p1 =	slt.u32 s9, $0xF7A;
	s5 =	simm.s32 @!p2 $0x0  }
0x1d: {  	s5 =	simm.s32 @p1 $0x1;
	p0 =	seq.s32 s7, s2  }
0x1e: {  	s7 =	smul.u32 @!p0 $0xF7A, s2;
	p2 =	seq.s32 @!p0 s5, $0x0  }
0x1f: {  	s9 =	smul.u32 $0xF7A, s1;
	s8 =	simm.s32 @!p0 $0x1BF5;
	p2 =	por !p2, p0  }
0x20: {  	[sflag:s8] =	ssyncset.s32 @!p0 $0xFFFFF086;
	s6 =	sadd.s32 @!p0 s3, s7;
	s7 =	simm.s32 @!p0 $0x108  }
0x21: {  	s3 =	sadd.s32 s3, s9;
	s6 =	sadd.s32 @!p0 $0x88, s6;
	s7 =	simm.s32 @p2 $0x1082  }
0x22: {  	[simem:s7], [sflag:s8] =	dma.local @!p0 [hbm:s6], $0xF7A  }
0x23: {  	s9 =	sor.u32 $0xD0000000, s2;
	s6 =	simm.s32 $0x108;
	_ =	swait.ge @!p0 [sflag:s8], $0x0  }
0x24: {  	s3 =	sadd.s32 $0x88, s3;
	s6 =	simm.s32 @!p1 $0x1082;
	[sflag:s4] =	ssyncset.s32 $0xFFFFF086  }
0x25: {  	[simem:s6], [sflag:s4] =	dma.local [hbm:s3], $0xF7A  }
0x26: {  	[smem:$0x3F98] =	sst s1;
	(tag) =	ssettag s2;
	_ =	strace s9  }
0x27: {  	s1 =	sld [smem:$0x3FA8]  }
0x28: {  	s2 =	sld [smem:$0x3FA9]  }
0x29: {  	s4 =	sld [smem:$0x3FAB]  }
0x2a: {  	p0 =	seq.s32 s5, $0x0;
	s5 =	sld [smem:$0x3FAC]  }
0x2b: {  	s6 =	sld [smem:$0x3FAD]  }
0x2c: {  	s7 =	sld [smem:$0x3FAE]  }
0x2d: {  	s3 =	simm.s32 $0x108;
	s8 =	sld [smem:$0x3FAF]  }
0x2e: {  	s3 =	simm.s32 @!p0 $0x1082;
	s9 =	sld [smem:$0x3FB0]  }
0x2f: {  	lr =	sadd.s32 s0, s3;
	s0 =	sld [smem:$0x3FA7]  }
0x30: {  	s3 =	sld [smem:$0x3FAA]  }
0x31: {  	[smem:$0x3FB3] =	sst s10  }
0x32: {  	s10 =	sld [smem:$0x3FB1];
	_ =	sdelay $0x3  }
0x33: {  	p0 =	seq.s32 s10, $0x1;
	s10 =	sld [smem:$0x3FB3];
	_ =	sdelay $0x3  }
0x34: {  	[smem:$0x3FB3] =	sst s10  }
0x35: {  	s10 =	sld [smem:$0x3FB2];
	_ =	sdelay $0x3  }
0x36: {  	p1 =	seq.s32 s10, $0x1;
	s10 =	sld [smem:$0x3FB3];
	_ =	sdelay $0x3  }
0x37: {  	[smem:$0x3FB3] =	sst s10  }
0x38: {  	s10 =	sld [smem:$0x3FB4]  }
0x39: {  	_ = 	snop;
	(pc) =	sbr.ind lr, $3  }
0x3a: {  	_ = 	snop  }
0x3b: {  	_ = 	snop  }
0x3c: {  	p2 =	seq.s32 s10, $0x1;
	s10 =	sld [smem:$0x3FB3]  }
0x3d: {  	_ =	shalt  }
0x3e: {  	_ =	shalt  }
0x3f: {  	_ =	shalt  }
0x40: {  	_ =	shalt  }
0x41: {  	_ =	shalt  }
0x42: {  	_ =	shalt  }
0x43: {  	_ =	shalt  }
0x44: {  	_ =	shalt  }
0x45: {  	_ =	shalt  }
0x46: {  	_ =	shalt  }
0x47: {  	_ =	shalt  }
0x48: {  	_ =	shalt  }
0x49: {  	_ =	shalt  }
0x4a: {  	_ =	shalt  }
0x4b: {  	_ =	shalt  }
0x4c: {  	_ =	shalt  }
0x4d: {  	_ =	shalt  }
0x4e: {  	_ =	shalt  }
0x4f: {  	_ =	shalt  }
0x50: {  	_ =	shalt  }
0x51: {  	_ =	shalt  }
0x52: {  	_ =	shalt  }
0x53: {  	_ =	shalt  }
0x54: {  	_ =	shalt  }
0x55: {  	_ =	shalt  }
0x56: {  	_ =	shalt  }
0x57: {  	_ =	shalt  }
0x58: {  	_ =	shalt  }
0x59: {  	_ =	shalt  }
0x5a: {  	_ =	shalt  }
0x5b: {  	_ =	shalt  }
0x5c: {  	_ =	shalt  }
0x5d: {  	_ =	shalt  }
0x5e: {  	_ =	shalt  }
0x5f: {  	_ =	shalt  }
0x60: {  	_ =	shalt  }
0x61: {  	_ =	shalt  }
0x62: {  	_ =	shalt  }
0x63: {  	_ =	shalt  }
0x64: {  	_ =	shalt  }
0x65: {  	_ =	shalt  }
0x66: {  	_ =	shalt  }
0x67: {  	_ =	shalt  }
0x68: {  	_ =	shalt  }
0x69: {  	_ =	shalt  }
0x6a: {  	_ =	shalt  }
0x6b: {  	_ =	shalt  }
0x6c: {  	_ =	shalt  }
0x6d: {  	_ =	shalt  }
0x6e: {  	_ =	shalt  }
0x6f: {  	_ =	shalt  }
0x70: {  	_ =	shalt  }
0x71: {  	_ =	shalt  }
0x72: {  	_ =	shalt  }
0x73: {  	_ =	shalt  }
0x74: {  	_ =	shalt  }
0x75: {  	_ =	shalt  }
0x76: {  	_ =	shalt  }
0x77: {  	_ =	shalt  }
0x78: {  	_ =	shalt  }
0x79: {  	_ =	shalt  }
0x7a: {  	_ =	shalt  }
0x7b: {  	_ =	shalt  }
0x7c: {  	_ =	shalt  }
0x7d: {  	_ =	shalt  }
0x7e: {  	_ =	shalt  }
0x7f: {  	_ =	shalt  }
0x80: {  	_ =	shalt  }
0x81: {  	_ =	shalt  }
0x82: {  	_ =	shalt  }
0x83: {  	_ =	shalt  }
0x84: {  	_ =	shalt  }
0x85: {  	_ =	shalt  }
0x86: {  	_ =	shalt  }
0x87: {  	_ =	shalt  }
.Lfunc_end0:
.L_simem_size_0:
called_computation.2_lowered:
.L_overlay_start_0:
0x88: {  	s2 =	sld [smem:$0x3FD9]  }
0x89: {  	s3 =	sld [smem:$0x3FFE];
	_ =	sdelay $0x1  }
0x8a: {  	s1 =	srdreg.scid  }
0x8b: {  	s0 =	sand.u32 $0x1, s1  }
0x8c: {  	s16 =	sshll.u32 s0, $0xA;
	s2 =	sadd.s32 s3, s2  }
0x8d: {  	s2 =	sadd.s32 s2, s16  }
0x8e: {  	[smem:$0x3FBF] =	sst s2  }
0x8f: {  	_ = 	snop  }
0x90: {  	(tm) =	ssettm $0x1  }
0x91: {  	s17 =	sld [smem:$0x3FFB];
	_ =	sdelay $0x3  }
0x92: {  	_ =	strace s17  }
0x93: {  	s2 =	sld [smem:$0x3FFC];
	_ =	sdelay $0x3  }
0x94: {  	_ =	strace s2  }
0x95: {  	s2 =	sld [smem:$0x3FFD];
	_ =	sdelay $0x3  }
0x96: {  	_ =	strace s2  }
0x97: {  	_ =	strace $0x8FFFFFFF  }
0x98: {  	s18 =	sld [smem:$0x3FDB];
	_ =	sdelay $0x1  }
0x99: {  	s19 =	simm.s32 $_scs_section_size  }
0x9a: {  	s4 =	simm.s32 $_size__tile_overlayer_lowered;
	s5 =	simm.s32 $_tile_overlayer_lowered  }
0x9b: {  	s22 =	simm.s32 $0x1BFF;
	s21 =	sshll.u32 s5, $0x1;
	s2 =	sadd.s32 s19, s18  }
0x9c: {  	s6 =	simm.s32 $0x0;
	s20 =	sshll.u32 s4, $0x1;
	s4 =	sadd.s32 s21, s2  }
0x9d: {  	[timem:s6], [sflag:s22] =	dma.local [hbm:s4], s20  }
0x9e: {  	_ =	swait.ge [sflag:s22], s20  }
0x9f: {  	s3 =	ssub.s32 $0x0, s20;
	[sflag:s22] =	ssyncset.done $0x0  }
0xa0: {  	[sflag:s22] =	ssyncadd.s32 s3;
	_ =	sdelay $0x1  }
0xa1: {  	s23 =	simm.s32 $0x1B8B  }
0xa2: {  	_ =	swait.ge [sflag:s23], $0x1  }
0xa3: {  	[sflag:s23] =	ssyncset.done $0x0  }
0xa4: {  	s25 =	simm.s32 $0x1B8E;
	s24 =	sld [smem:$0x3FFE];
	[sflag:s23] =	ssyncadd.s32 $0xFFFFFFFF  }
0xa5: {  	s26 =	simm.s32 $execute0_lowered;
	[smem:$0x3FD2] =	sst s25  }
0xa6: {  	s4 =	sshll.u32 s26, $0x1;
	_ =	strace $0x8000004C;
	[dreg:$0x1] =	wrdreg $0xFFFFFFFF  }
0xa7: {  	s28 =	simm.s32 $_size_execute0_lowered;
	s2 =	sadd.s32 s2, s4;
	[dreg:$0x0] =	wrdreg $0x0  }
0xa8: {  	s4 =	sshll.u32 s28, $0x1;
	[dreg:$0x2] =	wrdreg s2  }
0xa9: {  	[dreg:$0x3] =	wrdreg s4  }
0xaa: {  	[dreg:$0x4] =	wrdreg $0xC0  }
0xab: {  	_ =	task [dreg:s6], $0x5FFFF  }
0xac: {  	[dreg:$0x1] =	wrdreg $0xFFFFFFFF  }
0xad: {  	[dreg:$0x0] =	wrdreg $0x60  }
0xae: {  	[dreg:$0x2] =	wrdreg s24  }
0xaf: {  	[dreg:$0x3] =	wrdreg $0x0  }
0xb0: {  	[dreg:$0x4] =	wrdreg $0x9  }
0xb1: {  	_ =	task.clear_ibuf [dreg:s6], $0x5FFFF;
	_ =	strace $0x9000004C  }
0xb2: {  	s29 =	simm.s32 $0x9;
	_ =	strace $0x8000004E  }
0xb3: {  	_ =	swait.ge [sflag:s29], $0x1  }
0xb4: {  	[sflag:s29] =	ssyncadd.s32 $0xFFFFFFFF  }
0xb5: {  	_ =	strace $0x9000004E  }
0xb6: {  	_ =	sfence  }
0xb7: {  	s30 =	sld [smem:$0x0];
	_ =	sdelay $0x2  }
0xb8: {  	s31 =	sshll.u32 s1, $0xD;
	s1 =	sshrl.u32 s1, $0x2  }
0xb9: {  	s3 =	sand.u32 $0x4000, s31;
	s1 =	sadd.s32 s1, s30  }
0xba: {  	s0 =	sor.u32 s3, s0;
	s1 =	sshll.u32 s1, $0x11  }
0xbb: {  	s0 =	sor.u32 s1, s0  }
0xbc: {  	s0 =	sadd.s32 $0x8F2B, s0  }
0xbd: {  	[sflag:s0] =	ssyncadd.remote.s32 $0x1  }
0xbe: {  	_ =	sfence.sel $0xFFFF  }
0xbf: {  	[dreg:$0x0] =	wrdreg $0xFFFFFFFF;
	(pc) =	sbr.abs _section_cstart, $3  }
0xc0: {  	[dreg:$0x1] =	wrdreg $0xFFFFFFFF  }
0xc1: {  	_ =	task.clear_ibuf [dreg:s6], $0x2FFFF;
	_ =	strace $0x9FFFFFFF  }
0xc2: {  	(tm) =	ssettm $0x7FFFFFFF  }
0xc3: {  	_ =	shalt  }
tec
execute0_lowered:
.L_overlay_start_1:
0x0: {  	(tag) =	ssettag $0x1  }
0x1: {  	s0 =	rddreg [dreg:$0x0]  }
0x2: {  	s2 =	rddreg [dreg:$0x1];
	s1 =	srdreg.scid  }
0x3: {  	s9 =	stileid.u32;
	s3 =	simm.s32 $0x0;
	s15 =	simm.s32 $0x7  }
0x4: {  	s16 =	simm.s32 $0x16A00;
	s17 =	simm.s32 $0x16800;
	s18 =	simm.s32 $0x16880  }
0x5: {  	s28 =	simm.s32 $0x1;
	s29 =	simm.s32 $0x5;
	s30 =	simm.s32 $0x4  }
0x6: {  	s31 =	simm.s32 $0x6;
	s14 =	simm.s32 $0x0;
	s6 =	smul.u32 $0x50000, s9  }
0x7: {  	s1 =	sand.u32 $0x1, s1;
	s4 =	sshll.u32 s9, $0x1;
	s25 =	smul.u32 $0x2800, s9  }
0x8: {  	[smem:$0x7FF] =	sst s3;
	s5 =	smul.u32 $0x27100, s1;
	s4 =	sor.u32 s1, s4  }
0x9: {  	_ =	strace $0x8000004D;
	s7 =	smul.u32 $0x28000, s1;
	s1 =	ssub.s32 $0x2, s1  }
0xa: {  	s4 =	smul.u32 $0x500, s4;
	s19 =	sshrl.u32 s1, $0x1;
	s6 =	sshrl.u32 s6, $0x2  }
0xb: {  	s5 =	sadd.s32 s5, s0;
	s1 =	ssub.s32 s1, s19;
	s19 =	simm.s32 $0x80  }
0xc: {  	s8 =	sadd.s32 s4, s0;
	s0 =	sadd.s32 s7, s0;
	s1 =	smax.u32 s1, $0x1  }
0xd: {  	s4 =	sadd.s32 s6, s2;
	s20 =	sadd.s32 $0x3000, s8;
	[dreg:$0x8] =	wrdreg s1  }
0xe: {  	s12 =	sadd.s32 $0xD000, s5;
	s21 =	sadd.s32 $0x4000, s4;
	[dreg:$0x3] =	wrdreg s20  }
0xf: {  	s22 =	sadd.s32 $0x8000, s4;
	s23 =	sadd.s32 $0xC000, s4;
	[dreg:$0x4] =	wrdreg s21  }
0x10: {  	s24 =	sadd.s32 $0x10000, s4;
	s10 =	sadd.s32 $0x67000, s8;
	[dreg:$0x5] =	wrdreg s22  }
0x11: {  	s11 =	sadd.s32 $0x5D000, s8;
	s0 =	sadd.s32 $0x71000, s0;
	[dreg:$0x6] =	wrdreg s23  }
0x12: {  	[dreg:$0x7] =	wrdreg s24;
	s26 =	sadd.s32 $0x10, s10;
	s21 =	simm.s32 $0x16900  }
0x13: {  	s22 =	simm.s32 $0x16980;
	s23 =	simm.s32 $0x2;
	s24 =	sadd.s32 s25, s0  }
0x14: {  	v0 =	vimm.f32 $0.0e+00;
	s25 =	simm.s32 $0x1AA00;
	[dreg:$0x9] =	wrdreg s26;
	s26 =	simm.s32 $0x3  }
.LBB2_1:
0x15: {  	s0 =	rddreg [dreg:$0x3];
	s1 =	simm.s32 $0x14000  }
0x16: {  	[tilespmem:s1], [sflag:$0x7] =	stream.linear.gather [hbm4b:s0+s3], $0x2780, $0x38;
	[tilespmem:$0x1EA00] =	vst v63  }
0x17: {  	_ =	swait.ge [sflag:s15], $0x2780  }
0x18: {  	[sflag:s15] =	ssyncset.done $0x0  }
0x19: {  	s0 =	simm.s32 $0x0;
	s1 =	simm.s32 $0x200;
	[sflag:s15] =	ssyncadd.s32 $0xFFFFD880  }
.LBB2_2:
0x1a: {  	p0 =	sne.s32 s1, $0xFE00;
	[tilespmem:s0+$0x16A70] =	vst v0  }
0x1b: {  	[tilespmem:s0+$0x16A00] =	vst v0  }
0x1c: {  	[tilespmem:s0+$0x16A10] =	vst v0  }
.Ltmp0:
0x1d: {  	[tilespmem:s0+$0x16A20] =	vst v0;
	(pc) =	sbr.rel @p0 .LBB2_2-.Ltmp0, $4  }
0x1e: {  	[tilespmem:s0+$0x16A30] =	vst v0  }
0x1f: {  	[tilespmem:s0+$0x16A40] =	vst v0  }
0x20: {  	[tilespmem:s0+$0x16A50] =	vst v0  }
0x21: {  	[tilespmem:s0+$0x16A60] =	vst v0;
	s0 =	sshra.s32 s1, $0x2;
	s1 =	sadd.s32 $0x200, s1  }
0x22: {  	[tilespmem:s0+$0x16A70] =	vst v0  }
0x23: {  	[tilespmem:s0+$0x16A00] =	vst v0  }
0x24: {  	[tilespmem:s0+$0x16A10] =	vst v0  }
0x25: {  	[tilespmem:s0+$0x16A20] =	vst v0  }
0x26: {  	[tilespmem:s0+$0x16A30] =	vst v0  }
0x27: {  	[tilespmem:s0+$0x16A40] =	vst v0  }
0x28: {  	[tilespmem:s0+$0x16A50] =	vst v0  }
0x29: {  	[tilespmem:s0+$0x16A60] =	vst v0  }
0x2a: {  	[spmem:s4] =	stream.linear.scatter [tilespmem:s16], [sflag:$0x7], $0x4000, $0x38;
	[tilespmem:$0x1EA00] =	vst v63  }
0x2b: {  	_ =	swait.ge [sflag:s15], $0x4000  }
0x2c: {  	[sflag:s15] =	ssyncset.done $0x0  }
0x2d: {  	s7 =	rddreg [dreg:$0x4];
	[sflag:s15] =	ssyncadd.s32 $0xFFFFC000  }
0x2e: {  	[spmem:s7] =	stream.linear.scatter [tilespmem:s16], [sflag:$0x7], $0x4000, $0x38;
	[tilespmem:$0x1EA00] =	vst v63  }
0x2f: {  	_ =	swait.ge [sflag:s15], $0x4000  }
0x30: {  	[sflag:s15] =	ssyncset.done $0x0  }
0x31: {  	s8 =	rddreg [dreg:$0x5];
	[sflag:s15] =	ssyncadd.s32 $0xFFFFC000  }
0x32: {  	[spmem:s8] =	stream.linear.scatter [tilespmem:s16], [sflag:$0x7], $0x4000, $0x38;
	[tilespmem:$0x1EA00] =	vst v63  }
0x33: {  	_ =	swait.ge [sflag:s15], $0x4000  }
0x34: {  	[sflag:s15] =	ssyncset.done $0x0  }
0x35: {  	s9 =	rddreg [dreg:$0x6];
	[sflag:s15] =	ssyncadd.s32 $0xFFFFC000  }
0x36: {  	[spmem:s9] =	stream.linear.scatter [tilespmem:s16], [sflag:$0x7], $0x4000, $0x38;
	[tilespmem:$0x1EA00] =	vst v63  }
0x37: {  	_ =	swait.ge [sflag:s15], $0x4000  }
0x38: {  	[sflag:s15] =	ssyncset.done $0x0  }
0x39: {  	s13 =	rddreg [dreg:$0x7];
	[sflag:s15] =	ssyncadd.s32 $0xFFFFC000  }
0x3a: {  	[spmem:s13] =	stream.linear.scatter [tilespmem:s16], [sflag:$0x7], $0x4000, $0x38;
	[tilespmem:$0x1EA00] =	vst v63  }
0x3b: {  	_ =	swait.ge [sflag:s15], $0x4000  }
0x3c: {  	[sflag:s15] =	ssyncset.done $0x0  }
0x3d: {  	[sflag:s15] =	ssyncadd.s32 $0xFFFFC000  }
0x3e: {  	s0 =	simm.s32 $0x0;
	[bflag:$0x0] =	sbarrier.arrive $0xFFFF  }
0x3f: {  	[tilespmem:s17], [sflag:$0x7] =	stream.linear.gather [hbm4b:s10+s0], $0x80, $0x38;
	[tilespmem:$0x1EA00] =	vst v63  }
0x40: {  	_ =	swait.ge [sflag:s15], $0x80  }
0x41: {  	[sflag:s15] =	ssyncset.done $0x0  }
0x42: {  	[sflag:s15] =	ssyncadd.s32 $0xFFFFFF80  }
0x43: {  	[tilespmem:s18], [sflag:$0x7] =	stream.linear.gather [hbm4b:s11+s0], $0x80, $0x38;
	[tilespmem:$0x1EA00] =	vst v63  }
0x44: {  	_ =	swait.ge [sflag:s15], $0x80  }
0x45: {  	[sflag:s15] =	ssyncset.done $0x0  }
0x46: {  	[sflag:s15] =	ssyncadd.s32 $0xFFFFFF80  }
0x47: {  	[tilespmem:s16], [sflag:$0x3] =	stream.indirect.gather [hbm4b:s12+s19], $0x80, s17, s19, $0xb8;
	[tilespmem:$0x1EA00] =	vst v63  }
0x48: {  	s1 =	rddreg [dreg:$0x9]  }
0x49: {  	[tilespmem:s21], [sflag:$0x2] =	stream.linear.gather [hbm4b:s1+s0], $0x80, $0x38;
	[tilespmem:$0x1EA00] =	vst v63  }
0x4a: {  	s20 =	sadd.s32 $0x10, s11;
	s1 =	simm.s32 $0x0  }
0x4b: {  	[tilespmem:s22], [sflag:$0x2] =	stream.linear.gather [hbm4b:s20+s0], $0x80, $0x38;
	[tilespmem:$0x1EA00] =	vst v63  }
.LBB2_4:
0x4c: {  	_ =	swait.ge [sflag:s23], $0x80  }
0x4d: {  	[sflag:s23] =	ssyncset.done $0x0  }
0x4e: {  	[sflag:s23] =	ssyncadd.s32 $0xFFFFFF80  }
0x4f: {  	_ =	swait.ge [sflag:s23], $0x80  }
0x50: {  	p0 =	seq.s32 s1, $0x0;
	[sflag:s23] =	ssyncset.done $0x0  }
0x51: {  	v1 =	vmov s0;
	s6 =	simm.s32 $0x2;
	s5 =	simm.s32 @!p0 $0x6;
	[sflag:s23] =	ssyncadd.s32 $0xFFFFFF80  }
0x52: {  	v1 =	vand.u32 $0xFFFFFFFC, v1;
	v2 =	vmov s6;
	_ =	swait.ge @!p0 [sflag:s5], $0x4000  }
0x53: {  	v1 =	vbroadcast v1, $0x0;
	v2 =	vand.u32 $0xFFFFFFFE, v2;
	[sflag:s5] =	ssyncset.done @!p0 $0x0  }
0x54: {  	v2 =	vbroadcast v2, $0x0;
	[sflag:s5] =	ssyncadd.s32 @!p0 $0xFFFFC000  }
0x55: {  	[tilespmem:s25], [sflag:$0x4] =	stream.indirect.gather [hbm4b:s12+s19], $0x80, s21, s19, $0xb8;
	[tilespmem:$0x1EA00] =	vst v63  }
0x56: {  	_ =	swait.ge [sflag:s26], $0x4000  }
0x57: {  	[sflag:s26] =	ssyncset.done $0x0  }
0x58: {  	[sflag:s26] =	ssyncadd.s32 $0xFFFFC000  }
0x59: {  	v1 =	vld.idx.msk [tilespmem:v1+s18+$0x0], $0xffff  }
0x5a: {  	s9 =	simm.s32 $0x1;
	s6 =	simm.s32 $0x16B00;
	v2 =	vld.idx.msk [tilespmem:v2+s18+$0x0], $0xffff  }
0x5b: {  	v3 =	vmov s9;
	v4 =	vld [tilespmem:s6+$0x70]  }
0x5c: {  	v3 =	vand.u32 $0xFFFFFFFD, v3;
	v5 =	vld [tilespmem:s6+$0xFFFFFF00]  }
0x5d: {  	v3 =	vbroadcast v3, $0x0;
	v6 =	vld [tilespmem:s6+$0xFFFFFF10]  }
0x5e: {  	v7 =	vld [tilespmem:s6+$0xFFFFFF20]  }
0x5f: {  	v8 =	vld [tilespmem:s6+$0xFFFFFF30]  }
0x60: {  	v9 =	vld [tilespmem:s6+$0xFFFFFF40]  }
0x61: {  	v10 =	vld [tilespmem:s6+$0xFFFFFF50]  }
0x62: {  	v11 =	vld [tilespmem:s6+$0xFFFFFF60];
	v5 =	vmul.f32 v1, v5  }
0x63: {  	v3 =	vld.idx.msk [tilespmem:v3+s18+$0x0], $0xffff;
	v4 =	vmul.f32 v2, v4  }
0x64: {  	v13 =	vld [tilespmem:s6+$0x40];
	[tilespmem:s6+$0xFFFFFF00] =	vst v5;
	v5 =	vmul.f32 v1, v6  }
0x65: {  	v6 =	vld [tilespmem:s6+$0xFFFFFF70];
	[tilespmem:s6+$0x70] =	vst v4;
	v4 =	vmul.f32 v1, v7  }
0x66: {  	v7 =	vld [tilespmem:s6+$0xFFFFFF80];
	[tilespmem:s6+$0xFFFFFF10] =	vst v5;
	v5 =	vmul.f32 v1, v8  }
0x67: {  	v8 =	vld [tilespmem:s6+$0xFFFFFF90];
	[tilespmem:s6+$0xFFFFFF20] =	vst v4;
	v4 =	vmul.f32 v1, v9  }
0x68: {  	v9 =	vld [tilespmem:s6+$0xFFFFFFA0];
	[tilespmem:s6+$0xFFFFFF30] =	vst v5;
	v5 =	vmul.f32 v1, v10  }
0x69: {  	v10 =	vld [tilespmem:s6+$0xFFFFFFB0];
	[tilespmem:s6+$0xFFFFFF40] =	vst v4;
	v4 =	vmul.f32 v1, v11  }
0x6a: {  	v11 =	vld [tilespmem:s6+$0xFFFFFFC0];
	v6 =	vmul.f32 v1, v6;
	[tilespmem:s6+$0xFFFFFF50] =	vst v5  }
0x6b: {  	v5 =	vmul.f32 v3, v7;
	v7 =	vld [tilespmem:s6+$0xFFFFFFD0];
	[tilespmem:s6+$0xFFFFFF60] =	vst v4  }
0x6c: {  	s13 =	simm.s32 $0x3;
	v4 =	vld [tilespmem:s6+$0xFFFFFFE0];
	v8 =	vmul.f32 v3, v8;
	[tilespmem:s6+$0xFFFFFF70] =	vst v6  }
0x6d: {  	v12 =	vmov s13;
	v6 =	vld [tilespmem:s6+$0xFFFFFFF0];
	[tilespmem:s6+$0xFFFFFF80] =	vst v5;
	v5 =	vmul.f32 v3, v9  }
0x6e: {  	v9 =	vld [tilespmem:s6+$0x0];
	[tilespmem:s6+$0xFFFFFF90] =	vst v8;
	v8 =	vmul.f32 v3, v10  }
0x6f: {  	v10 =	vld [tilespmem:s6+$0x10];
	[tilespmem:s6+$0xFFFFFFA0] =	vst v5;
	v5 =	vmul.f32 v3, v11  }
0x70: {  	[tilespmem:s6+$0xFFFFFFB0] =	vst v8;
	v7 =	vmul.f32 v3, v7;
	v8 =	vld [tilespmem:s6+$0x20]  }
0x71: {  	v11 =	vld [tilespmem:s6+$0x30];
	v4 =	vmul.f32 v3, v4;
	[tilespmem:s6+$0xFFFFFFC0] =	vst v5  }
0x72: {  	v1 =	vld.idx.msk [tilespmem:v12+s18+$0x0], $0xffff;
	v3 =	vmul.f32 v3, v6;
	[tilespmem:s6+$0xFFFFFFD0] =	vst v7  }
0x73: {  	[tilespmem:s6+$0xFFFFFFE0] =	vst v4;
	v5 =	vmul.f32 v2, v9;
	v4 =	vld [tilespmem:s6+$0x50]  }
0x74: {  	s20 =	simm.s32 $0x4;
	[tilespmem:s6+$0xFFFFFFF0] =	vst v3;
	v6 =	vmul.f32 v2, v10;
	v3 =	vld [tilespmem:s6+$0x60]  }
0x75: {  	s7 =	simm.s32 $0x7;
	v7 =	vmov s20;
	[tilespmem:s6+$0x0] =	vst v5;
	v9 =	vmul.f32 v2, v8;
	v8 =	vld [tilespmem:s6+$0x80]  }
0x76: {  	s8 =	simm.s32 $0x5;
	s9 =	simm.s32 $0x6;
	v12 =	vand.u32 $0xFFFFFFFC, v7;
	v7 =	vld [tilespmem:s6+$0x90];
	v5 =	vmov s7;
	v10 =	vmul.f32 v2, v11;
	[tilespmem:s6+$0x10] =	vst v6  }
0x77: {  	s5 =	sshll.u32 s1, $0x5;
	v11 =	vmul.f32 v2, v13;
	s7 =	simm.s32 $0x16B00;
	v6 =	vbroadcast v12, $0x0;
	v12 =	vmov s8;
	s8 =	simm.s32 $0x8;
	[tilespmem:s6+$0x20] =	vst v9;
	v9 =	vld [tilespmem:s6+$0xA0]  }
.LBB2_5:
0x78: {  	p0 =	slt.u32 s8, $0x7C;
	v12 =	vand.u32 $0xFFFFFFFD, v12;
	v13 =	vmov s9;
	[tilespmem:s6+$0x30] =	vst v10;
	v4 =	vmul.f32 v2, v4;
	v10 =	vld [tilespmem:s6+$0xB0]  }
0x79: {  	v12 =	vbroadcast v12, $0x0;
	v13 =	vand.u32 $0xFFFFFFFE, v13;
	[tilespmem:s6+$0x40] =	vst v11;
	v2 =	vmul.f32 v2, v3;
	v3 =	vld [tilespmem:s6+$0xC0]  }
0x7a: {  	v11 =	vbroadcast v13, $0x0;
	[tilespmem:s6+$0x50] =	vst v4;
	v4 =	vmul.f32 v1, v8;
	v8 =	vld [tilespmem:s6+$0xD0]  }
0x7b: {  	[tilespmem:s6+$0x60] =	vst v2;
	v2 =	vmul.f32 v1, v7;
	v7 =	vld [tilespmem:s6+$0xE0]  }
0x7c: {  	[tilespmem:s6+$0x80] =	vst v4;
	v4 =	vmul.f32 v1, v9;
	v9 =	vld [tilespmem:s6+$0xF0]  }
0x7d: {  	v5 =	vld.idx.msk [tilespmem:v5+s18+$0x0], $0xffff;
	[tilespmem:s6+$0x90] =	vst v2;
	v2 =	vmul.f32 v1, v10  }
0x7e: {  	v6 =	vld.idx.msk [tilespmem:v6+s18+$0x0], $0xffff;
	[tilespmem:s6+$0xA0] =	vst v4;
	v3 =	vmul.f32 v1, v3  }
0x7f: {  	v4 =	vld.idx.msk [tilespmem:v12+s18+$0x0], $0xffff;
	[tilespmem:s6+$0xB0] =	vst v2;
	v8 =	vmul.f32 v1, v8  }
0x80: {  	s6 =	sadd.s32 $0x200, s6;
	v2 =	vld.idx.msk [tilespmem:v11+s18+$0x0], $0xffff;
	[tilespmem:s7+$0xC0] =	vst v3;
	v3 =	vmul.f32 v1, v7  }
0x81: {  	v7 =	vld [tilespmem:s6+$0x70];
	[tilespmem:s7+$0xD0] =	vst v8;
	v9 =	vmul.f32 v1, v9  }
0x82: {  	v8 =	vld [tilespmem:s6+$0xFFFFFF00];
	[tilespmem:s7+$0xE0] =	vst v3  }
0x83: {  	v1 =	vmov v5;
	v3 =	vld [tilespmem:s6+$0xFFFFFF10];
	[tilespmem:s7+$0xF0] =	vst v9;
	s7 =	smov.u32 s6  }
0x84: {  	v5 =	vld [tilespmem:s6+$0xFFFFFF20]  }
0x85: {  	v9 =	vld [tilespmem:s6+$0xFFFFFF30]  }
0x86: {  	v10 =	vld [tilespmem:s6+$0xFFFFFF40];
	v7 =	vmul.f32 v2, v7  }
0x87: {  	v8 =	vmul.f32 v6, v8;
	v11 =	vld [tilespmem:s6+$0xFFFFFF50]  }
0x88: {  	v3 =	vmul.f32 v6, v3;
	v12 =	vld [tilespmem:s6+$0xFFFFFF60];
	[tilespmem:s6+$0x70] =	vst v7  }
0x89: {  	[tilespmem:s6+$0xFFFFFF00] =	vst v8;
	v5 =	vmul.f32 v6, v5;
	v7 =	vld [tilespmem:s6+$0xFFFFFF70]  }
0x8a: {  	[tilespmem:s6+$0xFFFFFF10] =	vst v3;
	v3 =	vmul.f32 v6, v9;
	v8 =	vld [tilespmem:s6+$0xFFFFFF80]  }
0x8b: {  	[tilespmem:s6+$0xFFFFFF20] =	vst v5;
	v5 =	vmul.f32 v6, v10;
	v9 =	vld [tilespmem:s6+$0xFFFFFF90]  }
0x8c: {  	[tilespmem:s6+$0xFFFFFF30] =	vst v3;
	v3 =	vmul.f32 v6, v11;
	v10 =	vld [tilespmem:s6+$0xFFFFFFA0]  }
0x8d: {  	[tilespmem:s6+$0xFFFFFF40] =	vst v5;
	v5 =	vmul.f32 v6, v12;
	v11 =	vld [tilespmem:s6+$0xFFFFFFB0]  }
0x8e: {  	[tilespmem:s6+$0xFFFFFF50] =	vst v3;
	v3 =	vmul.f32 v6, v7;
	v6 =	vld [tilespmem:s6+$0xFFFFFFC0]  }
0x8f: {  	[tilespmem:s6+$0xFFFFFF60] =	vst v5;
	v5 =	vmul.f32 v4, v8;
	v7 =	vld [tilespmem:s6+$0xFFFFFFD0]  }
0x90: {  	[tilespmem:s6+$0xFFFFFF70] =	vst v3;
	v3 =	vmul.f32 v4, v9;
	v8 =	vld [tilespmem:s6+$0xFFFFFFE0]  }
0x91: {  	[tilespmem:s6+$0xFFFFFF80] =	vst v5;
	v5 =	vmul.f32 v4, v10;
	v9 =	vld [tilespmem:s6+$0xFFFFFFF0]  }
0x92: {  	[tilespmem:s6+$0xFFFFFF90] =	vst v3;
	v3 =	vmul.f32 v4, v11;
	v10 =	vld [tilespmem:s6+$0x0]  }
0x93: {  	[tilespmem:s6+$0xFFFFFFA0] =	vst v5;
	v5 =	vmul.f32 v4, v6;
	v6 =	vld [tilespmem:s6+$0x10]  }
0x94: {  	[tilespmem:s6+$0xFFFFFFB0] =	vst v3;
	v3 =	vmul.f32 v4, v7;
	v7 =	vld [tilespmem:s6+$0x20]  }
0x95: {  	[tilespmem:s6+$0xFFFFFFC0] =	vst v5;
	v5 =	vmul.f32 v4, v8;
	v11 =	vld [tilespmem:s6+$0x30]  }
0x96: {  	[tilespmem:s6+$0xFFFFFFD0] =	vst v3;
	v3 =	vmul.f32 v4, v9;
	v9 =	vld [tilespmem:s6+$0x40]  }
.Ltmp1:
0x97: {  	[tilespmem:s6+$0xFFFFFFE0] =	vst v5;
	v5 =	vmul.f32 v2, v10;
	v4 =	vld [tilespmem:s6+$0x50];
	(pc) =	sbr.rel @p0 .LBB2_5-.Ltmp1, $4  }
0x98: {  	[tilespmem:s6+$0xFFFFFFF0] =	vst v3;
	v6 =	vmul.f32 v2, v6;
	v3 =	vld [tilespmem:s6+$0x60]  }
0x99: {  	s9 =	sadd.s32 $0x3, s8;
	v10 =	vmov s8;
	[tilespmem:s6+$0x0] =	vst v5;
	v13 =	vmul.f32 v2, v7;
	v8 =	vld [tilespmem:s6+$0x80]  }
0x9a: {  	s13 =	sadd.s32 $0x1, s8;
	v12 =	vand.u32 $0xFFFFFFFC, v10;
	v5 =	vmov s9;
	[tilespmem:s6+$0x10] =	vst v6;
	v10 =	vmul.f32 v2, v11;
	v7 =	vld [tilespmem:s6+$0x90]  }
0x9b: {  	s9 =	sadd.s32 $0x2, s8;
	s8 =	sadd.s32 $0x4, s8;
	v6 =	vbroadcast v12, $0x0;
	v12 =	vmov s13;
	[tilespmem:s6+$0x20] =	vst v13;
	v11 =	vmul.f32 v2, v9;
	v9 =	vld [tilespmem:s6+$0xA0]  }
0x9c: {  	v13 =	vld [tilespmem:s6+$0xB0]  }
0x9d: {  	v15 =	vld [tilespmem:s6+$0xC0]  }
0x9e: {  	v14 =	vmov s9;
	v16 =	vld [tilespmem:s6+$0xD0]  }
0x9f: {  	v17 =	vld [tilespmem:s6+$0xE0];
	[tilespmem:s6+$0x30] =	vst v10;
	v4 =	vmul.f32 v2, v4;
	v14 =	vand.u32 $0xFFFFFFFE, v14  }
0xa0: {  	v12 =	vand.u32 $0xFFFFFFFD, v12;
	v5 =	vld.idx.msk [tilespmem:v5+s18+$0x0], $0xffff;
	[tilespmem:s6+$0x40] =	vst v11;
	v2 =	vmul.f32 v2, v3;
	v14 =	vbroadcast v14, $0x0  }
0xa1: {  	s8 =	sadd.s32 $0x200, s6;
	v12 =	vbroadcast v12, $0x0;
	v3 =	vld.idx.msk [tilespmem:v6+s18+$0x0], $0xffff;
	v8 =	vmul.f32 v1, v8;
	[tilespmem:s6+$0x50] =	vst v4  }
0xa2: {  	v10 =	vld [tilespmem:s8+$0xFFFFFF00];
	v4 =	vmul.f32 v1, v7;
	[tilespmem:s6+$0x60] =	vst v2  }
0xa3: {  	[tilespmem:s6+$0x80] =	vst v8;
	v8 =	vld [tilespmem:s6+$0xF0];
	v2 =	vmul.f32 v1, v9  }
0xa4: {  	v11 =	vld [tilespmem:s8+$0xFFFFFF10];
	[tilespmem:s6+$0x90] =	vst v4;
	v4 =	vmul.f32 v1, v13  }
0xa5: {  	v9 =	vld [tilespmem:s8+$0x70];
	[tilespmem:s6+$0xA0] =	vst v2;
	v2 =	vmul.f32 v1, v15  }
0xa6: {  	[tilespmem:s6+$0xB0] =	vst v4;
	v4 =	vmul.f32 v1, v16;
	v7 =	vld.idx.msk [tilespmem:v14+s18+$0x0], $0xffff  }
0xa7: {  	v6 =	vld.idx.msk [tilespmem:v12+s18+$0x0], $0xffff;
	[tilespmem:s7+$0xC0] =	vst v2;
	v2 =	vmul.f32 v1, v17  }
0xa8: {  	v12 =	vld [tilespmem:s8+$0xFFFFFF20];
	[tilespmem:s7+$0xD0] =	vst v4;
	v1 =	vmul.f32 v1, v8  }
0xa9: {  	v4 =	vld [tilespmem:s8+$0xFFFFFF30];
	[tilespmem:s7+$0xE0] =	vst v2  }
0xaa: {  	v2 =	vld [tilespmem:s8+$0xFFFFFF40];
	[tilespmem:s7+$0xF0] =	vst v1;
	v1 =	vmul.f32 v3, v10  }
0xab: {  	v8 =	vmul.f32 v7, v9;
	v9 =	vld [tilespmem:s8+$0xFFFFFF50]  }
0xac: {  	v10 =	vmul.f32 v3, v11;
	v11 =	vld [tilespmem:s8+$0xFFFFFF60];
	[tilespmem:s8+$0xFFFFFF00] =	vst v1  }
0xad: {  	v1 =	vmul.f32 v3, v12;
	[tilespmem:s8+$0x70] =	vst v8;
	v8 =	vld [tilespmem:s8+$0xFFFFFF70]  }
0xae: {  	[tilespmem:s8+$0xFFFFFF10] =	vst v10;
	v10 =	vld [tilespmem:s8+$0xFFFFFF80];
	v4 =	vmul.f32 v3, v4  }
0xaf: {  	[tilespmem:s8+$0xFFFFFF20] =	vst v1;
	v1 =	vmul.f32 v3, v2;
	v2 =	vld [tilespmem:s8+$0xFFFFFF90]  }
0xb0: {  	[tilespmem:s8+$0xFFFFFF30] =	vst v4;
	v4 =	vmul.f32 v3, v9;
	v9 =	vld [tilespmem:s8+$0xFFFFFFA0]  }
0xb1: {  	[tilespmem:s8+$0xFFFFFF40] =	vst v1;
	v1 =	vmul.f32 v3, v11;
	v11 =	vld [tilespmem:s8+$0xFFFFFFB0]  }
0xb2: {  	[tilespmem:s8+$0xFFFFFF50] =	vst v4;
	v3 =	vmul.f32 v3, v8;
	v4 =	vld [tilespmem:s8+$0xFFFFFFC0]  }
0xb3: {  	[tilespmem:s8+$0xFFFFFF60] =	vst v1;
	v1 =	vmul.f32 v6, v10;
	v8 =	vld [tilespmem:s8+$0xFFFFFFD0]  }
0xb4: {  	v2 =	vmul.f32 v6, v2;
	[tilespmem:s8+$0xFFFFFF70] =	vst v3;
	v3 =	vld [tilespmem:s8+$0xFFFFFFE0]  }
0xb5: {  	[tilespmem:s8+$0xFFFFFF80] =	vst v1;
	v1 =	vmul.f32 v6, v9;
	v9 =	vld [tilespmem:s8+$0xFFFFFFF0]  }
0xb6: {  	v10 =	vld [tilespmem:s8+$0x0];
	[tilespmem:s8+$0xFFFFFF90] =	vst v2;
	v2 =	vmul.f32 v6, v11  }
0xb7: {  	[tilespmem:s8+$0xFFFFFFA0] =	vst v1;
	v1 =	vmul.f32 v6, v4;
	v4 =	vld [tilespmem:s8+$0x10]  }
0xb8: {  	[tilespmem:s8+$0xFFFFFFB0] =	vst v2;
	v2 =	vmul.f32 v6, v8;
	v8 =	vld [tilespmem:s8+$0x20]  }
0xb9: {  	[tilespmem:s8+$0xFFFFFFC0] =	vst v1;
	v1 =	vmul.f32 v6, v3;
	v3 =	vld [tilespmem:s8+$0x30]  }
0xba: {  	[tilespmem:s8+$0xFFFFFFD0] =	vst v2;
	v2 =	vmul.f32 v6, v9;
	v6 =	vld [tilespmem:s8+$0x40]  }
0xbb: {  	v9 =	vld [tilespmem:s8+$0x50];
	[tilespmem:s8+$0xFFFFFFE0] =	vst v1;
	v1 =	vmul.f32 v7, v10  }
0xbc: {  	[tilespmem:s8+$0xFFFFFFF0] =	vst v2;
	v2 =	vmul.f32 v7, v4;
	v4 =	vld [tilespmem:s8+$0x60]  }
0xbd: {  	[tilespmem:s8+$0x0] =	vst v1;
	v1 =	vmul.f32 v7, v8;
	v8 =	vld [tilespmem:s8+$0x80]  }
0xbe: {  	[tilespmem:s8+$0x10] =	vst v2;
	v2 =	vmul.f32 v7, v3;
	v3 =	vld [tilespmem:s8+$0x90]  }
0xbf: {  	[tilespmem:s8+$0x20] =	vst v1;
	v1 =	vmul.f32 v7, v6;
	v6 =	vld [tilespmem:s8+$0xA0]  }
0xc0: {  	[tilespmem:s8+$0x30] =	vst v2;
	v2 =	vmul.f32 v7, v9;
	v9 =	vld [tilespmem:s8+$0xB0]  }
0xc1: {  	[tilespmem:s8+$0x40] =	vst v1;
	v1 =	vmul.f32 v7, v4;
	v4 =	vld [tilespmem:s8+$0xC0]  }
0xc2: {  	v7 =	vld [tilespmem:s8+$0xD0];
	[tilespmem:s8+$0x50] =	vst v2;
	v2 =	vmul.f32 v5, v8  }
0xc3: {  	[tilespmem:s8+$0x60] =	vst v1;
	v1 =	vmul.f32 v5, v3;
	v3 =	vld [tilespmem:s8+$0xE0]  }
0xc4: {  	[tilespmem:s8+$0x80] =	vst v2;
	v2 =	vmul.f32 v5, v6;
	v6 =	vld [tilespmem:s8+$0xF0]  }
0xc5: {  	[tilespmem:s8+$0x90] =	vst v1;
	v1 =	vmul.f32 v5, v9  }
0xc6: {  	[tilespmem:s8+$0xA0] =	vst v2;
	v2 =	vmul.f32 v5, v4  }
0xc7: {  	[tilespmem:s8+$0xB0] =	vst v1;
	v1 =	vmul.f32 v5, v7  }
0xc8: {  	[tilespmem:s8+$0xC0] =	vst v2;
	v2 =	vmul.f32 v5, v3  }
0xc9: {  	s7 =	sshll.u32 s1, $0x8;
	[tilespmem:s8+$0xD0] =	vst v1;
	v1 =	vmul.f32 v5, v6  }
0xca: {  	s6 =	sand.u32 $0x3FFFFF00, s7;
	[tilespmem:s8+$0xE0] =	vst v2  }
0xcb: {  	s9 =	sadd.s32 $0x20, s5;
	[tilespmem:s8+$0xF0] =	vst v1;
	s8 =	sadd.s32 $0x14000, s6  }
0xcc: {  	[spmem:s2] =	stream.indirect.scatter.add.f32 [tilespmem:s16], [sflag:$0x5], $0x80, s8, s19, $0xb8;
	[tilespmem:$0x1EA00] =	vst v63  }
0xcd: {  	s20 =	simm.s32 $0x0;
	s13 =	sadd.s32 s10, s9  }
0xce: {  	[tilespmem:s17], [sflag:$0x1] =	stream.linear.gather [hbm4b:s13+s20], $0x80, $0x38;
	[tilespmem:$0x1EA00] =	vst v63  }
0xcf: {  	s7 =	sadd.s32 s11, s9  }
0xd0: {  	[tilespmem:s18], [sflag:$0x1] =	stream.linear.gather [hbm4b:s7+s20], $0x80, $0x38;
	[tilespmem:$0x1EA00] =	vst v63  }
0xd1: {  	_ =	swait.ge [sflag:s28], $0x80  }
0xd2: {  	[sflag:s28] =	ssyncset.done $0x0  }
0xd3: {  	[sflag:s28] =	ssyncadd.s32 $0xFFFFFF80  }
0xd4: {  	_ =	swait.ge [sflag:s28], $0x80  }
0xd5: {  	[sflag:s28] =	ssyncset.done $0x0  }
0xd6: {  	s9 =	simm.s32 $0x2;
	v1 =	vmov s20;
	[sflag:s28] =	ssyncadd.s32 $0xFFFFFF80  }
0xd7: {  	v2 =	vmov s9;
	v1 =	vand.u32 $0xFFFFFFFC, v1;
	_ =	swait.ge [sflag:s29], $0x4000  }
0xd8: {  	v2 =	vand.u32 $0xFFFFFFFE, v2;
	v1 =	vbroadcast v1, $0x0;
	[sflag:s29] =	ssyncset.done $0x0  }
0xd9: {  	v2 =	vbroadcast v2, $0x0;
	[sflag:s29] =	ssyncadd.s32 $0xFFFFC000  }
0xda: {  	[tilespmem:s16], [sflag:$0x3] =	stream.indirect.gather [hbm4b:s12+s19], $0x80, s17, s19, $0xb8;
	[tilespmem:$0x1EA00] =	vst v63  }
0xdb: {  	_ =	swait.ge [sflag:s30], $0x4000  }
0xdc: {  	[sflag:s30] =	ssyncset.done $0x0  }
0xdd: {  	[sflag:s30] =	ssyncadd.s32 $0xFFFFC000  }
0xde: {  	v1 =	vld.idx.msk [tilespmem:v1+s22+$0x0], $0xffff  }
0xdf: {  	s13 =	simm.s32 $0x1;
	s7 =	simm.s32 $0x1AB00;
	v2 =	vld.idx.msk [tilespmem:v2+s22+$0x0], $0xffff  }
0xe0: {  	v3 =	vmov s13;
	v4 =	vld [tilespmem:s7+$0x70]  }
0xe1: {  	v3 =	vand.u32 $0xFFFFFFFD, v3;
	v5 =	vld [tilespmem:s7+$0xFFFFFF00]  }
0xe2: {  	v3 =	vbroadcast v3, $0x0;
	v6 =	vld [tilespmem:s7+$0xFFFFFF10]  }
0xe3: {  	v7 =	vld [tilespmem:s7+$0xFFFFFF20]  }
0xe4: {  	v8 =	vld [tilespmem:s7+$0xFFFFFF30]  }
0xe5: {  	v9 =	vld [tilespmem:s7+$0xFFFFFF40]  }
0xe6: {  	v10 =	vld [tilespmem:s7+$0xFFFFFF50]  }
0xe7: {  	v11 =	vld [tilespmem:s7+$0xFFFFFF60];
	v5 =	vmul.f32 v1, v5  }
0xe8: {  	v3 =	vld.idx.msk [tilespmem:v3+s22+$0x0], $0xffff;
	v4 =	vmul.f32 v2, v4  }
0xe9: {  	v13 =	vld [tilespmem:s7+$0x40];
	[tilespmem:s7+$0xFFFFFF00] =	vst v5;
	v5 =	vmul.f32 v1, v6  }
0xea: {  	v6 =	vld [tilespmem:s7+$0xFFFFFF70];
	[tilespmem:s7+$0x70] =	vst v4;
	v4 =	vmul.f32 v1, v7  }
0xeb: {  	v7 =	vld [tilespmem:s7+$0xFFFFFF80];
	[tilespmem:s7+$0xFFFFFF10] =	vst v5;
	v5 =	vmul.f32 v1, v8  }
0xec: {  	v8 =	vld [tilespmem:s7+$0xFFFFFF90];
	[tilespmem:s7+$0xFFFFFF20] =	vst v4;
	v4 =	vmul.f32 v1, v9  }
0xed: {  	v9 =	vld [tilespmem:s7+$0xFFFFFFA0];
	[tilespmem:s7+$0xFFFFFF30] =	vst v5;
	v5 =	vmul.f32 v1, v10  }
0xee: {  	v10 =	vld [tilespmem:s7+$0xFFFFFFB0];
	[tilespmem:s7+$0xFFFFFF40] =	vst v4;
	v4 =	vmul.f32 v1, v11  }
0xef: {  	v11 =	vld [tilespmem:s7+$0xFFFFFFC0];
	v6 =	vmul.f32 v1, v6;
	[tilespmem:s7+$0xFFFFFF50] =	vst v5  }
0xf0: {  	v5 =	vmul.f32 v3, v7;
	v7 =	vld [tilespmem:s7+$0xFFFFFFD0];
	[tilespmem:s7+$0xFFFFFF60] =	vst v4  }
0xf1: {  	s20 =	simm.s32 $0x3;
	v4 =	vld [tilespmem:s7+$0xFFFFFFE0];
	v8 =	vmul.f32 v3, v8;
	[tilespmem:s7+$0xFFFFFF70] =	vst v6  }
0xf2: {  	v12 =	vmov s20;
	v6 =	vld [tilespmem:s7+$0xFFFFFFF0];
	[tilespmem:s7+$0xFFFFFF80] =	vst v5;
	v5 =	vmul.f32 v3, v9  }
0xf3: {  	v9 =	vld [tilespmem:s7+$0x0];
	[tilespmem:s7+$0xFFFFFF90] =	vst v8;
	v8 =	vmul.f32 v3, v10  }
0xf4: {  	v10 =	vld [tilespmem:s7+$0x10];
	[tilespmem:s7+$0xFFFFFFA0] =	vst v5;
	v5 =	vmul.f32 v3, v11  }
0xf5: {  	[tilespmem:s7+$0xFFFFFFB0] =	vst v8;
	v7 =	vmul.f32 v3, v7;
	v8 =	vld [tilespmem:s7+$0x20]  }
0xf6: {  	v11 =	vld [tilespmem:s7+$0x30];
	v4 =	vmul.f32 v3, v4;
	[tilespmem:s7+$0xFFFFFFC0] =	vst v5  }
0xf7: {  	v1 =	vld.idx.msk [tilespmem:v12+s22+$0x0], $0xffff;
	v3 =	vmul.f32 v3, v6;
	[tilespmem:s7+$0xFFFFFFD0] =	vst v7  }
0xf8: {  	[tilespmem:s7+$0xFFFFFFE0] =	vst v4;
	v5 =	vmul.f32 v2, v9;
	v4 =	vld [tilespmem:s7+$0x50]  }
0xf9: {  	s9 =	simm.s32 $0x4;
	[tilespmem:s7+$0xFFFFFFF0] =	vst v3;
	v6 =	vmul.f32 v2, v10;
	v3 =	vld [tilespmem:s7+$0x60]  }
0xfa: {  	s13 =	simm.s32 $0x7;
	v7 =	vmov s9;
	[tilespmem:s7+$0x0] =	vst v5;
	v9 =	vmul.f32 v2, v8;
	v8 =	vld [tilespmem:s7+$0x80]  }
0xfb: {  	s20 =	simm.s32 $0x5;
	v12 =	vand.u32 $0xFFFFFFFC, v7;
	v7 =	vld [tilespmem:s7+$0x90];
	v5 =	vmov s13;
	v10 =	vmul.f32 v2, v11;
	[tilespmem:s7+$0x10] =	vst v6  }
0xfc: {  	s8 =	simm.s32 $0x1AB00;
	s9 =	simm.s32 $0x8;
	s13 =	simm.s32 $0x6;
	v11 =	vmul.f32 v2, v13;
	v6 =	vbroadcast v12, $0x0;
	v12 =	vmov s20;
	[tilespmem:s7+$0x20] =	vst v9;
	v9 =	vld [tilespmem:s7+$0xA0]  }
.LBB2_7:
0xfd: {  	p0 =	slt.u32 s9, $0x7C;
	v12 =	vand.u32 $0xFFFFFFFD, v12;
	v13 =	vmov s13;
	[tilespmem:s7+$0x30] =	vst v10;
	v4 =	vmul.f32 v2, v4;
	v10 =	vld [tilespmem:s7+$0xB0]  }
0xfe: {  	v12 =	vbroadcast v12, $0x0;
	v13 =	vand.u32 $0xFFFFFFFE, v13;
	[tilespmem:s7+$0x40] =	vst v11;
	v2 =	vmul.f32 v2, v3;
	v3 =	vld [tilespmem:s7+$0xC0]  }
0xff: {  	v11 =	vbroadcast v13, $0x0;
	[tilespmem:s7+$0x50] =	vst v4;
	v4 =	vmul.f32 v1, v8;
	v8 =	vld [tilespmem:s7+$0xD0]  }
0x100: {  	[tilespmem:s7+$0x60] =	vst v2;
	v2 =	vmul.f32 v1, v7;
	v7 =	vld [tilespmem:s7+$0xE0]  }
0x101: {  	[tilespmem:s7+$0x80] =	vst v4;
	v4 =	vmul.f32 v1, v9;
	v9 =	vld [tilespmem:s7+$0xF0]  }
0x102: {  	v5 =	vld.idx.msk [tilespmem:v5+s22+$0x0], $0xffff;
	[tilespmem:s7+$0x90] =	vst v2;
	v2 =	vmul.f32 v1, v10  }
0x103: {  	v6 =	vld.idx.msk [tilespmem:v6+s22+$0x0], $0xffff;
	[tilespmem:s7+$0xA0] =	vst v4;
	v3 =	vmul.f32 v1, v3  }
0x104: {  	v4 =	vld.idx.msk [tilespmem:v12+s22+$0x0], $0xffff;
	[tilespmem:s7+$0xB0] =	vst v2;
	v8 =	vmul.f32 v1, v8  }
0x105: {  	s7 =	sadd.s32 $0x200, s7;
	v2 =	vld.idx.msk [tilespmem:v11+s22+$0x0], $0xffff;
	[tilespmem:s8+$0xC0] =	vst v3;
	v3 =	vmul.f32 v1, v7  }
0x106: {  	v7 =	vld [tilespmem:s7+$0x70];
	[tilespmem:s8+$0xD0] =	vst v8;
	v9 =	vmul.f32 v1, v9  }
0x107: {  	v8 =	vld [tilespmem:s7+$0xFFFFFF00];
	[tilespmem:s8+$0xE0] =	vst v3  }
0x108: {  	v1 =	vmov v5;
	v3 =	vld [tilespmem:s7+$0xFFFFFF10];
	[tilespmem:s8+$0xF0] =	vst v9;
	s8 =	smov.u32 s7  }
0x109: {  	v5 =	vld [tilespmem:s7+$0xFFFFFF20]  }
0x10a: {  	v9 =	vld [tilespmem:s7+$0xFFFFFF30]  }
0x10b: {  	v10 =	vld [tilespmem:s7+$0xFFFFFF40];
	v7 =	vmul.f32 v2, v7  }
0x10c: {  	v8 =	vmul.f32 v6, v8;
	v11 =	vld [tilespmem:s7+$0xFFFFFF50]  }
0x10d: {  	v3 =	vmul.f32 v6, v3;
	v12 =	vld [tilespmem:s7+$0xFFFFFF60];
	[tilespmem:s7+$0x70] =	vst v7  }
0x10e: {  	[tilespmem:s7+$0xFFFFFF00] =	vst v8;
	v5 =	vmul.f32 v6, v5;
	v7 =	vld [tilespmem:s7+$0xFFFFFF70]  }
0x10f: {  	[tilespmem:s7+$0xFFFFFF10] =	vst v3;
	v3 =	vmul.f32 v6, v9;
	v8 =	vld [tilespmem:s7+$0xFFFFFF80]  }
0x110: {  	[tilespmem:s7+$0xFFFFFF20] =	vst v5;
	v5 =	vmul.f32 v6, v10;
	v9 =	vld [tilespmem:s7+$0xFFFFFF90]  }
0x111: {  	[tilespmem:s7+$0xFFFFFF30] =	vst v3;
	v3 =	vmul.f32 v6, v11;
	v10 =	vld [tilespmem:s7+$0xFFFFFFA0]  }
0x112: {  	[tilespmem:s7+$0xFFFFFF40] =	vst v5;
	v5 =	vmul.f32 v6, v12;
	v11 =	vld [tilespmem:s7+$0xFFFFFFB0]  }
0x113: {  	[tilespmem:s7+$0xFFFFFF50] =	vst v3;
	v3 =	vmul.f32 v6, v7;
	v6 =	vld [tilespmem:s7+$0xFFFFFFC0]  }
0x114: {  	[tilespmem:s7+$0xFFFFFF60] =	vst v5;
	v5 =	vmul.f32 v4, v8;
	v7 =	vld [tilespmem:s7+$0xFFFFFFD0]  }
0x115: {  	[tilespmem:s7+$0xFFFFFF70] =	vst v3;
	v3 =	vmul.f32 v4, v9;
	v8 =	vld [tilespmem:s7+$0xFFFFFFE0]  }
0x116: {  	[tilespmem:s7+$0xFFFFFF80] =	vst v5;
	v5 =	vmul.f32 v4, v10;
	v9 =	vld [tilespmem:s7+$0xFFFFFFF0]  }
0x117: {  	[tilespmem:s7+$0xFFFFFF90] =	vst v3;
	v3 =	vmul.f32 v4, v11;
	v10 =	vld [tilespmem:s7+$0x0]  }
0x118: {  	[tilespmem:s7+$0xFFFFFFA0] =	vst v5;
	v5 =	vmul.f32 v4, v6;
	v6 =	vld [tilespmem:s7+$0x10]  }
0x119: {  	[tilespmem:s7+$0xFFFFFFB0] =	vst v3;
	v3 =	vmul.f32 v4, v7;
	v7 =	vld [tilespmem:s7+$0x20]  }
0x11a: {  	[tilespmem:s7+$0xFFFFFFC0] =	vst v5;
	v5 =	vmul.f32 v4, v8;
	v11 =	vld [tilespmem:s7+$0x30]  }
0x11b: {  	[tilespmem:s7+$0xFFFFFFD0] =	vst v3;
	v3 =	vmul.f32 v4, v9;
	v9 =	vld [tilespmem:s7+$0x40]  }
.Ltmp2:
0x11c: {  	[tilespmem:s7+$0xFFFFFFE0] =	vst v5;
	v5 =	vmul.f32 v2, v10;
	v4 =	vld [tilespmem:s7+$0x50];
	(pc) =	sbr.rel @p0 .LBB2_7-.Ltmp2, $4  }
0x11d: {  	[tilespmem:s7+$0xFFFFFFF0] =	vst v3;
	v6 =	vmul.f32 v2, v6;
	v3 =	vld [tilespmem:s7+$0x60]  }
0x11e: {  	s13 =	sadd.s32 $0x3, s9;
	v10 =	vmov s9;
	[tilespmem:s7+$0x0] =	vst v5;
	v13 =	vmul.f32 v2, v7;
	v8 =	vld [tilespmem:s7+$0x80]  }
0x11f: {  	s20 =	sadd.s32 $0x1, s9;
	v12 =	vand.u32 $0xFFFFFFFC, v10;
	v5 =	vmov s13;
	[tilespmem:s7+$0x10] =	vst v6;
	v10 =	vmul.f32 v2, v11;
	v7 =	vld [tilespmem:s7+$0x90]  }
0x120: {  	s13 =	sadd.s32 $0x2, s9;
	s9 =	sadd.s32 $0x4, s9;
	v6 =	vbroadcast v12, $0x0;
	v12 =	vmov s20;
	[tilespmem:s7+$0x20] =	vst v13;
	v11 =	vmul.f32 v2, v9;
	v9 =	vld [tilespmem:s7+$0xA0]  }
0x121: {  	v13 =	vld [tilespmem:s7+$0xB0]  }
0x122: {  	v15 =	vld [tilespmem:s7+$0xC0]  }
0x123: {  	v16 =	vld [tilespmem:s7+$0xD0]  }
0x124: {  	v17 =	vld [tilespmem:s7+$0xE0]  }
0x125: {  	v29 =	vld [tilespmem:s7+$0xF0];
	[tilespmem:s7+$0x30] =	vst v10;
	v4 =	vmul.f32 v2, v4  }
0x126: {  	v5 =	vld.idx.msk [tilespmem:v5+s22+$0x0], $0xffff;
	[tilespmem:s7+$0x40] =	vst v11;
	v2 =	vmul.f32 v2, v3  }
0x127: {  	s9 =	sadd.s32 $0x200, s7;
	v3 =	vld.idx.msk [tilespmem:v6+s22+$0x0], $0xffff;
	v8 =	vmul.f32 v1, v8;
	[tilespmem:s7+$0x50] =	vst v4  }
0x128: {  	v14 =	vmov s13;
	v34 =	vld [tilespmem:s9+$0x70];
	v30 =	vmul.f32 v1, v7;
	[tilespmem:s7+$0x60] =	vst v2  }
0x129: {  	v14 =	vand.u32 $0xFFFFFFFE, v14;
	v35 =	vld [tilespmem:s9+$0xFFFFFF00];
	[tilespmem:s7+$0x80] =	vst v8;
	v2 =	vmul.f32 v1, v9  }
0x12a: {  	v37 =	vld [tilespmem:s9+$0xFFFFFF10];
	v14 =	vbroadcast v14, $0x0;
	[tilespmem:s7+$0x90] =	vst v30;
	v33 =	vmul.f32 v1, v13  }
0x12b: {  	v38 =	vld [tilespmem:s9+$0xFFFFFF20];
	[tilespmem:s7+$0xA0] =	vst v2;
	v2 =	vmul.f32 v1, v15  }
0x12c: {  	v12 =	vand.u32 $0xFFFFFFFD, v12;
	v39 =	vld [tilespmem:s9+$0xFFFFFF30];
	v36 =	vmul.f32 v1, v16;
	[tilespmem:s7+$0xB0] =	vst v33  }
0x12d: {  	v12 =	vbroadcast v12, $0x0;
	v41 =	vld [tilespmem:s9+$0xFFFFFF50];
	[tilespmem:s8+$0xC0] =	vst v2;
	v2 =	vmul.f32 v1, v17  }
0x12e: {  	v43 =	vld [tilespmem:s9+$0xFFFFFF60];
	[tilespmem:s8+$0xD0] =	vst v36;
	v1 =	vmul.f32 v1, v29  }
0x12f: {  	v42 =	vmul.f32 v3, v37;
	[tilespmem:s8+$0xE0] =	vst v2;
	v2 =	vld [tilespmem:s9+$0xFFFFFF40]  }
0x130: {  	v32 =	vld.idx.msk [tilespmem:v14+s22+$0x0], $0xffff;
	[tilespmem:s8+$0xF0] =	vst v1;
	v1 =	vmul.f32 v3, v35  }
0x131: {  	v44 =	vld [tilespmem:s9+$0xFFFFFF70];
	v4 =	vmul.f32 v3, v39;
	[tilespmem:s9+$0xFFFFFF10] =	vst v42  }
0x132: {  	v45 =	vld [tilespmem:s9+$0xFFFFFF80];
	[tilespmem:s9+$0xFFFFFF00] =	vst v1;
	v1 =	vmul.f32 v3, v38  }
0x133: {  	v46 =	vmul.f32 v3, v41;
	v31 =	vld.idx.msk [tilespmem:v12+s22+$0x0], $0xffff;
	[tilespmem:s9+$0xFFFFFF30] =	vst v4  }
0x134: {  	[tilespmem:s9+$0xFFFFFF20] =	vst v1;
	v1 =	vmul.f32 v3, v2;
	v2 =	vld [tilespmem:s9+$0xFFFFFF90]  }
0x135: {  	v47 =	vld [tilespmem:s9+$0xFFFFFFA0];
	[tilespmem:s9+$0xFFFFFF50] =	vst v46;
	v40 =	vmul.f32 v32, v34  }
0x136: {  	v48 =	vld [tilespmem:s9+$0xFFFFFFB0];
	[tilespmem:s9+$0xFFFFFF40] =	vst v1;
	v1 =	vmul.f32 v3, v43  }
0x137: {  	v49 =	vld [tilespmem:s9+$0xFFFFFFC0];
	[tilespmem:s9+$0x70] =	vst v40;
	v3 =	vmul.f32 v3, v44  }
0x138: {  	v50 =	vld [tilespmem:s9+$0xFFFFFFD0];
	[tilespmem:s9+$0xFFFFFF60] =	vst v1;
	v1 =	vmul.f32 v31, v45  }
0x139: {  	[tilespmem:s9+$0xFFFFFF70] =	vst v3;
	v3 =	vld [tilespmem:s9+$0xFFFFFFE0];
	v2 =	vmul.f32 v31, v2  }
0x13a: {  	v51 =	vld [tilespmem:s9+$0xFFFFFFF0];
	[tilespmem:s9+$0xFFFFFF80] =	vst v1;
	v1 =	vmul.f32 v31, v47  }
0x13b: {  	v52 =	vld [tilespmem:s9+$0x0];
	[tilespmem:s9+$0xFFFFFF90] =	vst v2;
	v2 =	vmul.f32 v31, v48  }
0x13c: {  	v53 =	vld [tilespmem:s9+$0x10];
	[tilespmem:s9+$0xFFFFFFA0] =	vst v1;
	v1 =	vmul.f32 v31, v49  }
0x13d: {  	v54 =	vld [tilespmem:s9+$0x20];
	[tilespmem:s9+$0xFFFFFFB0] =	vst v2;
	v2 =	vmul.f32 v31, v50  }
0x13e: {  	[tilespmem:s9+$0xFFFFFFC0] =	vst v1;
	v1 =	vmul.f32 v31, v3;
	v3 =	vld [tilespmem:s9+$0x30]  }
0x13f: {  	v55 =	vld [tilespmem:s9+$0x40];
	[tilespmem:s9+$0xFFFFFFD0] =	vst v2;
	v2 =	vmul.f32 v31, v51  }
0x140: {  	v56 =	vld [tilespmem:s9+$0x50];
	[tilespmem:s9+$0xFFFFFFE0] =	vst v1;
	v1 =	vmul.f32 v32, v52  }
0x141: {  	v57 =	vld [tilespmem:s9+$0x60];
	[tilespmem:s9+$0xFFFFFFF0] =	vst v2;
	v2 =	vmul.f32 v32, v53  }
0x142: {  	v58 =	vld [tilespmem:s9+$0x80];
	[tilespmem:s9+$0x0] =	vst v1;
	v1 =	vmul.f32 v32, v54  }
0x143: {  	[tilespmem:s9+$0x10] =	vst v2;
	v2 =	vmul.f32 v32, v3;
	v3 =	vld [tilespmem:s9+$0x90]  }
0x144: {  	v59 =	vld [tilespmem:s9+$0xA0];
	[tilespmem:s9+$0x20] =	vst v1;
	v1 =	vmul.f32 v32, v55  }
0x145: {  	v60 =	vld [tilespmem:s9+$0xB0];
	[tilespmem:s9+$0x30] =	vst v2;
	v2 =	vmul.f32 v32, v56  }
0x146: {  	v61 =	vld [tilespmem:s9+$0xC0];
	[tilespmem:s9+$0x40] =	vst v1;
	v1 =	vmul.f32 v32, v57  }
0x147: {  	v62 =	vld [tilespmem:s9+$0xD0];
	[tilespmem:s9+$0x50] =	vst v2;
	v2 =	vmul.f32 v5, v58  }
0x148: {  	[tilespmem:s9+$0x60] =	vst v1;
	v1 =	vmul.f32 v5, v3;
	v3 =	vld [tilespmem:s9+$0xE0]  }
0x149: {  	v63 =	vld [tilespmem:s9+$0xF0];
	[tilespmem:s9+$0x80] =	vst v2;
	v2 =	vmul.f32 v5, v59  }
0x14a: {  	[tilespmem:s9+$0x90] =	vst v1;
	v1 =	vmul.f32 v5, v60  }
0x14b: {  	[tilespmem:s9+$0xA0] =	vst v2;
	v2 =	vmul.f32 v5, v61  }
0x14c: {  	p0 =	seq.s32 s1, $0x26;
	[tilespmem:s9+$0xB0] =	vst v1;
	v1 =	vmul.f32 v5, v62  }
.Ltmp3:
0x14d: {  	[tilespmem:s9+$0xC0] =	vst v2;
	v2 =	vmul.f32 v5, v3;
	(pc) =	sbr.rel @p0 .LBB2_10-.Ltmp3, $4  }
0x14e: {  	[tilespmem:s9+$0xD0] =	vst v1;
	v1 =	vmul.f32 v5, v63  }
0x14f: {  	[tilespmem:s9+$0xE0] =	vst v2  }
0x150: {  	s6 =	sadd.s32 $0x14080, s6;
	[tilespmem:s9+$0xF0] =	vst v1  }
0x151: {  	[spmem:s2] =	stream.indirect.scatter.add.f32 [tilespmem:s25], [sflag:$0x6], $0x80, s6, s19, $0xb8;
	[tilespmem:$0x1EA00] =	vst v63  }
.Ltmp4:
0x152: {  	s5 =	sadd.s32 $0x30, s5;
	(pc) =	sbr.rel .LBB2_4-.Ltmp4, $4  }
0x153: {  	s6 =	sadd.s32 s10, s5  }
0x154: {  	[tilespmem:s21], [sflag:$0x2] =	stream.linear.gather [hbm4b:s6+s3], $0x80, $0x38;
	[tilespmem:$0x1EA00] =	vst v63  }
0x155: {  	s1 =	sadd.s32 $0x1, s1;
	s5 =	sadd.s32 s11, s5  }
0x156: {  	[tilespmem:s22], [sflag:$0x2] =	stream.linear.gather [hbm4b:s5+s3], $0x80, $0x38;
	[tilespmem:$0x1EA00] =	vst v63  }
.LBB2_10:
0x157: {  	_ =	swait.ge [sflag:s31], $0x4000  }
0x158: {  	s0 =	simm.s32 $0x0;
	[sflag:s31] =	ssyncset.done $0x0  }
0x159: {  	s8 =	simm.s32 $0x2;
	v1 =	vmov s0;
	[sflag:s31] =	ssyncadd.s32 $0xFFFFC000  }
0x15a: {  	v2 =	vmov s8;
	v1 =	vand.u32 $0xFFFFFFFC, v1;
	_ =	swait.ge [sflag:s26], $0x4000  }
0x15b: {  	v2 =	vand.u32 $0xFFFFFFFE, v2;
	v1 =	vbroadcast v1, $0x0;
	[sflag:s26] =	ssyncset.done $0x0  }
0x15c: {  	s0 =	simm.s32 $0x16B00;
	v2 =	vbroadcast v2, $0x0;
	[sflag:s26] =	ssyncadd.s32 $0xFFFFC000  }
0x15d: {  	v4 =	vld [tilespmem:s0+$0x70]  }
0x15e: {  	v5 =	vld [tilespmem:s0+$0xFFFFFF00]  }
0x15f: {  	s1 =	simm.s32 $0x1;
	v6 =	vld [tilespmem:s0+$0xFFFFFF10]  }
0x160: {  	v3 =	vmov s1;
	v7 =	vld [tilespmem:s0+$0xFFFFFF20]  }
0x161: {  	v3 =	vand.u32 $0xFFFFFFFD, v3;
	v1 =	vld.idx.msk [tilespmem:v1+s18+$0x0], $0xffff  }
0x162: {  	v3 =	vbroadcast v3, $0x0;
	v2 =	vld.idx.msk [tilespmem:v2+s18+$0x0], $0xffff  }
0x163: {  	v8 =	vld [tilespmem:s0+$0xFFFFFF30]  }
0x164: {  	v9 =	vld [tilespmem:s0+$0xFFFFFF40]  }
0x165: {  	v10 =	vld [tilespmem:s0+$0xFFFFFF50]  }
0x166: {  	v11 =	vld [tilespmem:s0+$0xFFFFFF60];
	v5 =	vmul.f32 v1, v5  }
0x167: {  	v13 =	vld [tilespmem:s0+$0x40];
	v4 =	vmul.f32 v2, v4  }
0x168: {  	v3 =	vld.idx.msk [tilespmem:v3+s18+$0x0], $0xffff;
	[tilespmem:s0+$0xFFFFFF00] =	vst v5;
	v5 =	vmul.f32 v1, v6  }
0x169: {  	v6 =	vld [tilespmem:s0+$0xFFFFFF70];
	[tilespmem:s0+$0x70] =	vst v4;
	v4 =	vmul.f32 v1, v7  }
0x16a: {  	v7 =	vld [tilespmem:s0+$0xFFFFFF80];
	[tilespmem:s0+$0xFFFFFF10] =	vst v5;
	v5 =	vmul.f32 v1, v8  }
0x16b: {  	v8 =	vld [tilespmem:s0+$0xFFFFFF90];
	[tilespmem:s0+$0xFFFFFF20] =	vst v4;
	v4 =	vmul.f32 v1, v9  }
0x16c: {  	v9 =	vld [tilespmem:s0+$0xFFFFFFA0];
	[tilespmem:s0+$0xFFFFFF30] =	vst v5;
	v5 =	vmul.f32 v1, v10  }
0x16d: {  	v10 =	vld [tilespmem:s0+$0xFFFFFFB0];
	[tilespmem:s0+$0xFFFFFF40] =	vst v4;
	v4 =	vmul.f32 v1, v11  }
0x16e: {  	v11 =	vld [tilespmem:s0+$0xFFFFFFC0];
	v6 =	vmul.f32 v1, v6;
	[tilespmem:s0+$0xFFFFFF50] =	vst v5  }
0x16f: {  	v5 =	vmul.f32 v3, v7;
	v7 =	vld [tilespmem:s0+$0xFFFFFFD0];
	[tilespmem:s0+$0xFFFFFF60] =	vst v4  }
0x170: {  	s9 =	simm.s32 $0x3;
	v4 =	vld [tilespmem:s0+$0xFFFFFFE0];
	v8 =	vmul.f32 v3, v8;
	[tilespmem:s0+$0xFFFFFF70] =	vst v6  }
0x171: {  	v12 =	vmov s9;
	v6 =	vld [tilespmem:s0+$0xFFFFFFF0];
	[tilespmem:s0+$0xFFFFFF80] =	vst v5;
	v5 =	vmul.f32 v3, v9  }
0x172: {  	v9 =	vld [tilespmem:s0+$0x0];
	[tilespmem:s0+$0xFFFFFF90] =	vst v8;
	v8 =	vmul.f32 v3, v10  }
0x173: {  	v10 =	vld [tilespmem:s0+$0x10];
	[tilespmem:s0+$0xFFFFFFA0] =	vst v5;
	v5 =	vmul.f32 v3, v11  }
0x174: {  	[tilespmem:s0+$0xFFFFFFB0] =	vst v8;
	v7 =	vmul.f32 v3, v7;
	v8 =	vld [tilespmem:s0+$0x20]  }
0x175: {  	v11 =	vld [tilespmem:s0+$0x30];
	v4 =	vmul.f32 v3, v4;
	[tilespmem:s0+$0xFFFFFFC0] =	vst v5  }
0x176: {  	v1 =	vld.idx.msk [tilespmem:v12+s18+$0x0], $0xffff;
	v3 =	vmul.f32 v3, v6;
	[tilespmem:s0+$0xFFFFFFD0] =	vst v7  }
0x177: {  	[tilespmem:s0+$0xFFFFFFE0] =	vst v4;
	v5 =	vmul.f32 v2, v9;
	v4 =	vld [tilespmem:s0+$0x50]  }
0x178: {  	s13 =	simm.s32 $0x4;
	[tilespmem:s0+$0xFFFFFFF0] =	vst v3;
	v6 =	vmul.f32 v2, v10;
	v3 =	vld [tilespmem:s0+$0x60]  }
0x179: {  	s20 =	simm.s32 $0x7;
	v7 =	vmov s13;
	[tilespmem:s0+$0x0] =	vst v5;
	v9 =	vmul.f32 v2, v8;
	v8 =	vld [tilespmem:s0+$0x80]  }
0x17a: {  	s5 =	simm.s32 $0x5;
	v12 =	vand.u32 $0xFFFFFFFC, v7;
	v7 =	vld [tilespmem:s0+$0x90];
	v5 =	vmov s20;
	v10 =	vmul.f32 v2, v11;
	[tilespmem:s0+$0x10] =	vst v6  }
0x17b: {  	s6 =	simm.s32 $0x6;
	s1 =	simm.s32 $0x16B00;
	v11 =	vmul.f32 v2, v13;
	v6 =	vbroadcast v12, $0x0;
	v12 =	vmov s5;
	s5 =	simm.s32 $0x8;
	[tilespmem:s0+$0x20] =	vst v9;
	v9 =	vld [tilespmem:s0+$0xA0]  }
.LBB2_11:
0x17c: {  	p0 =	slt.u32 s5, $0x7C;
	v12 =	vand.u32 $0xFFFFFFFD, v12;
	v13 =	vmov s6;
	[tilespmem:s0+$0x30] =	vst v10;
	v4 =	vmul.f32 v2, v4;
	v10 =	vld [tilespmem:s0+$0xB0]  }
0x17d: {  	v12 =	vbroadcast v12, $0x0;
	v13 =	vand.u32 $0xFFFFFFFE, v13;
	[tilespmem:s0+$0x40] =	vst v11;
	v2 =	vmul.f32 v2, v3;
	v3 =	vld [tilespmem:s0+$0xC0]  }
0x17e: {  	v11 =	vbroadcast v13, $0x0;
	[tilespmem:s0+$0x50] =	vst v4;
	v4 =	vmul.f32 v1, v8;
	v8 =	vld [tilespmem:s0+$0xD0]  }
0x17f: {  	[tilespmem:s0+$0x60] =	vst v2;
	v2 =	vmul.f32 v1, v7;
	v7 =	vld [tilespmem:s0+$0xE0]  }
0x180: {  	[tilespmem:s0+$0x80] =	vst v4;
	v4 =	vmul.f32 v1, v9;
	v9 =	vld [tilespmem:s0+$0xF0]  }
0x181: {  	v5 =	vld.idx.msk [tilespmem:v5+s18+$0x0], $0xffff;
	[tilespmem:s0+$0x90] =	vst v2;
	v2 =	vmul.f32 v1, v10  }
0x182: {  	v6 =	vld.idx.msk [tilespmem:v6+s18+$0x0], $0xffff;
	[tilespmem:s0+$0xA0] =	vst v4;
	v3 =	vmul.f32 v1, v3  }
0x183: {  	v4 =	vld.idx.msk [tilespmem:v12+s18+$0x0], $0xffff;
	[tilespmem:s0+$0xB0] =	vst v2;
	v8 =	vmul.f32 v1, v8  }
0x184: {  	s0 =	sadd.s32 $0x200, s0;
	v2 =	vld.idx.msk [tilespmem:v11+s18+$0x0], $0xffff;
	[tilespmem:s1+$0xC0] =	vst v3;
	v3 =	vmul.f32 v1, v7  }
0x185: {  	v7 =	vld [tilespmem:s0+$0x70];
	[tilespmem:s1+$0xD0] =	vst v8;
	v9 =	vmul.f32 v1, v9  }
0x186: {  	v8 =	vld [tilespmem:s0+$0xFFFFFF00];
	[tilespmem:s1+$0xE0] =	vst v3  }
0x187: {  	v1 =	vmov v5;
	v3 =	vld [tilespmem:s0+$0xFFFFFF10];
	[tilespmem:s1+$0xF0] =	vst v9;
	s1 =	smov.u32 s0  }
0x188: {  	v5 =	vld [tilespmem:s0+$0xFFFFFF20]  }
0x189: {  	v9 =	vld [tilespmem:s0+$0xFFFFFF30]  }
0x18a: {  	v10 =	vld [tilespmem:s0+$0xFFFFFF40];
	v7 =	vmul.f32 v2, v7  }
0x18b: {  	v8 =	vmul.f32 v6, v8;
	v11 =	vld [tilespmem:s0+$0xFFFFFF50]  }
0x18c: {  	v3 =	vmul.f32 v6, v3;
	v12 =	vld [tilespmem:s0+$0xFFFFFF60];
	[tilespmem:s0+$0x70] =	vst v7  }
0x18d: {  	[tilespmem:s0+$0xFFFFFF00] =	vst v8;
	v5 =	vmul.f32 v6, v5;
	v7 =	vld [tilespmem:s0+$0xFFFFFF70]  }
0x18e: {  	[tilespmem:s0+$0xFFFFFF10] =	vst v3;
	v3 =	vmul.f32 v6, v9;
	v8 =	vld [tilespmem:s0+$0xFFFFFF80]  }
0x18f: {  	[tilespmem:s0+$0xFFFFFF20] =	vst v5;
	v5 =	vmul.f32 v6, v10;
	v9 =	vld [tilespmem:s0+$0xFFFFFF90]  }
0x190: {  	[tilespmem:s0+$0xFFFFFF30] =	vst v3;
	v3 =	vmul.f32 v6, v11;
	v10 =	vld [tilespmem:s0+$0xFFFFFFA0]  }
0x191: {  	[tilespmem:s0+$0xFFFFFF40] =	vst v5;
	v5 =	vmul.f32 v6, v12;
	v11 =	vld [tilespmem:s0+$0xFFFFFFB0]  }
0x192: {  	[tilespmem:s0+$0xFFFFFF50] =	vst v3;
	v3 =	vmul.f32 v6, v7;
	v6 =	vld [tilespmem:s0+$0xFFFFFFC0]  }
0x193: {  	[tilespmem:s0+$0xFFFFFF60] =	vst v5;
	v5 =	vmul.f32 v4, v8;
	v7 =	vld [tilespmem:s0+$0xFFFFFFD0]  }
0x194: {  	[tilespmem:s0+$0xFFFFFF70] =	vst v3;
	v3 =	vmul.f32 v4, v9;
	v8 =	vld [tilespmem:s0+$0xFFFFFFE0]  }
0x195: {  	[tilespmem:s0+$0xFFFFFF80] =	vst v5;
	v5 =	vmul.f32 v4, v10;
	v9 =	vld [tilespmem:s0+$0xFFFFFFF0]  }
0x196: {  	[tilespmem:s0+$0xFFFFFF90] =	vst v3;
	v3 =	vmul.f32 v4, v11;
	v10 =	vld [tilespmem:s0+$0x0]  }
0x197: {  	[tilespmem:s0+$0xFFFFFFA0] =	vst v5;
	v5 =	vmul.f32 v4, v6;
	v6 =	vld [tilespmem:s0+$0x10]  }
0x198: {  	[tilespmem:s0+$0xFFFFFFB0] =	vst v3;
	v3 =	vmul.f32 v4, v7;
	v7 =	vld [tilespmem:s0+$0x20]  }
0x199: {  	[tilespmem:s0+$0xFFFFFFC0] =	vst v5;
	v5 =	vmul.f32 v4, v8;
	v11 =	vld [tilespmem:s0+$0x30]  }
0x19a: {  	[tilespmem:s0+$0xFFFFFFD0] =	vst v3;
	v3 =	vmul.f32 v4, v9;
	v9 =	vld [tilespmem:s0+$0x40]  }
.Ltmp5:
0x19b: {  	[tilespmem:s0+$0xFFFFFFE0] =	vst v5;
	v5 =	vmul.f32 v2, v10;
	v4 =	vld [tilespmem:s0+$0x50];
	(pc) =	sbr.rel @p0 .LBB2_11-.Ltmp5, $4  }
0x19c: {  	[tilespmem:s0+$0xFFFFFFF0] =	vst v3;
	v6 =	vmul.f32 v2, v6;
	v3 =	vld [tilespmem:s0+$0x60]  }
0x19d: {  	s6 =	sadd.s32 $0x3, s5;
	v10 =	vmov s5;
	[tilespmem:s0+$0x0] =	vst v5;
	v13 =	vmul.f32 v2, v7;
	v8 =	vld [tilespmem:s0+$0x80]  }
0x19e: {  	s7 =	sadd.s32 $0x1, s5;
	v12 =	vand.u32 $0xFFFFFFFC, v10;
	v5 =	vmov s6;
	[tilespmem:s0+$0x10] =	vst v6;
	v10 =	vmul.f32 v2, v11;
	v7 =	vld [tilespmem:s0+$0x90]  }
0x19f: {  	s6 =	sadd.s32 $0x2, s5;
	s5 =	sadd.s32 $0x4, s5;
	v6 =	vbroadcast v12, $0x0;
	v12 =	vmov s7;
	[tilespmem:s0+$0x20] =	vst v13;
	v11 =	vmul.f32 v2, v9;
	v9 =	vld [tilespmem:s0+$0xA0]  }
0x1a0: {  	v13 =	vld [tilespmem:s0+$0xB0]  }
0x1a1: {  	v15 =	vld [tilespmem:s0+$0xC0]  }
0x1a2: {  	v16 =	vld [tilespmem:s0+$0xD0]  }
0x1a3: {  	v17 =	vld [tilespmem:s0+$0xE0]  }
0x1a4: {  	v29 =	vld [tilespmem:s0+$0xF0];
	[tilespmem:s0+$0x30] =	vst v10;
	v4 =	vmul.f32 v2, v4  }
0x1a5: {  	v5 =	vld.idx.msk [tilespmem:v5+s18+$0x0], $0xffff;
	[tilespmem:s0+$0x40] =	vst v11;
	v2 =	vmul.f32 v2, v3  }
0x1a6: {  	s5 =	sadd.s32 $0x200, s0;
	v3 =	vld.idx.msk [tilespmem:v6+s18+$0x0], $0xffff;
	v8 =	vmul.f32 v1, v8;
	[tilespmem:s0+$0x50] =	vst v4  }
0x1a7: {  	v14 =	vmov s6;
	v34 =	vld [tilespmem:s5+$0x70];
	v30 =	vmul.f32 v1, v7;
	[tilespmem:s0+$0x60] =	vst v2  }
0x1a8: {  	v14 =	vand.u32 $0xFFFFFFFE, v14;
	v35 =	vld [tilespmem:s5+$0xFFFFFF00];
	[tilespmem:s0+$0x80] =	vst v8;
	v2 =	vmul.f32 v1, v9  }
0x1a9: {  	v37 =	vld [tilespmem:s5+$0xFFFFFF10];
	v14 =	vbroadcast v14, $0x0;
	[tilespmem:s0+$0x90] =	vst v30;
	v33 =	vmul.f32 v1, v13  }
0x1aa: {  	v38 =	vld [tilespmem:s5+$0xFFFFFF20];
	[tilespmem:s0+$0xA0] =	vst v2;
	v2 =	vmul.f32 v1, v15  }
0x1ab: {  	v12 =	vand.u32 $0xFFFFFFFD, v12;
	v39 =	vld [tilespmem:s5+$0xFFFFFF30];
	v36 =	vmul.f32 v1, v16;
	[tilespmem:s0+$0xB0] =	vst v33  }
0x1ac: {  	v12 =	vbroadcast v12, $0x0;
	v41 =	vld [tilespmem:s5+$0xFFFFFF50];
	[tilespmem:s1+$0xC0] =	vst v2;
	v2 =	vmul.f32 v1, v17  }
0x1ad: {  	v43 =	vld [tilespmem:s5+$0xFFFFFF60];
	[tilespmem:s1+$0xD0] =	vst v36;
	v1 =	vmul.f32 v1, v29  }
0x1ae: {  	v42 =	vmul.f32 v3, v37;
	[tilespmem:s1+$0xE0] =	vst v2;
	v2 =	vld [tilespmem:s5+$0xFFFFFF40]  }
0x1af: {  	v32 =	vld.idx.msk [tilespmem:v14+s18+$0x0], $0xffff;
	[tilespmem:s1+$0xF0] =	vst v1;
	v1 =	vmul.f32 v3, v35  }
0x1b0: {  	v44 =	vld [tilespmem:s5+$0xFFFFFF70];
	v4 =	vmul.f32 v3, v39;
	[tilespmem:s5+$0xFFFFFF10] =	vst v42  }
0x1b1: {  	v45 =	vld [tilespmem:s5+$0xFFFFFF80];
	[tilespmem:s5+$0xFFFFFF00] =	vst v1;
	v1 =	vmul.f32 v3, v38  }
0x1b2: {  	v46 =	vmul.f32 v3, v41;
	v31 =	vld.idx.msk [tilespmem:v12+s18+$0x0], $0xffff;
	[tilespmem:s5+$0xFFFFFF30] =	vst v4  }
0x1b3: {  	[tilespmem:s5+$0xFFFFFF20] =	vst v1;
	v1 =	vmul.f32 v3, v2;
	v2 =	vld [tilespmem:s5+$0xFFFFFF90]  }
0x1b4: {  	v47 =	vld [tilespmem:s5+$0xFFFFFFA0];
	[tilespmem:s5+$0xFFFFFF50] =	vst v46;
	v40 =	vmul.f32 v32, v34  }
0x1b5: {  	v48 =	vld [tilespmem:s5+$0xFFFFFFB0];
	[tilespmem:s5+$0xFFFFFF40] =	vst v1;
	v1 =	vmul.f32 v3, v43  }
0x1b6: {  	v49 =	vld [tilespmem:s5+$0xFFFFFFC0];
	[tilespmem:s5+$0x70] =	vst v40;
	v3 =	vmul.f32 v3, v44  }
0x1b7: {  	v50 =	vld [tilespmem:s5+$0xFFFFFFD0];
	[tilespmem:s5+$0xFFFFFF60] =	vst v1;
	v1 =	vmul.f32 v31, v45  }
0x1b8: {  	[tilespmem:s5+$0xFFFFFF70] =	vst v3;
	v3 =	vld [tilespmem:s5+$0xFFFFFFE0];
	v2 =	vmul.f32 v31, v2  }
0x1b9: {  	v51 =	vld [tilespmem:s5+$0xFFFFFFF0];
	[tilespmem:s5+$0xFFFFFF80] =	vst v1;
	v1 =	vmul.f32 v31, v47  }
0x1ba: {  	v52 =	vld [tilespmem:s5+$0x0];
	[tilespmem:s5+$0xFFFFFF90] =	vst v2;
	v2 =	vmul.f32 v31, v48  }
0x1bb: {  	v53 =	vld [tilespmem:s5+$0x10];
	[tilespmem:s5+$0xFFFFFFA0] =	vst v1;
	v1 =	vmul.f32 v31, v49  }
0x1bc: {  	v54 =	vld [tilespmem:s5+$0x20];
	[tilespmem:s5+$0xFFFFFFB0] =	vst v2;
	v2 =	vmul.f32 v31, v50  }
0x1bd: {  	[tilespmem:s5+$0xFFFFFFC0] =	vst v1;
	v1 =	vmul.f32 v31, v3;
	v3 =	vld [tilespmem:s5+$0x30]  }
0x1be: {  	v55 =	vld [tilespmem:s5+$0x40];
	[tilespmem:s5+$0xFFFFFFD0] =	vst v2;
	v2 =	vmul.f32 v31, v51  }
0x1bf: {  	v56 =	vld [tilespmem:s5+$0x50];
	[tilespmem:s5+$0xFFFFFFE0] =	vst v1;
	v1 =	vmul.f32 v32, v52  }
0x1c0: {  	v57 =	vld [tilespmem:s5+$0x60];
	[tilespmem:s5+$0xFFFFFFF0] =	vst v2;
	v2 =	vmul.f32 v32, v53  }
0x1c1: {  	v58 =	vld [tilespmem:s5+$0x80];
	[tilespmem:s5+$0x0] =	vst v1;
	v1 =	vmul.f32 v32, v54  }
0x1c2: {  	[tilespmem:s5+$0x10] =	vst v2;
	v2 =	vmul.f32 v32, v3;
	v3 =	vld [tilespmem:s5+$0x90]  }
0x1c3: {  	v59 =	vld [tilespmem:s5+$0xA0];
	[tilespmem:s5+$0x20] =	vst v1;
	v1 =	vmul.f32 v32, v55  }
0x1c4: {  	v60 =	vld [tilespmem:s5+$0xB0];
	[tilespmem:s5+$0x30] =	vst v2;
	v2 =	vmul.f32 v32, v56  }
0x1c5: {  	v61 =	vld [tilespmem:s5+$0xC0];
	[tilespmem:s5+$0x40] =	vst v1;
	v1 =	vmul.f32 v32, v57  }
0x1c6: {  	v62 =	vld [tilespmem:s5+$0xD0];
	[tilespmem:s5+$0x50] =	vst v2;
	v2 =	vmul.f32 v5, v58  }
0x1c7: {  	[tilespmem:s5+$0x60] =	vst v1;
	v1 =	vmul.f32 v5, v3;
	v3 =	vld [tilespmem:s5+$0xE0]  }
0x1c8: {  	v63 =	vld [tilespmem:s5+$0xF0];
	[tilespmem:s5+$0x80] =	vst v2;
	v2 =	vmul.f32 v5, v59  }
0x1c9: {  	[tilespmem:s5+$0x90] =	vst v1;
	v1 =	vmul.f32 v5, v60  }
0x1ca: {  	[tilespmem:s5+$0xA0] =	vst v2;
	v2 =	vmul.f32 v5, v61  }
0x1cb: {  	[tilespmem:s5+$0xB0] =	vst v1;
	v1 =	vmul.f32 v5, v62  }
0x1cc: {  	[tilespmem:s5+$0xC0] =	vst v2;
	v2 =	vmul.f32 v5, v3  }
0x1cd: {  	[tilespmem:s5+$0xD0] =	vst v1;
	v1 =	vmul.f32 v5, v63  }
0x1ce: {  	[tilespmem:s5+$0xE0] =	vst v2  }
0x1cf: {  	s8 =	simm.s32 $0x16700;
	[tilespmem:s5+$0xF0] =	vst v1  }
0x1d0: {  	[spmem:s2] =	stream.indirect.scatter.add.f32 [tilespmem:s16], [sflag:$0x7], $0x80, s8, s19, $0xb8;
	[tilespmem:$0x1EA00] =	vst v63  }
0x1d1: {  	_ =	swait.ge [sflag:s15], $0x4000  }
0x1d2: {  	s9 =	stileid.u32;
	[sflag:s15] =	ssyncset.done $0x0  }
0x1d3: {  	s0 =	sshll.u32 s9, $0x6;
	[sflag:s15] =	ssyncadd.s32 $0xFFFFC000  }
0x1d4: {  	s13 =	sshrl.u32 s4, $0x3;
	s0 =	sor.u32 $0x1C07, s0;
	[bflag:$0x0] =	sbarrier.arrive $0xFFFF  }
0x1d5: {  	[hbm:s24], [sflag:s0] =	dma.local [spmem:s13], $0x2800  }
0x1d6: {  	_ =	swait.ge [sflag:s15], $0x2800  }
0x1d7: {  	s14 =	sadd.s32 $0x1, s14;
	s20 =	rddreg [dreg:$0x8]  }
0x1d8: {  	p0 =	sne.s32 s14, s20  }
.Ltmp6:
0x1d9: {  	_ = 	snop;
	(pc) =	sbr.rel @p0 .LBB2_1-.Ltmp6, $3  }
0x1da: {  	_ =	sdelay $0x1  }
0x1db: {  	[sflag:s15] =	ssyncset.done $0x0  }
0x1dc: {  	[sflag:s15] =	ssyncadd.s32 $0xFFFFD800  }
0x1dd: {  	_ =	sfence.sel $0x180000  }
0x1de: {  	[bflag:$0x0] =	sbarrier.arrive $0xFFFF  }
0x1df: {  	_ =	strace $0x9000004D  }
0x1e0: {  	s0 =	stileid.u32;
	[bflag:$0x2] =	sbarrier.arrive $0xFFFF  }
0x1e1: {  	p0 =	sne.s32 s0, $0x0;
	s0 =	rddreg [dreg:$0x2]  }
0x1e2: {  	s0 =	sadd.s32 @!p0 $0x100000, s0  }
0x1e3: {  	[sflag:s0] =	ssyncadd.tile.s32 @!p0 $0x1;
	_ =	shalt  }
.Lfunc_end2:
_tile_overlayer_lowered:
.L_overlay_start_2:
0x1e4: {  	(tag) =	ssettag $0x2  }
0x1e5: {  	s0 =	rddreg [dreg:$0x0];
	s2 =	stileid.u32  }
0x1e6: {  	s1 =	rddreg [dreg:$0x1];
	p0 =	sne.s32 s2, $0x0  }
0x1e7: {  	s3 =	rddreg [dreg:$0x2];
	[bflag:$0x3] =	sbarrier.arrive $0xFFFF;
	s2 =	simm.s32 @!p0 $0x1C07  }
0x1e8: {  	[timem:s3], [sflag:s2] =	dma.local @!p0 [hbm:s0], s1  }
0x1e9: {  	s0 =	simm.s32 @!p0 $0x7  }
0x1ea: {  	_ =	swait.ge @!p0 [sflag:s0], s1  }
0x1eb: {  	s1 =	ssub.s32 @!p0 $0x0, s1;
	[sflag:s0] =	ssyncset.done @!p0 $0x0  }
0x1ec: {  	[sflag:s0] =	ssyncadd.s32 @!p0 s1  }
0x1ed: {  	[bflag:$0x3] =	sbarrier.arrive $0xFFFF  }
0x1ee: {  	_ =	shalt  }

// kernel: kernel.20.cloned.1.call-start
scs
__scs_entry_jumppad:
0x0: {  	(pc) =	sbr.rel $0x88, $3  }
0x1: {  	(tag) =	ssettag $0x0;
	lr =	simm.s32 $0x1  }
0x2: {  	[smem:$0x3F98] =	sst lr;
	_ =	strace $0xD0000000  }
0x3: {  	_ = 	snop  }
0x4: {  	_ = 	snop  }
0x5: {  	_ = 	snop  }
0x6: {  	_ = 	snop  }
0x7: {  	_ = 	snop  }
__scs_overlays_trampoline_lowered:
0x8: {  	[smem:$0x3FA7] =	sst s0  }
0x9: {  	[smem:$0x3FA8] =	sst s1  }
0xa: {  	[smem:$0x3FA9] =	sst s2  }
0xb: {  	[smem:$0x3FAA] =	sst s3  }
0xc: {  	[smem:$0x3FAB] =	sst s4  }
0xd: {  	[smem:$0x3FAC] =	sst s5  }
0xe: {  	[smem:$0x3FAD] =	sst s6  }
0xf: {  	[smem:$0x3FAE] =	sst s7  }
0x10: {  	[smem:$0x3FAF] =	sst s8  }
0x11: {  	[smem:$0x3FB0] =	sst s9;
	s0 =	simm.s32 @!p0 $0x0  }
0x12: {  	s1 =	sld [smem:$0x3F96];
	s0 =	simm.s32 @p0 $0x1  }
0x13: {  	[smem:$0x3FB1] =	sst s0;
	s0 =	simm.s32 @!p1 $0x0  }
0x14: {  	s2 =	sld [smem:$0x3F95];
	s0 =	simm.s32 @p1 $0x1  }
0x15: {  	[smem:$0x3FB2] =	sst s0;
	s0 =	simm.s32 @!p2 $0x0  }
0x16: {  	s3 =	sld [smem:$0x3FDB];
	s0 =	simm.s32 @p2 $0x1  }
0x17: {  	s4 =	simm.s32 $0x1BF5;
	[smem:$0x3FB4] =	sst s0  }
0x18: {  	s0 =	sld [smem:$0x3F97];
	_ =	swait.ge [sflag:s4], $0x0  }
0x19: {  	s7 =	sld [smem:$0x3F98]  }
0x1a: {  	s8 =	sadd.s32 $0xFFFFE003, lr  }
0x1b: {  	s9 =	sadd.s32 $0xFFFFFEF7, lr;
	s5 =	simm.s32 $0xFFFFFFFF;
	p2 =	slt.u32 s8, $0xFFFFF086  }
0x1c: {  	p1 =	slt.u32 s9, $0xF7A;
	s5 =	simm.s32 @!p2 $0x0  }
0x1d: {  	s5 =	simm.s32 @p1 $0x1;
	p0 =	seq.s32 s7, s2  }
0x1e: {  	s7 =	smul.u32 @!p0 $0xF7A, s2;
	p2 =	seq.s32 @!p0 s5, $0x0  }
0x1f: {  	s9 =	smul.u32 $0xF7A, s1;
	s8 =	simm.s32 @!p0 $0x1BF5;
	p2 =	por !p2, p0  }
0x20: {  	[sflag:s8] =	ssyncset.s32 @!p0 $0xFFFFF086;
	s6 =	sadd.s32 @!p0 s3, s7;
	s7 =	simm.s32 @!p0 $0x108  }
0x21: {  	s3 =	sadd.s32 s3, s9;
	s6 =	sadd.s32 @!p0 $0x88, s6;
	s7 =	simm.s32 @p2 $0x1082  }
0x22: {  	[simem:s7], [sflag:s8] =	dma.local @!p0 [hbm:s6], $0xF7A  }
0x23: {  	s9 =	sor.u32 $0xD0000000, s2;
	s6 =	simm.s32 $0x108;
	_ =	swait.ge @!p0 [sflag:s8], $0x0  }
0x24: {  	s3 =	sadd.s32 $0x88, s3;
	s6 =	simm.s32 @!p1 $0x1082;
	[sflag:s4] =	ssyncset.s32 $0xFFFFF086  }
0x25: {  	[simem:s6], [sflag:s4] =	dma.local [hbm:s3], $0xF7A  }
0x26: {  	[smem:$0x3F98] =	sst s1;
	(tag) =	ssettag s2;
	_ =	strace s9  }
0x27: {  	s1 =	sld [smem:$0x3FA8]  }
0x28: {  	s2 =	sld [smem:$0x3FA9]  }
0x29: {  	s4 =	sld [smem:$0x3FAB]  }
0x2a: {  	p0 =	seq.s32 s5, $0x0;
	s5 =	sld [smem:$0x3FAC]  }
0x2b: {  	s6 =	sld [smem:$0x3FAD]  }
0x2c: {  	s7 =	sld [smem:$0x3FAE]  }
0x2d: {  	s3 =	simm.s32 $0x108;
	s8 =	sld [smem:$0x3FAF]  }
0x2e: {  	s3 =	simm.s32 @!p0 $0x1082;
	s9 =	sld [smem:$0x3FB0]  }
0x2f: {  	lr =	sadd.s32 s0, s3;
	s0 =	sld [smem:$0x3FA7]  }
0x30: {  	s3 =	sld [smem:$0x3FAA]  }
0x31: {  	[smem:$0x3FB3] =	sst s10  }
0x32: {  	s10 =	sld [smem:$0x3FB1];
	_ =	sdelay $0x3  }
0x33: {  	p0 =	seq.s32 s10, $0x1;
	s10 =	sld [smem:$0x3FB3];
	_ =	sdelay $0x3  }
0x34: {  	[smem:$0x3FB3] =	sst s10  }
0x35: {  	s10 =	sld [smem:$0x3FB2];
	_ =	sdelay $0x3  }
0x36: {  	p1 =	seq.s32 s10, $0x1;
	s10 =	sld [smem:$0x3FB3];
	_ =	sdelay $0x3  }
0x37: {  	[smem:$0x3FB3] =	sst s10  }
0x38: {  	s10 =	sld [smem:$0x3FB4]  }
0x39: {  	_ = 	snop;
	(pc) =	sbr.ind lr, $3  }
0x3a: {  	_ = 	snop  }
0x3b: {  	_ = 	snop  }
0x3c: {  	p2 =	seq.s32 s10, $0x1;
	s10 =	sld [smem:$0x3FB3]  }
0x3d: {  	_ =	shalt  }
0x3e: {  	_ =	shalt  }
0x3f: {  	_ =	shalt  }
0x40: {  	_ =	shalt  }
0x41: {  	_ =	shalt  }
0x42: {  	_ =	shalt  }
0x43: {  	_ =	shalt  }
0x44: {  	_ =	shalt  }
0x45: {  	_ =	shalt  }
0x46: {  	_ =	shalt  }
0x47: {  	_ =	shalt  }
0x48: {  	_ =	shalt  }
0x49: {  	_ =	shalt  }
0x4a: {  	_ =	shalt  }
0x4b: {  	_ =	shalt  }
0x4c: {  	_ =	shalt  }
0x4d: {  	_ =	shalt  }
0x4e: {  	_ =	shalt  }
0x4f: {  	_ =	shalt  }
0x50: {  	_ =	shalt  }
0x51: {  	_ =	shalt  }
0x52: {  	_ =	shalt  }
0x53: {  	_ =	shalt  }
0x54: {  	_ =	shalt  }
0x55: {  	_ =	shalt  }
0x56: {  	_ =	shalt  }
0x57: {  	_ =	shalt  }
0x58: {  	_ =	shalt  }
0x59: {  	_ =	shalt  }
0x5a: {  	_ =	shalt  }
0x5b: {  	_ =	shalt  }
0x5c: {  	_ =	shalt  }
0x5d: {  	_ =	shalt  }
0x5e: {  	_ =	shalt  }
0x5f: {  	_ =	shalt  }
0x60: {  	_ =	shalt  }
0x61: {  	_ =	shalt  }
0x62: {  	_ =	shalt  }
0x63: {  	_ =	shalt  }
0x64: {  	_ =	shalt  }
0x65: {  	_ =	shalt  }
0x66: {  	_ =	shalt  }
0x67: {  	_ =	shalt  }
0x68: {  	_ =	shalt  }
0x69: {  	_ =	shalt  }
0x6a: {  	_ =	shalt  }
0x6b: {  	_ =	shalt  }
0x6c: {  	_ =	shalt  }
0x6d: {  	_ =	shalt  }
0x6e: {  	_ =	shalt  }
0x6f: {  	_ =	shalt  }
0x70: {  	_ =	shalt  }
0x71: {  	_ =	shalt  }
0x72: {  	_ =	shalt  }
0x73: {  	_ =	shalt  }
0x74: {  	_ =	shalt  }
0x75: {  	_ =	shalt  }
0x76: {  	_ =	shalt  }
0x77: {  	_ =	shalt  }
0x78: {  	_ =	shalt  }
0x79: {  	_ =	shalt  }
0x7a: {  	_ =	shalt  }
0x7b: {  	_ =	shalt  }
0x7c: {  	_ =	shalt  }
0x7d: {  	_ =	shalt  }
0x7e: {  	_ =	shalt  }
0x7f: {  	_ =	shalt  }
0x80: {  	_ =	shalt  }
0x81: {  	_ =	shalt  }
0x82: {  	_ =	shalt  }
0x83: {  	_ =	shalt  }
0x84: {  	_ =	shalt  }
0x85: {  	_ =	shalt  }
0x86: {  	_ =	shalt  }
0x87: {  	_ =	shalt  }
.Lfunc_end0:
.L_simem_size_0:
called_computation.3_lowered:
.L_overlay_start_0:
0x88: {  	s2 =	sld [smem:$0x3FD9]  }
0x89: {  	s3 =	sld [smem:$0x3FFE];
	_ =	sdelay $0x1  }
0x8a: {  	s1 =	srdreg.scid  }
0x8b: {  	s0 =	sand.u32 $0x1, s1  }
0x8c: {  	s16 =	sshll.u32 s0, $0xA;
	s2 =	sadd.s32 s3, s2  }
0x8d: {  	s2 =	sadd.s32 s2, s16  }
0x8e: {  	[smem:$0x3FBF] =	sst s2  }
0x8f: {  	_ = 	snop  }
0x90: {  	(tm) =	ssettm $0x1  }
0x91: {  	s17 =	sld [smem:$0x3FFB];
	_ =	sdelay $0x3  }
0x92: {  	_ =	strace s17  }
0x93: {  	s2 =	sld [smem:$0x3FFC];
	_ =	sdelay $0x3  }
0x94: {  	_ =	strace s2  }
0x95: {  	s2 =	sld [smem:$0x3FFD];
	_ =	sdelay $0x3  }
0x96: {  	_ =	strace s2  }
0x97: {  	_ =	strace $0x8FFFFFFF  }
0x98: {  	s18 =	sld [smem:$0x3FDB];
	_ =	sdelay $0x1  }
0x99: {  	s19 =	simm.s32 $_scs_section_size  }
0x9a: {  	s4 =	simm.s32 $_size__tile_overlayer_lowered;
	s5 =	simm.s32 $_tile_overlayer_lowered  }
0x9b: {  	s22 =	simm.s32 $0x1BFF;
	s21 =	sshll.u32 s5, $0x1;
	s2 =	sadd.s32 s19, s18  }
0x9c: {  	s6 =	simm.s32 $0x0;
	s20 =	sshll.u32 s4, $0x1;
	s4 =	sadd.s32 s21, s2  }
0x9d: {  	[timem:s6], [sflag:s22] =	dma.local [hbm:s4], s20  }
0x9e: {  	_ =	swait.ge [sflag:s22], s20  }
0x9f: {  	s3 =	ssub.s32 $0x0, s20;
	[sflag:s22] =	ssyncset.done $0x0  }
0xa0: {  	[sflag:s22] =	ssyncadd.s32 s3;
	_ =	sdelay $0x1  }
0xa1: {  	s23 =	simm.s32 $0x1B8B  }
0xa2: {  	_ =	swait.ge [sflag:s23], $0x1  }
0xa3: {  	[sflag:s23] =	ssyncset.done $0x0  }
0xa4: {  	s25 =	simm.s32 $0x1B8E;
	s24 =	sld [smem:$0x3FFE];
	[sflag:s23] =	ssyncadd.s32 $0xFFFFFFFF  }
0xa5: {  	s26 =	simm.s32 $execute0_lowered;
	[smem:$0x3FD2] =	sst s25  }
0xa6: {  	s4 =	sshll.u32 s26, $0x1;
	_ =	strace $0x8000004F;
	[dreg:$0x1] =	wrdreg $0xFFFFFFFF  }
0xa7: {  	s28 =	simm.s32 $_size_execute0_lowered;
	s2 =	sadd.s32 s2, s4;
	[dreg:$0x0] =	wrdreg $0x0  }
0xa8: {  	s4 =	sshll.u32 s28, $0x1;
	[dreg:$0x2] =	wrdreg s2  }
0xa9: {  	[dreg:$0x3] =	wrdreg s4  }
0xaa: {  	[dreg:$0x4] =	wrdreg $0xC0  }
0xab: {  	_ =	task [dreg:s6], $0x5FFFF  }
0xac: {  	[dreg:$0x1] =	wrdreg $0xFFFFFFFF  }
0xad: {  	[dreg:$0x0] =	wrdreg $0x60  }
0xae: {  	[dreg:$0x2] =	wrdreg s24  }
0xaf: {  	[dreg:$0x3] =	wrdreg $0x0  }
0xb0: {  	[dreg:$0x4] =	wrdreg $0x9  }
0xb1: {  	_ =	task.clear_ibuf [dreg:s6], $0x5FFFF;
	_ =	strace $0x9000004F  }
0xb2: {  	s29 =	simm.s32 $0x9;
	_ =	strace $0x80000051  }
0xb3: {  	_ =	swait.ge [sflag:s29], $0x1  }
0xb4: {  	[sflag:s29] =	ssyncadd.s32 $0xFFFFFFFF  }
0xb5: {  	_ =	strace $0x90000051  }
0xb6: {  	_ =	sfence  }
0xb7: {  	s30 =	sld [smem:$0x0];
	_ =	sdelay $0x2  }
0xb8: {  	s31 =	sshll.u32 s1, $0xD;
	s1 =	sshrl.u32 s1, $0x2  }
0xb9: {  	s3 =	sand.u32 $0x4000, s31;
	s1 =	sadd.s32 s1, s30  }
0xba: {  	s0 =	sor.u32 s3, s0;
	s1 =	sshll.u32 s1, $0x11  }
0xbb: {  	s0 =	sor.u32 s1, s0  }
0xbc: {  	s0 =	sadd.s32 $0x8F2B, s0  }
0xbd: {  	[sflag:s0] =	ssyncadd.remote.s32 $0x1  }
0xbe: {  	_ =	sfence.sel $0xFFFF  }
0xbf: {  	[dreg:$0x0] =	wrdreg $0xFFFFFFFF;
	(pc) =	sbr.abs _section_cstart, $3  }
0xc0: {  	[dreg:$0x1] =	wrdreg $0xFFFFFFFF  }
0xc1: {  	_ =	task.clear_ibuf [dreg:s6], $0x2FFFF;
	_ =	strace $0x9FFFFFFF  }
0xc2: {  	(tm) =	ssettm $0x7FFFFFFF  }
0xc3: {  	_ =	shalt  }
tec
execute0_lowered:
.L_overlay_start_1:
0x0: {  	(tag) =	ssettag $0x1  }
0x1: {  	s0 =	rddreg [dreg:$0x0]  }
0x2: {  	s2 =	rddreg [dreg:$0x1];
	s1 =	srdreg.scid  }
0x3: {  	s9 =	stileid.u32;
	s3 =	simm.s32 $0x0;
	s15 =	simm.s32 $0x7  }
0x4: {  	s16 =	simm.s32 $0x16A00;
	s17 =	simm.s32 $0x16800;
	s18 =	simm.s32 $0x16880  }
0x5: {  	s28 =	simm.s32 $0x1;
	s29 =	simm.s32 $0x5;
	s30 =	simm.s32 $0x4  }
0x6: {  	s31 =	simm.s32 $0x6;
	s14 =	simm.s32 $0x0;
	s6 =	smul.u32 $0x50000, s9  }
0x7: {  	s1 =	sand.u32 $0x1, s1;
	s4 =	sshll.u32 s9, $0x1;
	s25 =	smul.u32 $0x2800, s9  }
0x8: {  	[smem:$0x7FF] =	sst s3;
	s5 =	smul.u32 $0x27100, s1;
	s4 =	sor.u32 s1, s4  }
0x9: {  	_ =	strace $0x80000050;
	s7 =	smul.u32 $0x28000, s1;
	s1 =	ssub.s32 $0x2, s1  }
0xa: {  	s4 =	smul.u32 $0x500, s4;
	s19 =	sshrl.u32 s1, $0x1;
	s6 =	sshrl.u32 s6, $0x2  }
0xb: {  	s5 =	sadd.s32 s5, s0;
	s1 =	ssub.s32 s1, s19;
	s19 =	simm.s32 $0x80  }
0xc: {  	s8 =	sadd.s32 s4, s0;
	s0 =	sadd.s32 s7, s0;
	s1 =	smax.u32 s1, $0x1  }
0xd: {  	s4 =	sadd.s32 s6, s2;
	s20 =	sadd.s32 $0x3000, s8;
	[dreg:$0x8] =	wrdreg s1  }
0xe: {  	s12 =	sadd.s32 $0xD000, s5;
	s21 =	sadd.s32 $0x4000, s4;
	[dreg:$0x3] =	wrdreg s20  }
0xf: {  	s22 =	sadd.s32 $0x8000, s4;
	s23 =	sadd.s32 $0xC000, s4;
	[dreg:$0x4] =	wrdreg s21  }
0x10: {  	s24 =	sadd.s32 $0x10000, s4;
	s10 =	sadd.s32 $0x67000, s8;
	[dreg:$0x5] =	wrdreg s22  }
0x11: {  	s11 =	sadd.s32 $0x5D000, s8;
	s0 =	sadd.s32 $0x71000, s0;
	[dreg:$0x6] =	wrdreg s23  }
0x12: {  	[dreg:$0x7] =	wrdreg s24;
	s26 =	sadd.s32 $0x10, s10;
	s21 =	simm.s32 $0x16900  }
0x13: {  	s22 =	simm.s32 $0x16980;
	s23 =	simm.s32 $0x2;
	s24 =	sadd.s32 s25, s0  }
0x14: {  	v0 =	vimm.f32 $0.0e+00;
	s25 =	simm.s32 $0x1AA00;
	[dreg:$0x9] =	wrdreg s26;
	s26 =	simm.s32 $0x3  }
.LBB2_1:
0x15: {  	s0 =	rddreg [dreg:$0x3];
	s1 =	simm.s32 $0x14000  }
0x16: {  	[tilespmem:s1], [sflag:$0x7] =	stream.linear.gather [hbm4b:s0+s3], $0x2780, $0x38;
	[tilespmem:$0x1EA00] =	vst v63  }
0x17: {  	_ =	swait.ge [sflag:s15], $0x2780  }
0x18: {  	[sflag:s15] =	ssyncset.done $0x0  }
0x19: {  	s0 =	simm.s32 $0x0;
	s1 =	simm.s32 $0x200;
	[sflag:s15] =	ssyncadd.s32 $0xFFFFD880  }
.LBB2_2:
0x1a: {  	p0 =	sne.s32 s1, $0xFE00;
	[tilespmem:s0+$0x16A70] =	vst v0  }
0x1b: {  	[tilespmem:s0+$0x16A00] =	vst v0  }
0x1c: {  	[tilespmem:s0+$0x16A10] =	vst v0  }
.Ltmp0:
0x1d: {  	[tilespmem:s0+$0x16A20] =	vst v0;
	(pc) =	sbr.rel @p0 .LBB2_2-.Ltmp0, $4  }
0x1e: {  	[tilespmem:s0+$0x16A30] =	vst v0  }
0x1f: {  	[tilespmem:s0+$0x16A40] =	vst v0  }
0x20: {  	[tilespmem:s0+$0x16A50] =	vst v0  }
0x21: {  	[tilespmem:s0+$0x16A60] =	vst v0;
	s0 =	sshra.s32 s1, $0x2;
	s1 =	sadd.s32 $0x200, s1  }
0x22: {  	[tilespmem:s0+$0x16A70] =	vst v0  }
0x23: {  	[tilespmem:s0+$0x16A00] =	vst v0  }
0x24: {  	[tilespmem:s0+$0x16A10] =	vst v0  }
0x25: {  	[tilespmem:s0+$0x16A20] =	vst v0  }
0x26: {  	[tilespmem:s0+$0x16A30] =	vst v0  }
0x27: {  	[tilespmem:s0+$0x16A40] =	vst v0  }
0x28: {  	[tilespmem:s0+$0x16A50] =	vst v0  }
0x29: {  	[tilespmem:s0+$0x16A60] =	vst v0  }
0x2a: {  	[spmem:s4] =	stream.linear.scatter [tilespmem:s16], [sflag:$0x7], $0x4000, $0x38;
	[tilespmem:$0x1EA00] =	vst v63  }
0x2b: {  	_ =	swait.ge [sflag:s15], $0x4000  }
0x2c: {  	[sflag:s15] =	ssyncset.done $0x0  }
0x2d: {  	s7 =	rddreg [dreg:$0x4];
	[sflag:s15] =	ssyncadd.s32 $0xFFFFC000  }
0x2e: {  	[spmem:s7] =	stream.linear.scatter [tilespmem:s16], [sflag:$0x7], $0x4000, $0x38;
	[tilespmem:$0x1EA00] =	vst v63  }
0x2f: {  	_ =	swait.ge [sflag:s15], $0x4000  }
0x30: {  	[sflag:s15] =	ssyncset.done $0x0  }
0x31: {  	s8 =	rddreg [dreg:$0x5];
	[sflag:s15] =	ssyncadd.s32 $0xFFFFC000  }
0x32: {  	[spmem:s8] =	stream.linear.scatter [tilespmem:s16], [sflag:$0x7], $0x4000, $0x38;
	[tilespmem:$0x1EA00] =	vst v63  }
0x33: {  	_ =	swait.ge [sflag:s15], $0x4000  }
0x34: {  	[sflag:s15] =	ssyncset.done $0x0  }
0x35: {  	s9 =	rddreg [dreg:$0x6];
	[sflag:s15] =	ssyncadd.s32 $0xFFFFC000  }
0x36: {  	[spmem:s9] =	stream.linear.scatter [tilespmem:s16], [sflag:$0x7], $0x4000, $0x38;
	[tilespmem:$0x1EA00] =	vst v63  }
0x37: {  	_ =	swait.ge [sflag:s15], $0x4000  }
0x38: {  	[sflag:s15] =	ssyncset.done $0x0  }
0x39: {  	s13 =	rddreg [dreg:$0x7];
	[sflag:s15] =	ssyncadd.s32 $0xFFFFC000  }
0x3a: {  	[spmem:s13] =	stream.linear.scatter [tilespmem:s16], [sflag:$0x7], $0x4000, $0x38;
	[tilespmem:$0x1EA00] =	vst v63  }
0x3b: {  	_ =	swait.ge [sflag:s15], $0x4000  }
0x3c: {  	[sflag:s15] =	ssyncset.done $0x0  }
0x3d: {  	[sflag:s15] =	ssyncadd.s32 $0xFFFFC000  }
0x3e: {  	s0 =	simm.s32 $0x0;
	[bflag:$0x0] =	sbarrier.arrive $0xFFFF  }
0x3f: {  	[tilespmem:s17], [sflag:$0x7] =	stream.linear.gather [hbm4b:s10+s0], $0x80, $0x38;
	[tilespmem:$0x1EA00] =	vst v63  }
0x40: {  	_ =	swait.ge [sflag:s15], $0x80  }
0x41: {  	[sflag:s15] =	ssyncset.done $0x0  }
0x42: {  	[sflag:s15] =	ssyncadd.s32 $0xFFFFFF80  }
0x43: {  	[tilespmem:s18], [sflag:$0x7] =	stream.linear.gather [hbm4b:s11+s0], $0x80, $0x38;
	[tilespmem:$0x1EA00] =	vst v63  }
0x44: {  	_ =	swait.ge [sflag:s15], $0x80  }
0x45: {  	[sflag:s15] =	ssyncset.done $0x0  }
0x46: {  	[sflag:s15] =	ssyncadd.s32 $0xFFFFFF80  }
0x47: {  	[tilespmem:s16], [sflag:$0x3] =	stream.indirect.gather [hbm4b:s12+s19], $0x80, s17, s19, $0xb8;
	[tilespmem:$0x1EA00] =	vst v63  }
0x48: {  	s1 =	rddreg [dreg:$0x9]  }
0x49: {  	[tilespmem:s21], [sflag:$0x2] =	stream.linear.gather [hbm4b:s1+s0], $0x80, $0x38;
	[tilespmem:$0x1EA00] =	vst v63  }
0x4a: {  	s20 =	sadd.s32 $0x10, s11;
	s1 =	simm.s32 $0x0  }
0x4b: {  	[tilespmem:s22], [sflag:$0x2] =	stream.linear.gather [hbm4b:s20+s0], $0x80, $0x38;
	[tilespmem:$0x1EA00] =	vst v63  }
.LBB2_4:
0x4c: {  	_ =	swait.ge [sflag:s23], $0x80  }
0x4d: {  	[sflag:s23] =	ssyncset.done $0x0  }
0x4e: {  	[sflag:s23] =	ssyncadd.s32 $0xFFFFFF80  }
0x4f: {  	_ =	swait.ge [sflag:s23], $0x80  }
0x50: {  	p0 =	seq.s32 s1, $0x0;
	[sflag:s23] =	ssyncset.done $0x0  }
0x51: {  	v1 =	vmov s0;
	s6 =	simm.s32 $0x2;
	s5 =	simm.s32 @!p0 $0x6;
	[sflag:s23] =	ssyncadd.s32 $0xFFFFFF80  }
0x52: {  	v1 =	vand.u32 $0xFFFFFFFC, v1;
	v2 =	vmov s6;
	_ =	swait.ge @!p0 [sflag:s5], $0x4000  }
0x53: {  	v1 =	vbroadcast v1, $0x0;
	v2 =	vand.u32 $0xFFFFFFFE, v2;
	[sflag:s5] =	ssyncset.done @!p0 $0x0  }
0x54: {  	v2 =	vbroadcast v2, $0x0;
	[sflag:s5] =	ssyncadd.s32 @!p0 $0xFFFFC000  }
0x55: {  	[tilespmem:s25], [sflag:$0x4] =	stream.indirect.gather [hbm4b:s12+s19], $0x80, s21, s19, $0xb8;
	[tilespmem:$0x1EA00] =	vst v63  }
0x56: {  	_ =	swait.ge [sflag:s26], $0x4000  }
0x57: {  	[sflag:s26] =	ssyncset.done $0x0  }
0x58: {  	[sflag:s26] =	ssyncadd.s32 $0xFFFFC000  }
0x59: {  	v1 =	vld.idx.msk [tilespmem:v1+s18+$0x0], $0xffff  }
0x5a: {  	s9 =	simm.s32 $0x1;
	s6 =	simm.s32 $0x16B00;
	v2 =	vld.idx.msk [tilespmem:v2+s18+$0x0], $0xffff  }
0x5b: {  	v3 =	vmov s9;
	v4 =	vld [tilespmem:s6+$0x70]  }
0x5c: {  	v3 =	vand.u32 $0xFFFFFFFD, v3;
	v5 =	vld [tilespmem:s6+$0xFFFFFF00]  }
0x5d: {  	v3 =	vbroadcast v3, $0x0;
	v6 =	vld [tilespmem:s6+$0xFFFFFF10]  }
0x5e: {  	v7 =	vld [tilespmem:s6+$0xFFFFFF20]  }
0x5f: {  	v8 =	vld [tilespmem:s6+$0xFFFFFF30]  }
0x60: {  	v9 =	vld [tilespmem:s6+$0xFFFFFF40]  }
0x61: {  	v10 =	vld [tilespmem:s6+$0xFFFFFF50]  }
0x62: {  	v11 =	vld [tilespmem:s6+$0xFFFFFF60];
	v5 =	vmul.f32 v1, v5  }
0x63: {  	v3 =	vld.idx.msk [tilespmem:v3+s18+$0x0], $0xffff;
	v4 =	vmul.f32 v2, v4  }
0x64: {  	v13 =	vld [tilespmem:s6+$0x40];
	[tilespmem:s6+$0xFFFFFF00] =	vst v5;
	v5 =	vmul.f32 v1, v6  }
0x65: {  	v6 =	vld [tilespmem:s6+$0xFFFFFF70];
	[tilespmem:s6+$0x70] =	vst v4;
	v4 =	vmul.f32 v1, v7  }
0x66: {  	v7 =	vld [tilespmem:s6+$0xFFFFFF80];
	[tilespmem:s6+$0xFFFFFF10] =	vst v5;
	v5 =	vmul.f32 v1, v8  }
0x67: {  	v8 =	vld [tilespmem:s6+$0xFFFFFF90];
	[tilespmem:s6+$0xFFFFFF20] =	vst v4;
	v4 =	vmul.f32 v1, v9  }
0x68: {  	v9 =	vld [tilespmem:s6+$0xFFFFFFA0];
	[tilespmem:s6+$0xFFFFFF30] =	vst v5;
	v5 =	vmul.f32 v1, v10  }
0x69: {  	v10 =	vld [tilespmem:s6+$0xFFFFFFB0];
	[tilespmem:s6+$0xFFFFFF40] =	vst v4;
	v4 =	vmul.f32 v1, v11  }
0x6a: {  	v11 =	vld [tilespmem:s6+$0xFFFFFFC0];
	v6 =	vmul.f32 v1, v6;
	[tilespmem:s6+$0xFFFFFF50] =	vst v5  }
0x6b: {  	v5 =	vmul.f32 v3, v7;
	v7 =	vld [tilespmem:s6+$0xFFFFFFD0];
	[tilespmem:s6+$0xFFFFFF60] =	vst v4  }
0x6c: {  	s13 =	simm.s32 $0x3;
	v4 =	vld [tilespmem:s6+$0xFFFFFFE0];
	v8 =	vmul.f32 v3, v8;
	[tilespmem:s6+$0xFFFFFF70] =	vst v6  }
0x6d: {  	v12 =	vmov s13;
	v6 =	vld [tilespmem:s6+$0xFFFFFFF0];
	[tilespmem:s6+$0xFFFFFF80] =	vst v5;
	v5 =	vmul.f32 v3, v9  }
0x6e: {  	v9 =	vld [tilespmem:s6+$0x0];
	[tilespmem:s6+$0xFFFFFF90] =	vst v8;
	v8 =	vmul.f32 v3, v10  }
0x6f: {  	v10 =	vld [tilespmem:s6+$0x10];
	[tilespmem:s6+$0xFFFFFFA0] =	vst v5;
	v5 =	vmul.f32 v3, v11  }
0x70: {  	[tilespmem:s6+$0xFFFFFFB0] =	vst v8;
	v7 =	vmul.f32 v3, v7;
	v8 =	vld [tilespmem:s6+$0x20]  }
0x71: {  	v11 =	vld [tilespmem:s6+$0x30];
	v4 =	vmul.f32 v3, v4;
	[tilespmem:s6+$0xFFFFFFC0] =	vst v5  }
0x72: {  	v1 =	vld.idx.msk [tilespmem:v12+s18+$0x0], $0xffff;
	v3 =	vmul.f32 v3, v6;
	[tilespmem:s6+$0xFFFFFFD0] =	vst v7  }
0x73: {  	[tilespmem:s6+$0xFFFFFFE0] =	vst v4;
	v5 =	vmul.f32 v2, v9;
	v4 =	vld [tilespmem:s6+$0x50]  }
0x74: {  	s20 =	simm.s32 $0x4;
	[tilespmem:s6+$0xFFFFFFF0] =	vst v3;
	v6 =	vmul.f32 v2, v10;
	v3 =	vld [tilespmem:s6+$0x60]  }
0x75: {  	s7 =	simm.s32 $0x7;
	v7 =	vmov s20;
	[tilespmem:s6+$0x0] =	vst v5;
	v9 =	vmul.f32 v2, v8;
	v8 =	vld [tilespmem:s6+$0x80]  }
0x76: {  	s8 =	simm.s32 $0x5;
	s9 =	simm.s32 $0x6;
	v12 =	vand.u32 $0xFFFFFFFC, v7;
	v7 =	vld [tilespmem:s6+$0x90];
	v5 =	vmov s7;
	v10 =	vmul.f32 v2, v11;
	[tilespmem:s6+$0x10] =	vst v6  }
0x77: {  	s5 =	sshll.u32 s1, $0x5;
	v11 =	vmul.f32 v2, v13;
	s7 =	simm.s32 $0x16B00;
	v6 =	vbroadcast v12, $0x0;
	v12 =	vmov s8;
	s8 =	simm.s32 $0x8;
	[tilespmem:s6+$0x20] =	vst v9;
	v9 =	vld [tilespmem:s6+$0xA0]  }
.LBB2_5:
0x78: {  	p0 =	slt.u32 s8, $0x7C;
	v12 =	vand.u32 $0xFFFFFFFD, v12;
	v13 =	vmov s9;
	[tilespmem:s6+$0x30] =	vst v10;
	v4 =	vmul.f32 v2, v4;
	v10 =	vld [tilespmem:s6+$0xB0]  }
0x79: {  	v12 =	vbroadcast v12, $0x0;
	v13 =	vand.u32 $0xFFFFFFFE, v13;
	[tilespmem:s6+$0x40] =	vst v11;
	v2 =	vmul.f32 v2, v3;
	v3 =	vld [tilespmem:s6+$0xC0]  }
0x7a: {  	v11 =	vbroadcast v13, $0x0;
	[tilespmem:s6+$0x50] =	vst v4;
	v4 =	vmul.f32 v1, v8;
	v8 =	vld [tilespmem:s6+$0xD0]  }
0x7b: {  	[tilespmem:s6+$0x60] =	vst v2;
	v2 =	vmul.f32 v1, v7;
	v7 =	vld [tilespmem:s6+$0xE0]  }
0x7c: {  	[tilespmem:s6+$0x80] =	vst v4;
	v4 =	vmul.f32 v1, v9;
	v9 =	vld [tilespmem:s6+$0xF0]  }
0x7d: {  	v5 =	vld.idx.msk [tilespmem:v5+s18+$0x0], $0xffff;
	[tilespmem:s6+$0x90] =	vst v2;
	v2 =	vmul.f32 v1, v10  }
0x7e: {  	v6 =	vld.idx.msk [tilespmem:v6+s18+$0x0], $0xffff;
	[tilespmem:s6+$0xA0] =	vst v4;
	v3 =	vmul.f32 v1, v3  }
0x7f: {  	v4 =	vld.idx.msk [tilespmem:v12+s18+$0x0], $0xffff;
	[tilespmem:s6+$0xB0] =	vst v2;
	v8 =	vmul.f32 v1, v8  }
0x80: {  	s6 =	sadd.s32 $0x200, s6;
	v2 =	vld.idx.msk [tilespmem:v11+s18+$0x0], $0xffff;
	[tilespmem:s7+$0xC0] =	vst v3;
	v3 =	vmul.f32 v1, v7  }
0x81: {  	v7 =	vld [tilespmem:s6+$0x70];
	[tilespmem:s7+$0xD0] =	vst v8;
	v9 =	vmul.f32 v1, v9  }
0x82: {  	v8 =	vld [tilespmem:s6+$0xFFFFFF00];
	[tilespmem:s7+$0xE0] =	vst v3  }
0x83: {  	v1 =	vmov v5;
	v3 =	vld [tilespmem:s6+$0xFFFFFF10];
	[tilespmem:s7+$0xF0] =	vst v9;
	s7 =	smov.u32 s6  }
0x84: {  	v5 =	vld [tilespmem:s6+$0xFFFFFF20]  }
0x85: {  	v9 =	vld [tilespmem:s6+$0xFFFFFF30]  }
0x86: {  	v10 =	vld [tilespmem:s6+$0xFFFFFF40];
	v7 =	vmul.f32 v2, v7  }
0x87: {  	v8 =	vmul.f32 v6, v8;
	v11 =	vld [tilespmem:s6+$0xFFFFFF50]  }
0x88: {  	v3 =	vmul.f32 v6, v3;
	v12 =	vld [tilespmem:s6+$0xFFFFFF60];
	[tilespmem:s6+$0x70] =	vst v7  }
0x89: {  	[tilespmem:s6+$0xFFFFFF00] =	vst v8;
	v5 =	vmul.f32 v6, v5;
	v7 =	vld [tilespmem:s6+$0xFFFFFF70]  }
0x8a: {  	[tilespmem:s6+$0xFFFFFF10] =	vst v3;
	v3 =	vmul.f32 v6, v9;
	v8 =	vld [tilespmem:s6+$0xFFFFFF80]  }
0x8b: {  	[tilespmem:s6+$0xFFFFFF20] =	vst v5;
	v5 =	vmul.f32 v6, v10;
	v9 =	vld [tilespmem:s6+$0xFFFFFF90]  }
0x8c: {  	[tilespmem:s6+$0xFFFFFF30] =	vst v3;
	v3 =	vmul.f32 v6, v11;
	v10 =	vld [tilespmem:s6+$0xFFFFFFA0]  }
0x8d: {  	[tilespmem:s6+$0xFFFFFF40] =	vst v5;
	v5 =	vmul.f32 v6, v12;
	v11 =	vld [tilespmem:s6+$0xFFFFFFB0]  }
0x8e: {  	[tilespmem:s6+$0xFFFFFF50] =	vst v3;
	v3 =	vmul.f32 v6, v7;
	v6 =	vld [tilespmem:s6+$0xFFFFFFC0]  }
0x8f: {  	[tilespmem:s6+$0xFFFFFF60] =	vst v5;
	v5 =	vmul.f32 v4, v8;
	v7 =	vld [tilespmem:s6+$0xFFFFFFD0]  }
0x90: {  	[tilespmem:s6+$0xFFFFFF70] =	vst v3;
	v3 =	vmul.f32 v4, v9;
	v8 =	vld [tilespmem:s6+$0xFFFFFFE0]  }
0x91: {  	[tilespmem:s6+$0xFFFFFF80] =	vst v5;
	v5 =	vmul.f32 v4, v10;
	v9 =	vld [tilespmem:s6+$0xFFFFFFF0]  }
0x92: {  	[tilespmem:s6+$0xFFFFFF90] =	vst v3;
	v3 =	vmul.f32 v4, v11;
	v10 =	vld [tilespmem:s6+$0x0]  }
0x93: {  	[tilespmem:s6+$0xFFFFFFA0] =	vst v5;
	v5 =	vmul.f32 v4, v6;
	v6 =	vld [tilespmem:s6+$0x10]  }
0x94: {  	[tilespmem:s6+$0xFFFFFFB0] =	vst v3;
	v3 =	vmul.f32 v4, v7;
	v7 =	vld [tilespmem:s6+$0x20]  }
0x95: {  	[tilespmem:s6+$0xFFFFFFC0] =	vst v5;
	v5 =	vmul.f32 v4, v8;
	v11 =	vld [tilespmem:s6+$0x30]  }
0x96: {  	[tilespmem:s6+$0xFFFFFFD0] =	vst v3;
	v3 =	vmul.f32 v4, v9;
	v9 =	vld [tilespmem:s6+$0x40]  }
.Ltmp1:
0x97: {  	[tilespmem:s6+$0xFFFFFFE0] =	vst v5;
	v5 =	vmul.f32 v2, v10;
	v4 =	vld [tilespmem:s6+$0x50];
	(pc) =	sbr.rel @p0 .LBB2_5-.Ltmp1, $4  }
0x98: {  	[tilespmem:s6+$0xFFFFFFF0] =	vst v3;
	v6 =	vmul.f32 v2, v6;
	v3 =	vld [tilespmem:s6+$0x60]  }
0x99: {  	s9 =	sadd.s32 $0x3, s8;
	v10 =	vmov s8;
	[tilespmem:s6+$0x0] =	vst v5;
	v13 =	vmul.f32 v2, v7;
	v8 =	vld [tilespmem:s6+$0x80]  }
0x9a: {  	s13 =	sadd.s32 $0x1, s8;
	v12 =	vand.u32 $0xFFFFFFFC, v10;
	v5 =	vmov s9;
	[tilespmem:s6+$0x10] =	vst v6;
	v10 =	vmul.f32 v2, v11;
	v7 =	vld [tilespmem:s6+$0x90]  }
0x9b: {  	s9 =	sadd.s32 $0x2, s8;
	s8 =	sadd.s32 $0x4, s8;
	v6 =	vbroadcast v12, $0x0;
	v12 =	vmov s13;
	[tilespmem:s6+$0x20] =	vst v13;
	v11 =	vmul.f32 v2, v9;
	v9 =	vld [tilespmem:s6+$0xA0]  }
0x9c: {  	v13 =	vld [tilespmem:s6+$0xB0]  }
0x9d: {  	v15 =	vld [tilespmem:s6+$0xC0]  }
0x9e: {  	v14 =	vmov s9;
	v16 =	vld [tilespmem:s6+$0xD0]  }
0x9f: {  	v17 =	vld [tilespmem:s6+$0xE0];
	[tilespmem:s6+$0x30] =	vst v10;
	v4 =	vmul.f32 v2, v4;
	v14 =	vand.u32 $0xFFFFFFFE, v14  }
0xa0: {  	v12 =	vand.u32 $0xFFFFFFFD, v12;
	v5 =	vld.idx.msk [tilespmem:v5+s18+$0x0], $0xffff;
	[tilespmem:s6+$0x40] =	vst v11;
	v2 =	vmul.f32 v2, v3;
	v14 =	vbroadcast v14, $0x0  }
0xa1: {  	s8 =	sadd.s32 $0x200, s6;
	v12 =	vbroadcast v12, $0x0;
	v3 =	vld.idx.msk [tilespmem:v6+s18+$0x0], $0xffff;
	v8 =	vmul.f32 v1, v8;
	[tilespmem:s6+$0x50] =	vst v4  }
0xa2: {  	v10 =	vld [tilespmem:s8+$0xFFFFFF00];
	v4 =	vmul.f32 v1, v7;
	[tilespmem:s6+$0x60] =	vst v2  }
0xa3: {  	[tilespmem:s6+$0x80] =	vst v8;
	v8 =	vld [tilespmem:s6+$0xF0];
	v2 =	vmul.f32 v1, v9  }
0xa4: {  	v11 =	vld [tilespmem:s8+$0xFFFFFF10];
	[tilespmem:s6+$0x90] =	vst v4;
	v4 =	vmul.f32 v1, v13  }
0xa5: {  	v9 =	vld [tilespmem:s8+$0x70];
	[tilespmem:s6+$0xA0] =	vst v2;
	v2 =	vmul.f32 v1, v15  }
0xa6: {  	[tilespmem:s6+$0xB0] =	vst v4;
	v4 =	vmul.f32 v1, v16;
	v7 =	vld.idx.msk [tilespmem:v14+s18+$0x0], $0xffff  }
0xa7: {  	v6 =	vld.idx.msk [tilespmem:v12+s18+$0x0], $0xffff;
	[tilespmem:s7+$0xC0] =	vst v2;
	v2 =	vmul.f32 v1, v17  }
0xa8: {  	v12 =	vld [tilespmem:s8+$0xFFFFFF20];
	[tilespmem:s7+$0xD0] =	vst v4;
	v1 =	vmul.f32 v1, v8  }
0xa9: {  	v4 =	vld [tilespmem:s8+$0xFFFFFF30];
	[tilespmem:s7+$0xE0] =	vst v2  }
0xaa: {  	v2 =	vld [tilespmem:s8+$0xFFFFFF40];
	[tilespmem:s7+$0xF0] =	vst v1;
	v1 =	vmul.f32 v3, v10  }
0xab: {  	v8 =	vmul.f32 v7, v9;
	v9 =	vld [tilespmem:s8+$0xFFFFFF50]  }
0xac: {  	v10 =	vmul.f32 v3, v11;
	v11 =	vld [tilespmem:s8+$0xFFFFFF60];
	[tilespmem:s8+$0xFFFFFF00] =	vst v1  }
0xad: {  	v1 =	vmul.f32 v3, v12;
	[tilespmem:s8+$0x70] =	vst v8;
	v8 =	vld [tilespmem:s8+$0xFFFFFF70]  }
0xae: {  	[tilespmem:s8+$0xFFFFFF10] =	vst v10;
	v10 =	vld [tilespmem:s8+$0xFFFFFF80];
	v4 =	vmul.f32 v3, v4  }
0xaf: {  	[tilespmem:s8+$0xFFFFFF20] =	vst v1;
	v1 =	vmul.f32 v3, v2;
	v2 =	vld [tilespmem:s8+$0xFFFFFF90]  }
0xb0: {  	[tilespmem:s8+$0xFFFFFF30] =	vst v4;
	v4 =	vmul.f32 v3, v9;
	v9 =	vld [tilespmem:s8+$0xFFFFFFA0]  }
0xb1: {  	[tilespmem:s8+$0xFFFFFF40] =	vst v1;
	v1 =	vmul.f32 v3, v11;
	v11 =	vld [tilespmem:s8+$0xFFFFFFB0]  }
0xb2: {  	[tilespmem:s8+$0xFFFFFF50] =	vst v4;
	v3 =	vmul.f32 v3, v8;
	v4 =	vld [tilespmem:s8+$0xFFFFFFC0]  }
0xb3: {  	[tilespmem:s8+$0xFFFFFF60] =	vst v1;
	v1 =	vmul.f32 v6, v10;
	v8 =	vld [tilespmem:s8+$0xFFFFFFD0]  }
0xb4: {  	v2 =	vmul.f32 v6, v2;
	[tilespmem:s8+$0xFFFFFF70] =	vst v3;
	v3 =	vld [tilespmem:s8+$0xFFFFFFE0]  }
0xb5: {  	[tilespmem:s8+$0xFFFFFF80] =	vst v1;
	v1 =	vmul.f32 v6, v9;
	v9 =	vld [tilespmem:s8+$0xFFFFFFF0]  }
0xb6: {  	v10 =	vld [tilespmem:s8+$0x0];
	[tilespmem:s8+$0xFFFFFF90] =	vst v2;
	v2 =	vmul.f32 v6, v11  }
0xb7: {  	[tilespmem:s8+$0xFFFFFFA0] =	vst v1;
	v1 =	vmul.f32 v6, v4;
	v4 =	vld [tilespmem:s8+$0x10]  }
0xb8: {  	[tilespmem:s8+$0xFFFFFFB0] =	vst v2;
	v2 =	vmul.f32 v6, v8;
	v8 =	vld [tilespmem:s8+$0x20]  }
0xb9: {  	[tilespmem:s8+$0xFFFFFFC0] =	vst v1;
	v1 =	vmul.f32 v6, v3;
	v3 =	vld [tilespmem:s8+$0x30]  }
0xba: {  	[tilespmem:s8+$0xFFFFFFD0] =	vst v2;
	v2 =	vmul.f32 v6, v9;
	v6 =	vld [tilespmem:s8+$0x40]  }
0xbb: {  	v9 =	vld [tilespmem:s8+$0x50];
	[tilespmem:s8+$0xFFFFFFE0] =	vst v1;
	v1 =	vmul.f32 v7, v10  }
0xbc: {  	[tilespmem:s8+$0xFFFFFFF0] =	vst v2;
	v2 =	vmul.f32 v7, v4;
	v4 =	vld [tilespmem:s8+$0x60]  }
0xbd: {  	[tilespmem:s8+$0x0] =	vst v1;
	v1 =	vmul.f32 v7, v8;
	v8 =	vld [tilespmem:s8+$0x80]  }
0xbe: {  	[tilespmem:s8+$0x10] =	vst v2;
	v2 =	vmul.f32 v7, v3;
	v3 =	vld [tilespmem:s8+$0x90]  }
0xbf: {  	[tilespmem:s8+$0x20] =	vst v1;
	v1 =	vmul.f32 v7, v6;
	v6 =	vld [tilespmem:s8+$0xA0]  }
0xc0: {  	[tilespmem:s8+$0x30] =	vst v2;
	v2 =	vmul.f32 v7, v9;
	v9 =	vld [tilespmem:s8+$0xB0]  }
0xc1: {  	[tilespmem:s8+$0x40] =	vst v1;
	v1 =	vmul.f32 v7, v4;
	v4 =	vld [tilespmem:s8+$0xC0]  }
0xc2: {  	v7 =	vld [tilespmem:s8+$0xD0];
	[tilespmem:s8+$0x50] =	vst v2;
	v2 =	vmul.f32 v5, v8  }
0xc3: {  	[tilespmem:s8+$0x60] =	vst v1;
	v1 =	vmul.f32 v5, v3;
	v3 =	vld [tilespmem:s8+$0xE0]  }
0xc4: {  	[tilespmem:s8+$0x80] =	vst v2;
	v2 =	vmul.f32 v5, v6;
	v6 =	vld [tilespmem:s8+$0xF0]  }
0xc5: {  	[tilespmem:s8+$0x90] =	vst v1;
	v1 =	vmul.f32 v5, v9  }
0xc6: {  	[tilespmem:s8+$0xA0] =	vst v2;
	v2 =	vmul.f32 v5, v4  }
0xc7: {  	[tilespmem:s8+$0xB0] =	vst v1;
	v1 =	vmul.f32 v5, v7  }
0xc8: {  	[tilespmem:s8+$0xC0] =	vst v2;
	v2 =	vmul.f32 v5, v3  }
0xc9: {  	s7 =	sshll.u32 s1, $0x8;
	[tilespmem:s8+$0xD0] =	vst v1;
	v1 =	vmul.f32 v5, v6  }
0xca: {  	s6 =	sand.u32 $0x3FFFFF00, s7;
	[tilespmem:s8+$0xE0] =	vst v2  }
0xcb: {  	s9 =	sadd.s32 $0x20, s5;
	[tilespmem:s8+$0xF0] =	vst v1;
	s8 =	sadd.s32 $0x14000, s6  }
0xcc: {  	[spmem:s2] =	stream.indirect.scatter.add.f32 [tilespmem:s16], [sflag:$0x5], $0x80, s8, s19, $0xb8;
	[tilespmem:$0x1EA00] =	vst v63  }
0xcd: {  	s20 =	simm.s32 $0x0;
	s13 =	sadd.s32 s10, s9  }
0xce: {  	[tilespmem:s17], [sflag:$0x1] =	stream.linear.gather [hbm4b:s13+s20], $0x80, $0x38;
	[tilespmem:$0x1EA00] =	vst v63  }
0xcf: {  	s7 =	sadd.s32 s11, s9  }
0xd0: {  	[tilespmem:s18], [sflag:$0x1] =	stream.linear.gather [hbm4b:s7+s20], $0x80, $0x38;
	[tilespmem:$0x1EA00] =	vst v63  }
0xd1: {  	_ =	swait.ge [sflag:s28], $0x80  }
0xd2: {  	[sflag:s28] =	ssyncset.done $0x0  }
0xd3: {  	[sflag:s28] =	ssyncadd.s32 $0xFFFFFF80  }
0xd4: {  	_ =	swait.ge [sflag:s28], $0x80  }
0xd5: {  	[sflag:s28] =	ssyncset.done $0x0  }
0xd6: {  	s9 =	simm.s32 $0x2;
	v1 =	vmov s20;
	[sflag:s28] =	ssyncadd.s32 $0xFFFFFF80  }
0xd7: {  	v2 =	vmov s9;
	v1 =	vand.u32 $0xFFFFFFFC, v1;
	_ =	swait.ge [sflag:s29], $0x4000  }
0xd8: {  	v2 =	vand.u32 $0xFFFFFFFE, v2;
	v1 =	vbroadcast v1, $0x0;
	[sflag:s29] =	ssyncset.done $0x0  }
0xd9: {  	v2 =	vbroadcast v2, $0x0;
	[sflag:s29] =	ssyncadd.s32 $0xFFFFC000  }
0xda: {  	[tilespmem:s16], [sflag:$0x3] =	stream.indirect.gather [hbm4b:s12+s19], $0x80, s17, s19, $0xb8;
	[tilespmem:$0x1EA00] =	vst v63  }
0xdb: {  	_ =	swait.ge [sflag:s30], $0x4000  }
0xdc: {  	[sflag:s30] =	ssyncset.done $0x0  }
0xdd: {  	[sflag:s30] =	ssyncadd.s32 $0xFFFFC000  }
0xde: {  	v1 =	vld.idx.msk [tilespmem:v1+s22+$0x0], $0xffff  }
0xdf: {  	s13 =	simm.s32 $0x1;
	s7 =	simm.s32 $0x1AB00;
	v2 =	vld.idx.msk [tilespmem:v2+s22+$0x0], $0xffff  }
0xe0: {  	v3 =	vmov s13;
	v4 =	vld [tilespmem:s7+$0x70]  }
0xe1: {  	v3 =	vand.u32 $0xFFFFFFFD, v3;
	v5 =	vld [tilespmem:s7+$0xFFFFFF00]  }
0xe2: {  	v3 =	vbroadcast v3, $0x0;
	v6 =	vld [tilespmem:s7+$0xFFFFFF10]  }
0xe3: {  	v7 =	vld [tilespmem:s7+$0xFFFFFF20]  }
0xe4: {  	v8 =	vld [tilespmem:s7+$0xFFFFFF30]  }
0xe5: {  	v9 =	vld [tilespmem:s7+$0xFFFFFF40]  }
0xe6: {  	v10 =	vld [tilespmem:s7+$0xFFFFFF50]  }
0xe7: {  	v11 =	vld [tilespmem:s7+$0xFFFFFF60];
	v5 =	vmul.f32 v1, v5  }
0xe8: {  	v3 =	vld.idx.msk [tilespmem:v3+s22+$0x0], $0xffff;
	v4 =	vmul.f32 v2, v4  }
0xe9: {  	v13 =	vld [tilespmem:s7+$0x40];
	[tilespmem:s7+$0xFFFFFF00] =	vst v5;
	v5 =	vmul.f32 v1, v6  }
0xea: {  	v6 =	vld [tilespmem:s7+$0xFFFFFF70];
	[tilespmem:s7+$0x70] =	vst v4;
	v4 =	vmul.f32 v1, v7  }
0xeb: {  	v7 =	vld [tilespmem:s7+$0xFFFFFF80];
	[tilespmem:s7+$0xFFFFFF10] =	vst v5;
	v5 =	vmul.f32 v1, v8  }
0xec: {  	v8 =	vld [tilespmem:s7+$0xFFFFFF90];
	[tilespmem:s7+$0xFFFFFF20] =	vst v4;
	v4 =	vmul.f32 v1, v9  }
0xed: {  	v9 =	vld [tilespmem:s7+$0xFFFFFFA0];
	[tilespmem:s7+$0xFFFFFF30] =	vst v5;
	v5 =	vmul.f32 v1, v10  }
0xee: {  	v10 =	vld [tilespmem:s7+$0xFFFFFFB0];
	[tilespmem:s7+$0xFFFFFF40] =	vst v4;
	v4 =	vmul.f32 v1, v11  }
0xef: {  	v11 =	vld [tilespmem:s7+$0xFFFFFFC0];
	v6 =	vmul.f32 v1, v6;
	[tilespmem:s7+$0xFFFFFF50] =	vst v5  }
0xf0: {  	v5 =	vmul.f32 v3, v7;
	v7 =	vld [tilespmem:s7+$0xFFFFFFD0];
	[tilespmem:s7+$0xFFFFFF60] =	vst v4  }
0xf1: {  	s20 =	simm.s32 $0x3;
	v4 =	vld [tilespmem:s7+$0xFFFFFFE0];
	v8 =	vmul.f32 v3, v8;
	[tilespmem:s7+$0xFFFFFF70] =	vst v6  }
0xf2: {  	v12 =	vmov s20;
	v6 =	vld [tilespmem:s7+$0xFFFFFFF0];
	[tilespmem:s7+$0xFFFFFF80] =	vst v5;
	v5 =	vmul.f32 v3, v9  }
0xf3: {  	v9 =	vld [tilespmem:s7+$0x0];
	[tilespmem:s7+$0xFFFFFF90] =	vst v8;
	v8 =	vmul.f32 v3, v10  }
0xf4: {  	v10 =	vld [tilespmem:s7+$0x10];
	[tilespmem:s7+$0xFFFFFFA0] =	vst v5;
	v5 =	vmul.f32 v3, v11  }
0xf5: {  	[tilespmem:s7+$0xFFFFFFB0] =	vst v8;
	v7 =	vmul.f32 v3, v7;
	v8 =	vld [tilespmem:s7+$0x20]  }
0xf6: {  	v11 =	vld [tilespmem:s7+$0x30];
	v4 =	vmul.f32 v3, v4;
	[tilespmem:s7+$0xFFFFFFC0] =	vst v5  }
0xf7: {  	v1 =	vld.idx.msk [tilespmem:v12+s22+$0x0], $0xffff;
	v3 =	vmul.f32 v3, v6;
	[tilespmem:s7+$0xFFFFFFD0] =	vst v7  }
0xf8: {  	[tilespmem:s7+$0xFFFFFFE0] =	vst v4;
	v5 =	vmul.f32 v2, v9;
	v4 =	vld [tilespmem:s7+$0x50]  }
0xf9: {  	s9 =	simm.s32 $0x4;
	[tilespmem:s7+$0xFFFFFFF0] =	vst v3;
	v6 =	vmul.f32 v2, v10;
	v3 =	vld [tilespmem:s7+$0x60]  }
0xfa: {  	s13 =	simm.s32 $0x7;
	v7 =	vmov s9;
	[tilespmem:s7+$0x0] =	vst v5;
	v9 =	vmul.f32 v2, v8;
	v8 =	vld [tilespmem:s7+$0x80]  }
0xfb: {  	s20 =	simm.s32 $0x5;
	v12 =	vand.u32 $0xFFFFFFFC, v7;
	v7 =	vld [tilespmem:s7+$0x90];
	v5 =	vmov s13;
	v10 =	vmul.f32 v2, v11;
	[tilespmem:s7+$0x10] =	vst v6  }
0xfc: {  	s8 =	simm.s32 $0x1AB00;
	s9 =	simm.s32 $0x8;
	s13 =	simm.s32 $0x6;
	v11 =	vmul.f32 v2, v13;
	v6 =	vbroadcast v12, $0x0;
	v12 =	vmov s20;
	[tilespmem:s7+$0x20] =	vst v9;
	v9 =	vld [tilespmem:s7+$0xA0]  }
.LBB2_7:
0xfd: {  	p0 =	slt.u32 s9, $0x7C;
	v12 =	vand.u32 $0xFFFFFFFD, v12;
	v13 =	vmov s13;
	[tilespmem:s7+$0x30] =	vst v10;
	v4 =	vmul.f32 v2, v4;
	v10 =	vld [tilespmem:s7+$0xB0]  }
0xfe: {  	v12 =	vbroadcast v12, $0x0;
	v13 =	vand.u32 $0xFFFFFFFE, v13;
	[tilespmem:s7+$0x40] =	vst v11;
	v2 =	vmul.f32 v2, v3;
	v3 =	vld [tilespmem:s7+$0xC0]  }
0xff: {  	v11 =	vbroadcast v13, $0x0;
	[tilespmem:s7+$0x50] =	vst v4;
	v4 =	vmul.f32 v1, v8;
	v8 =	vld [tilespmem:s7+$0xD0]  }
0x100: {  	[tilespmem:s7+$0x60] =	vst v2;
	v2 =	vmul.f32 v1, v7;
	v7 =	vld [tilespmem:s7+$0xE0]  }
0x101: {  	[tilespmem:s7+$0x80] =	vst v4;
	v4 =	vmul.f32 v1, v9;
	v9 =	vld [tilespmem:s7+$0xF0]  }
0x102: {  	v5 =	vld.idx.msk [tilespmem:v5+s22+$0x0], $0xffff;
	[tilespmem:s7+$0x90] =	vst v2;
	v2 =	vmul.f32 v1, v10  }
0x103: {  	v6 =	vld.idx.msk [tilespmem:v6+s22+$0x0], $0xffff;
	[tilespmem:s7+$0xA0] =	vst v4;
	v3 =	vmul.f32 v1, v3  }
0x104: {  	v4 =	vld.idx.msk [tilespmem:v12+s22+$0x0], $0xffff;
	[tilespmem:s7+$0xB0] =	vst v2;
	v8 =	vmul.f32 v1, v8  }
0x105: {  	s7 =	sadd.s32 $0x200, s7;
	v2 =	vld.idx.msk [tilespmem:v11+s22+$0x0], $0xffff;
	[tilespmem:s8+$0xC0] =	vst v3;
	v3 =	vmul.f32 v1, v7  }
0x106: {  	v7 =	vld [tilespmem:s7+$0x70];
	[tilespmem:s8+$0xD0] =	vst v8;
	v9 =	vmul.f32 v1, v9  }
0x107: {  	v8 =	vld [tilespmem:s7+$0xFFFFFF00];
	[tilespmem:s8+$0xE0] =	vst v3  }
0x108: {  	v1 =	vmov v5;
	v3 =	vld [tilespmem:s7+$0xFFFFFF10];
	[tilespmem:s8+$0xF0] =	vst v9;
	s8 =	smov.u32 s7  }
0x109: {  	v5 =	vld [tilespmem:s7+$0xFFFFFF20]  }
0x10a: {  	v9 =	vld [tilespmem:s7+$0xFFFFFF30]  }
0x10b: {  	v10 =	vld [tilespmem:s7+$0xFFFFFF40];
	v7 =	vmul.f32 v2, v7  }
0x10c: {  	v8 =	vmul.f32 v6, v8;
	v11 =	vld [tilespmem:s7+$0xFFFFFF50]  }
0x10d: {  	v3 =	vmul.f32 v6, v3;
	v12 =	vld [tilespmem:s7+$0xFFFFFF60];
	[tilespmem:s7+$0x70] =	vst v7  }
0x10e: {  	[tilespmem:s7+$0xFFFFFF00] =	vst v8;
	v5 =	vmul.f32 v6, v5;
	v7 =	vld [tilespmem:s7+$0xFFFFFF70]  }
0x10f: {  	[tilespmem:s7+$0xFFFFFF10] =	vst v3;
	v3 =	vmul.f32 v6, v9;
	v8 =	vld [tilespmem:s7+$0xFFFFFF80]  }
0x110: {  	[tilespmem:s7+$0xFFFFFF20] =	vst v5;
	v5 =	vmul.f32 v6, v10;
	v9 =	vld [tilespmem:s7+$0xFFFFFF90]  }
0x111: {  	[tilespmem:s7+$0xFFFFFF30] =	vst v3;
	v3 =	vmul.f32 v6, v11;
	v10 =	vld [tilespmem:s7+$0xFFFFFFA0]  }
0x112: {  	[tilespmem:s7+$0xFFFFFF40] =	vst v5;
	v5 =	vmul.f32 v6, v12;
	v11 =	vld [tilespmem:s7+$0xFFFFFFB0]  }
0x113: {  	[tilespmem:s7+$0xFFFFFF50] =	vst v3;
	v3 =	vmul.f32 v6, v7;
	v6 =	vld [tilespmem:s7+$0xFFFFFFC0]  }
0x114: {  	[tilespmem:s7+$0xFFFFFF60] =	vst v5;
	v5 =	vmul.f32 v4, v8;
	v7 =	vld [tilespmem:s7+$0xFFFFFFD0]  }
0x115: {  	[tilespmem:s7+$0xFFFFFF70] =	vst v3;
	v3 =	vmul.f32 v4, v9;
	v8 =	vld [tilespmem:s7+$0xFFFFFFE0]  }
0x116: {  	[tilespmem:s7+$0xFFFFFF80] =	vst v5;
	v5 =	vmul.f32 v4, v10;
	v9 =	vld [tilespmem:s7+$0xFFFFFFF0]  }
0x117: {  	[tilespmem:s7+$0xFFFFFF90] =	vst v3;
	v3 =	vmul.f32 v4, v11;
	v10 =	vld [tilespmem:s7+$0x0]  }
0x118: {  	[tilespmem:s7+$0xFFFFFFA0] =	vst v5;
	v5 =	vmul.f32 v4, v6;
	v6 =	vld [tilespmem:s7+$0x10]  }
0x119: {  	[tilespmem:s7+$0xFFFFFFB0] =	vst v3;
	v3 =	vmul.f32 v4, v7;
	v7 =	vld [tilespmem:s7+$0x20]  }
0x11a: {  	[tilespmem:s7+$0xFFFFFFC0] =	vst v5;
	v5 =	vmul.f32 v4, v8;
	v11 =	vld [tilespmem:s7+$0x30]  }
0x11b: {  	[tilespmem:s7+$0xFFFFFFD0] =	vst v3;
	v3 =	vmul.f32 v4, v9;
	v9 =	vld [tilespmem:s7+$0x40]  }
.Ltmp2:
0x11c: {  	[tilespmem:s7+$0xFFFFFFE0] =	vst v5;
	v5 =	vmul.f32 v2, v10;
	v4 =	vld [tilespmem:s7+$0x50];
	(pc) =	sbr.rel @p0 .LBB2_7-.Ltmp2, $4  }
0x11d: {  	[tilespmem:s7+$0xFFFFFFF0] =	vst v3;
	v6 =	vmul.f32 v2, v6;
	v3 =	vld [tilespmem:s7+$0x60]  }
0x11e: {  	s13 =	sadd.s32 $0x3, s9;
	v10 =	vmov s9;
	[tilespmem:s7+$0x0] =	vst v5;
	v13 =	vmul.f32 v2, v7;
	v8 =	vld [tilespmem:s7+$0x80]  }
0x11f: {  	s20 =	sadd.s32 $0x1, s9;
	v12 =	vand.u32 $0xFFFFFFFC, v10;
	v5 =	vmov s13;
	[tilespmem:s7+$0x10] =	vst v6;
	v10 =	vmul.f32 v2, v11;
	v7 =	vld [tilespmem:s7+$0x90]  }
0x120: {  	s13 =	sadd.s32 $0x2, s9;
	s9 =	sadd.s32 $0x4, s9;
	v6 =	vbroadcast v12, $0x0;
	v12 =	vmov s20;
	[tilespmem:s7+$0x20] =	vst v13;
	v11 =	vmul.f32 v2, v9;
	v9 =	vld [tilespmem:s7+$0xA0]  }
0x121: {  	v13 =	vld [tilespmem:s7+$0xB0]  }
0x122: {  	v15 =	vld [tilespmem:s7+$0xC0]  }
0x123: {  	v16 =	vld [tilespmem:s7+$0xD0]  }
0x124: {  	v17 =	vld [tilespmem:s7+$0xE0]  }
0x125: {  	v29 =	vld [tilespmem:s7+$0xF0];
	[tilespmem:s7+$0x30] =	vst v10;
	v4 =	vmul.f32 v2, v4  }
0x126: {  	v5 =	vld.idx.msk [tilespmem:v5+s22+$0x0], $0xffff;
	[tilespmem:s7+$0x40] =	vst v11;
	v2 =	vmul.f32 v2, v3  }
0x127: {  	s9 =	sadd.s32 $0x200, s7;
	v3 =	vld.idx.msk [tilespmem:v6+s22+$0x0], $0xffff;
	v8 =	vmul.f32 v1, v8;
	[tilespmem:s7+$0x50] =	vst v4  }
0x128: {  	v14 =	vmov s13;
	v34 =	vld [tilespmem:s9+$0x70];
	v30 =	vmul.f32 v1, v7;
	[tilespmem:s7+$0x60] =	vst v2  }
0x129: {  	v14 =	vand.u32 $0xFFFFFFFE, v14;
	v35 =	vld [tilespmem:s9+$0xFFFFFF00];
	[tilespmem:s7+$0x80] =	vst v8;
	v2 =	vmul.f32 v1, v9  }
0x12a: {  	v37 =	vld [tilespmem:s9+$0xFFFFFF10];
	v14 =	vbroadcast v14, $0x0;
	[tilespmem:s7+$0x90] =	vst v30;
	v33 =	vmul.f32 v1, v13  }
0x12b: {  	v38 =	vld [tilespmem:s9+$0xFFFFFF20];
	[tilespmem:s7+$0xA0] =	vst v2;
	v2 =	vmul.f32 v1, v15  }
0x12c: {  	v12 =	vand.u32 $0xFFFFFFFD, v12;
	v39 =	vld [tilespmem:s9+$0xFFFFFF30];
	v36 =	vmul.f32 v1, v16;
	[tilespmem:s7+$0xB0] =	vst v33  }
0x12d: {  	v12 =	vbroadcast v12, $0x0;
	v41 =	vld [tilespmem:s9+$0xFFFFFF50];
	[tilespmem:s8+$0xC0] =	vst v2;
	v2 =	vmul.f32 v1, v17  }
0x12e: {  	v43 =	vld [tilespmem:s9+$0xFFFFFF60];
	[tilespmem:s8+$0xD0] =	vst v36;
	v1 =	vmul.f32 v1, v29  }
0x12f: {  	v42 =	vmul.f32 v3, v37;
	[tilespmem:s8+$0xE0] =	vst v2;
	v2 =	vld [tilespmem:s9+$0xFFFFFF40]  }
0x130: {  	v32 =	vld.idx.msk [tilespmem:v14+s22+$0x0], $0xffff;
	[tilespmem:s8+$0xF0] =	vst v1;
	v1 =	vmul.f32 v3, v35  }
0x131: {  	v44 =	vld [tilespmem:s9+$0xFFFFFF70];
	v4 =	vmul.f32 v3, v39;
	[tilespmem:s9+$0xFFFFFF10] =	vst v42  }
0x132: {  	v45 =	vld [tilespmem:s9+$0xFFFFFF80];
	[tilespmem:s9+$0xFFFFFF00] =	vst v1;
	v1 =	vmul.f32 v3, v38  }
0x133: {  	v46 =	vmul.f32 v3, v41;
	v31 =	vld.idx.msk [tilespmem:v12+s22+$0x0], $0xffff;
	[tilespmem:s9+$0xFFFFFF30] =	vst v4  }
0x134: {  	[tilespmem:s9+$0xFFFFFF20] =	vst v1;
	v1 =	vmul.f32 v3, v2;
	v2 =	vld [tilespmem:s9+$0xFFFFFF90]  }
0x135: {  	v47 =	vld [tilespmem:s9+$0xFFFFFFA0];
	[tilespmem:s9+$0xFFFFFF50] =	vst v46;
	v40 =	vmul.f32 v32, v34  }
0x136: {  	v48 =	vld [tilespmem:s9+$0xFFFFFFB0];
	[tilespmem:s9+$0xFFFFFF40] =	vst v1;
	v1 =	vmul.f32 v3, v43  }
0x137: {  	v49 =	vld [tilespmem:s9+$0xFFFFFFC0];
	[tilespmem:s9+$0x70] =	vst v40;
	v3 =	vmul.f32 v3, v44  }
0x138: {  	v50 =	vld [tilespmem:s9+$0xFFFFFFD0];
	[tilespmem:s9+$0xFFFFFF60] =	vst v1;
	v1 =	vmul.f32 v31, v45  }
0x139: {  	[tilespmem:s9+$0xFFFFFF70] =	vst v3;
	v3 =	vld [tilespmem:s9+$0xFFFFFFE0];
	v2 =	vmul.f32 v31, v2  }
0x13a: {  	v51 =	vld [tilespmem:s9+$0xFFFFFFF0];
	[tilespmem:s9+$0xFFFFFF80] =	vst v1;
	v1 =	vmul.f32 v31, v47  }
0x13b: {  	v52 =	vld [tilespmem:s9+$0x0];
	[tilespmem:s9+$0xFFFFFF90] =	vst v2;
	v2 =	vmul.f32 v31, v48  }
0x13c: {  	v53 =	vld [tilespmem:s9+$0x10];
	[tilespmem:s9+$0xFFFFFFA0] =	vst v1;
	v1 =	vmul.f32 v31, v49  }
0x13d: {  	v54 =	vld [tilespmem:s9+$0x20];
	[tilespmem:s9+$0xFFFFFFB0] =	vst v2;
	v2 =	vmul.f32 v31, v50  }
0x13e: {  	[tilespmem:s9+$0xFFFFFFC0] =	vst v1;
	v1 =	vmul.f32 v31, v3;
	v3 =	vld [tilespmem:s9+$0x30]  }
0x13f: {  	v55 =	vld [tilespmem:s9+$0x40];
	[tilespmem:s9+$0xFFFFFFD0] =	vst v2;
	v2 =	vmul.f32 v31, v51  }
0x140: {  	v56 =	vld [tilespmem:s9+$0x50];
	[tilespmem:s9+$0xFFFFFFE0] =	vst v1;
	v1 =	vmul.f32 v32, v52  }
0x141: {  	v57 =	vld [tilespmem:s9+$0x60];
	[tilespmem:s9+$0xFFFFFFF0] =	vst v2;
	v2 =	vmul.f32 v32, v53  }
0x142: {  	v58 =	vld [tilespmem:s9+$0x80];
	[tilespmem:s9+$0x0] =	vst v1;
	v1 =	vmul.f32 v32, v54  }
0x143: {  	[tilespmem:s9+$0x10] =	vst v2;
	v2 =	vmul.f32 v32, v3;
	v3 =	vld [tilespmem:s9+$0x90]  }
0x144: {  	v59 =	vld [tilespmem:s9+$0xA0];
	[tilespmem:s9+$0x20] =	vst v1;
	v1 =	vmul.f32 v32, v55  }
0x145: {  	v60 =	vld [tilespmem:s9+$0xB0];
	[tilespmem:s9+$0x30] =	vst v2;
	v2 =	vmul.f32 v32, v56  }
0x146: {  	v61 =	vld [tilespmem:s9+$0xC0];
	[tilespmem:s9+$0x40] =	vst v1;
	v1 =	vmul.f32 v32, v57  }
0x147: {  	v62 =	vld [tilespmem:s9+$0xD0];
	[tilespmem:s9+$0x50] =	vst v2;
	v2 =	vmul.f32 v5, v58  }
0x148: {  	[tilespmem:s9+$0x60] =	vst v1;
	v1 =	vmul.f32 v5, v3;
	v3 =	vld [tilespmem:s9+$0xE0]  }
0x149: {  	v63 =	vld [tilespmem:s9+$0xF0];
	[tilespmem:s9+$0x80] =	vst v2;
	v2 =	vmul.f32 v5, v59  }
0x14a: {  	[tilespmem:s9+$0x90] =	vst v1;
	v1 =	vmul.f32 v5, v60  }
0x14b: {  	[tilespmem:s9+$0xA0] =	vst v2;
	v2 =	vmul.f32 v5, v61  }
0x14c: {  	p0 =	seq.s32 s1, $0x26;
	[tilespmem:s9+$0xB0] =	vst v1;
	v1 =	vmul.f32 v5, v62  }
.Ltmp3:
0x14d: {  	[tilespmem:s9+$0xC0] =	vst v2;
	v2 =	vmul.f32 v5, v3;
	(pc) =	sbr.rel @p0 .LBB2_10-.Ltmp3, $4  }
0x14e: {  	[tilespmem:s9+$0xD0] =	vst v1;
	v1 =	vmul.f32 v5, v63  }
0x14f: {  	[tilespmem:s9+$0xE0] =	vst v2  }
0x150: {  	s6 =	sadd.s32 $0x14080, s6;
	[tilespmem:s9+$0xF0] =	vst v1  }
0x151: {  	[spmem:s2] =	stream.indirect.scatter.add.f32 [tilespmem:s25], [sflag:$0x6], $0x80, s6, s19, $0xb8;
	[tilespmem:$0x1EA00] =	vst v63  }
.Ltmp4:
0x152: {  	s5 =	sadd.s32 $0x30, s5;
	(pc) =	sbr.rel .LBB2_4-.Ltmp4, $4  }
0x153: {  	s6 =	sadd.s32 s10, s5  }
0x154: {  	[tilespmem:s21], [sflag:$0x2] =	stream.linear.gather [hbm4b:s6+s3], $0x80, $0x38;
	[tilespmem:$0x1EA00] =	vst v63  }
0x155: {  	s1 =	sadd.s32 $0x1, s1;
	s5 =	sadd.s32 s11, s5  }
0x156: {  	[tilespmem:s22], [sflag:$0x2] =	stream.linear.gather [hbm4b:s5+s3], $0x80, $0x38;
	[tilespmem:$0x1EA00] =	vst v63  }
.LBB2_10:
0x157: {  	_ =	swait.ge [sflag:s31], $0x4000  }
0x158: {  	s0 =	simm.s32 $0x0;
	[sflag:s31] =	ssyncset.done $0x0  }
0x159: {  	s8 =	simm.s32 $0x2;
	v1 =	vmov s0;
	[sflag:s31] =	ssyncadd.s32 $0xFFFFC000  }
0x15a: {  	v2 =	vmov s8;
	v1 =	vand.u32 $0xFFFFFFFC, v1;
	_ =	swait.ge [sflag:s26], $0x4000  }
0x15b: {  	v2 =	vand.u32 $0xFFFFFFFE, v2;
	v1 =	vbroadcast v1, $0x0;
	[sflag:s26] =	ssyncset.done $0x0  }
0x15c: {  	s0 =	simm.s32 $0x16B00;
	v2 =	vbroadcast v2, $0x0;
	[sflag:s26] =	ssyncadd.s32 $0xFFFFC000  }
0x15d: {  	v4 =	vld [tilespmem:s0+$0x70]  }
0x15e: {  	v5 =	vld [tilespmem:s0+$0xFFFFFF00]  }
0x15f: {  	s1 =	simm.s32 $0x1;
	v6 =	vld [tilespmem:s0+$0xFFFFFF10]  }
0x160: {  	v3 =	vmov s1;
	v7 =	vld [tilespmem:s0+$0xFFFFFF20]  }
0x161: {  	v3 =	vand.u32 $0xFFFFFFFD, v3;
	v1 =	vld.idx.msk [tilespmem:v1+s18+$0x0], $0xffff  }
0x162: {  	v3 =	vbroadcast v3, $0x0;
	v2 =	vld.idx.msk [tilespmem:v2+s18+$0x0], $0xffff  }
0x163: {  	v8 =	vld [tilespmem:s0+$0xFFFFFF30]  }
0x164: {  	v9 =	vld [tilespmem:s0+$0xFFFFFF40]  }
0x165: {  	v10 =	vld [tilespmem:s0+$0xFFFFFF50]  }
0x166: {  	v11 =	vld [tilespmem:s0+$0xFFFFFF60];
	v5 =	vmul.f32 v1, v5  }
0x167: {  	v13 =	vld [tilespmem:s0+$0x40];
	v4 =	vmul.f32 v2, v4  }
0x168: {  	v3 =	vld.idx.msk [tilespmem:v3+s18+$0x0], $0xffff;
	[tilespmem:s0+$0xFFFFFF00] =	vst v5;
	v5 =	vmul.f32 v1, v6  }
0x169: {  	v6 =	vld [tilespmem:s0+$0xFFFFFF70];
	[tilespmem:s0+$0x70] =	vst v4;
	v4 =	vmul.f32 v1, v7  }
0x16a: {  	v7 =	vld [tilespmem:s0+$0xFFFFFF80];
	[tilespmem:s0+$0xFFFFFF10] =	vst v5;
	v5 =	vmul.f32 v1, v8  }
0x16b: {  	v8 =	vld [tilespmem:s0+$0xFFFFFF90];
	[tilespmem:s0+$0xFFFFFF20] =	vst v4;
	v4 =	vmul.f32 v1, v9  }
0x16c: {  	v9 =	vld [tilespmem:s0+$0xFFFFFFA0];
	[tilespmem:s0+$0xFFFFFF30] =	vst v5;
	v5 =	vmul.f32 v1, v10  }
0x16d: {  	v10 =	vld [tilespmem:s0+$0xFFFFFFB0];
	[tilespmem:s0+$0xFFFFFF40] =	vst v4;
	v4 =	vmul.f32 v1, v11  }
0x16e: {  	v11 =	vld [tilespmem:s0+$0xFFFFFFC0];
	v6 =	vmul.f32 v1, v6;
	[tilespmem:s0+$0xFFFFFF50] =	vst v5  }
0x16f: {  	v5 =	vmul.f32 v3, v7;
	v7 =	vld [tilespmem:s0+$0xFFFFFFD0];
	[tilespmem:s0+$0xFFFFFF60] =	vst v4  }
0x170: {  	s9 =	simm.s32 $0x3;
	v4 =	vld [tilespmem:s0+$0xFFFFFFE0];
	v8 =	vmul.f32 v3, v8;
	[tilespmem:s0+$0xFFFFFF70] =	vst v6  }
0x171: {  	v12 =	vmov s9;
	v6 =	vld [tilespmem:s0+$0xFFFFFFF0];
	[tilespmem:s0+$0xFFFFFF80] =	vst v5;
	v5 =	vmul.f32 v3, v9  }
0x172: {  	v9 =	vld [tilespmem:s0+$0x0];
	[tilespmem:s0+$0xFFFFFF90] =	vst v8;
	v8 =	vmul.f32 v3, v10  }
0x173: {  	v10 =	vld [tilespmem:s0+$0x10];
	[tilespmem:s0+$0xFFFFFFA0] =	vst v5;
	v5 =	vmul.f32 v3, v11  }
0x174: {  	[tilespmem:s0+$0xFFFFFFB0] =	vst v8;
	v7 =	vmul.f32 v3, v7;
	v8 =	vld [tilespmem:s0+$0x20]  }
0x175: {  	v11 =	vld [tilespmem:s0+$0x30];
	v4 =	vmul.f32 v3, v4;
	[tilespmem:s0+$0xFFFFFFC0] =	vst v5  }
0x176: {  	v1 =	vld.idx.msk [tilespmem:v12+s18+$0x0], $0xffff;
	v3 =	vmul.f32 v3, v6;
	[tilespmem:s0+$0xFFFFFFD0] =	vst v7  }
0x177: {  	[tilespmem:s0+$0xFFFFFFE0] =	vst v4;
	v5 =	vmul.f32 v2, v9;
	v4 =	vld [tilespmem:s0+$0x50]  }
0x178: {  	s13 =	simm.s32 $0x4;
	[tilespmem:s0+$0xFFFFFFF0] =	vst v3;
	v6 =	vmul.f32 v2, v10;
	v3 =	vld [tilespmem:s0+$0x60]  }
0x179: {  	s20 =	simm.s32 $0x7;
	v7 =	vmov s13;
	[tilespmem:s0+$0x0] =	vst v5;
	v9 =	vmul.f32 v2, v8;
	v8 =	vld [tilespmem:s0+$0x80]  }
0x17a: {  	s5 =	simm.s32 $0x5;
	v12 =	vand.u32 $0xFFFFFFFC, v7;
	v7 =	vld [tilespmem:s0+$0x90];
	v5 =	vmov s20;
	v10 =	vmul.f32 v2, v11;
	[tilespmem:s0+$0x10] =	vst v6  }
0x17b: {  	s6 =	simm.s32 $0x6;
	s1 =	simm.s32 $0x16B00;
	v11 =	vmul.f32 v2, v13;
	v6 =	vbroadcast v12, $0x0;
	v12 =	vmov s5;
	s5 =	simm.s32 $0x8;
	[tilespmem:s0+$0x20] =	vst v9;
	v9 =	vld [tilespmem:s0+$0xA0]  }
.LBB2_11:
0x17c: {  	p0 =	slt.u32 s5, $0x7C;
	v12 =	vand.u32 $0xFFFFFFFD, v12;
	v13 =	vmov s6;
	[tilespmem:s0+$0x30] =	vst v10;
	v4 =	vmul.f32 v2, v4;
	v10 =	vld [tilespmem:s0+$0xB0]  }
0x17d: {  	v12 =	vbroadcast v12, $0x0;
	v13 =	vand.u32 $0xFFFFFFFE, v13;
	[tilespmem:s0+$0x40] =	vst v11;
	v2 =	vmul.f32 v2, v3;
	v3 =	vld [tilespmem:s0+$0xC0]  }
0x17e: {  	v11 =	vbroadcast v13, $0x0;
	[tilespmem:s0+$0x50] =	vst v4;
	v4 =	vmul.f32 v1, v8;
	v8 =	vld [tilespmem:s0+$0xD0]  }
0x17f: {  	[tilespmem:s0+$0x60] =	vst v2;
	v2 =	vmul.f32 v1, v7;
	v7 =	vld [tilespmem:s0+$0xE0]  }
0x180: {  	[tilespmem:s0+$0x80] =	vst v4;
	v4 =	vmul.f32 v1, v9;
	v9 =	vld [tilespmem:s0+$0xF0]  }
0x181: {  	v5 =	vld.idx.msk [tilespmem:v5+s18+$0x0], $0xffff;
	[tilespmem:s0+$0x90] =	vst v2;
	v2 =	vmul.f32 v1, v10  }
0x182: {  	v6 =	vld.idx.msk [tilespmem:v6+s18+$0x0], $0xffff;
	[tilespmem:s0+$0xA0] =	vst v4;
	v3 =	vmul.f32 v1, v3  }
0x183: {  	v4 =	vld.idx.msk [tilespmem:v12+s18+$0x0], $0xffff;
	[tilespmem:s0+$0xB0] =	vst v2;
	v8 =	vmul.f32 v1, v8  }
0x184: {  	s0 =	sadd.s32 $0x200, s0;
	v2 =	vld.idx.msk [tilespmem:v11+s18+$0x0], $0xffff;
	[tilespmem:s1+$0xC0] =	vst v3;
	v3 =	vmul.f32 v1, v7  }
0x185: {  	v7 =	vld [tilespmem:s0+$0x70];
	[tilespmem:s1+$0xD0] =	vst v8;
	v9 =	vmul.f32 v1, v9  }
0x186: {  	v8 =	vld [tilespmem:s0+$0xFFFFFF00];
	[tilespmem:s1+$0xE0] =	vst v3  }
0x187: {  	v1 =	vmov v5;
	v3 =	vld [tilespmem:s0+$0xFFFFFF10];
	[tilespmem:s1+$0xF0] =	vst v9;
	s1 =	smov.u32 s0  }
0x188: {  	v5 =	vld [tilespmem:s0+$0xFFFFFF20]  }
0x189: {  	v9 =	vld [tilespmem:s0+$0xFFFFFF30]  }
0x18a: {  	v10 =	vld [tilespmem:s0+$0xFFFFFF40];
	v7 =	vmul.f32 v2, v7  }
0x18b: {  	v8 =	vmul.f32 v6, v8;
	v11 =	vld [tilespmem:s0+$0xFFFFFF50]  }
0x18c: {  	v3 =	vmul.f32 v6, v3;
	v12 =	vld [tilespmem:s0+$0xFFFFFF60];
	[tilespmem:s0+$0x70] =	vst v7  }
0x18d: {  	[tilespmem:s0+$0xFFFFFF00] =	vst v8;
	v5 =	vmul.f32 v6, v5;
	v7 =	vld [tilespmem:s0+$0xFFFFFF70]  }
0x18e: {  	[tilespmem:s0+$0xFFFFFF10] =	vst v3;
	v3 =	vmul.f32 v6, v9;
	v8 =	vld [tilespmem:s0+$0xFFFFFF80]  }
0x18f: {  	[tilespmem:s0+$0xFFFFFF20] =	vst v5;
	v5 =	vmul.f32 v6, v10;
	v9 =	vld [tilespmem:s0+$0xFFFFFF90]  }
0x190: {  	[tilespmem:s0+$0xFFFFFF30] =	vst v3;
	v3 =	vmul.f32 v6, v11;
	v10 =	vld [tilespmem:s0+$0xFFFFFFA0]  }
0x191: {  	[tilespmem:s0+$0xFFFFFF40] =	vst v5;
	v5 =	vmul.f32 v6, v12;
	v11 =	vld [tilespmem:s0+$0xFFFFFFB0]  }
0x192: {  	[tilespmem:s0+$0xFFFFFF50] =	vst v3;
	v3 =	vmul.f32 v6, v7;
	v6 =	vld [tilespmem:s0+$0xFFFFFFC0]  }
0x193: {  	[tilespmem:s0+$0xFFFFFF60] =	vst v5;
	v5 =	vmul.f32 v4, v8;
	v7 =	vld [tilespmem:s0+$0xFFFFFFD0]  }
0x194: {  	[tilespmem:s0+$0xFFFFFF70] =	vst v3;
	v3 =	vmul.f32 v4, v9;
	v8 =	vld [tilespmem:s0+$0xFFFFFFE0]  }
0x195: {  	[tilespmem:s0+$0xFFFFFF80] =	vst v5;
	v5 =	vmul.f32 v4, v10;
	v9 =	vld [tilespmem:s0+$0xFFFFFFF0]  }
0x196: {  	[tilespmem:s0+$0xFFFFFF90] =	vst v3;
	v3 =	vmul.f32 v4, v11;
	v10 =	vld [tilespmem:s0+$0x0]  }
0x197: {  	[tilespmem:s0+$0xFFFFFFA0] =	vst v5;
	v5 =	vmul.f32 v4, v6;
	v6 =	vld [tilespmem:s0+$0x10]  }
0x198: {  	[tilespmem:s0+$0xFFFFFFB0] =	vst v3;
	v3 =	vmul.f32 v4, v7;
	v7 =	vld [tilespmem:s0+$0x20]  }
0x199: {  	[tilespmem:s0+$0xFFFFFFC0] =	vst v5;
	v5 =	vmul.f32 v4, v8;
	v11 =	vld [tilespmem:s0+$0x30]  }
0x19a: {  	[tilespmem:s0+$0xFFFFFFD0] =	vst v3;
	v3 =	vmul.f32 v4, v9;
	v9 =	vld [tilespmem:s0+$0x40]  }
.Ltmp5:
0x19b: {  	[tilespmem:s0+$0xFFFFFFE0] =	vst v5;
	v5 =	vmul.f32 v2, v10;
	v4 =	vld [tilespmem:s0+$0x50];
	(pc) =	sbr.rel @p0 .LBB2_11-.Ltmp5, $4  }
0x19c: {  	[tilespmem:s0+$0xFFFFFFF0] =	vst v3;
	v6 =	vmul.f32 v2, v6;
	v3 =	vld [tilespmem:s0+$0x60]  }
0x19d: {  	s6 =	sadd.s32 $0x3, s5;
	v10 =	vmov s5;
	[tilespmem:s0+$0x0] =	vst v5;
	v13 =	vmul.f32 v2, v7;
	v8 =	vld [tilespmem:s0+$0x80]  }
0x19e: {  	s7 =	sadd.s32 $0x1, s5;
	v12 =	vand.u32 $0xFFFFFFFC, v10;
	v5 =	vmov s6;
	[tilespmem:s0+$0x10] =	vst v6;
	v10 =	vmul.f32 v2, v11;
	v7 =	vld [tilespmem:s0+$0x90]  }
0x19f: {  	s6 =	sadd.s32 $0x2, s5;
	s5 =	sadd.s32 $0x4, s5;
	v6 =	vbroadcast v12, $0x0;
	v12 =	vmov s7;
	[tilespmem:s0+$0x20] =	vst v13;
	v11 =	vmul.f32 v2, v9;
	v9 =	vld [tilespmem:s0+$0xA0]  }
0x1a0: {  	v13 =	vld [tilespmem:s0+$0xB0]  }
0x1a1: {  	v15 =	vld [tilespmem:s0+$0xC0]  }
0x1a2: {  	v16 =	vld [tilespmem:s0+$0xD0]  }
0x1a3: {  	v17 =	vld [tilespmem:s0+$0xE0]  }
0x1a4: {  	v29 =	vld [tilespmem:s0+$0xF0];
	[tilespmem:s0+$0x30] =	vst v10;
	v4 =	vmul.f32 v2, v4  }
0x1a5: {  	v5 =	vld.idx.msk [tilespmem:v5+s18+$0x0], $0xffff;
	[tilespmem:s0+$0x40] =	vst v11;
	v2 =	vmul.f32 v2, v3  }
0x1a6: {  	s5 =	sadd.s32 $0x200, s0;
	v3 =	vld.idx.msk [tilespmem:v6+s18+$0x0], $0xffff;
	v8 =	vmul.f32 v1, v8;
	[tilespmem:s0+$0x50] =	vst v4  }
0x1a7: {  	v14 =	vmov s6;
	v34 =	vld [tilespmem:s5+$0x70];
	v30 =	vmul.f32 v1, v7;
	[tilespmem:s0+$0x60] =	vst v2  }
0x1a8: {  	v14 =	vand.u32 $0xFFFFFFFE, v14;
	v35 =	vld [tilespmem:s5+$0xFFFFFF00];
	[tilespmem:s0+$0x80] =	vst v8;
	v2 =	vmul.f32 v1, v9  }
0x1a9: {  	v37 =	vld [tilespmem:s5+$0xFFFFFF10];
	v14 =	vbroadcast v14, $0x0;
	[tilespmem:s0+$0x90] =	vst v30;
	v33 =	vmul.f32 v1, v13  }
0x1aa: {  	v38 =	vld [tilespmem:s5+$0xFFFFFF20];
	[tilespmem:s0+$0xA0] =	vst v2;
	v2 =	vmul.f32 v1, v15  }
0x1ab: {  	v12 =	vand.u32 $0xFFFFFFFD, v12;
	v39 =	vld [tilespmem:s5+$0xFFFFFF30];
	v36 =	vmul.f32 v1, v16;
	[tilespmem:s0+$0xB0] =	vst v33  }
0x1ac: {  	v12 =	vbroadcast v12, $0x0;
	v41 =	vld [tilespmem:s5+$0xFFFFFF50];
	[tilespmem:s1+$0xC0] =	vst v2;
	v2 =	vmul.f32 v1, v17  }
0x1ad: {  	v43 =	vld [tilespmem:s5+$0xFFFFFF60];
	[tilespmem:s1+$0xD0] =	vst v36;
	v1 =	vmul.f32 v1, v29  }
0x1ae: {  	v42 =	vmul.f32 v3, v37;
	[tilespmem:s1+$0xE0] =	vst v2;
	v2 =	vld [tilespmem:s5+$0xFFFFFF40]  }
0x1af: {  	v32 =	vld.idx.msk [tilespmem:v14+s18+$0x0], $0xffff;
	[tilespmem:s1+$0xF0] =	vst v1;
	v1 =	vmul.f32 v3, v35  }
0x1b0: {  	v44 =	vld [tilespmem:s5+$0xFFFFFF70];
	v4 =	vmul.f32 v3, v39;
	[tilespmem:s5+$0xFFFFFF10] =	vst v42  }
0x1b1: {  	v45 =	vld [tilespmem:s5+$0xFFFFFF80];
	[tilespmem:s5+$0xFFFFFF00] =	vst v1;
	v1 =	vmul.f32 v3, v38  }
0x1b2: {  	v46 =	vmul.f32 v3, v41;
	v31 =	vld.idx.msk [tilespmem:v12+s18+$0x0], $0xffff;
	[tilespmem:s5+$0xFFFFFF30] =	vst v4  }
0x1b3: {  	[tilespmem:s5+$0xFFFFFF20] =	vst v1;
	v1 =	vmul.f32 v3, v2;
	v2 =	vld [tilespmem:s5+$0xFFFFFF90]  }
0x1b4: {  	v47 =	vld [tilespmem:s5+$0xFFFFFFA0];
	[tilespmem:s5+$0xFFFFFF50] =	vst v46;
	v40 =	vmul.f32 v32, v34  }
0x1b5: {  	v48 =	vld [tilespmem:s5+$0xFFFFFFB0];
	[tilespmem:s5+$0xFFFFFF40] =	vst v1;
	v1 =	vmul.f32 v3, v43  }
0x1b6: {  	v49 =	vld [tilespmem:s5+$0xFFFFFFC0];
	[tilespmem:s5+$0x70] =	vst v40;
	v3 =	vmul.f32 v3, v44  }
0x1b7: {  	v50 =	vld [tilespmem:s5+$0xFFFFFFD0];
	[tilespmem:s5+$0xFFFFFF60] =	vst v1;
	v1 =	vmul.f32 v31, v45  }
0x1b8: {  	[tilespmem:s5+$0xFFFFFF70] =	vst v3;
	v3 =	vld [tilespmem:s5+$0xFFFFFFE0];
	v2 =	vmul.f32 v31, v2  }
0x1b9: {  	v51 =	vld [tilespmem:s5+$0xFFFFFFF0];
	[tilespmem:s5+$0xFFFFFF80] =	vst v1;
	v1 =	vmul.f32 v31, v47  }
0x1ba: {  	v52 =	vld [tilespmem:s5+$0x0];
	[tilespmem:s5+$0xFFFFFF90] =	vst v2;
	v2 =	vmul.f32 v31, v48  }
0x1bb: {  	v53 =	vld [tilespmem:s5+$0x10];
	[tilespmem:s5+$0xFFFFFFA0] =	vst v1;
	v1 =	vmul.f32 v31, v49  }
0x1bc: {  	v54 =	vld [tilespmem:s5+$0x20];
	[tilespmem:s5+$0xFFFFFFB0] =	vst v2;
	v2 =	vmul.f32 v31, v50  }
0x1bd: {  	[tilespmem:s5+$0xFFFFFFC0] =	vst v1;
	v1 =	vmul.f32 v31, v3;
	v3 =	vld [tilespmem:s5+$0x30]  }
0x1be: {  	v55 =	vld [tilespmem:s5+$0x40];
	[tilespmem:s5+$0xFFFFFFD0] =	vst v2;
	v2 =	vmul.f32 v31, v51  }
0x1bf: {  	v56 =	vld [tilespmem:s5+$0x50];
	[tilespmem:s5+$0xFFFFFFE0] =	vst v1;
	v1 =	vmul.f32 v32, v52  }
0x1c0: {  	v57 =	vld [tilespmem:s5+$0x60];
	[tilespmem:s5+$0xFFFFFFF0] =	vst v2;
	v2 =	vmul.f32 v32, v53  }
0x1c1: {  	v58 =	vld [tilespmem:s5+$0x80];
	[tilespmem:s5+$0x0] =	vst v1;
	v1 =	vmul.f32 v32, v54  }
0x1c2: {  	[tilespmem:s5+$0x10] =	vst v2;
	v2 =	vmul.f32 v32, v3;
	v3 =	vld [tilespmem:s5+$0x90]  }
0x1c3: {  	v59 =	vld [tilespmem:s5+$0xA0];
	[tilespmem:s5+$0x20] =	vst v1;
	v1 =	vmul.f32 v32, v55  }
0x1c4: {  	v60 =	vld [tilespmem:s5+$0xB0];
	[tilespmem:s5+$0x30] =	vst v2;
	v2 =	vmul.f32 v32, v56  }
0x1c5: {  	v61 =	vld [tilespmem:s5+$0xC0];
	[tilespmem:s5+$0x40] =	vst v1;
	v1 =	vmul.f32 v32, v57  }
0x1c6: {  	v62 =	vld [tilespmem:s5+$0xD0];
	[tilespmem:s5+$0x50] =	vst v2;
	v2 =	vmul.f32 v5, v58  }
0x1c7: {  	[tilespmem:s5+$0x60] =	vst v1;
	v1 =	vmul.f32 v5, v3;
	v3 =	vld [tilespmem:s5+$0xE0]  }
0x1c8: {  	v63 =	vld [tilespmem:s5+$0xF0];
	[tilespmem:s5+$0x80] =	vst v2;
	v2 =	vmul.f32 v5, v59  }
0x1c9: {  	[tilespmem:s5+$0x90] =	vst v1;
	v1 =	vmul.f32 v5, v60  }
0x1ca: {  	[tilespmem:s5+$0xA0] =	vst v2;
	v2 =	vmul.f32 v5, v61  }
0x1cb: {  	[tilespmem:s5+$0xB0] =	vst v1;
	v1 =	vmul.f32 v5, v62  }
0x1cc: {  	[tilespmem:s5+$0xC0] =	vst v2;
	v2 =	vmul.f32 v5, v3  }
0x1cd: {  	[tilespmem:s5+$0xD0] =	vst v1;
	v1 =	vmul.f32 v5, v63  }
0x1ce: {  	[tilespmem:s5+$0xE0] =	vst v2  }
0x1cf: {  	s8 =	simm.s32 $0x16700;
	[tilespmem:s5+$0xF0] =	vst v1  }
0x1d0: {  	[spmem:s2] =	stream.indirect.scatter.add.f32 [tilespmem:s16], [sflag:$0x7], $0x80, s8, s19, $0xb8;
	[tilespmem:$0x1EA00] =	vst v63  }
0x1d1: {  	_ =	swait.ge [sflag:s15], $0x4000  }
0x1d2: {  	s9 =	stileid.u32;
	[sflag:s15] =	ssyncset.done $0x0  }
0x1d3: {  	s0 =	sshll.u32 s9, $0x6;
	[sflag:s15] =	ssyncadd.s32 $0xFFFFC000  }
0x1d4: {  	s13 =	sshrl.u32 s4, $0x3;
	s0 =	sor.u32 $0x1C07, s0;
	[bflag:$0x0] =	sbarrier.arrive $0xFFFF  }
0x1d5: {  	[hbm:s24], [sflag:s0] =	dma.local [spmem:s13], $0x2800  }
0x1d6: {  	_ =	swait.ge [sflag:s15], $0x2800  }
0x1d7: {  	s14 =	sadd.s32 $0x1, s14;
	s20 =	rddreg [dreg:$0x8]  }
0x1d8: {  	p0 =	sne.s32 s14, s20  }
.Ltmp6:
0x1d9: {  	_ = 	snop;
	(pc) =	sbr.rel @p0 .LBB2_1-.Ltmp6, $3  }
0x1da: {  	_ =	sdelay $0x1  }
0x1db: {  	[sflag:s15] =	ssyncset.done $0x0  }
0x1dc: {  	[sflag:s15] =	ssyncadd.s32 $0xFFFFD800  }
0x1dd: {  	_ =	sfence.sel $0x180000  }
0x1de: {  	[bflag:$0x0] =	sbarrier.arrive $0xFFFF  }
0x1df: {  	_ =	strace $0x90000050  }
0x1e0: {  	s0 =	stileid.u32;
	[bflag:$0x2] =	sbarrier.arrive $0xFFFF  }
0x1e1: {  	p0 =	sne.s32 s0, $0x0;
	s0 =	rddreg [dreg:$0x2]  }
0x1e2: {  	s0 =	sadd.s32 @!p0 $0x100000, s0  }
0x1e3: {  	[sflag:s0] =	ssyncadd.tile.s32 @!p0 $0x1;
	_ =	shalt  }
.Lfunc_end2:
_tile_overlayer_lowered:
.L_overlay_start_2:
0x1e4: {  	(tag) =	ssettag $0x2  }
0x1e5: {  	s0 =	rddreg [dreg:$0x0];
	s2 =	stileid.u32  }
0x1e6: {  	s1 =	rddreg [dreg:$0x1];
	p0 =	sne.s32 s2, $0x0  }
0x1e7: {  	s3 =	rddreg [dreg:$0x2];
	[bflag:$0x3] =	sbarrier.arrive $0xFFFF;
	s2 =	simm.s32 @!p0 $0x1C07  }
0x1e8: {  	[timem:s3], [sflag:s2] =	dma.local @!p0 [hbm:s0], s1  }
0x1e9: {  	s0 =	simm.s32 @!p0 $0x7  }
0x1ea: {  	_ =	swait.ge @!p0 [sflag:s0], s1  }
0x1eb: {  	s1 =	ssub.s32 @!p0 $0x0, s1;
	[sflag:s0] =	ssyncset.done @!p0 $0x0  }
0x1ec: {  	[sflag:s0] =	ssyncadd.s32 @!p0 s1  }
0x1ed: {  	[bflag:$0x3] =	sbarrier.arrive $0xFFFF  }
0x1ee: {  	_ =	shalt  }

</sc_bundles>
